<compile_context>
chip_gen: v7x
topology: tpu7x:2x2x1
jax: 0.10.2.dev20260603
libtpu: 0.0.44.dev20260713+nightly
codegen_flags: <defaults>
</compile_context>

<pallas_src>
import jax
import jax.numpy as jnp
from jax import lax
from jax.experimental import pallas as pl
from jax.experimental.pallas import tpu as pltpu
from jax.experimental.pallas import tpu_sc as plsc

N = 10000
NP = 10240
E = 320000
F_IN = 128
F_HID = 128
F_OUT = 40

NC, NS = 2, 16
NWORK = NC * NS
EPW = E // NWORK
WIN = 125
NWIN = EPW // WIN
FH = 64
DLAG = 8
GK = 4
NGRP = NWIN // GK
RPS = NP // NS

_MESH = plsc.VectorSubcoreMesh(core_axis_name="c", subcore_axis_name="s")
_SC_PARAMS = pltpu.CompilerParams(use_tc_tiling_on_sc=False)


def _degree_body(edges, ones_h, zz, out, isrc, idst, ones_v, acc_o, acc_i, sdo, sdi):
    c = lax.axis_index("c")
    s = lax.axis_index("s")
    wid = s * NC + c
    pltpu.sync_copy(edges.at[0, wid], isrc)
    pltpu.sync_copy(edges.at[1, wid], idst)
    pltpu.sync_copy(ones_h, ones_v)
    pltpu.sync_copy(zz.at[pl.ds(s * RPS, RPS)], acc_o.at[pl.ds(s * RPS, RPS)])
    pltpu.sync_copy(zz.at[pl.ds(s * RPS, RPS)], acc_i.at[pl.ds(s * RPS, RPS)])
    plsc.subcore_barrier()

    def issue(j):
        pltpu.async_copy(ones_v, acc_o.at[isrc.at[j]], sdo, add=True)
        pltpu.async_copy(ones_v, acc_i.at[idst.at[j]], sdi, add=True)

    def drain(j):
        pltpu.make_async_copy(ones_v, acc_o.at[isrc.at[j]], sdo).wait()
        pltpu.make_async_copy(ones_v, acc_i.at[idst.at[j]], sdi).wait()

    def step(j, _):
        pl.when(j < NWIN)(lambda: issue(j))
        pl.when(j >= DLAG)(lambda: drain(j - DLAG))
        return 0

    lax.fori_loop(0, NWIN + DLAG, step, 0)
    plsc.subcore_barrier()
    pltpu.sync_copy(acc_o.at[pl.ds(s * RPS, RPS)], out.at[c, 0, pl.ds(s * RPS, RPS)])
    pltpu.sync_copy(acc_i.at[pl.ds(s * RPS, RPS)], out.at[c, 1, pl.ds(s * RPS, RPS)])


_degree_call = pl.kernel(
    _degree_body,
    out_type=jax.ShapeDtypeStruct((NC, 2, NP), jnp.float32),
    mesh=_MESH,
    compiler_params=_SC_PARAMS,
    scratch_types=[
        pltpu.VMEM((NWIN, WIN), jnp.int32),
        pltpu.VMEM((NWIN, WIN), jnp.int32),
        pltpu.VMEM((WIN,), jnp.float32),
        pltpu.VMEM_SHARED((NP,), jnp.float32),
        pltpu.VMEM_SHARED((NP,), jnp.float32),
        pltpu.SemaphoreType.DMA,
        pltpu.SemaphoreType.DMA,
    ],
)


def _prop_body(feat, edges, zz, out,
               isrc, idst, rows, acc, sg, ss):
    c = lax.axis_index("c")
    s = lax.axis_index("s")
    wid = s * NC + c
    pltpu.async_copy(edges.at[0, wid], isrc, sg[0])
    pltpu.async_copy(edges.at[1, wid], idst, sg[1])
    pltpu.async_copy(zz.at[pl.ds(s * RPS, RPS)], acc.at[pl.ds(s * RPS, RPS)],
                     ss[0])
    pltpu.make_async_copy(edges.at[0, wid], isrc, sg[0]).wait()
    pltpu.make_async_copy(edges.at[1, wid], idst, sg[1]).wait()
    pltpu.make_async_copy(zz.at[pl.ds(s * RPS, RPS)],
                          acc.at[pl.ds(s * RPS, RPS)], ss[0]).wait()
    plsc.subcore_barrier()

    def _buf(st, b):
        return rows[st].at[pl.ds(b * WIN, WIN)]

    def issue_gathers(g, st):
        def one(b, _):
            pltpu.async_copy(feat.at[isrc.at[GK * g + b]], _buf(st, b), sg[st])
            return 0
        lax.fori_loop(0, GK, one, 0)

    def drain_gathers(g, st):
        def one(b, _):
            pltpu.make_async_copy(
                feat.at[isrc.at[GK * g + b]], _buf(st, b), sg[st]).wait()
            return 0
        lax.fori_loop(0, GK, one, 0)

    def issue_scatters(g, st):
        def one(b, _):
            pltpu.async_copy(
                _buf(st, b), acc.at[idst.at[GK * g + b]], ss[st], add=True)
            return 0
        lax.fori_loop(0, GK, one, 0)

    def drain_scatters(g, st):
        def one(b, _):
            pltpu.make_async_copy(
                _buf(st, b), acc.at[idst.at[GK * g + b]], ss[st]).wait()
            return 0
        lax.fori_loop(0, GK, one, 0)

    issue_gathers(0, 0)
    issue_gathers(1, 1)

    def half(g, st):
        drain_gathers(g, st)
        issue_scatters(g, st)
        drain_scatters(g, st)

        @pl.when(g + 2 < NGRP)
        def _():
            issue_gathers(g + 2, st)

    def step(i, _):
        half(2 * i, 0)
        half(2 * i + 1, 1)
        return 0

    lax.fori_loop(0, NGRP // 2, step, 0)
    if NGRP % 2:
        half(NGRP - 1, 0)
    plsc.subcore_barrier()
    pltpu.sync_copy(acc.at[pl.ds(s * RPS, RPS)], out.at[c, pl.ds(s * RPS, RPS)])


def _make_prop(f):
    return pl.kernel(
        _prop_body,
        out_type=jax.ShapeDtypeStruct((NC, NP, f), jnp.float32),
        mesh=_MESH,
        compiler_params=_SC_PARAMS,
        scratch_types=[
            pltpu.VMEM((NWIN, WIN), jnp.int32),
            pltpu.VMEM((NWIN, WIN), jnp.int32),
            [pltpu.VMEM((GK * WIN, f), jnp.float32) for _ in range(2)],
            pltpu.VMEM_SHARED((NP, f), jnp.float32),
            [pltpu.SemaphoreType.DMA for _ in range(2)],
            [pltpu.SemaphoreType.DMA for _ in range(2)],
        ],
    )


_prop64 = _make_prop(FH)
_prop40 = _make_prop(F_OUT)


BR = 2560
_GRID = NP // BR


def _norms(deg_blk):
    do = deg_blk[0, 0] + deg_blk[1, 0]
    di = deg_blk[0, 1] + deg_blk[1, 1]
    ns = jnp.where(do > 0, lax.rsqrt(jnp.maximum(do, 1.0)), 0.0)
    nd = jnp.where(di > 0, lax.rsqrt(jnp.maximum(di, 1.0)), 0.0)
    return ns, nd


def _mm_body(x_ref, w_ref, t_ref):
    t_ref[...] = jnp.dot(x_ref[...], w_ref[...],
                         preferred_element_type=jnp.float32)


def _scale_body(t_ref, deg_ref, ga_ref, gb_ref):
    ns, _ = _norms(deg_ref[...])
    g = t_ref[...] * ns[:, None]
    ga_ref[...] = g[:, :FH]
    gb_ref[...] = g[:, FH:]


def _mid_body(spa_ref, spb_ref, deg_ref, b_ref, w_ref, ga_ref, gb_ref):
    ns, nd = _norms(deg_ref[...])
    sfull = jnp.concatenate(
        [spa_ref[0] + spa_ref[1], spb_ref[0] + spb_ref[1]], axis=1)
    h = jnp.maximum(sfull * nd[:, None] + b_ref[0], 0.0)
    g = jnp.dot(h, w_ref[...], preferred_element_type=jnp.float32) * ns[:, None]
    ga_ref[...] = g[:, :FH]
    gb_ref[...] = g[:, FH:]


def _mid2_body(spa_ref, spb_ref, deg_ref, b_ref, w_ref, g_ref):
    ns, nd = _norms(deg_ref[...])
    sfull = jnp.concatenate(
        [spa_ref[0] + spa_ref[1], spb_ref[0] + spb_ref[1]], axis=1)
    h = jnp.maximum(sfull * nd[:, None] + b_ref[0], 0.0)
    g_ref[...] = jnp.dot(h, w_ref[...],
                         preferred_element_type=jnp.float32) * ns[:, None]


def _final_body(sp_ref, deg_ref, b_ref, o_ref):
    _, nd = _norms(deg_ref[...])
    o_ref[...] = (sp_ref[0] + sp_ref[1]) * nd[:, None] + b_ref[0]


def _row_spec(f):
    return pl.BlockSpec((BR, f), lambda i: (i, 0))


_PART_SPEC = pl.BlockSpec((NC, BR, FH), lambda i: (0, i, 0))
_DEG_SPEC = pl.BlockSpec((NC, 2, BR), lambda i: (0, 0, i))
_HALF_SHAPES = (jax.ShapeDtypeStruct((NP, FH), jnp.float32),
                jax.ShapeDtypeStruct((NP, FH), jnp.float32))


def _full_spec(shape):
    nd = len(shape)
    return pl.BlockSpec(shape, lambda i, _n=nd: (0,) * _n)


def _tc_mm(x, w0):
    return pl.pallas_call(
        _mm_body,
        grid=(_GRID,),
        in_specs=[_row_spec(F_IN), _full_spec((F_IN, F_HID))],
        out_specs=_row_spec(F_HID),
        out_shape=jax.ShapeDtypeStruct((NP, F_HID), jnp.float32),
    )(x, w0)


def _tc_scale(t, deg):
    return pl.pallas_call(
        _scale_body,
        grid=(_GRID,),
        in_specs=[_row_spec(F_HID), _DEG_SPEC],
        out_specs=[_row_spec(FH), _row_spec(FH)],
        out_shape=_HALF_SHAPES,
    )(t, deg)


def _tc_mid(spa, spb, deg, b, w):
    return pl.pallas_call(
        _mid_body,
        grid=(_GRID,),
        in_specs=[_PART_SPEC, _PART_SPEC, _DEG_SPEC,
                  _full_spec((1, F_HID)), _full_spec((F_HID, F_HID))],
        out_specs=[_row_spec(FH), _row_spec(FH)],
        out_shape=_HALF_SHAPES,
    )(spa, spb, deg, b, w)


def _tc_mid2(spa, spb, deg, b, w):
    return pl.pallas_call(
        _mid2_body,
        grid=(_GRID,),
        in_specs=[_PART_SPEC, _PART_SPEC, _DEG_SPEC,
                  _full_spec((1, F_HID)), _full_spec((F_HID, F_OUT))],
        out_specs=_row_spec(F_OUT),
        out_shape=jax.ShapeDtypeStruct((NP, F_OUT), jnp.float32),
    )(spa, spb, deg, b, w)


def _tc_final(sp, deg, b):
    return pl.pallas_call(
        _final_body,
        grid=(_GRID,),
        in_specs=[pl.BlockSpec((NC, BR, F_OUT), lambda i: (0, i, 0)),
                  _DEG_SPEC, _full_spec((1, F_OUT))],
        out_specs=_row_spec(F_OUT),
        out_shape=jax.ShapeDtypeStruct((NP, F_OUT), jnp.float32),
    )(sp, deg, b)


@jax.jit
def _pipeline(features, edge_index, W0, b0, W1, b1, W2, b2):
    edges = edge_index.reshape(2, NWORK, NWIN, WIN)

    ones_w = jnp.ones((WIN,), jnp.float32)
    z_deg = jnp.zeros((NP,), jnp.float32)
    z64 = jnp.zeros((NP, FH), jnp.float32)
    xpad = jnp.zeros((NP, F_IN), jnp.float32).at[:N].set(features)

    deg = _degree_call(edges, ones_w, z_deg)
    t0 = _tc_mm(xpad, W0)

    z40 = jnp.zeros((NP, F_OUT), jnp.float32)

    g0a, g0b = _tc_scale(t0, deg)
    s0a = _prop64(g0a, edges, z64)
    s0b = _prop64(g0b, edges, z64)
    g1a, g1b = _tc_mid(s0a, s0b, deg, b0.reshape(1, -1), W1)
    s1a = _prop64(g1a, edges, z64)
    s1b = _prop64(g1b, edges, z64)
    g2 = _tc_mid2(s1a, s1b, deg, b1.reshape(1, -1), W2)
    s2 = _prop40(g2, edges, z40)
    outp = _tc_final(s2, deg, b2.reshape(1, -1))
    return outp[:N]


def kernel(features, edge_index, W0, b0, W1, b1, W2, b2):
    return _pipeline(features, edge_index, W0, b0, W1, b1, W2, b2)

# --- scband reference (transcript-rebuilt; emitter-appended) ---
"""Pipeline reference for scband-gcn-20117626814611 (READ-ONLY COPY).

The authoritative reference and input builder live on the scoring server;
editing this copy changes nothing except your own understanding.
"""

import jax, jax.numpy as jnp
import numpy as np

N = 10000
E = 320000
IN_FEATS = 128
N_HIDDEN = 128
N_CLASSES = 40


def setup_inputs(seed: int = 0) -> dict:
    key = jax.random.key(seed)
    ks = jax.random.split(key, 8)
    features = jax.random.normal(ks[0], (N, IN_FEATS), dtype=jnp.float32)
    edge_index = jax.random.randint(ks[1], (2, E), 0, N, dtype=jnp.int32)
    # GraphConv weights (glorot-ish init): layer0 in->hid, layer1 hid->hid, layer2 hid->classes
    W0 = jax.random.normal(ks[2], (IN_FEATS, N_HIDDEN), dtype=jnp.float32) * (1.0 / np.sqrt(IN_FEATS))
    b0 = jnp.zeros((N_HIDDEN,), dtype=jnp.float32)
    W1 = jax.random.normal(ks[3], (N_HIDDEN, N_HIDDEN), dtype=jnp.float32) * (1.0 / np.sqrt(N_HIDDEN))
    b1 = jnp.zeros((N_HIDDEN,), dtype=jnp.float32)
    W2 = jax.random.normal(ks[4], (N_HIDDEN, N_CLASSES), dtype=jnp.float32) * (1.0 / np.sqrt(N_HIDDEN))
    b2 = jnp.zeros((N_CLASSES,), dtype=jnp.float32)
    return {"features": features, "edge_index": edge_index,
            "W0": W0, "b0": b0, "W1": W1, "b1": b1, "W2": W2, "b2": b2}


def _graph_conv(h, W, b, src, dst, num_nodes):
    # DGL GraphConv with norm='both': h' = D_dst^{-1/2} A (D_src^{-1/2} h) W + b
    ones = jnp.ones((src.shape[0],), dtype=jnp.float32)
    deg_out = jnp.zeros((num_nodes,), dtype=jnp.float32).at[src].add(ones)
    deg_in = jnp.zeros((num_nodes,), dtype=jnp.float32).at[dst].add(ones)
    norm_src = jnp.where(deg_out > 0, jax.lax.rsqrt(jnp.maximum(deg_out, 1.0)), 0.0)
    norm_dst = jnp.where(deg_in > 0, jax.lax.rsqrt(jnp.maximum(deg_in, 1.0)), 0.0)
    hs = h * norm_src[:, None]
    msg = jnp.take(hs, src, axis=0)                      # gather (SparseCore)
    agg = jnp.zeros((num_nodes, h.shape[1]), dtype=jnp.float32).at[dst].add(msg)  # scatter-add
    agg = agg * norm_dst[:, None]
    return agg @ W + b


def reference(features, edge_index, W0, b0, W1, b1, W2, b2):
    src = edge_index[0]
    dst = edge_index[1]
    n = features.shape[0]
    # layer 0 (hidden) + activation; dropout is identity in eval mode
    h = _graph_conv(features, W0, b0, src, dst, n)
    h = jax.nn.relu(h)
    # layer 1 (hidden) + activation
    h = _graph_conv(h, W1, b1, src, dst, n)
    h = jax.nn.relu(h)
    # output layer (no activation)
    out = _graph_conv(h, W2, b2, src, dst, n)
    return out

if __name__ == "__main__":
    import jax
    _d = setup_inputs()
    print(jax.jit(kernel)(*tuple(_d.values())))

</pallas_src>

<mosaic_0001>
#map = affine_map<(d0, d1) -> (0, 0)>
#map1 = affine_map<(d0, d1) -> (0, 0, 0, 0)>
#map2 = affine_map<(d0, d1) -> (0, 0, 0)>
module attributes {stable_mosaic.version = 14 : i64} {
  func.func @_prop_body(%arg0: i32, %arg1: i32, %arg2: memref<10240x64xf32, #tpu.memory_space<hbm>>, %arg3: memref<2x32x80x125xi32, #tpu.memory_space<hbm>>, %arg4: memref<10240x64xf32, #tpu.memory_space<hbm>>, %arg5: memref<2x10240x64xf32, #tpu.memory_space<hbm>>, %arg6: memref<80x125xi32, #tpu.memory_space<vmem>>, %arg7: memref<80x125xi32, #tpu.memory_space<vmem>>, %arg8: memref<500x64xf32, #tpu.memory_space<vmem>>, %arg9: memref<500x64xf32, #tpu.memory_space<vmem>>, %arg10: memref<10240x64xf32, #tpu.memory_space<vmem_shared>>, %arg11: memref<!tpu.dma_semaphore, #tpu.memory_space<semaphore_mem>>, %arg12: memref<!tpu.dma_semaphore, #tpu.memory_space<semaphore_mem>>, %arg13: memref<!tpu.dma_semaphore, #tpu.memory_space<semaphore_mem>>, %arg14: memref<!tpu.dma_semaphore, #tpu.memory_space<semaphore_mem>>) attributes {dimension_semantics = [#tpu.dimension_semantics<core_parallel>, #tpu.dimension_semantics<subcore_parallel>], iteration_bounds = array<i64: 2, 16>, scalar_prefetch = 0 : i64, scratch_operands = 9 : i64, tpu.core_type = #tpu.core_type<sc_vector_subcore>, window_params = [{transform_indices = #map}, {transform_indices = #map1}, {transform_indices = #map}, {transform_indices = #map2}]} {
    %mul3A = arith.constant 2 : i32
    %mul3A_0 = arith.muli %arg1, %mul3A : i32
    %add3A = arith.addi %mul3A_0, %arg0 : i32
    %dma_start3A = arith.constant 0 : i32
    %dma_start3A_1 = arith.constant 0 : i32
    %dma_start3A_2 = arith.constant 0 : i32
    %dma_start3A_3 = tpu.memref_slice %arg3[%dma_start3A, %add3A, %dma_start3A_1, %dma_start3A_2] : memref<2x32x80x125xi32, #tpu.memory_space<hbm>> -> memref<1x1x80x125xi32, #tpu.memory_space<hbm>>
    %dma_start3A_4 = tpu.memref_squeeze %dma_start3A_3 : memref<1x1x80x125xi32, #tpu.memory_space<hbm>> -> memref<80x125xi32, #tpu.memory_space<hbm>>
    %dma_start3A_5 = arith.constant 0 : i32
    %dma_start3A_6 = arith.constant 0 : i32
    %dma_start3A_7 = tpu.memref_slice %arg3[%dma_start3A, %add3A, %dma_start3A_5, %dma_start3A_6] : memref<2x32x80x125xi32, #tpu.memory_space<hbm>> -> memref<1x1x80x125xi32, #tpu.memory_space<hbm>>
    %dma_start3A_8 = tpu.memref_squeeze %dma_start3A_7 : memref<1x1x80x125xi32, #tpu.memory_space<hbm>> -> memref<80x125xi32, #tpu.memory_space<hbm>>
    tpu.enqueue_dma source(%dma_start3A_8 : memref<80x125xi32, #tpu.memory_space<hbm>>) target(%arg6 : memref<80x125xi32, #tpu.memory_space<vmem>>) target_semaphore(%arg11 : memref<!tpu.dma_semaphore, #tpu.memory_space<semaphore_mem>>)
    %dma_start3A_9 = arith.constant 1 : i32
    %dma_start3A_10 = arith.constant 0 : i32
    %dma_start3A_11 = arith.constant 0 : i32
    %dma_start3A_12 = tpu.memref_slice %arg3[%dma_start3A_9, %add3A, %dma_start3A_10, %dma_start3A_11] : memref<2x32x80x125xi32, #tpu.memory_space<hbm>> -> memref<1x1x80x125xi32, #tpu.memory_space<hbm>>
    %dma_start3A_13 = tpu.memref_squeeze %dma_start3A_12 : memref<1x1x80x125xi32, #tpu.memory_space<hbm>> -> memref<80x125xi32, #tpu.memory_space<hbm>>
    %dma_start3A_14 = arith.constant 0 : i32
    %dma_start3A_15 = arith.constant 0 : i32
    %dma_start3A_16 = tpu.memref_slice %arg3[%dma_start3A_9, %add3A, %dma_start3A_14, %dma_start3A_15] : memref<2x32x80x125xi32, #tpu.memory_space<hbm>> -> memref<1x1x80x125xi32, #tpu.memory_space<hbm>>
    %dma_start3A_17 = tpu.memref_squeeze %dma_start3A_16 : memref<1x1x80x125xi32, #tpu.memory_space<hbm>> -> memref<80x125xi32, #tpu.memory_space<hbm>>
    tpu.enqueue_dma source(%dma_start3A_17 : memref<80x125xi32, #tpu.memory_space<hbm>>) target(%arg7 : memref<80x125xi32, #tpu.memory_space<vmem>>) target_semaphore(%arg12 : memref<!tpu.dma_semaphore, #tpu.memory_space<semaphore_mem>>)
    %mul3A_18 = arith.constant 640 : i32
    %mul3A_19 = arith.muli %arg1, %mul3A_18 : i32
    %mul3A_20 = arith.constant 640 : i32
    %mul3A_21 = arith.muli %arg1, %mul3A_20 : i32
    %dma_start3A_22 = arith.constant 0 : i32
    %dma_start3A_23 = tpu.memref_slice %arg10[%mul3A_21, %dma_start3A_22] : memref<10240x64xf32, #tpu.memory_space<vmem_shared>> -> memref<640x64xf32, #tpu.memory_space<vmem_shared>>
    %dma_start3A_24 = arith.constant 0 : i32
    %dma_start3A_25 = tpu.memref_slice %arg4[%mul3A_19, %dma_start3A_24] : memref<10240x64xf32, #tpu.memory_space<hbm>> -> memref<640x64xf32, #tpu.memory_space<hbm>>
    tpu.enqueue_dma source(%dma_start3A_25 : memref<640x64xf32, #tpu.memory_space<hbm>>) target(%dma_start3A_23 : memref<640x64xf32, #tpu.memory_space<vmem_shared>>) target_semaphore(%arg13 : memref<!tpu.dma_semaphore, #tpu.memory_space<semaphore_mem>>)
    %dma_wait3A = arith.constant 0 : i32
    %dma_wait3A_26 = arith.constant 0 : i32
    %dma_wait3A_27 = arith.constant 0 : i32
    %dma_wait3A_28 = tpu.memref_slice %arg3[%dma_wait3A, %add3A, %dma_wait3A_26, %dma_wait3A_27] : memref<2x32x80x125xi32, #tpu.memory_space<hbm>> -> memref<1x1x80x125xi32, #tpu.memory_space<hbm>>
    %dma_wait3A_29 = tpu.memref_squeeze %dma_wait3A_28 : memref<1x1x80x125xi32, #tpu.memory_space<hbm>> -> memref<80x125xi32, #tpu.memory_space<hbm>>
    %dma_wait3A_30 = arith.constant 0 : i32
    %dma_wait3A_31 = arith.constant 0 : i32
    %dma_wait3A_32 = tpu.memref_slice %arg3[%dma_wait3A, %add3A, %dma_wait3A_30, %dma_wait3A_31] : memref<2x32x80x125xi32, #tpu.memory_space<hbm>> -> memref<1x1x80x125xi32, #tpu.memory_space<hbm>>
    %dma_wait3A_33 = tpu.memref_squeeze %dma_wait3A_32 : memref<1x1x80x125xi32, #tpu.memory_space<hbm>> -> memref<80x125xi32, #tpu.memory_space<hbm>>
    tpu.wait_dma2 semaphore(%arg11 : memref<!tpu.dma_semaphore, #tpu.memory_space<semaphore_mem>>) src(%dma_wait3A_33 : memref<80x125xi32, #tpu.memory_space<hbm>>) dst(%arg6 : memref<80x125xi32, #tpu.memory_space<vmem>>)
    %dma_wait3A_34 = arith.constant 1 : i32
    %dma_wait3A_35 = arith.constant 0 : i32
    %dma_wait3A_36 = arith.constant 0 : i32
    %dma_wait3A_37 = tpu.memref_slice %arg3[%dma_wait3A_34, %add3A, %dma_wait3A_35, %dma_wait3A_36] : memref<2x32x80x125xi32, #tpu.memory_space<hbm>> -> memref<1x1x80x125xi32, #tpu.memory_space<hbm>>
    %dma_wait3A_38 = tpu.memref_squeeze %dma_wait3A_37 : memref<1x1x80x125xi32, #tpu.memory_space<hbm>> -> memref<80x125xi32, #tpu.memory_space<hbm>>
    %dma_wait3A_39 = arith.constant 0 : i32
    %dma_wait3A_40 = arith.constant 0 : i32
    %dma_wait3A_41 = tpu.memref_slice %arg3[%dma_wait3A_34, %add3A, %dma_wait3A_39, %dma_wait3A_40] : memref<2x32x80x125xi32, #tpu.memory_space<hbm>> -> memref<1x1x80x125xi32, #tpu.memory_space<hbm>>
    %dma_wait3A_42 = tpu.memref_squeeze %dma_wait3A_41 : memref<1x1x80x125xi32, #tpu.memory_space<hbm>> -> memref<80x125xi32, #tpu.memory_space<hbm>>
    tpu.wait_dma2 semaphore(%arg12 : memref<!tpu.dma_semaphore, #tpu.memory_space<semaphore_mem>>) src(%dma_wait3A_42 : memref<80x125xi32, #tpu.memory_space<hbm>>) dst(%arg7 : memref<80x125xi32, #tpu.memory_space<vmem>>)
    %mul3A_43 = arith.constant 640 : i32
    %mul3A_44 = arith.muli %arg1, %mul3A_43 : i32
    %mul3A_45 = arith.constant 640 : i32
    %mul3A_46 = arith.muli %arg1, %mul3A_45 : i32
    %dma_wait3A_47 = arith.constant 0 : i32
    %dma_wait3A_48 = tpu.memref_slice %arg10[%mul3A_46, %dma_wait3A_47] : memref<10240x64xf32, #tpu.memory_space<vmem_shared>> -> memref<640x64xf32, #tpu.memory_space<vmem_shared>>
    %dma_wait3A_49 = arith.constant 0 : i32
    %dma_wait3A_50 = tpu.memref_slice %arg4[%mul3A_44, %dma_wait3A_49] : memref<10240x64xf32, #tpu.memory_space<hbm>> -> memref<640x64xf32, #tpu.memory_space<hbm>>
    tpu.wait_dma2 semaphore(%arg13 : memref<!tpu.dma_semaphore, #tpu.memory_space<semaphore_mem>>) src(%dma_wait3A_50 : memref<640x64xf32, #tpu.memory_space<hbm>>) dst(%dma_wait3A_48 : memref<640x64xf32, #tpu.memory_space<vmem_shared>>)
    %barrier3A = arith.constant 0 : index
    tpu.barrier barrier_id(%barrier3A)
    %scan3A = arith.constant 0 : i32
    %scan3A_51 = arith.constant 0 : i32
    %scan3A_52 = arith.constant 4 : i32
    %scan3A_53 = arith.addi %scan3A_51, %scan3A_52 : i32
    %scan3A_54 = arith.constant 1 : i32
    %scan3A_55 = scf.for %scan3A_76 = %scan3A_51 to %scan3A_53 step %scan3A_54 iter_args(%scan3A_77 = %scan3A) -> (i32)  : i32 {
      %add3A_78 = arith.constant 0 : i32
      %add3A_79 = arith.addi %add3A_78, %scan3A_76 : i32
      %mul3A_80 = arith.constant 125 : i32
      %mul3A_81 = arith.muli %scan3A_76, %mul3A_80 : i32
      %dma_start3A_82 = arith.constant 0 : i32
      %dma_start3A_83 = tpu.memref_slice %arg8[%mul3A_81, %dma_start3A_82] : memref<500x64xf32, #tpu.memory_space<vmem>> -> memref<125x64xf32, #tpu.memory_space<vmem>>
      %dma_start3A_84 = arith.constant 0 : i32
      %dma_start3A_85 = tpu.memref_slice %arg6[%add3A_79, %dma_start3A_84] : memref<80x125xi32, #tpu.memory_space<vmem>> -> memref<1x125xi32, #tpu.memory_space<vmem>>
      %dma_start3A_86 = tpu.memref_squeeze %dma_start3A_85 : memref<1x125xi32, #tpu.memory_space<vmem>> -> memref<125xi32, #tpu.memory_space<vmem>>
      %dma_start3A_87 = arith.constant 0 : i32
      %dma_start3A_88 = arith.constant 0 : i32
      %dma_start3A_89 = tpu.memref_slice %arg2[%dma_start3A_87, %dma_start3A_88] : memref<10240x64xf32, #tpu.memory_space<hbm>> -> memref<10240x64xf32, #tpu.memory_space<hbm>>
      tpu.enqueue_indirect_dma source(%dma_start3A_89 : memref<10240x64xf32, #tpu.memory_space<hbm>>) target(%dma_start3A_83 : memref<125x64xf32, #tpu.memory_space<vmem>>) offsets(%dma_start3A_86 : memref<125xi32, #tpu.memory_space<vmem>>) semaphore(%arg11 : memref<!tpu.dma_semaphore, #tpu.memory_space<semaphore_mem>>)
      %scan3A_90 = arith.constant 0 : i32
      scf.yield %scan3A_90 : i32
    }
    %scan3A_56 = arith.constant 4 : i32
    %scan3A_57 = arith.constant 0 : i32
    %scan3A_58 = arith.constant 0 : i32
    %scan3A_59 = arith.constant 4 : i32
    %scan3A_60 = arith.addi %scan3A_58, %scan3A_59 : i32
    %scan3A_61 = arith.constant 1 : i32
    %scan3A_62 = scf.for %scan3A_76 = %scan3A_58 to %scan3A_60 step %scan3A_61 iter_args(%scan3A_77 = %scan3A_57) -> (i32)  : i32 {
      %add3A_78 = arith.constant 4 : i32
      %add3A_79 = arith.addi %add3A_78, %scan3A_76 : i32
      %mul3A_80 = arith.constant 125 : i32
      %mul3A_81 = arith.muli %scan3A_76, %mul3A_80 : i32
      %dma_start3A_82 = arith.constant 0 : i32
      %dma_start3A_83 = tpu.memref_slice %arg9[%mul3A_81, %dma_start3A_82] : memref<500x64xf32, #tpu.memory_space<vmem>> -> memref<125x64xf32, #tpu.memory_space<vmem>>
      %dma_start3A_84 = arith.constant 0 : i32
      %dma_start3A_85 = tpu.memref_slice %arg6[%add3A_79, %dma_start3A_84] : memref<80x125xi32, #tpu.memory_space<vmem>> -> memref<1x125xi32, #tpu.memory_space<vmem>>
      %dma_start3A_86 = tpu.memref_squeeze %dma_start3A_85 : memref<1x125xi32, #tpu.memory_space<vmem>> -> memref<125xi32, #tpu.memory_space<vmem>>
      %dma_start3A_87 = arith.constant 0 : i32
      %dma_start3A_88 = arith.constant 0 : i32
      %dma_start3A_89 = tpu.memref_slice %arg2[%dma_start3A_87, %dma_start3A_88] : memref<10240x64xf32, #tpu.memory_space<hbm>> -> memref<10240x64xf32, #tpu.memory_space<hbm>>
      tpu.enqueue_indirect_dma source(%dma_start3A_89 : memref<10240x64xf32, #tpu.memory_space<hbm>>) target(%dma_start3A_83 : memref<125x64xf32, #tpu.memory_space<vmem>>) offsets(%dma_start3A_86 : memref<125xi32, #tpu.memory_space<vmem>>) semaphore(%arg12 : memref<!tpu.dma_semaphore, #tpu.memory_space<semaphore_mem>>)
      %scan3A_90 = arith.constant 0 : i32
      scf.yield %scan3A_90 : i32
    }
    %scan3A_63 = arith.constant 4 : i32
    %scan3A_64 = arith.constant 0 : i32
    %scan3A_65 = arith.constant 0 : i32
    %scan3A_66 = arith.constant 10 : i32
    %scan3A_67 = arith.addi %scan3A_65, %scan3A_66 : i32
    %scan3A_68 = arith.constant 1 : i32
    %scan3A_69 = scf.for %scan3A_76 = %scan3A_65 to %scan3A_67 step %scan3A_68 iter_args(%scan3A_77 = %scan3A_64) -> (i32)  : i32 {
      %mul3A_78 = arith.constant 2 : i32
      %mul3A_79 = arith.muli %mul3A_78, %scan3A_76 : i32
      %scan3A_80 = arith.constant 0 : i32
      %scan3A_81 = arith.constant 0 : i32
      %scan3A_82 = arith.constant 4 : i32
      %scan3A_83 = arith.addi %scan3A_81, %scan3A_82 : i32
      %scan3A_84 = arith.constant 1 : i32
      %scan3A_85 = scf.for %scan3A_138 = %scan3A_81 to %scan3A_83 step %scan3A_84 iter_args(%scan3A_139 = %scan3A_80) -> (i32)  : i32 {
        %mul3A_140 = arith.constant 4 : i32
        %mul3A_141 = arith.muli %mul3A_140, %mul3A_79 : i32
        %add3A_142 = arith.addi %mul3A_141, %scan3A_138 : i32
        %mul3A_143 = arith.constant 125 : i32
        %mul3A_144 = arith.muli %scan3A_138, %mul3A_143 : i32
        %dma_wait3A_145 = arith.constant 0 : i32
        %dma_wait3A_146 = tpu.memref_slice %arg8[%mul3A_144, %dma_wait3A_145] : memref<500x64xf32, #tpu.memory_space<vmem>> -> memref<125x64xf32, #tpu.memory_space<vmem>>
        %dma_wait3A_147 = arith.constant 0 : i32
        %dma_wait3A_148 = tpu.memref_slice %arg6[%add3A_142, %dma_wait3A_147] : memref<80x125xi32, #tpu.memory_space<vmem>> -> memref<1x125xi32, #tpu.memory_space<vmem>>
        %dma_wait3A_149 = tpu.memref_squeeze %dma_wait3A_148 : memref<1x125xi32, #tpu.memory_space<vmem>> -> memref<125xi32, #tpu.memory_space<vmem>>
        %dma_wait3A_150 = arith.constant 0 : i32
        %dma_wait3A_151 = arith.constant 0 : i32
        %dma_wait3A_152 = tpu.memref_slice %arg2[%dma_wait3A_150, %dma_wait3A_151] : memref<10240x64xf32, #tpu.memory_space<hbm>> -> memref<10240x64xf32, #tpu.memory_space<hbm>>
        tpu.wait_indirect_dma semaphore(%arg11 : memref<!tpu.dma_semaphore, #tpu.memory_space<semaphore_mem>>) src(%dma_wait3A_152 : memref<10240x64xf32, #tpu.memory_space<hbm>>) dst(%dma_wait3A_146 : memref<125x64xf32, #tpu.memory_space<vmem>>)
        %scan3A_153 = arith.constant 0 : i32
        scf.yield %scan3A_153 : i32
      }
      %scan3A_86 = arith.constant 4 : i32
      %scan3A_87 = arith.constant 0 : i32
      %scan3A_88 = arith.constant 0 : i32
      %scan3A_89 = arith.constant 4 : i32
      %scan3A_90 = arith.addi %scan3A_88, %scan3A_89 : i32
      %scan3A_91 = arith.constant 1 : i32
      %scan3A_92 = scf.for %scan3A_138 = %scan3A_88 to %scan3A_90 step %scan3A_91 iter_args(%scan3A_139 = %scan3A_87) -> (i32)  : i32 {
        %mul3A_140 = arith.constant 125 : i32
        %mul3A_141 = arith.muli %scan3A_138, %mul3A_140 : i32
        %mul3A_142 = arith.constant 4 : i32
        %mul3A_143 = arith.muli %mul3A_142, %mul3A_79 : i32
        %add3A_144 = arith.addi %mul3A_143, %scan3A_138 : i32
        %dma_start3A_145 = arith.constant 0 : i32
        %dma_start3A_146 = tpu.memref_slice %arg8[%mul3A_141, %dma_start3A_145] : memref<500x64xf32, #tpu.memory_space<vmem>> -> memref<125x64xf32, #tpu.memory_space<vmem>>
        %dma_start3A_147 = arith.constant 0 : i32
        %dma_start3A_148 = tpu.memref_slice %arg7[%add3A_144, %dma_start3A_147] : memref<80x125xi32, #tpu.memory_space<vmem>> -> memref<1x125xi32, #tpu.memory_space<vmem>>
        %dma_start3A_149 = tpu.memref_squeeze %dma_start3A_148 : memref<1x125xi32, #tpu.memory_space<vmem>> -> memref<125xi32, #tpu.memory_space<vmem>>
        %dma_start3A_150 = arith.constant 0 : i32
        %dma_start3A_151 = arith.constant 0 : i32
        %dma_start3A_152 = tpu.memref_slice %arg10[%dma_start3A_150, %dma_start3A_151] : memref<10240x64xf32, #tpu.memory_space<vmem_shared>> -> memref<10240x64xf32, #tpu.memory_space<vmem_shared>>
        tpu.enqueue_indirect_dma source(%dma_start3A_146 : memref<125x64xf32, #tpu.memory_space<vmem>>) target(%dma_start3A_152 : memref<10240x64xf32, #tpu.memory_space<vmem_shared>>) offsets(%dma_start3A_149 : memref<125xi32, #tpu.memory_space<vmem>>) semaphore(%arg13 : memref<!tpu.dma_semaphore, #tpu.memory_space<semaphore_mem>>) {add = true}
        %scan3A_153 = arith.constant 0 : i32
        scf.yield %scan3A_153 : i32
      }
      %scan3A_93 = arith.constant 4 : i32
      %scan3A_94 = arith.constant 0 : i32
      %scan3A_95 = arith.constant 0 : i32
      %scan3A_96 = arith.constant 4 : i32
      %scan3A_97 = arith.addi %scan3A_95, %scan3A_96 : i32
      %scan3A_98 = arith.constant 1 : i32
      %scan3A_99 = scf.for %scan3A_138 = %scan3A_95 to %scan3A_97 step %scan3A_98 iter_args(%scan3A_139 = %scan3A_94) -> (i32)  : i32 {
        %mul3A_140 = arith.constant 125 : i32
        %mul3A_141 = arith.muli %scan3A_138, %mul3A_140 : i32
        %mul3A_142 = arith.constant 4 : i32
        %mul3A_143 = arith.muli %mul3A_142, %mul3A_79 : i32
        %add3A_144 = arith.addi %mul3A_143, %scan3A_138 : i32
        %dma_wait3A_145 = arith.constant 0 : i32
        %dma_wait3A_146 = tpu.memref_slice %arg8[%mul3A_141, %dma_wait3A_145] : memref<500x64xf32, #tpu.memory_space<vmem>> -> memref<125x64xf32, #tpu.memory_space<vmem>>
        %dma_wait3A_147 = arith.constant 0 : i32
        %dma_wait3A_148 = tpu.memref_slice %arg7[%add3A_144, %dma_wait3A_147] : memref<80x125xi32, #tpu.memory_space<vmem>> -> memref<1x125xi32, #tpu.memory_space<vmem>>
        %dma_wait3A_149 = tpu.memref_squeeze %dma_wait3A_148 : memref<1x125xi32, #tpu.memory_space<vmem>> -> memref<125xi32, #tpu.memory_space<vmem>>
        %dma_wait3A_150 = arith.constant 0 : i32
        %dma_wait3A_151 = arith.constant 0 : i32
        %dma_wait3A_152 = tpu.memref_slice %arg10[%dma_wait3A_150, %dma_wait3A_151] : memref<10240x64xf32, #tpu.memory_space<vmem_shared>> -> memref<10240x64xf32, #tpu.memory_space<vmem_shared>>
        tpu.wait_indirect_dma semaphore(%arg13 : memref<!tpu.dma_semaphore, #tpu.memory_space<semaphore_mem>>) src(%dma_wait3A_146 : memref<125x64xf32, #tpu.memory_space<vmem>>) dst(%dma_wait3A_152 : memref<10240x64xf32, #tpu.memory_space<vmem_shared>>)
        %scan3A_153 = arith.constant 0 : i32
        scf.yield %scan3A_153 : i32
      }
      %scan3A_100 = arith.constant 4 : i32
      %add3A_101 = arith.constant 2 : i32
      %add3A_102 = arith.addi %mul3A_79, %add3A_101 : i32
      %lt3A = arith.constant 20 : i32
      %lt3A_103 = arith.cmpi slt, %add3A_102, %lt3A : i32
      %convert_element_type3A = arith.extui %lt3A_103 : i1 to i32
      %cond3A = arith.constant 0 : i32
      %cond3A_104 = arith.cmpi ne, %convert_element_type3A, %cond3A : i32
      scf.if %cond3A_104 {
        %add3A_138 = arith.constant 2 : i32
        %add3A_139 = arith.addi %mul3A_79, %add3A_138 : i32
        %scan3A_140 = arith.constant 0 : i32
        %scan3A_141 = arith.constant 0 : i32
        %scan3A_142 = arith.constant 4 : i32
        %scan3A_143 = arith.addi %scan3A_141, %scan3A_142 : i32
        %scan3A_144 = arith.constant 1 : i32
        %scan3A_145 = scf.for %scan3A_147 = %scan3A_141 to %scan3A_143 step %scan3A_144 iter_args(%scan3A_148 = %scan3A_140) -> (i32)  : i32 {
          %mul3A_149 = arith.constant 4 : i32
          %mul3A_150 = arith.muli %mul3A_149, %add3A_139 : i32
          %add3A_151 = arith.addi %mul3A_150, %scan3A_147 : i32
          %mul3A_152 = arith.constant 125 : i32
          %mul3A_153 = arith.muli %scan3A_147, %mul3A_152 : i32
          %dma_start3A_154 = arith.constant 0 : i32
          %dma_start3A_155 = tpu.memref_slice %arg8[%mul3A_153, %dma_start3A_154] : memref<500x64xf32, #tpu.memory_space<vmem>> -> memref<125x64xf32, #tpu.memory_space<vmem>>
          %dma_start3A_156 = arith.constant 0 : i32
          %dma_start3A_157 = tpu.memref_slice %arg6[%add3A_151, %dma_start3A_156] : memref<80x125xi32, #tpu.memory_space<vmem>> -> memref<1x125xi32, #tpu.memory_space<vmem>>
          %dma_start3A_158 = tpu.memref_squeeze %dma_start3A_157 : memref<1x125xi32, #tpu.memory_space<vmem>> -> memref<125xi32, #tpu.memory_space<vmem>>
          %dma_start3A_159 = arith.constant 0 : i32
          %dma_start3A_160 = arith.constant 0 : i32
          %dma_start3A_161 = tpu.memref_slice %arg2[%dma_start3A_159, %dma_start3A_160] : memref<10240x64xf32, #tpu.memory_space<hbm>> -> memref<10240x64xf32, #tpu.memory_space<hbm>>
          tpu.enqueue_indirect_dma source(%dma_start3A_161 : memref<10240x64xf32, #tpu.memory_space<hbm>>) target(%dma_start3A_155 : memref<125x64xf32, #tpu.memory_space<vmem>>) offsets(%dma_start3A_158 : memref<125xi32, #tpu.memory_space<vmem>>) semaphore(%arg11 : memref<!tpu.dma_semaphore, #tpu.memory_space<semaphore_mem>>)
          %scan3A_162 = arith.constant 0 : i32
          scf.yield %scan3A_162 : i32
        }
        %scan3A_146 = arith.constant 4 : i32
      } else {
      }
      %mul3A_105 = arith.constant 2 : i32
      %mul3A_106 = arith.muli %mul3A_105, %scan3A_76 : i32
      %add3A_107 = arith.constant 1 : i32
      %add3A_108 = arith.addi %mul3A_106, %add3A_107 : i32
      %scan3A_109 = arith.constant 0 : i32
      %scan3A_110 = arith.constant 0 : i32
      %scan3A_111 = arith.constant 4 : i32
      %scan3A_112 = arith.addi %scan3A_110, %scan3A_111 : i32
      %scan3A_113 = arith.constant 1 : i32
      %scan3A_114 = scf.for %scan3A_138 = %scan3A_110 to %scan3A_112 step %scan3A_113 iter_args(%scan3A_139 = %scan3A_109) -> (i32)  : i32 {
        %mul3A_140 = arith.constant 4 : i32
        %mul3A_141 = arith.muli %mul3A_140, %add3A_108 : i32
        %add3A_142 = arith.addi %mul3A_141, %scan3A_138 : i32
        %mul3A_143 = arith.constant 125 : i32
        %mul3A_144 = arith.muli %scan3A_138, %mul3A_143 : i32
        %dma_wait3A_145 = arith.constant 0 : i32
        %dma_wait3A_146 = tpu.memref_slice %arg9[%mul3A_144, %dma_wait3A_145] : memref<500x64xf32, #tpu.memory_space<vmem>> -> memref<125x64xf32, #tpu.memory_space<vmem>>
        %dma_wait3A_147 = arith.constant 0 : i32
        %dma_wait3A_148 = tpu.memref_slice %arg6[%add3A_142, %dma_wait3A_147] : memref<80x125xi32, #tpu.memory_space<vmem>> -> memref<1x125xi32, #tpu.memory_space<vmem>>
        %dma_wait3A_149 = tpu.memref_squeeze %dma_wait3A_148 : memref<1x125xi32, #tpu.memory_space<vmem>> -> memref<125xi32, #tpu.memory_space<vmem>>
        %dma_wait3A_150 = arith.constant 0 : i32
        %dma_wait3A_151 = arith.constant 0 : i32
        %dma_wait3A_152 = tpu.memref_slice %arg2[%dma_wait3A_150, %dma_wait3A_151] : memref<10240x64xf32, #tpu.memory_space<hbm>> -> memref<10240x64xf32, #tpu.memory_space<hbm>>
        tpu.wait_indirect_dma semaphore(%arg12 : memref<!tpu.dma_semaphore, #tpu.memory_space<semaphore_mem>>) src(%dma_wait3A_152 : memref<10240x64xf32, #tpu.memory_space<hbm>>) dst(%dma_wait3A_146 : memref<125x64xf32, #tpu.memory_space<vmem>>)
        %scan3A_153 = arith.constant 0 : i32
        scf.yield %scan3A_153 : i32
      }
      %scan3A_115 = arith.constant 4 : i32
      %scan3A_116 = arith.constant 0 : i32
      %scan3A_117 = arith.constant 0 : i32
      %scan3A_118 = arith.constant 4 : i32
      %scan3A_119 = arith.addi %scan3A_117, %scan3A_118 : i32
      %scan3A_120 = arith.constant 1 : i32
      %scan3A_121 = scf.for %scan3A_138 = %scan3A_117 to %scan3A_119 step %scan3A_120 iter_args(%scan3A_139 = %scan3A_116) -> (i32)  : i32 {
        %mul3A_140 = arith.constant 125 : i32
        %mul3A_141 = arith.muli %scan3A_138, %mul3A_140 : i32
        %mul3A_142 = arith.constant 4 : i32
        %mul3A_143 = arith.muli %mul3A_142, %add3A_108 : i32
        %add3A_144 = arith.addi %mul3A_143, %scan3A_138 : i32
        %dma_start3A_145 = arith.constant 0 : i32
        %dma_start3A_146 = tpu.memref_slice %arg9[%mul3A_141, %dma_start3A_145] : memref<500x64xf32, #tpu.memory_space<vmem>> -> memref<125x64xf32, #tpu.memory_space<vmem>>
        %dma_start3A_147 = arith.constant 0 : i32
        %dma_start3A_148 = tpu.memref_slice %arg7[%add3A_144, %dma_start3A_147] : memref<80x125xi32, #tpu.memory_space<vmem>> -> memref<1x125xi32, #tpu.memory_space<vmem>>
        %dma_start3A_149 = tpu.memref_squeeze %dma_start3A_148 : memref<1x125xi32, #tpu.memory_space<vmem>> -> memref<125xi32, #tpu.memory_space<vmem>>
        %dma_start3A_150 = arith.constant 0 : i32
        %dma_start3A_151 = arith.constant 0 : i32
        %dma_start3A_152 = tpu.memref_slice %arg10[%dma_start3A_150, %dma_start3A_151] : memref<10240x64xf32, #tpu.memory_space<vmem_shared>> -> memref<10240x64xf32, #tpu.memory_space<vmem_shared>>
        tpu.enqueue_indirect_dma source(%dma_start3A_146 : memref<125x64xf32, #tpu.memory_space<vmem>>) target(%dma_start3A_152 : memref<10240x64xf32, #tpu.memory_space<vmem_shared>>) offsets(%dma_start3A_149 : memref<125xi32, #tpu.memory_space<vmem>>) semaphore(%arg14 : memref<!tpu.dma_semaphore, #tpu.memory_space<semaphore_mem>>) {add = true}
        %scan3A_153 = arith.constant 0 : i32
        scf.yield %scan3A_153 : i32
      }
      %scan3A_122 = arith.constant 4 : i32
      %scan3A_123 = arith.constant 0 : i32
      %scan3A_124 = arith.constant 0 : i32
      %scan3A_125 = arith.constant 4 : i32
      %scan3A_126 = arith.addi %scan3A_124, %scan3A_125 : i32
      %scan3A_127 = arith.constant 1 : i32
      %scan3A_128 = scf.for %scan3A_138 = %scan3A_124 to %scan3A_126 step %scan3A_127 iter_args(%scan3A_139 = %scan3A_123) -> (i32)  : i32 {
        %mul3A_140 = arith.constant 125 : i32
        %mul3A_141 = arith.muli %scan3A_138, %mul3A_140 : i32
        %mul3A_142 = arith.constant 4 : i32
        %mul3A_143 = arith.muli %mul3A_142, %add3A_108 : i32
        %add3A_144 = arith.addi %mul3A_143, %scan3A_138 : i32
        %dma_wait3A_145 = arith.constant 0 : i32
        %dma_wait3A_146 = tpu.memref_slice %arg9[%mul3A_141, %dma_wait3A_145] : memref<500x64xf32, #tpu.memory_space<vmem>> -> memref<125x64xf32, #tpu.memory_space<vmem>>
        %dma_wait3A_147 = arith.constant 0 : i32
        %dma_wait3A_148 = tpu.memref_slice %arg7[%add3A_144, %dma_wait3A_147] : memref<80x125xi32, #tpu.memory_space<vmem>> -> memref<1x125xi32, #tpu.memory_space<vmem>>
        %dma_wait3A_149 = tpu.memref_squeeze %dma_wait3A_148 : memref<1x125xi32, #tpu.memory_space<vmem>> -> memref<125xi32, #tpu.memory_space<vmem>>
        %dma_wait3A_150 = arith.constant 0 : i32
        %dma_wait3A_151 = arith.constant 0 : i32
        %dma_wait3A_152 = tpu.memref_slice %arg10[%dma_wait3A_150, %dma_wait3A_151] : memref<10240x64xf32, #tpu.memory_space<vmem_shared>> -> memref<10240x64xf32, #tpu.memory_space<vmem_shared>>
        tpu.wait_indirect_dma semaphore(%arg14 : memref<!tpu.dma_semaphore, #tpu.memory_space<semaphore_mem>>) src(%dma_wait3A_146 : memref<125x64xf32, #tpu.memory_space<vmem>>) dst(%dma_wait3A_152 : memref<10240x64xf32, #tpu.memory_space<vmem_shared>>)
        %scan3A_153 = arith.constant 0 : i32
        scf.yield %scan3A_153 : i32
      }
      %scan3A_129 = arith.constant 4 : i32
      %add3A_130 = arith.constant 2 : i32
      %add3A_131 = arith.addi %add3A_108, %add3A_130 : i32
      %lt3A_132 = arith.constant 20 : i32
      %lt3A_133 = arith.cmpi slt, %add3A_131, %lt3A_132 : i32
      %convert_element_type3A_134 = arith.extui %lt3A_133 : i1 to i32
      %cond3A_135 = arith.constant 0 : i32
      %cond3A_136 = arith.cmpi ne, %convert_element_type3A_134, %cond3A_135 : i32
      scf.if %cond3A_136 {
        %add3A_138 = arith.constant 2 : i32
        %add3A_139 = arith.addi %add3A_108, %add3A_138 : i32
        %scan3A_140 = arith.constant 0 : i32
        %scan3A_141 = arith.constant 0 : i32
        %scan3A_142 = arith.constant 4 : i32
        %scan3A_143 = arith.addi %scan3A_141, %scan3A_142 : i32
        %scan3A_144 = arith.constant 1 : i32
        %scan3A_145 = scf.for %scan3A_147 = %scan3A_141 to %scan3A_143 step %scan3A_144 iter_args(%scan3A_148 = %scan3A_140) -> (i32)  : i32 {
          %mul3A_149 = arith.constant 4 : i32
          %mul3A_150 = arith.muli %mul3A_149, %add3A_139 : i32
          %add3A_151 = arith.addi %mul3A_150, %scan3A_147 : i32
          %mul3A_152 = arith.constant 125 : i32
          %mul3A_153 = arith.muli %scan3A_147, %mul3A_152 : i32
          %dma_start3A_154 = arith.constant 0 : i32
          %dma_start3A_155 = tpu.memref_slice %arg9[%mul3A_153, %dma_start3A_154] : memref<500x64xf32, #tpu.memory_space<vmem>> -> memref<125x64xf32, #tpu.memory_space<vmem>>
          %dma_start3A_156 = arith.constant 0 : i32
          %dma_start3A_157 = tpu.memref_slice %arg6[%add3A_151, %dma_start3A_156] : memref<80x125xi32, #tpu.memory_space<vmem>> -> memref<1x125xi32, #tpu.memory_space<vmem>>
          %dma_start3A_158 = tpu.memref_squeeze %dma_start3A_157 : memref<1x125xi32, #tpu.memory_space<vmem>> -> memref<125xi32, #tpu.memory_space<vmem>>
          %dma_start3A_159 = arith.constant 0 : i32
          %dma_start3A_160 = arith.constant 0 : i32
          %dma_start3A_161 = tpu.memref_slice %arg2[%dma_start3A_159, %dma_start3A_160] : memref<10240x64xf32, #tpu.memory_space<hbm>> -> memref<10240x64xf32, #tpu.memory_space<hbm>>
          tpu.enqueue_indirect_dma source(%dma_start3A_161 : memref<10240x64xf32, #tpu.memory_space<hbm>>) target(%dma_start3A_155 : memref<125x64xf32, #tpu.memory_space<vmem>>) offsets(%dma_start3A_158 : memref<125xi32, #tpu.memory_space<vmem>>) semaphore(%arg12 : memref<!tpu.dma_semaphore, #tpu.memory_space<semaphore_mem>>)
          %scan3A_162 = arith.constant 0 : i32
          scf.yield %scan3A_162 : i32
        }
        %scan3A_146 = arith.constant 4 : i32
      } else {
      }
      %scan3A_137 = arith.constant 0 : i32
      scf.yield %scan3A_137 : i32
    }
    %scan3A_70 = arith.constant 10 : i32
    %barrier3A_71 = arith.constant 0 : index
    tpu.barrier barrier_id(%barrier3A_71)
    %mul3A_72 = arith.constant 640 : i32
    %mul3A_73 = arith.muli %arg1, %mul3A_72 : i32
    %mul3A_74 = arith.constant 640 : i32
    %mul3A_75 = arith.muli %arg1, %mul3A_74 : i32
    "tpu.region"() ({
      %run_scoped3A = tpu.sem_alloc : memref<!tpu.dma_semaphore, #tpu.memory_space<semaphore_mem>>
      %dma_start3A_76 = arith.constant 0 : i32
      %dma_start3A_77 = tpu.memref_slice %arg5[%arg0, %mul3A_75, %dma_start3A_76] : memref<2x10240x64xf32, #tpu.memory_space<hbm>> -> memref<1x640x64xf32, #tpu.memory_space<hbm>>
      %dma_start3A_78 = tpu.memref_squeeze %dma_start3A_77 : memref<1x640x64xf32, #tpu.memory_space<hbm>> -> memref<640x64xf32, #tpu.memory_space<hbm>>
      %dma_start3A_79 = arith.constant 0 : i32
      %dma_start3A_80 = tpu.memref_slice %arg10[%mul3A_73, %dma_start3A_79] : memref<10240x64xf32, #tpu.memory_space<vmem_shared>> -> memref<640x64xf32, #tpu.memory_space<vmem_shared>>
      tpu.enqueue_dma source(%dma_start3A_80 : memref<640x64xf32, #tpu.memory_space<vmem_shared>>) target(%dma_start3A_78 : memref<640x64xf32, #tpu.memory_space<hbm>>) target_semaphore(%run_scoped3A : memref<!tpu.dma_semaphore, #tpu.memory_space<semaphore_mem>>)
      %dma_wait3A_81 = arith.constant 0 : i32
      %dma_wait3A_82 = tpu.memref_slice %arg5[%arg0, %mul3A_75, %dma_wait3A_81] : memref<2x10240x64xf32, #tpu.memory_space<hbm>> -> memref<1x640x64xf32, #tpu.memory_space<hbm>>
      %dma_wait3A_83 = tpu.memref_squeeze %dma_wait3A_82 : memref<1x640x64xf32, #tpu.memory_space<hbm>> -> memref<640x64xf32, #tpu.memory_space<hbm>>
      %dma_wait3A_84 = arith.constant 0 : i32
      %dma_wait3A_85 = tpu.memref_slice %arg10[%mul3A_73, %dma_wait3A_84] : memref<10240x64xf32, #tpu.memory_space<vmem_shared>> -> memref<640x64xf32, #tpu.memory_space<vmem_shared>>
      tpu.wait_dma2 semaphore(%run_scoped3A : memref<!tpu.dma_semaphore, #tpu.memory_space<semaphore_mem>>) src(%dma_wait3A_85 : memref<640x64xf32, #tpu.memory_space<vmem_shared>>) dst(%dma_wait3A_83 : memref<640x64xf32, #tpu.memory_space<hbm>>)
      tpu.yield
    }) : () -> ()
    return
  }
}

#map = affine_map<(d0, d1) -> (0, 0, 0, 0)>
#map1 = affine_map<(d0, d1) -> (0)>
#map2 = affine_map<(d0, d1) -> (0, 0, 0)>
module attributes {stable_mosaic.version = 14 : i64} {
  func.func @_degree_body(%arg0: i32, %arg1: i32, %arg2: memref<2x32x80x125xi32, #tpu.memory_space<hbm>>, %arg3: memref<125xf32, #tpu.memory_space<hbm>>, %arg4: memref<10240xf32, #tpu.memory_space<hbm>>, %arg5: memref<2x2x10240xf32, #tpu.memory_space<hbm>>, %arg6: memref<80x125xi32, #tpu.memory_space<vmem>>, %arg7: memref<80x125xi32, #tpu.memory_space<vmem>>, %arg8: memref<125xf32, #tpu.memory_space<vmem>>, %arg9: memref<10240xf32, #tpu.memory_space<vmem_shared>>, %arg10: memref<10240xf32, #tpu.memory_space<vmem_shared>>, %arg11: memref<!tpu.dma_semaphore, #tpu.memory_space<semaphore_mem>>, %arg12: memref<!tpu.dma_semaphore, #tpu.memory_space<semaphore_mem>>) attributes {dimension_semantics = [#tpu.dimension_semantics<core_parallel>, #tpu.dimension_semantics<subcore_parallel>], iteration_bounds = array<i64: 2, 16>, scalar_prefetch = 0 : i64, scratch_operands = 7 : i64, tpu.core_type = #tpu.core_type<sc_vector_subcore>, window_params = [{transform_indices = #map}, {transform_indices = #map1}, {transform_indices = #map1}, {transform_indices = #map2}]} {
    %mul3A = arith.constant 2 : i32
    %mul3A_0 = arith.muli %arg1, %mul3A : i32
    %add3A = arith.addi %mul3A_0, %arg0 : i32
    %run_scoped3A = arith.constant 0 : i32
    "tpu.region"() ({
      %run_scoped3A_27 = tpu.sem_alloc : memref<!tpu.dma_semaphore, #tpu.memory_space<semaphore_mem>>
      %dma_start3A = arith.constant 0 : i32
      %dma_start3A_28 = arith.constant 0 : i32
      %dma_start3A_29 = tpu.memref_slice %arg2[%run_scoped3A, %add3A, %dma_start3A, %dma_start3A_28] : memref<2x32x80x125xi32, #tpu.memory_space<hbm>> -> memref<1x1x80x125xi32, #tpu.memory_space<hbm>>
      %dma_start3A_30 = tpu.memref_squeeze %dma_start3A_29 : memref<1x1x80x125xi32, #tpu.memory_space<hbm>> -> memref<80x125xi32, #tpu.memory_space<hbm>>
      %dma_start3A_31 = arith.constant 0 : i32
      %dma_start3A_32 = arith.constant 0 : i32
      %dma_start3A_33 = tpu.memref_slice %arg2[%run_scoped3A, %add3A, %dma_start3A_31, %dma_start3A_32] : memref<2x32x80x125xi32, #tpu.memory_space<hbm>> -> memref<1x1x80x125xi32, #tpu.memory_space<hbm>>
      %dma_start3A_34 = tpu.memref_squeeze %dma_start3A_33 : memref<1x1x80x125xi32, #tpu.memory_space<hbm>> -> memref<80x125xi32, #tpu.memory_space<hbm>>
      tpu.enqueue_dma source(%dma_start3A_34 : memref<80x125xi32, #tpu.memory_space<hbm>>) target(%arg6 : memref<80x125xi32, #tpu.memory_space<vmem>>) target_semaphore(%run_scoped3A_27 : memref<!tpu.dma_semaphore, #tpu.memory_space<semaphore_mem>>)
      %dma_wait3A = arith.constant 0 : i32
      %dma_wait3A_35 = arith.constant 0 : i32
      %dma_wait3A_36 = tpu.memref_slice %arg2[%run_scoped3A, %add3A, %dma_wait3A, %dma_wait3A_35] : memref<2x32x80x125xi32, #tpu.memory_space<hbm>> -> memref<1x1x80x125xi32, #tpu.memory_space<hbm>>
      %dma_wait3A_37 = tpu.memref_squeeze %dma_wait3A_36 : memref<1x1x80x125xi32, #tpu.memory_space<hbm>> -> memref<80x125xi32, #tpu.memory_space<hbm>>
      %dma_wait3A_38 = arith.constant 0 : i32
      %dma_wait3A_39 = arith.constant 0 : i32
      %dma_wait3A_40 = tpu.memref_slice %arg2[%run_scoped3A, %add3A, %dma_wait3A_38, %dma_wait3A_39] : memref<2x32x80x125xi32, #tpu.memory_space<hbm>> -> memref<1x1x80x125xi32, #tpu.memory_space<hbm>>
      %dma_wait3A_41 = tpu.memref_squeeze %dma_wait3A_40 : memref<1x1x80x125xi32, #tpu.memory_space<hbm>> -> memref<80x125xi32, #tpu.memory_space<hbm>>
      tpu.wait_dma2 semaphore(%run_scoped3A_27 : memref<!tpu.dma_semaphore, #tpu.memory_space<semaphore_mem>>) src(%dma_wait3A_41 : memref<80x125xi32, #tpu.memory_space<hbm>>) dst(%arg6 : memref<80x125xi32, #tpu.memory_space<vmem>>)
      tpu.yield
    }) : () -> ()
    %run_scoped3A_1 = arith.constant 1 : i32
    "tpu.region"() ({
      %run_scoped3A_27 = tpu.sem_alloc : memref<!tpu.dma_semaphore, #tpu.memory_space<semaphore_mem>>
      %dma_start3A = arith.constant 0 : i32
      %dma_start3A_28 = arith.constant 0 : i32
      %dma_start3A_29 = tpu.memref_slice %arg2[%run_scoped3A_1, %add3A, %dma_start3A, %dma_start3A_28] : memref<2x32x80x125xi32, #tpu.memory_space<hbm>> -> memref<1x1x80x125xi32, #tpu.memory_space<hbm>>
      %dma_start3A_30 = tpu.memref_squeeze %dma_start3A_29 : memref<1x1x80x125xi32, #tpu.memory_space<hbm>> -> memref<80x125xi32, #tpu.memory_space<hbm>>
      %dma_start3A_31 = arith.constant 0 : i32
      %dma_start3A_32 = arith.constant 0 : i32
      %dma_start3A_33 = tpu.memref_slice %arg2[%run_scoped3A_1, %add3A, %dma_start3A_31, %dma_start3A_32] : memref<2x32x80x125xi32, #tpu.memory_space<hbm>> -> memref<1x1x80x125xi32, #tpu.memory_space<hbm>>
      %dma_start3A_34 = tpu.memref_squeeze %dma_start3A_33 : memref<1x1x80x125xi32, #tpu.memory_space<hbm>> -> memref<80x125xi32, #tpu.memory_space<hbm>>
      tpu.enqueue_dma source(%dma_start3A_34 : memref<80x125xi32, #tpu.memory_space<hbm>>) target(%arg7 : memref<80x125xi32, #tpu.memory_space<vmem>>) target_semaphore(%run_scoped3A_27 : memref<!tpu.dma_semaphore, #tpu.memory_space<semaphore_mem>>)
      %dma_wait3A = arith.constant 0 : i32
      %dma_wait3A_35 = arith.constant 0 : i32
      %dma_wait3A_36 = tpu.memref_slice %arg2[%run_scoped3A_1, %add3A, %dma_wait3A, %dma_wait3A_35] : memref<2x32x80x125xi32, #tpu.memory_space<hbm>> -> memref<1x1x80x125xi32, #tpu.memory_space<hbm>>
      %dma_wait3A_37 = tpu.memref_squeeze %dma_wait3A_36 : memref<1x1x80x125xi32, #tpu.memory_space<hbm>> -> memref<80x125xi32, #tpu.memory_space<hbm>>
      %dma_wait3A_38 = arith.constant 0 : i32
      %dma_wait3A_39 = arith.constant 0 : i32
      %dma_wait3A_40 = tpu.memref_slice %arg2[%run_scoped3A_1, %add3A, %dma_wait3A_38, %dma_wait3A_39] : memref<2x32x80x125xi32, #tpu.memory_space<hbm>> -> memref<1x1x80x125xi32, #tpu.memory_space<hbm>>
      %dma_wait3A_41 = tpu.memref_squeeze %dma_wait3A_40 : memref<1x1x80x125xi32, #tpu.memory_space<hbm>> -> memref<80x125xi32, #tpu.memory_space<hbm>>
      tpu.wait_dma2 semaphore(%run_scoped3A_27 : memref<!tpu.dma_semaphore, #tpu.memory_space<semaphore_mem>>) src(%dma_wait3A_41 : memref<80x125xi32, #tpu.memory_space<hbm>>) dst(%arg7 : memref<80x125xi32, #tpu.memory_space<vmem>>)
      tpu.yield
    }) : () -> ()
    "tpu.region"() ({
      %run_scoped3A_27 = tpu.sem_alloc : memref<!tpu.dma_semaphore, #tpu.memory_space<semaphore_mem>>
      tpu.enqueue_dma source(%arg3 : memref<125xf32, #tpu.memory_space<hbm>>) target(%arg8 : memref<125xf32, #tpu.memory_space<vmem>>) target_semaphore(%run_scoped3A_27 : memref<!tpu.dma_semaphore, #tpu.memory_space<semaphore_mem>>)
      tpu.wait_dma2 semaphore(%run_scoped3A_27 : memref<!tpu.dma_semaphore, #tpu.memory_space<semaphore_mem>>) src(%arg3 : memref<125xf32, #tpu.memory_space<hbm>>) dst(%arg8 : memref<125xf32, #tpu.memory_space<vmem>>)
      tpu.yield
    }) : () -> ()
    %mul3A_2 = arith.constant 640 : i32
    %mul3A_3 = arith.muli %arg1, %mul3A_2 : i32
    %mul3A_4 = arith.constant 640 : i32
    %mul3A_5 = arith.muli %arg1, %mul3A_4 : i32
    "tpu.region"() ({
      %run_scoped3A_27 = tpu.sem_alloc : memref<!tpu.dma_semaphore, #tpu.memory_space<semaphore_mem>>
      %dma_start3A = tpu.memref_slice %arg9[%mul3A_5] : memref<10240xf32, #tpu.memory_space<vmem_shared>> -> memref<640xf32, #tpu.memory_space<vmem_shared>>
      %dma_start3A_28 = tpu.memref_slice %arg4[%mul3A_3] : memref<10240xf32, #tpu.memory_space<hbm>> -> memref<640xf32, #tpu.memory_space<hbm>>
      tpu.enqueue_dma source(%dma_start3A_28 : memref<640xf32, #tpu.memory_space<hbm>>) target(%dma_start3A : memref<640xf32, #tpu.memory_space<vmem_shared>>) target_semaphore(%run_scoped3A_27 : memref<!tpu.dma_semaphore, #tpu.memory_space<semaphore_mem>>)
      %dma_wait3A = tpu.memref_slice %arg9[%mul3A_5] : memref<10240xf32, #tpu.memory_space<vmem_shared>> -> memref<640xf32, #tpu.memory_space<vmem_shared>>
      %dma_wait3A_29 = tpu.memref_slice %arg4[%mul3A_3] : memref<10240xf32, #tpu.memory_space<hbm>> -> memref<640xf32, #tpu.memory_space<hbm>>
      tpu.wait_dma2 semaphore(%run_scoped3A_27 : memref<!tpu.dma_semaphore, #tpu.memory_space<semaphore_mem>>) src(%dma_wait3A_29 : memref<640xf32, #tpu.memory_space<hbm>>) dst(%dma_wait3A : memref<640xf32, #tpu.memory_space<vmem_shared>>)
      tpu.yield
    }) : () -> ()
    %mul3A_6 = arith.constant 640 : i32
    %mul3A_7 = arith.muli %arg1, %mul3A_6 : i32
    %mul3A_8 = arith.constant 640 : i32
    %mul3A_9 = arith.muli %arg1, %mul3A_8 : i32
    "tpu.region"() ({
      %run_scoped3A_27 = tpu.sem_alloc : memref<!tpu.dma_semaphore, #tpu.memory_space<semaphore_mem>>
      %dma_start3A = tpu.memref_slice %arg10[%mul3A_9] : memref<10240xf32, #tpu.memory_space<vmem_shared>> -> memref<640xf32, #tpu.memory_space<vmem_shared>>
      %dma_start3A_28 = tpu.memref_slice %arg4[%mul3A_7] : memref<10240xf32, #tpu.memory_space<hbm>> -> memref<640xf32, #tpu.memory_space<hbm>>
      tpu.enqueue_dma source(%dma_start3A_28 : memref<640xf32, #tpu.memory_space<hbm>>) target(%dma_start3A : memref<640xf32, #tpu.memory_space<vmem_shared>>) target_semaphore(%run_scoped3A_27 : memref<!tpu.dma_semaphore, #tpu.memory_space<semaphore_mem>>)
      %dma_wait3A = tpu.memref_slice %arg10[%mul3A_9] : memref<10240xf32, #tpu.memory_space<vmem_shared>> -> memref<640xf32, #tpu.memory_space<vmem_shared>>
      %dma_wait3A_29 = tpu.memref_slice %arg4[%mul3A_7] : memref<10240xf32, #tpu.memory_space<hbm>> -> memref<640xf32, #tpu.memory_space<hbm>>
      tpu.wait_dma2 semaphore(%run_scoped3A_27 : memref<!tpu.dma_semaphore, #tpu.memory_space<semaphore_mem>>) src(%dma_wait3A_29 : memref<640xf32, #tpu.memory_space<hbm>>) dst(%dma_wait3A : memref<640xf32, #tpu.memory_space<vmem_shared>>)
      tpu.yield
    }) : () -> ()
    %barrier3A = arith.constant 0 : index
    tpu.barrier barrier_id(%barrier3A)
    %scan3A = arith.constant 0 : i32
    %scan3A_10 = arith.constant 0 : i32
    %scan3A_11 = arith.constant 88 : i32
    %scan3A_12 = arith.addi %scan3A_10, %scan3A_11 : i32
    %scan3A_13 = arith.constant 1 : i32
    %scan3A_14 = scf.for %scan3A_27 = %scan3A_10 to %scan3A_12 step %scan3A_13 iter_args(%scan3A_28 = %scan3A) -> (i32)  : i32 {
      %lt3A = arith.constant 80 : i32
      %lt3A_29 = arith.cmpi slt, %scan3A_27, %lt3A : i32
      %convert_element_type3A = arith.extui %lt3A_29 : i1 to i32
      %cond3A = arith.constant 0 : i32
      %cond3A_30 = arith.cmpi ne, %convert_element_type3A, %cond3A : i32
      scf.if %cond3A_30 {
        %dma_start3A = arith.constant 0 : i32
        %dma_start3A_36 = tpu.memref_slice %arg6[%scan3A_27, %dma_start3A] : memref<80x125xi32, #tpu.memory_space<vmem>> -> memref<1x125xi32, #tpu.memory_space<vmem>>
        %dma_start3A_37 = tpu.memref_squeeze %dma_start3A_36 : memref<1x125xi32, #tpu.memory_space<vmem>> -> memref<125xi32, #tpu.memory_space<vmem>>
        %dma_start3A_38 = arith.constant 0 : i32
        %dma_start3A_39 = tpu.memref_slice %arg9[%dma_start3A_38] : memref<10240xf32, #tpu.memory_space<vmem_shared>> -> memref<10240xf32, #tpu.memory_space<vmem_shared>>
        tpu.enqueue_indirect_dma source(%arg8 : memref<125xf32, #tpu.memory_space<vmem>>) target(%dma_start3A_39 : memref<10240xf32, #tpu.memory_space<vmem_shared>>) offsets(%dma_start3A_37 : memref<125xi32, #tpu.memory_space<vmem>>) semaphore(%arg11 : memref<!tpu.dma_semaphore, #tpu.memory_space<semaphore_mem>>) {add = true}
        %dma_start3A_40 = arith.constant 0 : i32
        %dma_start3A_41 = tpu.memref_slice %arg7[%scan3A_27, %dma_start3A_40] : memref<80x125xi32, #tpu.memory_space<vmem>> -> memref<1x125xi32, #tpu.memory_space<vmem>>
        %dma_start3A_42 = tpu.memref_squeeze %dma_start3A_41 : memref<1x125xi32, #tpu.memory_space<vmem>> -> memref<125xi32, #tpu.memory_space<vmem>>
        %dma_start3A_43 = arith.constant 0 : i32
        %dma_start3A_44 = tpu.memref_slice %arg10[%dma_start3A_43] : memref<10240xf32, #tpu.memory_space<vmem_shared>> -> memref<10240xf32, #tpu.memory_space<vmem_shared>>
        tpu.enqueue_indirect_dma source(%arg8 : memref<125xf32, #tpu.memory_space<vmem>>) target(%dma_start3A_44 : memref<10240xf32, #tpu.memory_space<vmem_shared>>) offsets(%dma_start3A_42 : memref<125xi32, #tpu.memory_space<vmem>>) semaphore(%arg12 : memref<!tpu.dma_semaphore, #tpu.memory_space<semaphore_mem>>) {add = true}
      } else {
      }
      %ge3A = arith.constant 8 : i32
      %ge3A_31 = arith.cmpi sge, %scan3A_27, %ge3A : i32
      %convert_element_type3A_32 = arith.extui %ge3A_31 : i1 to i32
      %cond3A_33 = arith.constant 0 : i32
      %cond3A_34 = arith.cmpi ne, %convert_element_type3A_32, %cond3A_33 : i32
      scf.if %cond3A_34 {
        %sub3A = arith.constant 8 : i32
        %sub3A_36 = arith.subi %scan3A_27, %sub3A : i32
        %dma_wait3A = arith.constant 0 : i32
        %dma_wait3A_37 = tpu.memref_slice %arg6[%sub3A_36, %dma_wait3A] : memref<80x125xi32, #tpu.memory_space<vmem>> -> memref<1x125xi32, #tpu.memory_space<vmem>>
        %dma_wait3A_38 = tpu.memref_squeeze %dma_wait3A_37 : memref<1x125xi32, #tpu.memory_space<vmem>> -> memref<125xi32, #tpu.memory_space<vmem>>
        %dma_wait3A_39 = arith.constant 0 : i32
        %dma_wait3A_40 = tpu.memref_slice %arg9[%dma_wait3A_39] : memref<10240xf32, #tpu.memory_space<vmem_shared>> -> memref<10240xf32, #tpu.memory_space<vmem_shared>>
        tpu.wait_indirect_dma semaphore(%arg11 : memref<!tpu.dma_semaphore, #tpu.memory_space<semaphore_mem>>) src(%arg8 : memref<125xf32, #tpu.memory_space<vmem>>) dst(%dma_wait3A_40 : memref<10240xf32, #tpu.memory_space<vmem_shared>>)
        %dma_wait3A_41 = arith.constant 0 : i32
        %dma_wait3A_42 = tpu.memref_slice %arg7[%sub3A_36, %dma_wait3A_41] : memref<80x125xi32, #tpu.memory_space<vmem>> -> memref<1x125xi32, #tpu.memory_space<vmem>>
        %dma_wait3A_43 = tpu.memref_squeeze %dma_wait3A_42 : memref<1x125xi32, #tpu.memory_space<vmem>> -> memref<125xi32, #tpu.memory_space<vmem>>
        %dma_wait3A_44 = arith.constant 0 : i32
        %dma_wait3A_45 = tpu.memref_slice %arg10[%dma_wait3A_44] : memref<10240xf32, #tpu.memory_space<vmem_shared>> -> memref<10240xf32, #tpu.memory_space<vmem_shared>>
        tpu.wait_indirect_dma semaphore(%arg12 : memref<!tpu.dma_semaphore, #tpu.memory_space<semaphore_mem>>) src(%arg8 : memref<125xf32, #tpu.memory_space<vmem>>) dst(%dma_wait3A_45 : memref<10240xf32, #tpu.memory_space<vmem_shared>>)
      } else {
      }
      %scan3A_35 = arith.constant 0 : i32
      scf.yield %scan3A_35 : i32
    }
    %scan3A_15 = arith.constant 88 : i32
    %barrier3A_16 = arith.constant 0 : index
    tpu.barrier barrier_id(%barrier3A_16)
    %mul3A_17 = arith.constant 640 : i32
    %mul3A_18 = arith.muli %arg1, %mul3A_17 : i32
    %mul3A_19 = arith.constant 640 : i32
    %mul3A_20 = arith.muli %arg1, %mul3A_19 : i32
    %run_scoped3A_21 = arith.constant 0 : i32
    "tpu.region"() ({
      %run_scoped3A_27 = tpu.sem_alloc : memref<!tpu.dma_semaphore, #tpu.memory_space<semaphore_mem>>
      %dma_start3A = tpu.memref_slice %arg5[%arg0, %run_scoped3A_21, %mul3A_20] : memref<2x2x10240xf32, #tpu.memory_space<hbm>> -> memref<1x1x640xf32, #tpu.memory_space<hbm>>
      %dma_start3A_28 = tpu.memref_squeeze %dma_start3A : memref<1x1x640xf32, #tpu.memory_space<hbm>> -> memref<640xf32, #tpu.memory_space<hbm>>
      %dma_start3A_29 = tpu.memref_slice %arg9[%mul3A_18] : memref<10240xf32, #tpu.memory_space<vmem_shared>> -> memref<640xf32, #tpu.memory_space<vmem_shared>>
      tpu.enqueue_dma source(%dma_start3A_29 : memref<640xf32, #tpu.memory_space<vmem_shared>>) target(%dma_start3A_28 : memref<640xf32, #tpu.memory_space<hbm>>) target_semaphore(%run_scoped3A_27 : memref<!tpu.dma_semaphore, #tpu.memory_space<semaphore_mem>>)
      %dma_wait3A = tpu.memref_slice %arg5[%arg0, %run_scoped3A_21, %mul3A_20] : memref<2x2x10240xf32, #tpu.memory_space<hbm>> -> memref<1x1x640xf32, #tpu.memory_space<hbm>>
      %dma_wait3A_30 = tpu.memref_squeeze %dma_wait3A : memref<1x1x640xf32, #tpu.memory_space<hbm>> -> memref<640xf32, #tpu.memory_space<hbm>>
      %dma_wait3A_31 = tpu.memref_slice %arg9[%mul3A_18] : memref<10240xf32, #tpu.memory_space<vmem_shared>> -> memref<640xf32, #tpu.memory_space<vmem_shared>>
      tpu.wait_dma2 semaphore(%run_scoped3A_27 : memref<!tpu.dma_semaphore, #tpu.memory_space<semaphore_mem>>) src(%dma_wait3A_31 : memref<640xf32, #tpu.memory_space<vmem_shared>>) dst(%dma_wait3A_30 : memref<640xf32, #tpu.memory_space<hbm>>)
      tpu.yield
    }) : () -> ()
    %mul3A_22 = arith.constant 640 : i32
    %mul3A_23 = arith.muli %arg1, %mul3A_22 : i32
    %mul3A_24 = arith.constant 640 : i32
    %mul3A_25 = arith.muli %arg1, %mul3A_24 : i32
    %run_scoped3A_26 = arith.constant 1 : i32
    "tpu.region"() ({
      %run_scoped3A_27 = tpu.sem_alloc : memref<!tpu.dma_semaphore, #tpu.memory_space<semaphore_mem>>
      %dma_start3A = tpu.memref_slice %arg5[%arg0, %run_scoped3A_26, %mul3A_25] : memref<2x2x10240xf32, #tpu.memory_space<hbm>> -> memref<1x1x640xf32, #tpu.memory_space<hbm>>
      %dma_start3A_28 = tpu.memref_squeeze %dma_start3A : memref<1x1x640xf32, #tpu.memory_space<hbm>> -> memref<640xf32, #tpu.memory_space<hbm>>
      %dma_start3A_29 = tpu.memref_slice %arg10[%mul3A_23] : memref<10240xf32, #tpu.memory_space<vmem_shared>> -> memref<640xf32, #tpu.memory_space<vmem_shared>>
      tpu.enqueue_dma source(%dma_start3A_29 : memref<640xf32, #tpu.memory_space<vmem_shared>>) target(%dma_start3A_28 : memref<640xf32, #tpu.memory_space<hbm>>) target_semaphore(%run_scoped3A_27 : memref<!tpu.dma_semaphore, #tpu.memory_space<semaphore_mem>>)
      %dma_wait3A = tpu.memref_slice %arg5[%arg0, %run_scoped3A_26, %mul3A_25] : memref<2x2x10240xf32, #tpu.memory_space<hbm>> -> memref<1x1x640xf32, #tpu.memory_space<hbm>>
      %dma_wait3A_30 = tpu.memref_squeeze %dma_wait3A : memref<1x1x640xf32, #tpu.memory_space<hbm>> -> memref<640xf32, #tpu.memory_space<hbm>>
      %dma_wait3A_31 = tpu.memref_slice %arg10[%mul3A_23] : memref<10240xf32, #tpu.memory_space<vmem_shared>> -> memref<640xf32, #tpu.memory_space<vmem_shared>>
      tpu.wait_dma2 semaphore(%run_scoped3A_27 : memref<!tpu.dma_semaphore, #tpu.memory_space<semaphore_mem>>) src(%dma_wait3A_31 : memref<640xf32, #tpu.memory_space<vmem_shared>>) dst(%dma_wait3A_30 : memref<640xf32, #tpu.memory_space<hbm>>)
      tpu.yield
    }) : () -> ()
    return
  }
}

#map = affine_map<(d0, d1) -> (0, 0)>
#map1 = affine_map<(d0, d1) -> (0, 0, 0, 0)>
#map2 = affine_map<(d0, d1) -> (0, 0, 0)>
module attributes {stable_mosaic.version = 14 : i64} {
  func.func @_prop_body(%arg0: i32, %arg1: i32, %arg2: memref<10240x64xf32, #tpu.memory_space<hbm>>, %arg3: memref<2x32x80x125xi32, #tpu.memory_space<hbm>>, %arg4: memref<10240x64xf32, #tpu.memory_space<hbm>>, %arg5: memref<2x10240x64xf32, #tpu.memory_space<hbm>>, %arg6: memref<80x125xi32, #tpu.memory_space<vmem>>, %arg7: memref<80x125xi32, #tpu.memory_space<vmem>>, %arg8: memref<500x64xf32, #tpu.memory_space<vmem>>, %arg9: memref<500x64xf32, #tpu.memory_space<vmem>>, %arg10: memref<10240x64xf32, #tpu.memory_space<vmem_shared>>, %arg11: memref<!tpu.dma_semaphore, #tpu.memory_space<semaphore_mem>>, %arg12: memref<!tpu.dma_semaphore, #tpu.memory_space<semaphore_mem>>, %arg13: memref<!tpu.dma_semaphore, #tpu.memory_space<semaphore_mem>>, %arg14: memref<!tpu.dma_semaphore, #tpu.memory_space<semaphore_mem>>) attributes {dimension_semantics = [#tpu.dimension_semantics<core_parallel>, #tpu.dimension_semantics<subcore_parallel>], iteration_bounds = array<i64: 2, 16>, scalar_prefetch = 0 : i64, scratch_operands = 9 : i64, tpu.core_type = #tpu.core_type<sc_vector_subcore>, window_params = [{transform_indices = #map}, {transform_indices = #map1}, {transform_indices = #map}, {transform_indices = #map2}]} {
    %mul3A = arith.constant 2 : i32
    %mul3A_0 = arith.muli %arg1, %mul3A : i32
    %add3A = arith.addi %mul3A_0, %arg0 : i32
    %dma_start3A = arith.constant 0 : i32
    %dma_start3A_1 = arith.constant 0 : i32
    %dma_start3A_2 = arith.constant 0 : i32
    %dma_start3A_3 = tpu.memref_slice %arg3[%dma_start3A, %add3A, %dma_start3A_1, %dma_start3A_2] : memref<2x32x80x125xi32, #tpu.memory_space<hbm>> -> memref<1x1x80x125xi32, #tpu.memory_space<hbm>>
    %dma_start3A_4 = tpu.memref_squeeze %dma_start3A_3 : memref<1x1x80x125xi32, #tpu.memory_space<hbm>> -> memref<80x125xi32, #tpu.memory_space<hbm>>
    %dma_start3A_5 = arith.constant 0 : i32
    %dma_start3A_6 = arith.constant 0 : i32
    %dma_start3A_7 = tpu.memref_slice %arg3[%dma_start3A, %add3A, %dma_start3A_5, %dma_start3A_6] : memref<2x32x80x125xi32, #tpu.memory_space<hbm>> -> memref<1x1x80x125xi32, #tpu.memory_space<hbm>>
    %dma_start3A_8 = tpu.memref_squeeze %dma_start3A_7 : memref<1x1x80x125xi32, #tpu.memory_space<hbm>> -> memref<80x125xi32, #tpu.memory_space<hbm>>
    tpu.enqueue_dma source(%dma_start3A_8 : memref<80x125xi32, #tpu.memory_space<hbm>>) target(%arg6 : memref<80x125xi32, #tpu.memory_space<vmem>>) target_semaphore(%arg11 : memref<!tpu.dma_semaphore, #tpu.memory_space<semaphore_mem>>)
    %dma_start3A_9 = arith.constant 1 : i32
    %dma_start3A_10 = arith.constant 0 : i32
    %dma_start3A_11 = arith.constant 0 : i32
    %dma_start3A_12 = tpu.memref_slice %arg3[%dma_start3A_9, %add3A, %dma_start3A_10, %dma_start3A_11] : memref<2x32x80x125xi32, #tpu.memory_space<hbm>> -> memref<1x1x80x125xi32, #tpu.memory_space<hbm>>
    %dma_start3A_13 = tpu.memref_squeeze %dma_start3A_12 : memref<1x1x80x125xi32, #tpu.memory_space<hbm>> -> memref<80x125xi32, #tpu.memory_space<hbm>>
    %dma_start3A_14 = arith.constant 0 : i32
    %dma_start3A_15 = arith.constant 0 : i32
    %dma_start3A_16 = tpu.memref_slice %arg3[%dma_start3A_9, %add3A, %dma_start3A_14, %dma_start3A_15] : memref<2x32x80x125xi32, #tpu.memory_space<hbm>> -> memref<1x1x80x125xi32, #tpu.memory_space<hbm>>
    %dma_start3A_17 = tpu.memref_squeeze %dma_start3A_16 : memref<1x1x80x125xi32, #tpu.memory_space<hbm>> -> memref<80x125xi32, #tpu.memory_space<hbm>>
    tpu.enqueue_dma source(%dma_start3A_17 : memref<80x125xi32, #tpu.memory_space<hbm>>) target(%arg7 : memref<80x125xi32, #tpu.memory_space<vmem>>) target_semaphore(%arg12 : memref<!tpu.dma_semaphore, #tpu.memory_space<semaphore_mem>>)
    %mul3A_18 = arith.constant 640 : i32
    %mul3A_19 = arith.muli %arg1, %mul3A_18 : i32
    %mul3A_20 = arith.constant 640 : i32
    %mul3A_21 = arith.muli %arg1, %mul3A_20 : i32
    %dma_start3A_22 = arith.constant 0 : i32
    %dma_start3A_23 = tpu.memref_slice %arg10[%mul3A_21, %dma_start3A_22] : memref<10240x64xf32, #tpu.memory_space<vmem_shared>> -> memref<640x64xf32, #tpu.memory_space<vmem_shared>>
    %dma_start3A_24 = arith.constant 0 : i32
    %dma_start3A_25 = tpu.memref_slice %arg4[%mul3A_19, %dma_start3A_24] : memref<10240x64xf32, #tpu.memory_space<hbm>> -> memref<640x64xf32, #tpu.memory_space<hbm>>
    tpu.enqueue_dma source(%dma_start3A_25 : memref<640x64xf32, #tpu.memory_space<hbm>>) target(%dma_start3A_23 : memref<640x64xf32, #tpu.memory_space<vmem_shared>>) target_semaphore(%arg13 : memref<!tpu.dma_semaphore, #tpu.memory_space<semaphore_mem>>)
    %dma_wait3A = arith.constant 0 : i32
    %dma_wait3A_26 = arith.constant 0 : i32
    %dma_wait3A_27 = arith.constant 0 : i32
    %dma_wait3A_28 = tpu.memref_slice %arg3[%dma_wait3A, %add3A, %dma_wait3A_26, %dma_wait3A_27] : memref<2x32x80x125xi32, #tpu.memory_space<hbm>> -> memref<1x1x80x125xi32, #tpu.memory_space<hbm>>
    %dma_wait3A_29 = tpu.memref_squeeze %dma_wait3A_28 : memref<1x1x80x125xi32, #tpu.memory_space<hbm>> -> memref<80x125xi32, #tpu.memory_space<hbm>>
    %dma_wait3A_30 = arith.constant 0 : i32
    %dma_wait3A_31 = arith.constant 0 : i32
    %dma_wait3A_32 = tpu.memref_slice %arg3[%dma_wait3A, %add3A, %dma_wait3A_30, %dma_wait3A_31] : memref<2x32x80x125xi32, #tpu.memory_space<hbm>> -> memref<1x1x80x125xi32, #tpu.memory_space<hbm>>
    %dma_wait3A_33 = tpu.memref_squeeze %dma_wait3A_32 : memref<1x1x80x125xi32, #tpu.memory_space<hbm>> -> memref<80x125xi32, #tpu.memory_space<hbm>>
    tpu.wait_dma2 semaphore(%arg11 : memref<!tpu.dma_semaphore, #tpu.memory_space<semaphore_mem>>) src(%dma_wait3A_33 : memref<80x125xi32, #tpu.memory_space<hbm>>) dst(%arg6 : memref<80x125xi32, #tpu.memory_space<vmem>>)
    %dma_wait3A_34 = arith.constant 1 : i32
    %dma_wait3A_35 = arith.constant 0 : i32
    %dma_wait3A_36 = arith.constant 0 : i32
    %dma_wait3A_37 = tpu.memref_slice %arg3[%dma_wait3A_34, %add3A, %dma_wait3A_35, %dma_wait3A_36] : memref<2x32x80x125xi32, #tpu.memory_space<hbm>> -> memref<1x1x80x125xi32, #tpu.memory_space<hbm>>
    %dma_wait3A_38 = tpu.memref_squeeze %dma_wait3A_37 : memref<1x1x80x125xi32, #tpu.memory_space<hbm>> -> memref<80x125xi32, #tpu.memory_space<hbm>>
    %dma_wait3A_39 = arith.constant 0 : i32
    %dma_wait3A_40 = arith.constant 0 : i32
    %dma_wait3A_41 = tpu.memref_slice %arg3[%dma_wait3A_34, %add3A, %dma_wait3A_39, %dma_wait3A_40] : memref<2x32x80x125xi32, #tpu.memory_space<hbm>> -> memref<1x1x80x125xi32, #tpu.memory_space<hbm>>
    %dma_wait3A_42 = tpu.memref_squeeze %dma_wait3A_41 : memref<1x1x80x125xi32, #tpu.memory_space<hbm>> -> memref<80x125xi32, #tpu.memory_space<hbm>>
    tpu.wait_dma2 semaphore(%arg12 : memref<!tpu.dma_semaphore, #tpu.memory_space<semaphore_mem>>) src(%dma_wait3A_42 : memref<80x125xi32, #tpu.memory_space<hbm>>) dst(%arg7 : memref<80x125xi32, #tpu.memory_space<vmem>>)
    %mul3A_43 = arith.constant 640 : i32
    %mul3A_44 = arith.muli %arg1, %mul3A_43 : i32
    %mul3A_45 = arith.constant 640 : i32
    %mul3A_46 = arith.muli %arg1, %mul3A_45 : i32
    %dma_wait3A_47 = arith.constant 0 : i32
    %dma_wait3A_48 = tpu.memref_slice %arg10[%mul3A_46, %dma_wait3A_47] : memref<10240x64xf32, #tpu.memory_space<vmem_shared>> -> memref<640x64xf32, #tpu.memory_space<vmem_shared>>
    %dma_wait3A_49 = arith.constant 0 : i32
    %dma_wait3A_50 = tpu.memref_slice %arg4[%mul3A_44, %dma_wait3A_49] : memref<10240x64xf32, #tpu.memory_space<hbm>> -> memref<640x64xf32, #tpu.memory_space<hbm>>
    tpu.wait_dma2 semaphore(%arg13 : memref<!tpu.dma_semaphore, #tpu.memory_space<semaphore_mem>>) src(%dma_wait3A_50 : memref<640x64xf32, #tpu.memory_space<hbm>>) dst(%dma_wait3A_48 : memref<640x64xf32, #tpu.memory_space<vmem_shared>>)
    %barrier3A = arith.constant 0 : index
    tpu.barrier barrier_id(%barrier3A)
    %scan3A = arith.constant 0 : i32
    %scan3A_51 = arith.constant 0 : i32
    %scan3A_52 = arith.constant 4 : i32
    %scan3A_53 = arith.addi %scan3A_51, %scan3A_52 : i32
    %scan3A_54 = arith.constant 1 : i32
    %scan3A_55 = scf.for %scan3A_76 = %scan3A_51 to %scan3A_53 step %scan3A_54 iter_args(%scan3A_77 = %scan3A) -> (i32)  : i32 {
      %add3A_78 = arith.constant 0 : i32
      %add3A_79 = arith.addi %add3A_78, %scan3A_76 : i32
      %mul3A_80 = arith.constant 125 : i32
      %mul3A_81 = arith.muli %scan3A_76, %mul3A_80 : i32
      %dma_start3A_82 = arith.constant 0 : i32
      %dma_start3A_83 = tpu.memref_slice %arg8[%mul3A_81, %dma_start3A_82] : memref<500x64xf32, #tpu.memory_space<vmem>> -> memref<125x64xf32, #tpu.memory_space<vmem>>
      %dma_start3A_84 = arith.constant 0 : i32
      %dma_start3A_85 = tpu.memref_slice %arg6[%add3A_79, %dma_start3A_84] : memref<80x125xi32, #tpu.memory_space<vmem>> -> memref<1x125xi32, #tpu.memory_space<vmem>>
      %dma_start3A_86 = tpu.memref_squeeze %dma_start3A_85 : memref<1x125xi32, #tpu.memory_space<vmem>> -> memref<125xi32, #tpu.memory_space<vmem>>
      %dma_start3A_87 = arith.constant 0 : i32
      %dma_start3A_88 = arith.constant 0 : i32
      %dma_start3A_89 = tpu.memref_slice %arg2[%dma_start3A_87, %dma_start3A_88] : memref<10240x64xf32, #tpu.memory_space<hbm>> -> memref<10240x64xf32, #tpu.memory_space<hbm>>
      tpu.enqueue_indirect_dma source(%dma_start3A_89 : memref<10240x64xf32, #tpu.memory_space<hbm>>) target(%dma_start3A_83 : memref<125x64xf32, #tpu.memory_space<vmem>>) offsets(%dma_start3A_86 : memref<125xi32, #tpu.memory_space<vmem>>) semaphore(%arg11 : memref<!tpu.dma_semaphore, #tpu.memory_space<semaphore_mem>>)
      %scan3A_90 = arith.constant 0 : i32
      scf.yield %scan3A_90 : i32
    }
    %scan3A_56 = arith.constant 4 : i32
    %scan3A_57 = arith.constant 0 : i32
    %scan3A_58 = arith.constant 0 : i32
    %scan3A_59 = arith.constant 4 : i32
    %scan3A_60 = arith.addi %scan3A_58, %scan3A_59 : i32
    %scan3A_61 = arith.constant 1 : i32
    %scan3A_62 = scf.for %scan3A_76 = %scan3A_58 to %scan3A_60 step %scan3A_61 iter_args(%scan3A_77 = %scan3A_57) -> (i32)  : i32 {
      %add3A_78 = arith.constant 4 : i32
      %add3A_79 = arith.addi %add3A_78, %scan3A_76 : i32
      %mul3A_80 = arith.constant 125 : i32
      %mul3A_81 = arith.muli %scan3A_76, %mul3A_80 : i32
      %dma_start3A_82 = arith.constant 0 : i32
      %dma_start3A_83 = tpu.memref_slice %arg9[%mul3A_81, %dma_start3A_82] : memref<500x64xf32, #tpu.memory_space<vmem>> -> memref<125x64xf32, #tpu.memory_space<vmem>>
      %dma_start3A_84 = arith.constant 0 : i32
      %dma_start3A_85 = tpu.memref_slice %arg6[%add3A_79, %dma_start3A_84] : memref<80x125xi32, #tpu.memory_space<vmem>> -> memref<1x125xi32, #tpu.memory_space<vmem>>
      %dma_start3A_86 = tpu.memref_squeeze %dma_start3A_85 : memref<1x125xi32, #tpu.memory_space<vmem>> -> memref<125xi32, #tpu.memory_space<vmem>>
      %dma_start3A_87 = arith.constant 0 : i32
      %dma_start3A_88 = arith.constant 0 : i32
      %dma_start3A_89 = tpu.memref_slice %arg2[%dma_start3A_87, %dma_start3A_88] : memref<10240x64xf32, #tpu.memory_space<hbm>> -> memref<10240x64xf32, #tpu.memory_space<hbm>>
      tpu.enqueue_indirect_dma source(%dma_start3A_89 : memref<10240x64xf32, #tpu.memory_space<hbm>>) target(%dma_start3A_83 : memref<125x64xf32, #tpu.memory_space<vmem>>) offsets(%dma_start3A_86 : memref<125xi32, #tpu.memory_space<vmem>>) semaphore(%arg12 : memref<!tpu.dma_semaphore, #tpu.memory_space<semaphore_mem>>)
      %scan3A_90 = arith.constant 0 : i32
      scf.yield %scan3A_90 : i32
    }
    %scan3A_63 = arith.constant 4 : i32
    %scan3A_64 = arith.constant 0 : i32
    %scan3A_65 = arith.constant 0 : i32
    %scan3A_66 = arith.constant 10 : i32
    %scan3A_67 = arith.addi %scan3A_65, %scan3A_66 : i32
    %scan3A_68 = arith.constant 1 : i32
    %scan3A_69 = scf.for %scan3A_76 = %scan3A_65 to %scan3A_67 step %scan3A_68 iter_args(%scan3A_77 = %scan3A_64) -> (i32)  : i32 {
      %mul3A_78 = arith.constant 2 : i32
      %mul3A_79 = arith.muli %mul3A_78, %scan3A_76 : i32
      %scan3A_80 = arith.constant 0 : i32
      %scan3A_81 = arith.constant 0 : i32
      %scan3A_82 = arith.constant 4 : i32
      %scan3A_83 = arith.addi %scan3A_81, %scan3A_82 : i32
      %scan3A_84 = arith.constant 1 : i32
      %scan3A_85 = scf.for %scan3A_138 = %scan3A_81 to %scan3A_83 step %scan3A_84 iter_args(%scan3A_139 = %scan3A_80) -> (i32)  : i32 {
        %mul3A_140 = arith.constant 4 : i32
        %mul3A_141 = arith.muli %mul3A_140, %mul3A_79 : i32
        %add3A_142 = arith.addi %mul3A_141, %scan3A_138 : i32
        %mul3A_143 = arith.constant 125 : i32
        %mul3A_144 = arith.muli %scan3A_138, %mul3A_143 : i32
        %dma_wait3A_145 = arith.constant 0 : i32
        %dma_wait3A_146 = tpu.memref_slice %arg8[%mul3A_144, %dma_wait3A_145] : memref<500x64xf32, #tpu.memory_space<vmem>> -> memref<125x64xf32, #tpu.memory_space<vmem>>
        %dma_wait3A_147 = arith.constant 0 : i32
        %dma_wait3A_148 = tpu.memref_slice %arg6[%add3A_142, %dma_wait3A_147] : memref<80x125xi32, #tpu.memory_space<vmem>> -> memref<1x125xi32, #tpu.memory_space<vmem>>
        %dma_wait3A_149 = tpu.memref_squeeze %dma_wait3A_148 : memref<1x125xi32, #tpu.memory_space<vmem>> -> memref<125xi32, #tpu.memory_space<vmem>>
        %dma_wait3A_150 = arith.constant 0 : i32
        %dma_wait3A_151 = arith.constant 0 : i32
        %dma_wait3A_152 = tpu.memref_slice %arg2[%dma_wait3A_150, %dma_wait3A_151] : memref<10240x64xf32, #tpu.memory_space<hbm>> -> memref<10240x64xf32, #tpu.memory_space<hbm>>
        tpu.wait_indirect_dma semaphore(%arg11 : memref<!tpu.dma_semaphore, #tpu.memory_space<semaphore_mem>>) src(%dma_wait3A_152 : memref<10240x64xf32, #tpu.memory_space<hbm>>) dst(%dma_wait3A_146 : memref<125x64xf32, #tpu.memory_space<vmem>>)
        %scan3A_153 = arith.constant 0 : i32
        scf.yield %scan3A_153 : i32
      }
      %scan3A_86 = arith.constant 4 : i32
      %scan3A_87 = arith.constant 0 : i32
      %scan3A_88 = arith.constant 0 : i32
      %scan3A_89 = arith.constant 4 : i32
      %scan3A_90 = arith.addi %scan3A_88, %scan3A_89 : i32
      %scan3A_91 = arith.constant 1 : i32
      %scan3A_92 = scf.for %scan3A_138 = %scan3A_88 to %scan3A_90 step %scan3A_91 iter_args(%scan3A_139 = %scan3A_87) -> (i32)  : i32 {
        %mul3A_140 = arith.constant 125 : i32
        %mul3A_141 = arith.muli %scan3A_138, %mul3A_140 : i32
        %mul3A_142 = arith.constant 4 : i32
        %mul3A_143 = arith.muli %mul3A_142, %mul3A_79 : i32
        %add3A_144 = arith.addi %mul3A_143, %scan3A_138 : i32
        %dma_start3A_145 = arith.constant 0 : i32
        %dma_start3A_146 = tpu.memref_slice %arg8[%mul3A_141, %dma_start3A_145] : memref<500x64xf32, #tpu.memory_space<vmem>> -> memref<125x64xf32, #tpu.memory_space<vmem>>
        %dma_start3A_147 = arith.constant 0 : i32
        %dma_start3A_148 = tpu.memref_slice %arg7[%add3A_144, %dma_start3A_147] : memref<80x125xi32, #tpu.memory_space<vmem>> -> memref<1x125xi32, #tpu.memory_space<vmem>>
        %dma_start3A_149 = tpu.memref_squeeze %dma_start3A_148 : memref<1x125xi32, #tpu.memory_space<vmem>> -> memref<125xi32, #tpu.memory_space<vmem>>
        %dma_start3A_150 = arith.constant 0 : i32
        %dma_start3A_151 = arith.constant 0 : i32
        %dma_start3A_152 = tpu.memref_slice %arg10[%dma_start3A_150, %dma_start3A_151] : memref<10240x64xf32, #tpu.memory_space<vmem_shared>> -> memref<10240x64xf32, #tpu.memory_space<vmem_shared>>
        tpu.enqueue_indirect_dma source(%dma_start3A_146 : memref<125x64xf32, #tpu.memory_space<vmem>>) target(%dma_start3A_152 : memref<10240x64xf32, #tpu.memory_space<vmem_shared>>) offsets(%dma_start3A_149 : memref<125xi32, #tpu.memory_space<vmem>>) semaphore(%arg13 : memref<!tpu.dma_semaphore, #tpu.memory_space<semaphore_mem>>) {add = true}
        %scan3A_153 = arith.constant 0 : i32
        scf.yield %scan3A_153 : i32
      }
      %scan3A_93 = arith.constant 4 : i32
      %scan3A_94 = arith.constant 0 : i32
      %scan3A_95 = arith.constant 0 : i32
      %scan3A_96 = arith.constant 4 : i32
      %scan3A_97 = arith.addi %scan3A_95, %scan3A_96 : i32
      %scan3A_98 = arith.constant 1 : i32
      %scan3A_99 = scf.for %scan3A_138 = %scan3A_95 to %scan3A_97 step %scan3A_98 iter_args(%scan3A_139 = %scan3A_94) -> (i32)  : i32 {
        %mul3A_140 = arith.constant 125 : i32
        %mul3A_141 = arith.muli %scan3A_138, %mul3A_140 : i32
        %mul3A_142 = arith.constant 4 : i32
        %mul3A_143 = arith.muli %mul3A_142, %mul3A_79 : i32
        %add3A_144 = arith.addi %mul3A_143, %scan3A_138 : i32
        %dma_wait3A_145 = arith.constant 0 : i32
        %dma_wait3A_146 = tpu.memref_slice %arg8[%mul3A_141, %dma_wait3A_145] : memref<500x64xf32, #tpu.memory_space<vmem>> -> memref<125x64xf32, #tpu.memory_space<vmem>>
        %dma_wait3A_147 = arith.constant 0 : i32
        %dma_wait3A_148 = tpu.memref_slice %arg7[%add3A_144, %dma_wait3A_147] : memref<80x125xi32, #tpu.memory_space<vmem>> -> memref<1x125xi32, #tpu.memory_space<vmem>>
        %dma_wait3A_149 = tpu.memref_squeeze %dma_wait3A_148 : memref<1x125xi32, #tpu.memory_space<vmem>> -> memref<125xi32, #tpu.memory_space<vmem>>
        %dma_wait3A_150 = arith.constant 0 : i32
        %dma_wait3A_151 = arith.constant 0 : i32
        %dma_wait3A_152 = tpu.memref_slice %arg10[%dma_wait3A_150, %dma_wait3A_151] : memref<10240x64xf32, #tpu.memory_space<vmem_shared>> -> memref<10240x64xf32, #tpu.memory_space<vmem_shared>>
        tpu.wait_indirect_dma semaphore(%arg13 : memref<!tpu.dma_semaphore, #tpu.memory_space<semaphore_mem>>) src(%dma_wait3A_146 : memref<125x64xf32, #tpu.memory_space<vmem>>) dst(%dma_wait3A_152 : memref<10240x64xf32, #tpu.memory_space<vmem_shared>>)
        %scan3A_153 = arith.constant 0 : i32
        scf.yield %scan3A_153 : i32
      }
      %scan3A_100 = arith.constant 4 : i32
      %add3A_101 = arith.constant 2 : i32
      %add3A_102 = arith.addi %mul3A_79, %add3A_101 : i32
      %lt3A = arith.constant 20 : i32
      %lt3A_103 = arith.cmpi slt, %add3A_102, %lt3A : i32
      %convert_element_type3A = arith.extui %lt3A_103 : i1 to i32
      %cond3A = arith.constant 0 : i32
      %cond3A_104 = arith.cmpi ne, %convert_element_type3A, %cond3A : i32
      scf.if %cond3A_104 {
        %add3A_138 = arith.constant 2 : i32
        %add3A_139 = arith.addi %mul3A_79, %add3A_138 : i32
        %scan3A_140 = arith.constant 0 : i32
        %scan3A_141 = arith.constant 0 : i32
        %scan3A_142 = arith.constant 4 : i32
        %scan3A_143 = arith.addi %scan3A_141, %scan3A_142 : i32
        %scan3A_144 = arith.constant 1 : i32
        %scan3A_145 = scf.for %scan3A_147 = %scan3A_141 to %scan3A_143 step %scan3A_144 iter_args(%scan3A_148 = %scan3A_140) -> (i32)  : i32 {
          %mul3A_149 = arith.constant 4 : i32
          %mul3A_150 = arith.muli %mul3A_149, %add3A_139 : i32
          %add3A_151 = arith.addi %mul3A_150, %scan3A_147 : i32
          %mul3A_152 = arith.constant 125 : i32
          %mul3A_153 = arith.muli %scan3A_147, %mul3A_152 : i32
          %dma_start3A_154 = arith.constant 0 : i32
          %dma_start3A_155 = tpu.memref_slice %arg8[%mul3A_153, %dma_start3A_154] : memref<500x64xf32, #tpu.memory_space<vmem>> -> memref<125x64xf32, #tpu.memory_space<vmem>>
          %dma_start3A_156 = arith.constant 0 : i32
          %dma_start3A_157 = tpu.memref_slice %arg6[%add3A_151, %dma_start3A_156] : memref<80x125xi32, #tpu.memory_space<vmem>> -> memref<1x125xi32, #tpu.memory_space<vmem>>
          %dma_start3A_158 = tpu.memref_squeeze %dma_start3A_157 : memref<1x125xi32, #tpu.memory_space<vmem>> -> memref<125xi32, #tpu.memory_space<vmem>>
          %dma_start3A_159 = arith.constant 0 : i32
          %dma_start3A_160 = arith.constant 0 : i32
          %dma_start3A_161 = tpu.memref_slice %arg2[%dma_start3A_159, %dma_start3A_160] : memref<10240x64xf32, #tpu.memory_space<hbm>> -> memref<10240x64xf32, #tpu.memory_space<hbm>>
          tpu.enqueue_indirect_dma source(%dma_start3A_161 : memref<10240x64xf32, #tpu.memory_space<hbm>>) target(%dma_start3A_155 : memref<125x64xf32, #tpu.memory_space<vmem>>) offsets(%dma_start3A_158 : memref<125xi32, #tpu.memory_space<vmem>>) semaphore(%arg11 : memref<!tpu.dma_semaphore, #tpu.memory_space<semaphore_mem>>)
          %scan3A_162 = arith.constant 0 : i32
          scf.yield %scan3A_162 : i32
        }
        %scan3A_146 = arith.constant 4 : i32
      } else {
      }
      %mul3A_105 = arith.constant 2 : i32
      %mul3A_106 = arith.muli %mul3A_105, %scan3A_76 : i32
      %add3A_107 = arith.constant 1 : i32
      %add3A_108 = arith.addi %mul3A_106, %add3A_107 : i32
      %scan3A_109 = arith.constant 0 : i32
      %scan3A_110 = arith.constant 0 : i32
      %scan3A_111 = arith.constant 4 : i32
      %scan3A_112 = arith.addi %scan3A_110, %scan3A_111 : i32
      %scan3A_113 = arith.constant 1 : i32
      %scan3A_114 = scf.for %scan3A_138 = %scan3A_110 to %scan3A_112 step %scan3A_113 iter_args(%scan3A_139 = %scan3A_109) -> (i32)  : i32 {
        %mul3A_140 = arith.constant 4 : i32
        %mul3A_141 = arith.muli %mul3A_140, %add3A_108 : i32
        %add3A_142 = arith.addi %mul3A_141, %scan3A_138 : i32
        %mul3A_143 = arith.constant 125 : i32
        %mul3A_144 = arith.muli %scan3A_138, %mul3A_143 : i32
        %dma_wait3A_145 = arith.constant 0 : i32
        %dma_wait3A_146 = tpu.memref_slice %arg9[%mul3A_144, %dma_wait3A_145] : memref<500x64xf32, #tpu.memory_space<vmem>> -> memref<125x64xf32, #tpu.memory_space<vmem>>
        %dma_wait3A_147 = arith.constant 0 : i32
        %dma_wait3A_148 = tpu.memref_slice %arg6[%add3A_142, %dma_wait3A_147] : memref<80x125xi32, #tpu.memory_space<vmem>> -> memref<1x125xi32, #tpu.memory_space<vmem>>
        %dma_wait3A_149 = tpu.memref_squeeze %dma_wait3A_148 : memref<1x125xi32, #tpu.memory_space<vmem>> -> memref<125xi32, #tpu.memory_space<vmem>>
        %dma_wait3A_150 = arith.constant 0 : i32
        %dma_wait3A_151 = arith.constant 0 : i32
        %dma_wait3A_152 = tpu.memref_slice %arg2[%dma_wait3A_150, %dma_wait3A_151] : memref<10240x64xf32, #tpu.memory_space<hbm>> -> memref<10240x64xf32, #tpu.memory_space<hbm>>
        tpu.wait_indirect_dma semaphore(%arg12 : memref<!tpu.dma_semaphore, #tpu.memory_space<semaphore_mem>>) src(%dma_wait3A_152 : memref<10240x64xf32, #tpu.memory_space<hbm>>) dst(%dma_wait3A_146 : memref<125x64xf32, #tpu.memory_space<vmem>>)
        %scan3A_153 = arith.constant 0 : i32
        scf.yield %scan3A_153 : i32
      }
      %scan3A_115 = arith.constant 4 : i32
      %scan3A_116 = arith.constant 0 : i32
      %scan3A_117 = arith.constant 0 : i32
      %scan3A_118 = arith.constant 4 : i32
      %scan3A_119 = arith.addi %scan3A_117, %scan3A_118 : i32
      %scan3A_120 = arith.constant 1 : i32
      %scan3A_121 = scf.for %scan3A_138 = %scan3A_117 to %scan3A_119 step %scan3A_120 iter_args(%scan3A_139 = %scan3A_116) -> (i32)  : i32 {
        %mul3A_140 = arith.constant 125 : i32
        %mul3A_141 = arith.muli %scan3A_138, %mul3A_140 : i32
        %mul3A_142 = arith.constant 4 : i32
        %mul3A_143 = arith.muli %mul3A_142, %add3A_108 : i32
        %add3A_144 = arith.addi %mul3A_143, %scan3A_138 : i32
        %dma_start3A_145 = arith.constant 0 : i32
        %dma_start3A_146 = tpu.memref_slice %arg9[%mul3A_141, %dma_start3A_145] : memref<500x64xf32, #tpu.memory_space<vmem>> -> memref<125x64xf32, #tpu.memory_space<vmem>>
        %dma_start3A_147 = arith.constant 0 : i32
        %dma_start3A_148 = tpu.memref_slice %arg7[%add3A_144, %dma_start3A_147] : memref<80x125xi32, #tpu.memory_space<vmem>> -> memref<1x125xi32, #tpu.memory_space<vmem>>
        %dma_start3A_149 = tpu.memref_squeeze %dma_start3A_148 : memref<1x125xi32, #tpu.memory_space<vmem>> -> memref<125xi32, #tpu.memory_space<vmem>>
        %dma_start3A_150 = arith.constant 0 : i32
        %dma_start3A_151 = arith.constant 0 : i32
        %dma_start3A_152 = tpu.memref_slice %arg10[%dma_start3A_150, %dma_start3A_151] : memref<10240x64xf32, #tpu.memory_space<vmem_shared>> -> memref<10240x64xf32, #tpu.memory_space<vmem_shared>>
        tpu.enqueue_indirect_dma source(%dma_start3A_146 : memref<125x64xf32, #tpu.memory_space<vmem>>) target(%dma_start3A_152 : memref<10240x64xf32, #tpu.memory_space<vmem_shared>>) offsets(%dma_start3A_149 : memref<125xi32, #tpu.memory_space<vmem>>) semaphore(%arg14 : memref<!tpu.dma_semaphore, #tpu.memory_space<semaphore_mem>>) {add = true}
        %scan3A_153 = arith.constant 0 : i32
        scf.yield %scan3A_153 : i32
      }
      %scan3A_122 = arith.constant 4 : i32
      %scan3A_123 = arith.constant 0 : i32
      %scan3A_124 = arith.constant 0 : i32
      %scan3A_125 = arith.constant 4 : i32
      %scan3A_126 = arith.addi %scan3A_124, %scan3A_125 : i32
      %scan3A_127 = arith.constant 1 : i32
      %scan3A_128 = scf.for %scan3A_138 = %scan3A_124 to %scan3A_126 step %scan3A_127 iter_args(%scan3A_139 = %scan3A_123) -> (i32)  : i32 {
        %mul3A_140 = arith.constant 125 : i32
        %mul3A_141 = arith.muli %scan3A_138, %mul3A_140 : i32
        %mul3A_142 = arith.constant 4 : i32
        %mul3A_143 = arith.muli %mul3A_142, %add3A_108 : i32
        %add3A_144 = arith.addi %mul3A_143, %scan3A_138 : i32
        %dma_wait3A_145 = arith.constant 0 : i32
        %dma_wait3A_146 = tpu.memref_slice %arg9[%mul3A_141, %dma_wait3A_145] : memref<500x64xf32, #tpu.memory_space<vmem>> -> memref<125x64xf32, #tpu.memory_space<vmem>>
        %dma_wait3A_147 = arith.constant 0 : i32
        %dma_wait3A_148 = tpu.memref_slice %arg7[%add3A_144, %dma_wait3A_147] : memref<80x125xi32, #tpu.memory_space<vmem>> -> memref<1x125xi32, #tpu.memory_space<vmem>>
        %dma_wait3A_149 = tpu.memref_squeeze %dma_wait3A_148 : memref<1x125xi32, #tpu.memory_space<vmem>> -> memref<125xi32, #tpu.memory_space<vmem>>
        %dma_wait3A_150 = arith.constant 0 : i32
        %dma_wait3A_151 = arith.constant 0 : i32
        %dma_wait3A_152 = tpu.memref_slice %arg10[%dma_wait3A_150, %dma_wait3A_151] : memref<10240x64xf32, #tpu.memory_space<vmem_shared>> -> memref<10240x64xf32, #tpu.memory_space<vmem_shared>>
        tpu.wait_indirect_dma semaphore(%arg14 : memref<!tpu.dma_semaphore, #tpu.memory_space<semaphore_mem>>) src(%dma_wait3A_146 : memref<125x64xf32, #tpu.memory_space<vmem>>) dst(%dma_wait3A_152 : memref<10240x64xf32, #tpu.memory_space<vmem_shared>>)
        %scan3A_153 = arith.constant 0 : i32
        scf.yield %scan3A_153 : i32
      }
      %scan3A_129 = arith.constant 4 : i32
      %add3A_130 = arith.constant 2 : i32
      %add3A_131 = arith.addi %add3A_108, %add3A_130 : i32
      %lt3A_132 = arith.constant 20 : i32
      %lt3A_133 = arith.cmpi slt, %add3A_131, %lt3A_132 : i32
      %convert_element_type3A_134 = arith.extui %lt3A_133 : i1 to i32
      %cond3A_135 = arith.constant 0 : i32
      %cond3A_136 = arith.cmpi ne, %convert_element_type3A_134, %cond3A_135 : i32
      scf.if %cond3A_136 {
        %add3A_138 = arith.constant 2 : i32
        %add3A_139 = arith.addi %add3A_108, %add3A_138 : i32
        %scan3A_140 = arith.constant 0 : i32
        %scan3A_141 = arith.constant 0 : i32
        %scan3A_142 = arith.constant 4 : i32
        %scan3A_143 = arith.addi %scan3A_141, %scan3A_142 : i32
        %scan3A_144 = arith.constant 1 : i32
        %scan3A_145 = scf.for %scan3A_147 = %scan3A_141 to %scan3A_143 step %scan3A_144 iter_args(%scan3A_148 = %scan3A_140) -> (i32)  : i32 {
          %mul3A_149 = arith.constant 4 : i32
          %mul3A_150 = arith.muli %mul3A_149, %add3A_139 : i32
          %add3A_151 = arith.addi %mul3A_150, %scan3A_147 : i32
          %mul3A_152 = arith.constant 125 : i32
          %mul3A_153 = arith.muli %scan3A_147, %mul3A_152 : i32
          %dma_start3A_154 = arith.constant 0 : i32
          %dma_start3A_155 = tpu.memref_slice %arg9[%mul3A_153, %dma_start3A_154] : memref<500x64xf32, #tpu.memory_space<vmem>> -> memref<125x64xf32, #tpu.memory_space<vmem>>
          %dma_start3A_156 = arith.constant 0 : i32
          %dma_start3A_157 = tpu.memref_slice %arg6[%add3A_151, %dma_start3A_156] : memref<80x125xi32, #tpu.memory_space<vmem>> -> memref<1x125xi32, #tpu.memory_space<vmem>>
          %dma_start3A_158 = tpu.memref_squeeze %dma_start3A_157 : memref<1x125xi32, #tpu.memory_space<vmem>> -> memref<125xi32, #tpu.memory_space<vmem>>
          %dma_start3A_159 = arith.constant 0 : i32
          %dma_start3A_160 = arith.constant 0 : i32
          %dma_start3A_161 = tpu.memref_slice %arg2[%dma_start3A_159, %dma_start3A_160] : memref<10240x64xf32, #tpu.memory_space<hbm>> -> memref<10240x64xf32, #tpu.memory_space<hbm>>
          tpu.enqueue_indirect_dma source(%dma_start3A_161 : memref<10240x64xf32, #tpu.memory_space<hbm>>) target(%dma_start3A_155 : memref<125x64xf32, #tpu.memory_space<vmem>>) offsets(%dma_start3A_158 : memref<125xi32, #tpu.memory_space<vmem>>) semaphore(%arg12 : memref<!tpu.dma_semaphore, #tpu.memory_space<semaphore_mem>>)
          %scan3A_162 = arith.constant 0 : i32
          scf.yield %scan3A_162 : i32
        }
        %scan3A_146 = arith.constant 4 : i32
      } else {
      }
      %scan3A_137 = arith.constant 0 : i32
      scf.yield %scan3A_137 : i32
    }
    %scan3A_70 = arith.constant 10 : i32
    %barrier3A_71 = arith.constant 0 : index
    tpu.barrier barrier_id(%barrier3A_71)
    %mul3A_72 = arith.constant 640 : i32
    %mul3A_73 = arith.muli %arg1, %mul3A_72 : i32
    %mul3A_74 = arith.constant 640 : i32
    %mul3A_75 = arith.muli %arg1, %mul3A_74 : i32
    "tpu.region"() ({
      %run_scoped3A = tpu.sem_alloc : memref<!tpu.dma_semaphore, #tpu.memory_space<semaphore_mem>>
      %dma_start3A_76 = arith.constant 0 : i32
      %dma_start3A_77 = tpu.memref_slice %arg5[%arg0, %mul3A_75, %dma_start3A_76] : memref<2x10240x64xf32, #tpu.memory_space<hbm>> -> memref<1x640x64xf32, #tpu.memory_space<hbm>>
      %dma_start3A_78 = tpu.memref_squeeze %dma_start3A_77 : memref<1x640x64xf32, #tpu.memory_space<hbm>> -> memref<640x64xf32, #tpu.memory_space<hbm>>
      %dma_start3A_79 = arith.constant 0 : i32
      %dma_start3A_80 = tpu.memref_slice %arg10[%mul3A_73, %dma_start3A_79] : memref<10240x64xf32, #tpu.memory_space<vmem_shared>> -> memref<640x64xf32, #tpu.memory_space<vmem_shared>>
      tpu.enqueue_dma source(%dma_start3A_80 : memref<640x64xf32, #tpu.memory_space<vmem_shared>>) target(%dma_start3A_78 : memref<640x64xf32, #tpu.memory_space<hbm>>) target_semaphore(%run_scoped3A : memref<!tpu.dma_semaphore, #tpu.memory_space<semaphore_mem>>)
      %dma_wait3A_81 = arith.constant 0 : i32
      %dma_wait3A_82 = tpu.memref_slice %arg5[%arg0, %mul3A_75, %dma_wait3A_81] : memref<2x10240x64xf32, #tpu.memory_space<hbm>> -> memref<1x640x64xf32, #tpu.memory_space<hbm>>
      %dma_wait3A_83 = tpu.memref_squeeze %dma_wait3A_82 : memref<1x640x64xf32, #tpu.memory_space<hbm>> -> memref<640x64xf32, #tpu.memory_space<hbm>>
      %dma_wait3A_84 = arith.constant 0 : i32
      %dma_wait3A_85 = tpu.memref_slice %arg10[%mul3A_73, %dma_wait3A_84] : memref<10240x64xf32, #tpu.memory_space<vmem_shared>> -> memref<640x64xf32, #tpu.memory_space<vmem_shared>>
      tpu.wait_dma2 semaphore(%run_scoped3A : memref<!tpu.dma_semaphore, #tpu.memory_space<semaphore_mem>>) src(%dma_wait3A_85 : memref<640x64xf32, #tpu.memory_space<vmem_shared>>) dst(%dma_wait3A_83 : memref<640x64xf32, #tpu.memory_space<hbm>>)
      tpu.yield
    }) : () -> ()
    return
  }
}

#map = affine_map<(d0, d1) -> (0, 0)>
#map1 = affine_map<(d0, d1) -> (0, 0, 0, 0)>
#map2 = affine_map<(d0, d1) -> (0, 0, 0)>
module attributes {stable_mosaic.version = 14 : i64} {
  func.func @_prop_body(%arg0: i32, %arg1: i32, %arg2: memref<10240x64xf32, #tpu.memory_space<hbm>>, %arg3: memref<2x32x80x125xi32, #tpu.memory_space<hbm>>, %arg4: memref<10240x64xf32, #tpu.memory_space<hbm>>, %arg5: memref<2x10240x64xf32, #tpu.memory_space<hbm>>, %arg6: memref<80x125xi32, #tpu.memory_space<vmem>>, %arg7: memref<80x125xi32, #tpu.memory_space<vmem>>, %arg8: memref<500x64xf32, #tpu.memory_space<vmem>>, %arg9: memref<500x64xf32, #tpu.memory_space<vmem>>, %arg10: memref<10240x64xf32, #tpu.memory_space<vmem_shared>>, %arg11: memref<!tpu.dma_semaphore, #tpu.memory_space<semaphore_mem>>, %arg12: memref<!tpu.dma_semaphore, #tpu.memory_space<semaphore_mem>>, %arg13: memref<!tpu.dma_semaphore, #tpu.memory_space<semaphore_mem>>, %arg14: memref<!tpu.dma_semaphore, #tpu.memory_space<semaphore_mem>>) attributes {dimension_semantics = [#tpu.dimension_semantics<core_parallel>, #tpu.dimension_semantics<subcore_parallel>], iteration_bounds = array<i64: 2, 16>, scalar_prefetch = 0 : i64, scratch_operands = 9 : i64, tpu.core_type = #tpu.core_type<sc_vector_subcore>, window_params = [{transform_indices = #map}, {transform_indices = #map1}, {transform_indices = #map}, {transform_indices = #map2}]} {
    %mul3A = arith.constant 2 : i32
    %mul3A_0 = arith.muli %arg1, %mul3A : i32
    %add3A = arith.addi %mul3A_0, %arg0 : i32
    %dma_start3A = arith.constant 0 : i32
    %dma_start3A_1 = arith.constant 0 : i32
    %dma_start3A_2 = arith.constant 0 : i32
    %dma_start3A_3 = tpu.memref_slice %arg3[%dma_start3A, %add3A, %dma_start3A_1, %dma_start3A_2] : memref<2x32x80x125xi32, #tpu.memory_space<hbm>> -> memref<1x1x80x125xi32, #tpu.memory_space<hbm>>
    %dma_start3A_4 = tpu.memref_squeeze %dma_start3A_3 : memref<1x1x80x125xi32, #tpu.memory_space<hbm>> -> memref<80x125xi32, #tpu.memory_space<hbm>>
    %dma_start3A_5 = arith.constant 0 : i32
    %dma_start3A_6 = arith.constant 0 : i32
    %dma_start3A_7 = tpu.memref_slice %arg3[%dma_start3A, %add3A, %dma_start3A_5, %dma_start3A_6] : memref<2x32x80x125xi32, #tpu.memory_space<hbm>> -> memref<1x1x80x125xi32, #tpu.memory_space<hbm>>
    %dma_start3A_8 = tpu.memref_squeeze %dma_start3A_7 : memref<1x1x80x125xi32, #tpu.memory_space<hbm>> -> memref<80x125xi32, #tpu.memory_space<hbm>>
    tpu.enqueue_dma source(%dma_start3A_8 : memref<80x125xi32, #tpu.memory_space<hbm>>) target(%arg6 : memref<80x125xi32, #tpu.memory_space<vmem>>) target_semaphore(%arg11 : memref<!tpu.dma_semaphore, #tpu.memory_space<semaphore_mem>>)
    %dma_start3A_9 = arith.constant 1 : i32
    %dma_start3A_10 = arith.constant 0 : i32
    %dma_start3A_11 = arith.constant 0 : i32
    %dma_start3A_12 = tpu.memref_slice %arg3[%dma_start3A_9, %add3A, %dma_start3A_10, %dma_start3A_11] : memref<2x32x80x125xi32, #tpu.memory_space<hbm>> -> memref<1x1x80x125xi32, #tpu.memory_space<hbm>>
    %dma_start3A_13 = tpu.memref_squeeze %dma_start3A_12 : memref<1x1x80x125xi32, #tpu.memory_space<hbm>> -> memref<80x125xi32, #tpu.memory_space<hbm>>
    %dma_start3A_14 = arith.constant 0 : i32
    %dma_start3A_15 = arith.constant 0 : i32
    %dma_start3A_16 = tpu.memref_slice %arg3[%dma_start3A_9, %add3A, %dma_start3A_14, %dma_start3A_15] : memref<2x32x80x125xi32, #tpu.memory_space<hbm>> -> memref<1x1x80x125xi32, #tpu.memory_space<hbm>>
    %dma_start3A_17 = tpu.memref_squeeze %dma_start3A_16 : memref<1x1x80x125xi32, #tpu.memory_space<hbm>> -> memref<80x125xi32, #tpu.memory_space<hbm>>
    tpu.enqueue_dma source(%dma_start3A_17 : memref<80x125xi32, #tpu.memory_space<hbm>>) target(%arg7 : memref<80x125xi32, #tpu.memory_space<vmem>>) target_semaphore(%arg12 : memref<!tpu.dma_semaphore, #tpu.memory_space<semaphore_mem>>)
    %mul3A_18 = arith.constant 640 : i32
    %mul3A_19 = arith.muli %arg1, %mul3A_18 : i32
    %mul3A_20 = arith.constant 640 : i32
    %mul3A_21 = arith.muli %arg1, %mul3A_20 : i32
    %dma_start3A_22 = arith.constant 0 : i32
    %dma_start3A_23 = tpu.memref_slice %arg10[%mul3A_21, %dma_start3A_22] : memref<10240x64xf32, #tpu.memory_space<vmem_shared>> -> memref<640x64xf32, #tpu.memory_space<vmem_shared>>
    %dma_start3A_24 = arith.constant 0 : i32
    %dma_start3A_25 = tpu.memref_slice %arg4[%mul3A_19, %dma_start3A_24] : memref<10240x64xf32, #tpu.memory_space<hbm>> -> memref<640x64xf32, #tpu.memory_space<hbm>>
    tpu.enqueue_dma source(%dma_start3A_25 : memref<640x64xf32, #tpu.memory_space<hbm>>) target(%dma_start3A_23 : memref<640x64xf32, #tpu.memory_space<vmem_shared>>) target_semaphore(%arg13 : memref<!tpu.dma_semaphore, #tpu.memory_space<semaphore_mem>>)
    %dma_wait3A = arith.constant 0 : i32
    %dma_wait3A_26 = arith.constant 0 : i32
    %dma_wait3A_27 = arith.constant 0 : i32
    %dma_wait3A_28 = tpu.memref_slice %arg3[%dma_wait3A, %add3A, %dma_wait3A_26, %dma_wait3A_27] : memref<2x32x80x125xi32, #tpu.memory_space<hbm>> -> memref<1x1x80x125xi32, #tpu.memory_space<hbm>>
    %dma_wait3A_29 = tpu.memref_squeeze %dma_wait3A_28 : memref<1x1x80x125xi32, #tpu.memory_space<hbm>> -> memref<80x125xi32, #tpu.memory_space<hbm>>
    %dma_wait3A_30 = arith.constant 0 : i32
    %dma_wait3A_31 = arith.constant 0 : i32
    %dma_wait3A_32 = tpu.memref_slice %arg3[%dma_wait3A, %add3A, %dma_wait3A_30, %dma_wait3A_31] : memref<2x32x80x125xi32, #tpu.memory_space<hbm>> -> memref<1x1x80x125xi32, #tpu.memory_space<hbm>>
    %dma_wait3A_33 = tpu.memref_squeeze %dma_wait3A_32 : memref<1x1x80x125xi32, #tpu.memory_space<hbm>> -> memref<80x125xi32, #tpu.memory_space<hbm>>
    tpu.wait_dma2 semaphore(%arg11 : memref<!tpu.dma_semaphore, #tpu.memory_space<semaphore_mem>>) src(%dma_wait3A_33 : memref<80x125xi32, #tpu.memory_space<hbm>>) dst(%arg6 : memref<80x125xi32, #tpu.memory_space<vmem>>)
    %dma_wait3A_34 = arith.constant 1 : i32
    %dma_wait3A_35 = arith.constant 0 : i32
    %dma_wait3A_36 = arith.constant 0 : i32
    %dma_wait3A_37 = tpu.memref_slice %arg3[%dma_wait3A_34, %add3A, %dma_wait3A_35, %dma_wait3A_36] : memref<2x32x80x125xi32, #tpu.memory_space<hbm>> -> memref<1x1x80x125xi32, #tpu.memory_space<hbm>>
    %dma_wait3A_38 = tpu.memref_squeeze %dma_wait3A_37 : memref<1x1x80x125xi32, #tpu.memory_space<hbm>> -> memref<80x125xi32, #tpu.memory_space<hbm>>
    %dma_wait3A_39 = arith.constant 0 : i32
    %dma_wait3A_40 = arith.constant 0 : i32
    %dma_wait3A_41 = tpu.memref_slice %arg3[%dma_wait3A_34, %add3A, %dma_wait3A_39, %dma_wait3A_40] : memref<2x32x80x125xi32, #tpu.memory_space<hbm>> -> memref<1x1x80x125xi32, #tpu.memory_space<hbm>>
    %dma_wait3A_42 = tpu.memref_squeeze %dma_wait3A_41 : memref<1x1x80x125xi32, #tpu.memory_space<hbm>> -> memref<80x125xi32, #tpu.memory_space<hbm>>
    tpu.wait_dma2 semaphore(%arg12 : memref<!tpu.dma_semaphore, #tpu.memory_space<semaphore_mem>>) src(%dma_wait3A_42 : memref<80x125xi32, #tpu.memory_space<hbm>>) dst(%arg7 : memref<80x125xi32, #tpu.memory_space<vmem>>)
    %mul3A_43 = arith.constant 640 : i32
    %mul3A_44 = arith.muli %arg1, %mul3A_43 : i32
    %mul3A_45 = arith.constant 640 : i32
    %mul3A_46 = arith.muli %arg1, %mul3A_45 : i32
    %dma_wait3A_47 = arith.constant 0 : i32
    %dma_wait3A_48 = tpu.memref_slice %arg10[%mul3A_46, %dma_wait3A_47] : memref<10240x64xf32, #tpu.memory_space<vmem_shared>> -> memref<640x64xf32, #tpu.memory_space<vmem_shared>>
    %dma_wait3A_49 = arith.constant 0 : i32
    %dma_wait3A_50 = tpu.memref_slice %arg4[%mul3A_44, %dma_wait3A_49] : memref<10240x64xf32, #tpu.memory_space<hbm>> -> memref<640x64xf32, #tpu.memory_space<hbm>>
    tpu.wait_dma2 semaphore(%arg13 : memref<!tpu.dma_semaphore, #tpu.memory_space<semaphore_mem>>) src(%dma_wait3A_50 : memref<640x64xf32, #tpu.memory_space<hbm>>) dst(%dma_wait3A_48 : memref<640x64xf32, #tpu.memory_space<vmem_shared>>)
    %barrier3A = arith.constant 0 : index
    tpu.barrier barrier_id(%barrier3A)
    %scan3A = arith.constant 0 : i32
    %scan3A_51 = arith.constant 0 : i32
    %scan3A_52 = arith.constant 4 : i32
    %scan3A_53 = arith.addi %scan3A_51, %scan3A_52 : i32
    %scan3A_54 = arith.constant 1 : i32
    %scan3A_55 = scf.for %scan3A_76 = %scan3A_51 to %scan3A_53 step %scan3A_54 iter_args(%scan3A_77 = %scan3A) -> (i32)  : i32 {
      %add3A_78 = arith.constant 0 : i32
      %add3A_79 = arith.addi %add3A_78, %scan3A_76 : i32
      %mul3A_80 = arith.constant 125 : i32
      %mul3A_81 = arith.muli %scan3A_76, %mul3A_80 : i32
      %dma_start3A_82 = arith.constant 0 : i32
      %dma_start3A_83 = tpu.memref_slice %arg8[%mul3A_81, %dma_start3A_82] : memref<500x64xf32, #tpu.memory_space<vmem>> -> memref<125x64xf32, #tpu.memory_space<vmem>>
      %dma_start3A_84 = arith.constant 0 : i32
      %dma_start3A_85 = tpu.memref_slice %arg6[%add3A_79, %dma_start3A_84] : memref<80x125xi32, #tpu.memory_space<vmem>> -> memref<1x125xi32, #tpu.memory_space<vmem>>
      %dma_start3A_86 = tpu.memref_squeeze %dma_start3A_85 : memref<1x125xi32, #tpu.memory_space<vmem>> -> memref<125xi32, #tpu.memory_space<vmem>>
      %dma_start3A_87 = arith.constant 0 : i32
      %dma_start3A_88 = arith.constant 0 : i32
      %dma_start3A_89 = tpu.memref_slice %arg2[%dma_start3A_87, %dma_start3A_88] : memref<10240x64xf32, #tpu.memory_space<hbm>> -> memref<10240x64xf32, #tpu.memory_space<hbm>>
      tpu.enqueue_indirect_dma source(%dma_start3A_89 : memref<10240x64xf32, #tpu.memory_space<hbm>>) target(%dma_start3A_83 : memref<125x64xf32, #tpu.memory_space<vmem>>) offsets(%dma_start3A_86 : memref<125xi32, #tpu.memory_space<vmem>>) semaphore(%arg11 : memref<!tpu.dma_semaphore, #tpu.memory_space<semaphore_mem>>)
      %scan3A_90 = arith.constant 0 : i32
      scf.yield %scan3A_90 : i32
    }
    %scan3A_56 = arith.constant 4 : i32
    %scan3A_57 = arith.constant 0 : i32
    %scan3A_58 = arith.constant 0 : i32
    %scan3A_59 = arith.constant 4 : i32
    %scan3A_60 = arith.addi %scan3A_58, %scan3A_59 : i32
    %scan3A_61 = arith.constant 1 : i32
    %scan3A_62 = scf.for %scan3A_76 = %scan3A_58 to %scan3A_60 step %scan3A_61 iter_args(%scan3A_77 = %scan3A_57) -> (i32)  : i32 {
      %add3A_78 = arith.constant 4 : i32
      %add3A_79 = arith.addi %add3A_78, %scan3A_76 : i32
      %mul3A_80 = arith.constant 125 : i32
      %mul3A_81 = arith.muli %scan3A_76, %mul3A_80 : i32
      %dma_start3A_82 = arith.constant 0 : i32
      %dma_start3A_83 = tpu.memref_slice %arg9[%mul3A_81, %dma_start3A_82] : memref<500x64xf32, #tpu.memory_space<vmem>> -> memref<125x64xf32, #tpu.memory_space<vmem>>
      %dma_start3A_84 = arith.constant 0 : i32
      %dma_start3A_85 = tpu.memref_slice %arg6[%add3A_79, %dma_start3A_84] : memref<80x125xi32, #tpu.memory_space<vmem>> -> memref<1x125xi32, #tpu.memory_space<vmem>>
      %dma_start3A_86 = tpu.memref_squeeze %dma_start3A_85 : memref<1x125xi32, #tpu.memory_space<vmem>> -> memref<125xi32, #tpu.memory_space<vmem>>
      %dma_start3A_87 = arith.constant 0 : i32
      %dma_start3A_88 = arith.constant 0 : i32
      %dma_start3A_89 = tpu.memref_slice %arg2[%dma_start3A_87, %dma_start3A_88] : memref<10240x64xf32, #tpu.memory_space<hbm>> -> memref<10240x64xf32, #tpu.memory_space<hbm>>
      tpu.enqueue_indirect_dma source(%dma_start3A_89 : memref<10240x64xf32, #tpu.memory_space<hbm>>) target(%dma_start3A_83 : memref<125x64xf32, #tpu.memory_space<vmem>>) offsets(%dma_start3A_86 : memref<125xi32, #tpu.memory_space<vmem>>) semaphore(%arg12 : memref<!tpu.dma_semaphore, #tpu.memory_space<semaphore_mem>>)
      %scan3A_90 = arith.constant 0 : i32
      scf.yield %scan3A_90 : i32
    }
    %scan3A_63 = arith.constant 4 : i32
    %scan3A_64 = arith.constant 0 : i32
    %scan3A_65 = arith.constant 0 : i32
    %scan3A_66 = arith.constant 10 : i32
    %scan3A_67 = arith.addi %scan3A_65, %scan3A_66 : i32
    %scan3A_68 = arith.constant 1 : i32
    %scan3A_69 = scf.for %scan3A_76 = %scan3A_65 to %scan3A_67 step %scan3A_68 iter_args(%scan3A_77 = %scan3A_64) -> (i32)  : i32 {
      %mul3A_78 = arith.constant 2 : i32
      %mul3A_79 = arith.muli %mul3A_78, %scan3A_76 : i32
      %scan3A_80 = arith.constant 0 : i32
      %scan3A_81 = arith.constant 0 : i32
      %scan3A_82 = arith.constant 4 : i32
      %scan3A_83 = arith.addi %scan3A_81, %scan3A_82 : i32
      %scan3A_84 = arith.constant 1 : i32
      %scan3A_85 = scf.for %scan3A_138 = %scan3A_81 to %scan3A_83 step %scan3A_84 iter_args(%scan3A_139 = %scan3A_80) -> (i32)  : i32 {
        %mul3A_140 = arith.constant 4 : i32
        %mul3A_141 = arith.muli %mul3A_140, %mul3A_79 : i32
        %add3A_142 = arith.addi %mul3A_141, %scan3A_138 : i32
        %mul3A_143 = arith.constant 125 : i32
        %mul3A_144 = arith.muli %scan3A_138, %mul3A_143 : i32
        %dma_wait3A_145 = arith.constant 0 : i32
        %dma_wait3A_146 = tpu.memref_slice %arg8[%mul3A_144, %dma_wait3A_145] : memref<500x64xf32, #tpu.memory_space<vmem>> -> memref<125x64xf32, #tpu.memory_space<vmem>>
        %dma_wait3A_147 = arith.constant 0 : i32
        %dma_wait3A_148 = tpu.memref_slice %arg6[%add3A_142, %dma_wait3A_147] : memref<80x125xi32, #tpu.memory_space<vmem>> -> memref<1x125xi32, #tpu.memory_space<vmem>>
        %dma_wait3A_149 = tpu.memref_squeeze %dma_wait3A_148 : memref<1x125xi32, #tpu.memory_space<vmem>> -> memref<125xi32, #tpu.memory_space<vmem>>
        %dma_wait3A_150 = arith.constant 0 : i32
        %dma_wait3A_151 = arith.constant 0 : i32
        %dma_wait3A_152 = tpu.memref_slice %arg2[%dma_wait3A_150, %dma_wait3A_151] : memref<10240x64xf32, #tpu.memory_space<hbm>> -> memref<10240x64xf32, #tpu.memory_space<hbm>>
        tpu.wait_indirect_dma semaphore(%arg11 : memref<!tpu.dma_semaphore, #tpu.memory_space<semaphore_mem>>) src(%dma_wait3A_152 : memref<10240x64xf32, #tpu.memory_space<hbm>>) dst(%dma_wait3A_146 : memref<125x64xf32, #tpu.memory_space<vmem>>)
        %scan3A_153 = arith.constant 0 : i32
        scf.yield %scan3A_153 : i32
      }
      %scan3A_86 = arith.constant 4 : i32
      %scan3A_87 = arith.constant 0 : i32
      %scan3A_88 = arith.constant 0 : i32
      %scan3A_89 = arith.constant 4 : i32
      %scan3A_90 = arith.addi %scan3A_88, %scan3A_89 : i32
      %scan3A_91 = arith.constant 1 : i32
      %scan3A_92 = scf.for %scan3A_138 = %scan3A_88 to %scan3A_90 step %scan3A_91 iter_args(%scan3A_139 = %scan3A_87) -> (i32)  : i32 {
        %mul3A_140 = arith.constant 125 : i32
        %mul3A_141 = arith.muli %scan3A_138, %mul3A_140 : i32
        %mul3A_142 = arith.constant 4 : i32
        %mul3A_143 = arith.muli %mul3A_142, %mul3A_79 : i32
        %add3A_144 = arith.addi %mul3A_143, %scan3A_138 : i32
        %dma_start3A_145 = arith.constant 0 : i32
        %dma_start3A_146 = tpu.memref_slice %arg8[%mul3A_141, %dma_start3A_145] : memref<500x64xf32, #tpu.memory_space<vmem>> -> memref<125x64xf32, #tpu.memory_space<vmem>>
        %dma_start3A_147 = arith.constant 0 : i32
        %dma_start3A_148 = tpu.memref_slice %arg7[%add3A_144, %dma_start3A_147] : memref<80x125xi32, #tpu.memory_space<vmem>> -> memref<1x125xi32, #tpu.memory_space<vmem>>
        %dma_start3A_149 = tpu.memref_squeeze %dma_start3A_148 : memref<1x125xi32, #tpu.memory_space<vmem>> -> memref<125xi32, #tpu.memory_space<vmem>>
        %dma_start3A_150 = arith.constant 0 : i32
        %dma_start3A_151 = arith.constant 0 : i32
        %dma_start3A_152 = tpu.memref_slice %arg10[%dma_start3A_150, %dma_start3A_151] : memref<10240x64xf32, #tpu.memory_space<vmem_shared>> -> memref<10240x64xf32, #tpu.memory_space<vmem_shared>>
        tpu.enqueue_indirect_dma source(%dma_start3A_146 : memref<125x64xf32, #tpu.memory_space<vmem>>) target(%dma_start3A_152 : memref<10240x64xf32, #tpu.memory_space<vmem_shared>>) offsets(%dma_start3A_149 : memref<125xi32, #tpu.memory_space<vmem>>) semaphore(%arg13 : memref<!tpu.dma_semaphore, #tpu.memory_space<semaphore_mem>>) {add = true}
        %scan3A_153 = arith.constant 0 : i32
        scf.yield %scan3A_153 : i32
      }
      %scan3A_93 = arith.constant 4 : i32
      %scan3A_94 = arith.constant 0 : i32
      %scan3A_95 = arith.constant 0 : i32
      %scan3A_96 = arith.constant 4 : i32
      %scan3A_97 = arith.addi %scan3A_95, %scan3A_96 : i32
      %scan3A_98 = arith.constant 1 : i32
      %scan3A_99 = scf.for %scan3A_138 = %scan3A_95 to %scan3A_97 step %scan3A_98 iter_args(%scan3A_139 = %scan3A_94) -> (i32)  : i32 {
        %mul3A_140 = arith.constant 125 : i32
        %mul3A_141 = arith.muli %scan3A_138, %mul3A_140 : i32
        %mul3A_142 = arith.constant 4 : i32
        %mul3A_143 = arith.muli %mul3A_142, %mul3A_79 : i32
        %add3A_144 = arith.addi %mul3A_143, %scan3A_138 : i32
        %dma_wait3A_145 = arith.constant 0 : i32
        %dma_wait3A_146 = tpu.memref_slice %arg8[%mul3A_141, %dma_wait3A_145] : memref<500x64xf32, #tpu.memory_space<vmem>> -> memref<125x64xf32, #tpu.memory_space<vmem>>
        %dma_wait3A_147 = arith.constant 0 : i32
        %dma_wait3A_148 = tpu.memref_slice %arg7[%add3A_144, %dma_wait3A_147] : memref<80x125xi32, #tpu.memory_space<vmem>> -> memref<1x125xi32, #tpu.memory_space<vmem>>
        %dma_wait3A_149 = tpu.memref_squeeze %dma_wait3A_148 : memref<1x125xi32, #tpu.memory_space<vmem>> -> memref<125xi32, #tpu.memory_space<vmem>>
        %dma_wait3A_150 = arith.constant 0 : i32
        %dma_wait3A_151 = arith.constant 0 : i32
        %dma_wait3A_152 = tpu.memref_slice %arg10[%dma_wait3A_150, %dma_wait3A_151] : memref<10240x64xf32, #tpu.memory_space<vmem_shared>> -> memref<10240x64xf32, #tpu.memory_space<vmem_shared>>
        tpu.wait_indirect_dma semaphore(%arg13 : memref<!tpu.dma_semaphore, #tpu.memory_space<semaphore_mem>>) src(%dma_wait3A_146 : memref<125x64xf32, #tpu.memory_space<vmem>>) dst(%dma_wait3A_152 : memref<10240x64xf32, #tpu.memory_space<vmem_shared>>)
        %scan3A_153 = arith.constant 0 : i32
        scf.yield %scan3A_153 : i32
      }
      %scan3A_100 = arith.constant 4 : i32
      %add3A_101 = arith.constant 2 : i32
      %add3A_102 = arith.addi %mul3A_79, %add3A_101 : i32
      %lt3A = arith.constant 20 : i32
      %lt3A_103 = arith.cmpi slt, %add3A_102, %lt3A : i32
      %convert_element_type3A = arith.extui %lt3A_103 : i1 to i32
      %cond3A = arith.constant 0 : i32
      %cond3A_104 = arith.cmpi ne, %convert_element_type3A, %cond3A : i32
      scf.if %cond3A_104 {
        %add3A_138 = arith.constant 2 : i32
        %add3A_139 = arith.addi %mul3A_79, %add3A_138 : i32
        %scan3A_140 = arith.constant 0 : i32
        %scan3A_141 = arith.constant 0 : i32
        %scan3A_142 = arith.constant 4 : i32
        %scan3A_143 = arith.addi %scan3A_141, %scan3A_142 : i32
        %scan3A_144 = arith.constant 1 : i32
        %scan3A_145 = scf.for %scan3A_147 = %scan3A_141 to %scan3A_143 step %scan3A_144 iter_args(%scan3A_148 = %scan3A_140) -> (i32)  : i32 {
          %mul3A_149 = arith.constant 4 : i32
          %mul3A_150 = arith.muli %mul3A_149, %add3A_139 : i32
          %add3A_151 = arith.addi %mul3A_150, %scan3A_147 : i32
          %mul3A_152 = arith.constant 125 : i32
          %mul3A_153 = arith.muli %scan3A_147, %mul3A_152 : i32
          %dma_start3A_154 = arith.constant 0 : i32
          %dma_start3A_155 = tpu.memref_slice %arg8[%mul3A_153, %dma_start3A_154] : memref<500x64xf32, #tpu.memory_space<vmem>> -> memref<125x64xf32, #tpu.memory_space<vmem>>
          %dma_start3A_156 = arith.constant 0 : i32
          %dma_start3A_157 = tpu.memref_slice %arg6[%add3A_151, %dma_start3A_156] : memref<80x125xi32, #tpu.memory_space<vmem>> -> memref<1x125xi32, #tpu.memory_space<vmem>>
          %dma_start3A_158 = tpu.memref_squeeze %dma_start3A_157 : memref<1x125xi32, #tpu.memory_space<vmem>> -> memref<125xi32, #tpu.memory_space<vmem>>
          %dma_start3A_159 = arith.constant 0 : i32
          %dma_start3A_160 = arith.constant 0 : i32
          %dma_start3A_161 = tpu.memref_slice %arg2[%dma_start3A_159, %dma_start3A_160] : memref<10240x64xf32, #tpu.memory_space<hbm>> -> memref<10240x64xf32, #tpu.memory_space<hbm>>
          tpu.enqueue_indirect_dma source(%dma_start3A_161 : memref<10240x64xf32, #tpu.memory_space<hbm>>) target(%dma_start3A_155 : memref<125x64xf32, #tpu.memory_space<vmem>>) offsets(%dma_start3A_158 : memref<125xi32, #tpu.memory_space<vmem>>) semaphore(%arg11 : memref<!tpu.dma_semaphore, #tpu.memory_space<semaphore_mem>>)
          %scan3A_162 = arith.constant 0 : i32
          scf.yield %scan3A_162 : i32
        }
        %scan3A_146 = arith.constant 4 : i32
      } else {
      }
      %mul3A_105 = arith.constant 2 : i32
      %mul3A_106 = arith.muli %mul3A_105, %scan3A_76 : i32
      %add3A_107 = arith.constant 1 : i32
      %add3A_108 = arith.addi %mul3A_106, %add3A_107 : i32
      %scan3A_109 = arith.constant 0 : i32
      %scan3A_110 = arith.constant 0 : i32
      %scan3A_111 = arith.constant 4 : i32
      %scan3A_112 = arith.addi %scan3A_110, %scan3A_111 : i32
      %scan3A_113 = arith.constant 1 : i32
      %scan3A_114 = scf.for %scan3A_138 = %scan3A_110 to %scan3A_112 step %scan3A_113 iter_args(%scan3A_139 = %scan3A_109) -> (i32)  : i32 {
        %mul3A_140 = arith.constant 4 : i32
        %mul3A_141 = arith.muli %mul3A_140, %add3A_108 : i32
        %add3A_142 = arith.addi %mul3A_141, %scan3A_138 : i32
        %mul3A_143 = arith.constant 125 : i32
        %mul3A_144 = arith.muli %scan3A_138, %mul3A_143 : i32
        %dma_wait3A_145 = arith.constant 0 : i32
        %dma_wait3A_146 = tpu.memref_slice %arg9[%mul3A_144, %dma_wait3A_145] : memref<500x64xf32, #tpu.memory_space<vmem>> -> memref<125x64xf32, #tpu.memory_space<vmem>>
        %dma_wait3A_147 = arith.constant 0 : i32
        %dma_wait3A_148 = tpu.memref_slice %arg6[%add3A_142, %dma_wait3A_147] : memref<80x125xi32, #tpu.memory_space<vmem>> -> memref<1x125xi32, #tpu.memory_space<vmem>>
        %dma_wait3A_149 = tpu.memref_squeeze %dma_wait3A_148 : memref<1x125xi32, #tpu.memory_space<vmem>> -> memref<125xi32, #tpu.memory_space<vmem>>
        %dma_wait3A_150 = arith.constant 0 : i32
        %dma_wait3A_151 = arith.constant 0 : i32
        %dma_wait3A_152 = tpu.memref_slice %arg2[%dma_wait3A_150, %dma_wait3A_151] : memref<10240x64xf32, #tpu.memory_space<hbm>> -> memref<10240x64xf32, #tpu.memory_space<hbm>>
        tpu.wait_indirect_dma semaphore(%arg12 : memref<!tpu.dma_semaphore, #tpu.memory_space<semaphore_mem>>) src(%dma_wait3A_152 : memref<10240x64xf32, #tpu.memory_space<hbm>>) dst(%dma_wait3A_146 : memref<125x64xf32, #tpu.memory_space<vmem>>)
        %scan3A_153 = arith.constant 0 : i32
        scf.yield %scan3A_153 : i32
      }
      %scan3A_115 = arith.constant 4 : i32
      %scan3A_116 = arith.constant 0 : i32
      %scan3A_117 = arith.constant 0 : i32
      %scan3A_118 = arith.constant 4 : i32
      %scan3A_119 = arith.addi %scan3A_117, %scan3A_118 : i32
      %scan3A_120 = arith.constant 1 : i32
      %scan3A_121 = scf.for %scan3A_138 = %scan3A_117 to %scan3A_119 step %scan3A_120 iter_args(%scan3A_139 = %scan3A_116) -> (i32)  : i32 {
        %mul3A_140 = arith.constant 125 : i32
        %mul3A_141 = arith.muli %scan3A_138, %mul3A_140 : i32
        %mul3A_142 = arith.constant 4 : i32
        %mul3A_143 = arith.muli %mul3A_142, %add3A_108 : i32
        %add3A_144 = arith.addi %mul3A_143, %scan3A_138 : i32
        %dma_start3A_145 = arith.constant 0 : i32
        %dma_start3A_146 = tpu.memref_slice %arg9[%mul3A_141, %dma_start3A_145] : memref<500x64xf32, #tpu.memory_space<vmem>> -> memref<125x64xf32, #tpu.memory_space<vmem>>
        %dma_start3A_147 = arith.constant 0 : i32
        %dma_start3A_148 = tpu.memref_slice %arg7[%add3A_144, %dma_start3A_147] : memref<80x125xi32, #tpu.memory_space<vmem>> -> memref<1x125xi32, #tpu.memory_space<vmem>>
        %dma_start3A_149 = tpu.memref_squeeze %dma_start3A_148 : memref<1x125xi32, #tpu.memory_space<vmem>> -> memref<125xi32, #tpu.memory_space<vmem>>
        %dma_start3A_150 = arith.constant 0 : i32
        %dma_start3A_151 = arith.constant 0 : i32
        %dma_start3A_152 = tpu.memref_slice %arg10[%dma_start3A_150, %dma_start3A_151] : memref<10240x64xf32, #tpu.memory_space<vmem_shared>> -> memref<10240x64xf32, #tpu.memory_space<vmem_shared>>
        tpu.enqueue_indirect_dma source(%dma_start3A_146 : memref<125x64xf32, #tpu.memory_space<vmem>>) target(%dma_start3A_152 : memref<10240x64xf32, #tpu.memory_space<vmem_shared>>) offsets(%dma_start3A_149 : memref<125xi32, #tpu.memory_space<vmem>>) semaphore(%arg14 : memref<!tpu.dma_semaphore, #tpu.memory_space<semaphore_mem>>) {add = true}
        %scan3A_153 = arith.constant 0 : i32
        scf.yield %scan3A_153 : i32
      }
      %scan3A_122 = arith.constant 4 : i32
      %scan3A_123 = arith.constant 0 : i32
      %scan3A_124 = arith.constant 0 : i32
      %scan3A_125 = arith.constant 4 : i32
      %scan3A_126 = arith.addi %scan3A_124, %scan3A_125 : i32
      %scan3A_127 = arith.constant 1 : i32
      %scan3A_128 = scf.for %scan3A_138 = %scan3A_124 to %scan3A_126 step %scan3A_127 iter_args(%scan3A_139 = %scan3A_123) -> (i32)  : i32 {
        %mul3A_140 = arith.constant 125 : i32
        %mul3A_141 = arith.muli %scan3A_138, %mul3A_140 : i32
        %mul3A_142 = arith.constant 4 : i32
        %mul3A_143 = arith.muli %mul3A_142, %add3A_108 : i32
        %add3A_144 = arith.addi %mul3A_143, %scan3A_138 : i32
        %dma_wait3A_145 = arith.constant 0 : i32
        %dma_wait3A_146 = tpu.memref_slice %arg9[%mul3A_141, %dma_wait3A_145] : memref<500x64xf32, #tpu.memory_space<vmem>> -> memref<125x64xf32, #tpu.memory_space<vmem>>
        %dma_wait3A_147 = arith.constant 0 : i32
        %dma_wait3A_148 = tpu.memref_slice %arg7[%add3A_144, %dma_wait3A_147] : memref<80x125xi32, #tpu.memory_space<vmem>> -> memref<1x125xi32, #tpu.memory_space<vmem>>
        %dma_wait3A_149 = tpu.memref_squeeze %dma_wait3A_148 : memref<1x125xi32, #tpu.memory_space<vmem>> -> memref<125xi32, #tpu.memory_space<vmem>>
        %dma_wait3A_150 = arith.constant 0 : i32
        %dma_wait3A_151 = arith.constant 0 : i32
        %dma_wait3A_152 = tpu.memref_slice %arg10[%dma_wait3A_150, %dma_wait3A_151] : memref<10240x64xf32, #tpu.memory_space<vmem_shared>> -> memref<10240x64xf32, #tpu.memory_space<vmem_shared>>
        tpu.wait_indirect_dma semaphore(%arg14 : memref<!tpu.dma_semaphore, #tpu.memory_space<semaphore_mem>>) src(%dma_wait3A_146 : memref<125x64xf32, #tpu.memory_space<vmem>>) dst(%dma_wait3A_152 : memref<10240x64xf32, #tpu.memory_space<vmem_shared>>)
        %scan3A_153 = arith.constant 0 : i32
        scf.yield %scan3A_153 : i32
      }
      %scan3A_129 = arith.constant 4 : i32
      %add3A_130 = arith.constant 2 : i32
      %add3A_131 = arith.addi %add3A_108, %add3A_130 : i32
      %lt3A_132 = arith.constant 20 : i32
      %lt3A_133 = arith.cmpi slt, %add3A_131, %lt3A_132 : i32
      %convert_element_type3A_134 = arith.extui %lt3A_133 : i1 to i32
      %cond3A_135 = arith.constant 0 : i32
      %cond3A_136 = arith.cmpi ne, %convert_element_type3A_134, %cond3A_135 : i32
      scf.if %cond3A_136 {
        %add3A_138 = arith.constant 2 : i32
        %add3A_139 = arith.addi %add3A_108, %add3A_138 : i32
        %scan3A_140 = arith.constant 0 : i32
        %scan3A_141 = arith.constant 0 : i32
        %scan3A_142 = arith.constant 4 : i32
        %scan3A_143 = arith.addi %scan3A_141, %scan3A_142 : i32
        %scan3A_144 = arith.constant 1 : i32
        %scan3A_145 = scf.for %scan3A_147 = %scan3A_141 to %scan3A_143 step %scan3A_144 iter_args(%scan3A_148 = %scan3A_140) -> (i32)  : i32 {
          %mul3A_149 = arith.constant 4 : i32
          %mul3A_150 = arith.muli %mul3A_149, %add3A_139 : i32
          %add3A_151 = arith.addi %mul3A_150, %scan3A_147 : i32
          %mul3A_152 = arith.constant 125 : i32
          %mul3A_153 = arith.muli %scan3A_147, %mul3A_152 : i32
          %dma_start3A_154 = arith.constant 0 : i32
          %dma_start3A_155 = tpu.memref_slice %arg9[%mul3A_153, %dma_start3A_154] : memref<500x64xf32, #tpu.memory_space<vmem>> -> memref<125x64xf32, #tpu.memory_space<vmem>>
          %dma_start3A_156 = arith.constant 0 : i32
          %dma_start3A_157 = tpu.memref_slice %arg6[%add3A_151, %dma_start3A_156] : memref<80x125xi32, #tpu.memory_space<vmem>> -> memref<1x125xi32, #tpu.memory_space<vmem>>
          %dma_start3A_158 = tpu.memref_squeeze %dma_start3A_157 : memref<1x125xi32, #tpu.memory_space<vmem>> -> memref<125xi32, #tpu.memory_space<vmem>>
          %dma_start3A_159 = arith.constant 0 : i32
          %dma_start3A_160 = arith.constant 0 : i32
          %dma_start3A_161 = tpu.memref_slice %arg2[%dma_start3A_159, %dma_start3A_160] : memref<10240x64xf32, #tpu.memory_space<hbm>> -> memref<10240x64xf32, #tpu.memory_space<hbm>>
          tpu.enqueue_indirect_dma source(%dma_start3A_161 : memref<10240x64xf32, #tpu.memory_space<hbm>>) target(%dma_start3A_155 : memref<125x64xf32, #tpu.memory_space<vmem>>) offsets(%dma_start3A_158 : memref<125xi32, #tpu.memory_space<vmem>>) semaphore(%arg12 : memref<!tpu.dma_semaphore, #tpu.memory_space<semaphore_mem>>)
          %scan3A_162 = arith.constant 0 : i32
          scf.yield %scan3A_162 : i32
        }
        %scan3A_146 = arith.constant 4 : i32
      } else {
      }
      %scan3A_137 = arith.constant 0 : i32
      scf.yield %scan3A_137 : i32
    }
    %scan3A_70 = arith.constant 10 : i32
    %barrier3A_71 = arith.constant 0 : index
    tpu.barrier barrier_id(%barrier3A_71)
    %mul3A_72 = arith.constant 640 : i32
    %mul3A_73 = arith.muli %arg1, %mul3A_72 : i32
    %mul3A_74 = arith.constant 640 : i32
    %mul3A_75 = arith.muli %arg1, %mul3A_74 : i32
    "tpu.region"() ({
      %run_scoped3A = tpu.sem_alloc : memref<!tpu.dma_semaphore, #tpu.memory_space<semaphore_mem>>
      %dma_start3A_76 = arith.constant 0 : i32
      %dma_start3A_77 = tpu.memref_slice %arg5[%arg0, %mul3A_75, %dma_start3A_76] : memref<2x10240x64xf32, #tpu.memory_space<hbm>> -> memref<1x640x64xf32, #tpu.memory_space<hbm>>
      %dma_start3A_78 = tpu.memref_squeeze %dma_start3A_77 : memref<1x640x64xf32, #tpu.memory_space<hbm>> -> memref<640x64xf32, #tpu.memory_space<hbm>>
      %dma_start3A_79 = arith.constant 0 : i32
      %dma_start3A_80 = tpu.memref_slice %arg10[%mul3A_73, %dma_start3A_79] : memref<10240x64xf32, #tpu.memory_space<vmem_shared>> -> memref<640x64xf32, #tpu.memory_space<vmem_shared>>
      tpu.enqueue_dma source(%dma_start3A_80 : memref<640x64xf32, #tpu.memory_space<vmem_shared>>) target(%dma_start3A_78 : memref<640x64xf32, #tpu.memory_space<hbm>>) target_semaphore(%run_scoped3A : memref<!tpu.dma_semaphore, #tpu.memory_space<semaphore_mem>>)
      %dma_wait3A_81 = arith.constant 0 : i32
      %dma_wait3A_82 = tpu.memref_slice %arg5[%arg0, %mul3A_75, %dma_wait3A_81] : memref<2x10240x64xf32, #tpu.memory_space<hbm>> -> memref<1x640x64xf32, #tpu.memory_space<hbm>>
      %dma_wait3A_83 = tpu.memref_squeeze %dma_wait3A_82 : memref<1x640x64xf32, #tpu.memory_space<hbm>> -> memref<640x64xf32, #tpu.memory_space<hbm>>
      %dma_wait3A_84 = arith.constant 0 : i32
      %dma_wait3A_85 = tpu.memref_slice %arg10[%mul3A_73, %dma_wait3A_84] : memref<10240x64xf32, #tpu.memory_space<vmem_shared>> -> memref<640x64xf32, #tpu.memory_space<vmem_shared>>
      tpu.wait_dma2 semaphore(%run_scoped3A : memref<!tpu.dma_semaphore, #tpu.memory_space<semaphore_mem>>) src(%dma_wait3A_85 : memref<640x64xf32, #tpu.memory_space<vmem_shared>>) dst(%dma_wait3A_83 : memref<640x64xf32, #tpu.memory_space<hbm>>)
      tpu.yield
    }) : () -> ()
    return
  }
}

#map = affine_map<(d0, d1) -> (0, 0)>
#map1 = affine_map<(d0, d1) -> (0, 0, 0, 0)>
#map2 = affine_map<(d0, d1) -> (0, 0, 0)>
module attributes {stable_mosaic.version = 14 : i64} {
  func.func @_prop_body(%arg0: i32, %arg1: i32, %arg2: memref<10240x64xf32, #tpu.memory_space<hbm>>, %arg3: memref<2x32x80x125xi32, #tpu.memory_space<hbm>>, %arg4: memref<10240x64xf32, #tpu.memory_space<hbm>>, %arg5: memref<2x10240x64xf32, #tpu.memory_space<hbm>>, %arg6: memref<80x125xi32, #tpu.memory_space<vmem>>, %arg7: memref<80x125xi32, #tpu.memory_space<vmem>>, %arg8: memref<500x64xf32, #tpu.memory_space<vmem>>, %arg9: memref<500x64xf32, #tpu.memory_space<vmem>>, %arg10: memref<10240x64xf32, #tpu.memory_space<vmem_shared>>, %arg11: memref<!tpu.dma_semaphore, #tpu.memory_space<semaphore_mem>>, %arg12: memref<!tpu.dma_semaphore, #tpu.memory_space<semaphore_mem>>, %arg13: memref<!tpu.dma_semaphore, #tpu.memory_space<semaphore_mem>>, %arg14: memref<!tpu.dma_semaphore, #tpu.memory_space<semaphore_mem>>) attributes {dimension_semantics = [#tpu.dimension_semantics<core_parallel>, #tpu.dimension_semantics<subcore_parallel>], iteration_bounds = array<i64: 2, 16>, scalar_prefetch = 0 : i64, scratch_operands = 9 : i64, tpu.core_type = #tpu.core_type<sc_vector_subcore>, window_params = [{transform_indices = #map}, {transform_indices = #map1}, {transform_indices = #map}, {transform_indices = #map2}]} {
    %mul3A = arith.constant 2 : i32
    %mul3A_0 = arith.muli %arg1, %mul3A : i32
    %add3A = arith.addi %mul3A_0, %arg0 : i32
    %dma_start3A = arith.constant 0 : i32
    %dma_start3A_1 = arith.constant 0 : i32
    %dma_start3A_2 = arith.constant 0 : i32
    %dma_start3A_3 = tpu.memref_slice %arg3[%dma_start3A, %add3A, %dma_start3A_1, %dma_start3A_2] : memref<2x32x80x125xi32, #tpu.memory_space<hbm>> -> memref<1x1x80x125xi32, #tpu.memory_space<hbm>>
    %dma_start3A_4 = tpu.memref_squeeze %dma_start3A_3 : memref<1x1x80x125xi32, #tpu.memory_space<hbm>> -> memref<80x125xi32, #tpu.memory_space<hbm>>
    %dma_start3A_5 = arith.constant 0 : i32
    %dma_start3A_6 = arith.constant 0 : i32
    %dma_start3A_7 = tpu.memref_slice %arg3[%dma_start3A, %add3A, %dma_start3A_5, %dma_start3A_6] : memref<2x32x80x125xi32, #tpu.memory_space<hbm>> -> memref<1x1x80x125xi32, #tpu.memory_space<hbm>>
    %dma_start3A_8 = tpu.memref_squeeze %dma_start3A_7 : memref<1x1x80x125xi32, #tpu.memory_space<hbm>> -> memref<80x125xi32, #tpu.memory_space<hbm>>
    tpu.enqueue_dma source(%dma_start3A_8 : memref<80x125xi32, #tpu.memory_space<hbm>>) target(%arg6 : memref<80x125xi32, #tpu.memory_space<vmem>>) target_semaphore(%arg11 : memref<!tpu.dma_semaphore, #tpu.memory_space<semaphore_mem>>)
    %dma_start3A_9 = arith.constant 1 : i32
    %dma_start3A_10 = arith.constant 0 : i32
    %dma_start3A_11 = arith.constant 0 : i32
    %dma_start3A_12 = tpu.memref_slice %arg3[%dma_start3A_9, %add3A, %dma_start3A_10, %dma_start3A_11] : memref<2x32x80x125xi32, #tpu.memory_space<hbm>> -> memref<1x1x80x125xi32, #tpu.memory_space<hbm>>
    %dma_start3A_13 = tpu.memref_squeeze %dma_start3A_12 : memref<1x1x80x125xi32, #tpu.memory_space<hbm>> -> memref<80x125xi32, #tpu.memory_space<hbm>>
    %dma_start3A_14 = arith.constant 0 : i32
    %dma_start3A_15 = arith.constant 0 : i32
    %dma_start3A_16 = tpu.memref_slice %arg3[%dma_start3A_9, %add3A, %dma_start3A_14, %dma_start3A_15] : memref<2x32x80x125xi32, #tpu.memory_space<hbm>> -> memref<1x1x80x125xi32, #tpu.memory_space<hbm>>
    %dma_start3A_17 = tpu.memref_squeeze %dma_start3A_16 : memref<1x1x80x125xi32, #tpu.memory_space<hbm>> -> memref<80x125xi32, #tpu.memory_space<hbm>>
    tpu.enqueue_dma source(%dma_start3A_17 : memref<80x125xi32, #tpu.memory_space<hbm>>) target(%arg7 : memref<80x125xi32, #tpu.memory_space<vmem>>) target_semaphore(%arg12 : memref<!tpu.dma_semaphore, #tpu.memory_space<semaphore_mem>>)
    %mul3A_18 = arith.constant 640 : i32
    %mul3A_19 = arith.muli %arg1, %mul3A_18 : i32
    %mul3A_20 = arith.constant 640 : i32
    %mul3A_21 = arith.muli %arg1, %mul3A_20 : i32
    %dma_start3A_22 = arith.constant 0 : i32
    %dma_start3A_23 = tpu.memref_slice %arg10[%mul3A_21, %dma_start3A_22] : memref<10240x64xf32, #tpu.memory_space<vmem_shared>> -> memref<640x64xf32, #tpu.memory_space<vmem_shared>>
    %dma_start3A_24 = arith.constant 0 : i32
    %dma_start3A_25 = tpu.memref_slice %arg4[%mul3A_19, %dma_start3A_24] : memref<10240x64xf32, #tpu.memory_space<hbm>> -> memref<640x64xf32, #tpu.memory_space<hbm>>
    tpu.enqueue_dma source(%dma_start3A_25 : memref<640x64xf32, #tpu.memory_space<hbm>>) target(%dma_start3A_23 : memref<640x64xf32, #tpu.memory_space<vmem_shared>>) target_semaphore(%arg13 : memref<!tpu.dma_semaphore, #tpu.memory_space<semaphore_mem>>)
    %dma_wait3A = arith.constant 0 : i32
    %dma_wait3A_26 = arith.constant 0 : i32
    %dma_wait3A_27 = arith.constant 0 : i32
    %dma_wait3A_28 = tpu.memref_slice %arg3[%dma_wait3A, %add3A, %dma_wait3A_26, %dma_wait3A_27] : memref<2x32x80x125xi32, #tpu.memory_space<hbm>> -> memref<1x1x80x125xi32, #tpu.memory_space<hbm>>
    %dma_wait3A_29 = tpu.memref_squeeze %dma_wait3A_28 : memref<1x1x80x125xi32, #tpu.memory_space<hbm>> -> memref<80x125xi32, #tpu.memory_space<hbm>>
    %dma_wait3A_30 = arith.constant 0 : i32
    %dma_wait3A_31 = arith.constant 0 : i32
    %dma_wait3A_32 = tpu.memref_slice %arg3[%dma_wait3A, %add3A, %dma_wait3A_30, %dma_wait3A_31] : memref<2x32x80x125xi32, #tpu.memory_space<hbm>> -> memref<1x1x80x125xi32, #tpu.memory_space<hbm>>
    %dma_wait3A_33 = tpu.memref_squeeze %dma_wait3A_32 : memref<1x1x80x125xi32, #tpu.memory_space<hbm>> -> memref<80x125xi32, #tpu.memory_space<hbm>>
    tpu.wait_dma2 semaphore(%arg11 : memref<!tpu.dma_semaphore, #tpu.memory_space<semaphore_mem>>) src(%dma_wait3A_33 : memref<80x125xi32, #tpu.memory_space<hbm>>) dst(%arg6 : memref<80x125xi32, #tpu.memory_space<vmem>>)
    %dma_wait3A_34 = arith.constant 1 : i32
    %dma_wait3A_35 = arith.constant 0 : i32
    %dma_wait3A_36 = arith.constant 0 : i32
    %dma_wait3A_37 = tpu.memref_slice %arg3[%dma_wait3A_34, %add3A, %dma_wait3A_35, %dma_wait3A_36] : memref<2x32x80x125xi32, #tpu.memory_space<hbm>> -> memref<1x1x80x125xi32, #tpu.memory_space<hbm>>
    %dma_wait3A_38 = tpu.memref_squeeze %dma_wait3A_37 : memref<1x1x80x125xi32, #tpu.memory_space<hbm>> -> memref<80x125xi32, #tpu.memory_space<hbm>>
    %dma_wait3A_39 = arith.constant 0 : i32
    %dma_wait3A_40 = arith.constant 0 : i32
    %dma_wait3A_41 = tpu.memref_slice %arg3[%dma_wait3A_34, %add3A, %dma_wait3A_39, %dma_wait3A_40] : memref<2x32x80x125xi32, #tpu.memory_space<hbm>> -> memref<1x1x80x125xi32, #tpu.memory_space<hbm>>
    %dma_wait3A_42 = tpu.memref_squeeze %dma_wait3A_41 : memref<1x1x80x125xi32, #tpu.memory_space<hbm>> -> memref<80x125xi32, #tpu.memory_space<hbm>>
    tpu.wait_dma2 semaphore(%arg12 : memref<!tpu.dma_semaphore, #tpu.memory_space<semaphore_mem>>) src(%dma_wait3A_42 : memref<80x125xi32, #tpu.memory_space<hbm>>) dst(%arg7 : memref<80x125xi32, #tpu.memory_space<vmem>>)
    %mul3A_43 = arith.constant 640 : i32
    %mul3A_44 = arith.muli %arg1, %mul3A_43 : i32
    %mul3A_45 = arith.constant 640 : i32
    %mul3A_46 = arith.muli %arg1, %mul3A_45 : i32
    %dma_wait3A_47 = arith.constant 0 : i32
    %dma_wait3A_48 = tpu.memref_slice %arg10[%mul3A_46, %dma_wait3A_47] : memref<10240x64xf32, #tpu.memory_space<vmem_shared>> -> memref<640x64xf32, #tpu.memory_space<vmem_shared>>
    %dma_wait3A_49 = arith.constant 0 : i32
    %dma_wait3A_50 = tpu.memref_slice %arg4[%mul3A_44, %dma_wait3A_49] : memref<10240x64xf32, #tpu.memory_space<hbm>> -> memref<640x64xf32, #tpu.memory_space<hbm>>
    tpu.wait_dma2 semaphore(%arg13 : memref<!tpu.dma_semaphore, #tpu.memory_space<semaphore_mem>>) src(%dma_wait3A_50 : memref<640x64xf32, #tpu.memory_space<hbm>>) dst(%dma_wait3A_48 : memref<640x64xf32, #tpu.memory_space<vmem_shared>>)
    %barrier3A = arith.constant 0 : index
    tpu.barrier barrier_id(%barrier3A)
    %scan3A = arith.constant 0 : i32
    %scan3A_51 = arith.constant 0 : i32
    %scan3A_52 = arith.constant 4 : i32
    %scan3A_53 = arith.addi %scan3A_51, %scan3A_52 : i32
    %scan3A_54 = arith.constant 1 : i32
    %scan3A_55 = scf.for %scan3A_76 = %scan3A_51 to %scan3A_53 step %scan3A_54 iter_args(%scan3A_77 = %scan3A) -> (i32)  : i32 {
      %add3A_78 = arith.constant 0 : i32
      %add3A_79 = arith.addi %add3A_78, %scan3A_76 : i32
      %mul3A_80 = arith.constant 125 : i32
      %mul3A_81 = arith.muli %scan3A_76, %mul3A_80 : i32
      %dma_start3A_82 = arith.constant 0 : i32
      %dma_start3A_83 = tpu.memref_slice %arg8[%mul3A_81, %dma_start3A_82] : memref<500x64xf32, #tpu.memory_space<vmem>> -> memref<125x64xf32, #tpu.memory_space<vmem>>
      %dma_start3A_84 = arith.constant 0 : i32
      %dma_start3A_85 = tpu.memref_slice %arg6[%add3A_79, %dma_start3A_84] : memref<80x125xi32, #tpu.memory_space<vmem>> -> memref<1x125xi32, #tpu.memory_space<vmem>>
      %dma_start3A_86 = tpu.memref_squeeze %dma_start3A_85 : memref<1x125xi32, #tpu.memory_space<vmem>> -> memref<125xi32, #tpu.memory_space<vmem>>
      %dma_start3A_87 = arith.constant 0 : i32
      %dma_start3A_88 = arith.constant 0 : i32
      %dma_start3A_89 = tpu.memref_slice %arg2[%dma_start3A_87, %dma_start3A_88] : memref<10240x64xf32, #tpu.memory_space<hbm>> -> memref<10240x64xf32, #tpu.memory_space<hbm>>
      tpu.enqueue_indirect_dma source(%dma_start3A_89 : memref<10240x64xf32, #tpu.memory_space<hbm>>) target(%dma_start3A_83 : memref<125x64xf32, #tpu.memory_space<vmem>>) offsets(%dma_start3A_86 : memref<125xi32, #tpu.memory_space<vmem>>) semaphore(%arg11 : memref<!tpu.dma_semaphore, #tpu.memory_space<semaphore_mem>>)
      %scan3A_90 = arith.constant 0 : i32
      scf.yield %scan3A_90 : i32
    }
    %scan3A_56 = arith.constant 4 : i32
    %scan3A_57 = arith.constant 0 : i32
    %scan3A_58 = arith.constant 0 : i32
    %scan3A_59 = arith.constant 4 : i32
    %scan3A_60 = arith.addi %scan3A_58, %scan3A_59 : i32
    %scan3A_61 = arith.constant 1 : i32
    %scan3A_62 = scf.for %scan3A_76 = %scan3A_58 to %scan3A_60 step %scan3A_61 iter_args(%scan3A_77 = %scan3A_57) -> (i32)  : i32 {
      %add3A_78 = arith.constant 4 : i32
      %add3A_79 = arith.addi %add3A_78, %scan3A_76 : i32
      %mul3A_80 = arith.constant 125 : i32
      %mul3A_81 = arith.muli %scan3A_76, %mul3A_80 : i32
      %dma_start3A_82 = arith.constant 0 : i32
      %dma_start3A_83 = tpu.memref_slice %arg9[%mul3A_81, %dma_start3A_82] : memref<500x64xf32, #tpu.memory_space<vmem>> -> memref<125x64xf32, #tpu.memory_space<vmem>>
      %dma_start3A_84 = arith.constant 0 : i32
      %dma_start3A_85 = tpu.memref_slice %arg6[%add3A_79, %dma_start3A_84] : memref<80x125xi32, #tpu.memory_space<vmem>> -> memref<1x125xi32, #tpu.memory_space<vmem>>
      %dma_start3A_86 = tpu.memref_squeeze %dma_start3A_85 : memref<1x125xi32, #tpu.memory_space<vmem>> -> memref<125xi32, #tpu.memory_space<vmem>>
      %dma_start3A_87 = arith.constant 0 : i32
      %dma_start3A_88 = arith.constant 0 : i32
      %dma_start3A_89 = tpu.memref_slice %arg2[%dma_start3A_87, %dma_start3A_88] : memref<10240x64xf32, #tpu.memory_space<hbm>> -> memref<10240x64xf32, #tpu.memory_space<hbm>>
      tpu.enqueue_indirect_dma source(%dma_start3A_89 : memref<10240x64xf32, #tpu.memory_space<hbm>>) target(%dma_start3A_83 : memref<125x64xf32, #tpu.memory_space<vmem>>) offsets(%dma_start3A_86 : memref<125xi32, #tpu.memory_space<vmem>>) semaphore(%arg12 : memref<!tpu.dma_semaphore, #tpu.memory_space<semaphore_mem>>)
      %scan3A_90 = arith.constant 0 : i32
      scf.yield %scan3A_90 : i32
    }
    %scan3A_63 = arith.constant 4 : i32
    %scan3A_64 = arith.constant 0 : i32
    %scan3A_65 = arith.constant 0 : i32
    %scan3A_66 = arith.constant 10 : i32
    %scan3A_67 = arith.addi %scan3A_65, %scan3A_66 : i32
    %scan3A_68 = arith.constant 1 : i32
    %scan3A_69 = scf.for %scan3A_76 = %scan3A_65 to %scan3A_67 step %scan3A_68 iter_args(%scan3A_77 = %scan3A_64) -> (i32)  : i32 {
      %mul3A_78 = arith.constant 2 : i32
      %mul3A_79 = arith.muli %mul3A_78, %scan3A_76 : i32
      %scan3A_80 = arith.constant 0 : i32
      %scan3A_81 = arith.constant 0 : i32
      %scan3A_82 = arith.constant 4 : i32
      %scan3A_83 = arith.addi %scan3A_81, %scan3A_82 : i32
      %scan3A_84 = arith.constant 1 : i32
      %scan3A_85 = scf.for %scan3A_138 = %scan3A_81 to %scan3A_83 step %scan3A_84 iter_args(%scan3A_139 = %scan3A_80) -> (i32)  : i32 {
        %mul3A_140 = arith.constant 4 : i32
        %mul3A_141 = arith.muli %mul3A_140, %mul3A_79 : i32
        %add3A_142 = arith.addi %mul3A_141, %scan3A_138 : i32
        %mul3A_143 = arith.constant 125 : i32
        %mul3A_144 = arith.muli %scan3A_138, %mul3A_143 : i32
        %dma_wait3A_145 = arith.constant 0 : i32
        %dma_wait3A_146 = tpu.memref_slice %arg8[%mul3A_144, %dma_wait3A_145] : memref<500x64xf32, #tpu.memory_space<vmem>> -> memref<125x64xf32, #tpu.memory_space<vmem>>
        %dma_wait3A_147 = arith.constant 0 : i32
        %dma_wait3A_148 = tpu.memref_slice %arg6[%add3A_142, %dma_wait3A_147] : memref<80x125xi32, #tpu.memory_space<vmem>> -> memref<1x125xi32, #tpu.memory_space<vmem>>
        %dma_wait3A_149 = tpu.memref_squeeze %dma_wait3A_148 : memref<1x125xi32, #tpu.memory_space<vmem>> -> memref<125xi32, #tpu.memory_space<vmem>>
        %dma_wait3A_150 = arith.constant 0 : i32
        %dma_wait3A_151 = arith.constant 0 : i32
        %dma_wait3A_152 = tpu.memref_slice %arg2[%dma_wait3A_150, %dma_wait3A_151] : memref<10240x64xf32, #tpu.memory_space<hbm>> -> memref<10240x64xf32, #tpu.memory_space<hbm>>
        tpu.wait_indirect_dma semaphore(%arg11 : memref<!tpu.dma_semaphore, #tpu.memory_space<semaphore_mem>>) src(%dma_wait3A_152 : memref<10240x64xf32, #tpu.memory_space<hbm>>) dst(%dma_wait3A_146 : memref<125x64xf32, #tpu.memory_space<vmem>>)
        %scan3A_153 = arith.constant 0 : i32
        scf.yield %scan3A_153 : i32
      }
      %scan3A_86 = arith.constant 4 : i32
      %scan3A_87 = arith.constant 0 : i32
      %scan3A_88 = arith.constant 0 : i32
      %scan3A_89 = arith.constant 4 : i32
      %scan3A_90 = arith.addi %scan3A_88, %scan3A_89 : i32
      %scan3A_91 = arith.constant 1 : i32
      %scan3A_92 = scf.for %scan3A_138 = %scan3A_88 to %scan3A_90 step %scan3A_91 iter_args(%scan3A_139 = %scan3A_87) -> (i32)  : i32 {
        %mul3A_140 = arith.constant 125 : i32
        %mul3A_141 = arith.muli %scan3A_138, %mul3A_140 : i32
        %mul3A_142 = arith.constant 4 : i32
        %mul3A_143 = arith.muli %mul3A_142, %mul3A_79 : i32
        %add3A_144 = arith.addi %mul3A_143, %scan3A_138 : i32
        %dma_start3A_145 = arith.constant 0 : i32
        %dma_start3A_146 = tpu.memref_slice %arg8[%mul3A_141, %dma_start3A_145] : memref<500x64xf32, #tpu.memory_space<vmem>> -> memref<125x64xf32, #tpu.memory_space<vmem>>
        %dma_start3A_147 = arith.constant 0 : i32
        %dma_start3A_148 = tpu.memref_slice %arg7[%add3A_144, %dma_start3A_147] : memref<80x125xi32, #tpu.memory_space<vmem>> -> memref<1x125xi32, #tpu.memory_space<vmem>>
        %dma_start3A_149 = tpu.memref_squeeze %dma_start3A_148 : memref<1x125xi32, #tpu.memory_space<vmem>> -> memref<125xi32, #tpu.memory_space<vmem>>
        %dma_start3A_150 = arith.constant 0 : i32
        %dma_start3A_151 = arith.constant 0 : i32
        %dma_start3A_152 = tpu.memref_slice %arg10[%dma_start3A_150, %dma_start3A_151] : memref<10240x64xf32, #tpu.memory_space<vmem_shared>> -> memref<10240x64xf32, #tpu.memory_space<vmem_shared>>
        tpu.enqueue_indirect_dma source(%dma_start3A_146 : memref<125x64xf32, #tpu.memory_space<vmem>>) target(%dma_start3A_152 : memref<10240x64xf32, #tpu.memory_space<vmem_shared>>) offsets(%dma_start3A_149 : memref<125xi32, #tpu.memory_space<vmem>>) semaphore(%arg13 : memref<!tpu.dma_semaphore, #tpu.memory_space<semaphore_mem>>) {add = true}
        %scan3A_153 = arith.constant 0 : i32
        scf.yield %scan3A_153 : i32
      }
      %scan3A_93 = arith.constant 4 : i32
      %scan3A_94 = arith.constant 0 : i32
      %scan3A_95 = arith.constant 0 : i32
      %scan3A_96 = arith.constant 4 : i32
      %scan3A_97 = arith.addi %scan3A_95, %scan3A_96 : i32
      %scan3A_98 = arith.constant 1 : i32
      %scan3A_99 = scf.for %scan3A_138 = %scan3A_95 to %scan3A_97 step %scan3A_98 iter_args(%scan3A_139 = %scan3A_94) -> (i32)  : i32 {
        %mul3A_140 = arith.constant 125 : i32
        %mul3A_141 = arith.muli %scan3A_138, %mul3A_140 : i32
        %mul3A_142 = arith.constant 4 : i32
        %mul3A_143 = arith.muli %mul3A_142, %mul3A_79 : i32
        %add3A_144 = arith.addi %mul3A_143, %scan3A_138 : i32
        %dma_wait3A_145 = arith.constant 0 : i32
        %dma_wait3A_146 = tpu.memref_slice %arg8[%mul3A_141, %dma_wait3A_145] : memref<500x64xf32, #tpu.memory_space<vmem>> -> memref<125x64xf32, #tpu.memory_space<vmem>>
        %dma_wait3A_147 = arith.constant 0 : i32
        %dma_wait3A_148 = tpu.memref_slice %arg7[%add3A_144, %dma_wait3A_147] : memref<80x125xi32, #tpu.memory_space<vmem>> -> memref<1x125xi32, #tpu.memory_space<vmem>>
        %dma_wait3A_149 = tpu.memref_squeeze %dma_wait3A_148 : memref<1x125xi32, #tpu.memory_space<vmem>> -> memref<125xi32, #tpu.memory_space<vmem>>
        %dma_wait3A_150 = arith.constant 0 : i32
        %dma_wait3A_151 = arith.constant 0 : i32
        %dma_wait3A_152 = tpu.memref_slice %arg10[%dma_wait3A_150, %dma_wait3A_151] : memref<10240x64xf32, #tpu.memory_space<vmem_shared>> -> memref<10240x64xf32, #tpu.memory_space<vmem_shared>>
        tpu.wait_indirect_dma semaphore(%arg13 : memref<!tpu.dma_semaphore, #tpu.memory_space<semaphore_mem>>) src(%dma_wait3A_146 : memref<125x64xf32, #tpu.memory_space<vmem>>) dst(%dma_wait3A_152 : memref<10240x64xf32, #tpu.memory_space<vmem_shared>>)
        %scan3A_153 = arith.constant 0 : i32
        scf.yield %scan3A_153 : i32
      }
      %scan3A_100 = arith.constant 4 : i32
      %add3A_101 = arith.constant 2 : i32
      %add3A_102 = arith.addi %mul3A_79, %add3A_101 : i32
      %lt3A = arith.constant 20 : i32
      %lt3A_103 = arith.cmpi slt, %add3A_102, %lt3A : i32
      %convert_element_type3A = arith.extui %lt3A_103 : i1 to i32
      %cond3A = arith.constant 0 : i32
      %cond3A_104 = arith.cmpi ne, %convert_element_type3A, %cond3A : i32
      scf.if %cond3A_104 {
        %add3A_138 = arith.constant 2 : i32
        %add3A_139 = arith.addi %mul3A_79, %add3A_138 : i32
        %scan3A_140 = arith.constant 0 : i32
        %scan3A_141 = arith.constant 0 : i32
        %scan3A_142 = arith.constant 4 : i32
        %scan3A_143 = arith.addi %scan3A_141, %scan3A_142 : i32
        %scan3A_144 = arith.constant 1 : i32
        %scan3A_145 = scf.for %scan3A_147 = %scan3A_141 to %scan3A_143 step %scan3A_144 iter_args(%scan3A_148 = %scan3A_140) -> (i32)  : i32 {
          %mul3A_149 = arith.constant 4 : i32
          %mul3A_150 = arith.muli %mul3A_149, %add3A_139 : i32
          %add3A_151 = arith.addi %mul3A_150, %scan3A_147 : i32
          %mul3A_152 = arith.constant 125 : i32
          %mul3A_153 = arith.muli %scan3A_147, %mul3A_152 : i32
          %dma_start3A_154 = arith.constant 0 : i32
          %dma_start3A_155 = tpu.memref_slice %arg8[%mul3A_153, %dma_start3A_154] : memref<500x64xf32, #tpu.memory_space<vmem>> -> memref<125x64xf32, #tpu.memory_space<vmem>>
          %dma_start3A_156 = arith.constant 0 : i32
          %dma_start3A_157 = tpu.memref_slice %arg6[%add3A_151, %dma_start3A_156] : memref<80x125xi32, #tpu.memory_space<vmem>> -> memref<1x125xi32, #tpu.memory_space<vmem>>
          %dma_start3A_158 = tpu.memref_squeeze %dma_start3A_157 : memref<1x125xi32, #tpu.memory_space<vmem>> -> memref<125xi32, #tpu.memory_space<vmem>>
          %dma_start3A_159 = arith.constant 0 : i32
          %dma_start3A_160 = arith.constant 0 : i32
          %dma_start3A_161 = tpu.memref_slice %arg2[%dma_start3A_159, %dma_start3A_160] : memref<10240x64xf32, #tpu.memory_space<hbm>> -> memref<10240x64xf32, #tpu.memory_space<hbm>>
          tpu.enqueue_indirect_dma source(%dma_start3A_161 : memref<10240x64xf32, #tpu.memory_space<hbm>>) target(%dma_start3A_155 : memref<125x64xf32, #tpu.memory_space<vmem>>) offsets(%dma_start3A_158 : memref<125xi32, #tpu.memory_space<vmem>>) semaphore(%arg11 : memref<!tpu.dma_semaphore, #tpu.memory_space<semaphore_mem>>)
          %scan3A_162 = arith.constant 0 : i32
          scf.yield %scan3A_162 : i32
        }
        %scan3A_146 = arith.constant 4 : i32
      } else {
      }
      %mul3A_105 = arith.constant 2 : i32
      %mul3A_106 = arith.muli %mul3A_105, %scan3A_76 : i32
      %add3A_107 = arith.constant 1 : i32
      %add3A_108 = arith.addi %mul3A_106, %add3A_107 : i32
      %scan3A_109 = arith.constant 0 : i32
      %scan3A_110 = arith.constant 0 : i32
      %scan3A_111 = arith.constant 4 : i32
      %scan3A_112 = arith.addi %scan3A_110, %scan3A_111 : i32
      %scan3A_113 = arith.constant 1 : i32
      %scan3A_114 = scf.for %scan3A_138 = %scan3A_110 to %scan3A_112 step %scan3A_113 iter_args(%scan3A_139 = %scan3A_109) -> (i32)  : i32 {
        %mul3A_140 = arith.constant 4 : i32
        %mul3A_141 = arith.muli %mul3A_140, %add3A_108 : i32
        %add3A_142 = arith.addi %mul3A_141, %scan3A_138 : i32
        %mul3A_143 = arith.constant 125 : i32
        %mul3A_144 = arith.muli %scan3A_138, %mul3A_143 : i32
        %dma_wait3A_145 = arith.constant 0 : i32
        %dma_wait3A_146 = tpu.memref_slice %arg9[%mul3A_144, %dma_wait3A_145] : memref<500x64xf32, #tpu.memory_space<vmem>> -> memref<125x64xf32, #tpu.memory_space<vmem>>
        %dma_wait3A_147 = arith.constant 0 : i32
        %dma_wait3A_148 = tpu.memref_slice %arg6[%add3A_142, %dma_wait3A_147] : memref<80x125xi32, #tpu.memory_space<vmem>> -> memref<1x125xi32, #tpu.memory_space<vmem>>
        %dma_wait3A_149 = tpu.memref_squeeze %dma_wait3A_148 : memref<1x125xi32, #tpu.memory_space<vmem>> -> memref<125xi32, #tpu.memory_space<vmem>>
        %dma_wait3A_150 = arith.constant 0 : i32
        %dma_wait3A_151 = arith.constant 0 : i32
        %dma_wait3A_152 = tpu.memref_slice %arg2[%dma_wait3A_150, %dma_wait3A_151] : memref<10240x64xf32, #tpu.memory_space<hbm>> -> memref<10240x64xf32, #tpu.memory_space<hbm>>
        tpu.wait_indirect_dma semaphore(%arg12 : memref<!tpu.dma_semaphore, #tpu.memory_space<semaphore_mem>>) src(%dma_wait3A_152 : memref<10240x64xf32, #tpu.memory_space<hbm>>) dst(%dma_wait3A_146 : memref<125x64xf32, #tpu.memory_space<vmem>>)
        %scan3A_153 = arith.constant 0 : i32
        scf.yield %scan3A_153 : i32
      }
      %scan3A_115 = arith.constant 4 : i32
      %scan3A_116 = arith.constant 0 : i32
      %scan3A_117 = arith.constant 0 : i32
      %scan3A_118 = arith.constant 4 : i32
      %scan3A_119 = arith.addi %scan3A_117, %scan3A_118 : i32
      %scan3A_120 = arith.constant 1 : i32
      %scan3A_121 = scf.for %scan3A_138 = %scan3A_117 to %scan3A_119 step %scan3A_120 iter_args(%scan3A_139 = %scan3A_116) -> (i32)  : i32 {
        %mul3A_140 = arith.constant 125 : i32
        %mul3A_141 = arith.muli %scan3A_138, %mul3A_140 : i32
        %mul3A_142 = arith.constant 4 : i32
        %mul3A_143 = arith.muli %mul3A_142, %add3A_108 : i32
        %add3A_144 = arith.addi %mul3A_143, %scan3A_138 : i32
        %dma_start3A_145 = arith.constant 0 : i32
        %dma_start3A_146 = tpu.memref_slice %arg9[%mul3A_141, %dma_start3A_145] : memref<500x64xf32, #tpu.memory_space<vmem>> -> memref<125x64xf32, #tpu.memory_space<vmem>>
        %dma_start3A_147 = arith.constant 0 : i32
        %dma_start3A_148 = tpu.memref_slice %arg7[%add3A_144, %dma_start3A_147] : memref<80x125xi32, #tpu.memory_space<vmem>> -> memref<1x125xi32, #tpu.memory_space<vmem>>
        %dma_start3A_149 = tpu.memref_squeeze %dma_start3A_148 : memref<1x125xi32, #tpu.memory_space<vmem>> -> memref<125xi32, #tpu.memory_space<vmem>>
        %dma_start3A_150 = arith.constant 0 : i32
        %dma_start3A_151 = arith.constant 0 : i32
        %dma_start3A_152 = tpu.memref_slice %arg10[%dma_start3A_150, %dma_start3A_151] : memref<10240x64xf32, #tpu.memory_space<vmem_shared>> -> memref<10240x64xf32, #tpu.memory_space<vmem_shared>>
        tpu.enqueue_indirect_dma source(%dma_start3A_146 : memref<125x64xf32, #tpu.memory_space<vmem>>) target(%dma_start3A_152 : memref<10240x64xf32, #tpu.memory_space<vmem_shared>>) offsets(%dma_start3A_149 : memref<125xi32, #tpu.memory_space<vmem>>) semaphore(%arg14 : memref<!tpu.dma_semaphore, #tpu.memory_space<semaphore_mem>>) {add = true}
        %scan3A_153 = arith.constant 0 : i32
        scf.yield %scan3A_153 : i32
      }
      %scan3A_122 = arith.constant 4 : i32
      %scan3A_123 = arith.constant 0 : i32
      %scan3A_124 = arith.constant 0 : i32
      %scan3A_125 = arith.constant 4 : i32
      %scan3A_126 = arith.addi %scan3A_124, %scan3A_125 : i32
      %scan3A_127 = arith.constant 1 : i32
      %scan3A_128 = scf.for %scan3A_138 = %scan3A_124 to %scan3A_126 step %scan3A_127 iter_args(%scan3A_139 = %scan3A_123) -> (i32)  : i32 {
        %mul3A_140 = arith.constant 125 : i32
        %mul3A_141 = arith.muli %scan3A_138, %mul3A_140 : i32
        %mul3A_142 = arith.constant 4 : i32
        %mul3A_143 = arith.muli %mul3A_142, %add3A_108 : i32
        %add3A_144 = arith.addi %mul3A_143, %scan3A_138 : i32
        %dma_wait3A_145 = arith.constant 0 : i32
        %dma_wait3A_146 = tpu.memref_slice %arg9[%mul3A_141, %dma_wait3A_145] : memref<500x64xf32, #tpu.memory_space<vmem>> -> memref<125x64xf32, #tpu.memory_space<vmem>>
        %dma_wait3A_147 = arith.constant 0 : i32
        %dma_wait3A_148 = tpu.memref_slice %arg7[%add3A_144, %dma_wait3A_147] : memref<80x125xi32, #tpu.memory_space<vmem>> -> memref<1x125xi32, #tpu.memory_space<vmem>>
        %dma_wait3A_149 = tpu.memref_squeeze %dma_wait3A_148 : memref<1x125xi32, #tpu.memory_space<vmem>> -> memref<125xi32, #tpu.memory_space<vmem>>
        %dma_wait3A_150 = arith.constant 0 : i32
        %dma_wait3A_151 = arith.constant 0 : i32
        %dma_wait3A_152 = tpu.memref_slice %arg10[%dma_wait3A_150, %dma_wait3A_151] : memref<10240x64xf32, #tpu.memory_space<vmem_shared>> -> memref<10240x64xf32, #tpu.memory_space<vmem_shared>>
        tpu.wait_indirect_dma semaphore(%arg14 : memref<!tpu.dma_semaphore, #tpu.memory_space<semaphore_mem>>) src(%dma_wait3A_146 : memref<125x64xf32, #tpu.memory_space<vmem>>) dst(%dma_wait3A_152 : memref<10240x64xf32, #tpu.memory_space<vmem_shared>>)
        %scan3A_153 = arith.constant 0 : i32
        scf.yield %scan3A_153 : i32
      }
      %scan3A_129 = arith.constant 4 : i32
      %add3A_130 = arith.constant 2 : i32
      %add3A_131 = arith.addi %add3A_108, %add3A_130 : i32
      %lt3A_132 = arith.constant 20 : i32
      %lt3A_133 = arith.cmpi slt, %add3A_131, %lt3A_132 : i32
      %convert_element_type3A_134 = arith.extui %lt3A_133 : i1 to i32
      %cond3A_135 = arith.constant 0 : i32
      %cond3A_136 = arith.cmpi ne, %convert_element_type3A_134, %cond3A_135 : i32
      scf.if %cond3A_136 {
        %add3A_138 = arith.constant 2 : i32
        %add3A_139 = arith.addi %add3A_108, %add3A_138 : i32
        %scan3A_140 = arith.constant 0 : i32
        %scan3A_141 = arith.constant 0 : i32
        %scan3A_142 = arith.constant 4 : i32
        %scan3A_143 = arith.addi %scan3A_141, %scan3A_142 : i32
        %scan3A_144 = arith.constant 1 : i32
        %scan3A_145 = scf.for %scan3A_147 = %scan3A_141 to %scan3A_143 step %scan3A_144 iter_args(%scan3A_148 = %scan3A_140) -> (i32)  : i32 {
          %mul3A_149 = arith.constant 4 : i32
          %mul3A_150 = arith.muli %mul3A_149, %add3A_139 : i32
          %add3A_151 = arith.addi %mul3A_150, %scan3A_147 : i32
          %mul3A_152 = arith.constant 125 : i32
          %mul3A_153 = arith.muli %scan3A_147, %mul3A_152 : i32
          %dma_start3A_154 = arith.constant 0 : i32
          %dma_start3A_155 = tpu.memref_slice %arg9[%mul3A_153, %dma_start3A_154] : memref<500x64xf32, #tpu.memory_space<vmem>> -> memref<125x64xf32, #tpu.memory_space<vmem>>
          %dma_start3A_156 = arith.constant 0 : i32
          %dma_start3A_157 = tpu.memref_slice %arg6[%add3A_151, %dma_start3A_156] : memref<80x125xi32, #tpu.memory_space<vmem>> -> memref<1x125xi32, #tpu.memory_space<vmem>>
          %dma_start3A_158 = tpu.memref_squeeze %dma_start3A_157 : memref<1x125xi32, #tpu.memory_space<vmem>> -> memref<125xi32, #tpu.memory_space<vmem>>
          %dma_start3A_159 = arith.constant 0 : i32
          %dma_start3A_160 = arith.constant 0 : i32
          %dma_start3A_161 = tpu.memref_slice %arg2[%dma_start3A_159, %dma_start3A_160] : memref<10240x64xf32, #tpu.memory_space<hbm>> -> memref<10240x64xf32, #tpu.memory_space<hbm>>
          tpu.enqueue_indirect_dma source(%dma_start3A_161 : memref<10240x64xf32, #tpu.memory_space<hbm>>) target(%dma_start3A_155 : memref<125x64xf32, #tpu.memory_space<vmem>>) offsets(%dma_start3A_158 : memref<125xi32, #tpu.memory_space<vmem>>) semaphore(%arg12 : memref<!tpu.dma_semaphore, #tpu.memory_space<semaphore_mem>>)
          %scan3A_162 = arith.constant 0 : i32
          scf.yield %scan3A_162 : i32
        }
        %scan3A_146 = arith.constant 4 : i32
      } else {
      }
      %scan3A_137 = arith.constant 0 : i32
      scf.yield %scan3A_137 : i32
    }
    %scan3A_70 = arith.constant 10 : i32
    %barrier3A_71 = arith.constant 0 : index
    tpu.barrier barrier_id(%barrier3A_71)
    %mul3A_72 = arith.constant 640 : i32
    %mul3A_73 = arith.muli %arg1, %mul3A_72 : i32
    %mul3A_74 = arith.constant 640 : i32
    %mul3A_75 = arith.muli %arg1, %mul3A_74 : i32
    "tpu.region"() ({
      %run_scoped3A = tpu.sem_alloc : memref<!tpu.dma_semaphore, #tpu.memory_space<semaphore_mem>>
      %dma_start3A_76 = arith.constant 0 : i32
      %dma_start3A_77 = tpu.memref_slice %arg5[%arg0, %mul3A_75, %dma_start3A_76] : memref<2x10240x64xf32, #tpu.memory_space<hbm>> -> memref<1x640x64xf32, #tpu.memory_space<hbm>>
      %dma_start3A_78 = tpu.memref_squeeze %dma_start3A_77 : memref<1x640x64xf32, #tpu.memory_space<hbm>> -> memref<640x64xf32, #tpu.memory_space<hbm>>
      %dma_start3A_79 = arith.constant 0 : i32
      %dma_start3A_80 = tpu.memref_slice %arg10[%mul3A_73, %dma_start3A_79] : memref<10240x64xf32, #tpu.memory_space<vmem_shared>> -> memref<640x64xf32, #tpu.memory_space<vmem_shared>>
      tpu.enqueue_dma source(%dma_start3A_80 : memref<640x64xf32, #tpu.memory_space<vmem_shared>>) target(%dma_start3A_78 : memref<640x64xf32, #tpu.memory_space<hbm>>) target_semaphore(%run_scoped3A : memref<!tpu.dma_semaphore, #tpu.memory_space<semaphore_mem>>)
      %dma_wait3A_81 = arith.constant 0 : i32
      %dma_wait3A_82 = tpu.memref_slice %arg5[%arg0, %mul3A_75, %dma_wait3A_81] : memref<2x10240x64xf32, #tpu.memory_space<hbm>> -> memref<1x640x64xf32, #tpu.memory_space<hbm>>
      %dma_wait3A_83 = tpu.memref_squeeze %dma_wait3A_82 : memref<1x640x64xf32, #tpu.memory_space<hbm>> -> memref<640x64xf32, #tpu.memory_space<hbm>>
      %dma_wait3A_84 = arith.constant 0 : i32
      %dma_wait3A_85 = tpu.memref_slice %arg10[%mul3A_73, %dma_wait3A_84] : memref<10240x64xf32, #tpu.memory_space<vmem_shared>> -> memref<640x64xf32, #tpu.memory_space<vmem_shared>>
      tpu.wait_dma2 semaphore(%run_scoped3A : memref<!tpu.dma_semaphore, #tpu.memory_space<semaphore_mem>>) src(%dma_wait3A_85 : memref<640x64xf32, #tpu.memory_space<vmem_shared>>) dst(%dma_wait3A_83 : memref<640x64xf32, #tpu.memory_space<hbm>>)
      tpu.yield
    }) : () -> ()
    return
  }
}

#map = affine_map<(d0, d1) -> (0, 0)>
#map1 = affine_map<(d0, d1) -> (0, 0, 0, 0)>
#map2 = affine_map<(d0, d1) -> (0, 0, 0)>
module attributes {stable_mosaic.version = 14 : i64} {
  func.func @_prop_body(%arg0: i32, %arg1: i32, %arg2: memref<10240x40xf32, #tpu.memory_space<hbm>>, %arg3: memref<2x32x80x125xi32, #tpu.memory_space<hbm>>, %arg4: memref<10240x40xf32, #tpu.memory_space<hbm>>, %arg5: memref<2x10240x40xf32, #tpu.memory_space<hbm>>, %arg6: memref<80x125xi32, #tpu.memory_space<vmem>>, %arg7: memref<80x125xi32, #tpu.memory_space<vmem>>, %arg8: memref<500x40xf32, #tpu.memory_space<vmem>>, %arg9: memref<500x40xf32, #tpu.memory_space<vmem>>, %arg10: memref<10240x40xf32, #tpu.memory_space<vmem_shared>>, %arg11: memref<!tpu.dma_semaphore, #tpu.memory_space<semaphore_mem>>, %arg12: memref<!tpu.dma_semaphore, #tpu.memory_space<semaphore_mem>>, %arg13: memref<!tpu.dma_semaphore, #tpu.memory_space<semaphore_mem>>, %arg14: memref<!tpu.dma_semaphore, #tpu.memory_space<semaphore_mem>>) attributes {dimension_semantics = [#tpu.dimension_semantics<core_parallel>, #tpu.dimension_semantics<subcore_parallel>], iteration_bounds = array<i64: 2, 16>, scalar_prefetch = 0 : i64, scratch_operands = 9 : i64, tpu.core_type = #tpu.core_type<sc_vector_subcore>, window_params = [{transform_indices = #map}, {transform_indices = #map1}, {transform_indices = #map}, {transform_indices = #map2}]} {
    %mul3A = arith.constant 2 : i32
    %mul3A_0 = arith.muli %arg1, %mul3A : i32
    %add3A = arith.addi %mul3A_0, %arg0 : i32
    %dma_start3A = arith.constant 0 : i32
    %dma_start3A_1 = arith.constant 0 : i32
    %dma_start3A_2 = arith.constant 0 : i32
    %dma_start3A_3 = tpu.memref_slice %arg3[%dma_start3A, %add3A, %dma_start3A_1, %dma_start3A_2] : memref<2x32x80x125xi32, #tpu.memory_space<hbm>> -> memref<1x1x80x125xi32, #tpu.memory_space<hbm>>
    %dma_start3A_4 = tpu.memref_squeeze %dma_start3A_3 : memref<1x1x80x125xi32, #tpu.memory_space<hbm>> -> memref<80x125xi32, #tpu.memory_space<hbm>>
    %dma_start3A_5 = arith.constant 0 : i32
    %dma_start3A_6 = arith.constant 0 : i32
    %dma_start3A_7 = tpu.memref_slice %arg3[%dma_start3A, %add3A, %dma_start3A_5, %dma_start3A_6] : memref<2x32x80x125xi32, #tpu.memory_space<hbm>> -> memref<1x1x80x125xi32, #tpu.memory_space<hbm>>
    %dma_start3A_8 = tpu.memref_squeeze %dma_start3A_7 : memref<1x1x80x125xi32, #tpu.memory_space<hbm>> -> memref<80x125xi32, #tpu.memory_space<hbm>>
    tpu.enqueue_dma source(%dma_start3A_8 : memref<80x125xi32, #tpu.memory_space<hbm>>) target(%arg6 : memref<80x125xi32, #tpu.memory_space<vmem>>) target_semaphore(%arg11 : memref<!tpu.dma_semaphore, #tpu.memory_space<semaphore_mem>>)
    %dma_start3A_9 = arith.constant 1 : i32
    %dma_start3A_10 = arith.constant 0 : i32
    %dma_start3A_11 = arith.constant 0 : i32
    %dma_start3A_12 = tpu.memref_slice %arg3[%dma_start3A_9, %add3A, %dma_start3A_10, %dma_start3A_11] : memref<2x32x80x125xi32, #tpu.memory_space<hbm>> -> memref<1x1x80x125xi32, #tpu.memory_space<hbm>>
    %dma_start3A_13 = tpu.memref_squeeze %dma_start3A_12 : memref<1x1x80x125xi32, #tpu.memory_space<hbm>> -> memref<80x125xi32, #tpu.memory_space<hbm>>
    %dma_start3A_14 = arith.constant 0 : i32
    %dma_start3A_15 = arith.constant 0 : i32
    %dma_start3A_16 = tpu.memref_slice %arg3[%dma_start3A_9, %add3A, %dma_start3A_14, %dma_start3A_15] : memref<2x32x80x125xi32, #tpu.memory_space<hbm>> -> memref<1x1x80x125xi32, #tpu.memory_space<hbm>>
    %dma_start3A_17 = tpu.memref_squeeze %dma_start3A_16 : memref<1x1x80x125xi32, #tpu.memory_space<hbm>> -> memref<80x125xi32, #tpu.memory_space<hbm>>
    tpu.enqueue_dma source(%dma_start3A_17 : memref<80x125xi32, #tpu.memory_space<hbm>>) target(%arg7 : memref<80x125xi32, #tpu.memory_space<vmem>>) target_semaphore(%arg12 : memref<!tpu.dma_semaphore, #tpu.memory_space<semaphore_mem>>)
    %mul3A_18 = arith.constant 640 : i32
    %mul3A_19 = arith.muli %arg1, %mul3A_18 : i32
    %mul3A_20 = arith.constant 640 : i32
    %mul3A_21 = arith.muli %arg1, %mul3A_20 : i32
    %dma_start3A_22 = arith.constant 0 : i32
    %dma_start3A_23 = tpu.memref_slice %arg10[%mul3A_21, %dma_start3A_22] : memref<10240x40xf32, #tpu.memory_space<vmem_shared>> -> memref<640x40xf32, #tpu.memory_space<vmem_shared>>
    %dma_start3A_24 = arith.constant 0 : i32
    %dma_start3A_25 = tpu.memref_slice %arg4[%mul3A_19, %dma_start3A_24] : memref<10240x40xf32, #tpu.memory_space<hbm>> -> memref<640x40xf32, #tpu.memory_space<hbm>>
    tpu.enqueue_dma source(%dma_start3A_25 : memref<640x40xf32, #tpu.memory_space<hbm>>) target(%dma_start3A_23 : memref<640x40xf32, #tpu.memory_space<vmem_shared>>) target_semaphore(%arg13 : memref<!tpu.dma_semaphore, #tpu.memory_space<semaphore_mem>>)
    %dma_wait3A = arith.constant 0 : i32
    %dma_wait3A_26 = arith.constant 0 : i32
    %dma_wait3A_27 = arith.constant 0 : i32
    %dma_wait3A_28 = tpu.memref_slice %arg3[%dma_wait3A, %add3A, %dma_wait3A_26, %dma_wait3A_27] : memref<2x32x80x125xi32, #tpu.memory_space<hbm>> -> memref<1x1x80x125xi32, #tpu.memory_space<hbm>>
    %dma_wait3A_29 = tpu.memref_squeeze %dma_wait3A_28 : memref<1x1x80x125xi32, #tpu.memory_space<hbm>> -> memref<80x125xi32, #tpu.memory_space<hbm>>
    %dma_wait3A_30 = arith.constant 0 : i32
    %dma_wait3A_31 = arith.constant 0 : i32
    %dma_wait3A_32 = tpu.memref_slice %arg3[%dma_wait3A, %add3A, %dma_wait3A_30, %dma_wait3A_31] : memref<2x32x80x125xi32, #tpu.memory_space<hbm>> -> memref<1x1x80x125xi32, #tpu.memory_space<hbm>>
    %dma_wait3A_33 = tpu.memref_squeeze %dma_wait3A_32 : memref<1x1x80x125xi32, #tpu.memory_space<hbm>> -> memref<80x125xi32, #tpu.memory_space<hbm>>
    tpu.wait_dma2 semaphore(%arg11 : memref<!tpu.dma_semaphore, #tpu.memory_space<semaphore_mem>>) src(%dma_wait3A_33 : memref<80x125xi32, #tpu.memory_space<hbm>>) dst(%arg6 : memref<80x125xi32, #tpu.memory_space<vmem>>)
    %dma_wait3A_34 = arith.constant 1 : i32
    %dma_wait3A_35 = arith.constant 0 : i32
    %dma_wait3A_36 = arith.constant 0 : i32
    %dma_wait3A_37 = tpu.memref_slice %arg3[%dma_wait3A_34, %add3A, %dma_wait3A_35, %dma_wait3A_36] : memref<2x32x80x125xi32, #tpu.memory_space<hbm>> -> memref<1x1x80x125xi32, #tpu.memory_space<hbm>>
    %dma_wait3A_38 = tpu.memref_squeeze %dma_wait3A_37 : memref<1x1x80x125xi32, #tpu.memory_space<hbm>> -> memref<80x125xi32, #tpu.memory_space<hbm>>
    %dma_wait3A_39 = arith.constant 0 : i32
    %dma_wait3A_40 = arith.constant 0 : i32
    %dma_wait3A_41 = tpu.memref_slice %arg3[%dma_wait3A_34, %add3A, %dma_wait3A_39, %dma_wait3A_40] : memref<2x32x80x125xi32, #tpu.memory_space<hbm>> -> memref<1x1x80x125xi32, #tpu.memory_space<hbm>>
    %dma_wait3A_42 = tpu.memref_squeeze %dma_wait3A_41 : memref<1x1x80x125xi32, #tpu.memory_space<hbm>> -> memref<80x125xi32, #tpu.memory_space<hbm>>
    tpu.wait_dma2 semaphore(%arg12 : memref<!tpu.dma_semaphore, #tpu.memory_space<semaphore_mem>>) src(%dma_wait3A_42 : memref<80x125xi32, #tpu.memory_space<hbm>>) dst(%arg7 : memref<80x125xi32, #tpu.memory_space<vmem>>)
    %mul3A_43 = arith.constant 640 : i32
    %mul3A_44 = arith.muli %arg1, %mul3A_43 : i32
    %mul3A_45 = arith.constant 640 : i32
    %mul3A_46 = arith.muli %arg1, %mul3A_45 : i32
    %dma_wait3A_47 = arith.constant 0 : i32
    %dma_wait3A_48 = tpu.memref_slice %arg10[%mul3A_46, %dma_wait3A_47] : memref<10240x40xf32, #tpu.memory_space<vmem_shared>> -> memref<640x40xf32, #tpu.memory_space<vmem_shared>>
    %dma_wait3A_49 = arith.constant 0 : i32
    %dma_wait3A_50 = tpu.memref_slice %arg4[%mul3A_44, %dma_wait3A_49] : memref<10240x40xf32, #tpu.memory_space<hbm>> -> memref<640x40xf32, #tpu.memory_space<hbm>>
    tpu.wait_dma2 semaphore(%arg13 : memref<!tpu.dma_semaphore, #tpu.memory_space<semaphore_mem>>) src(%dma_wait3A_50 : memref<640x40xf32, #tpu.memory_space<hbm>>) dst(%dma_wait3A_48 : memref<640x40xf32, #tpu.memory_space<vmem_shared>>)
    %barrier3A = arith.constant 0 : index
    tpu.barrier barrier_id(%barrier3A)
    %scan3A = arith.constant 0 : i32
    %scan3A_51 = arith.constant 0 : i32
    %scan3A_52 = arith.constant 4 : i32
    %scan3A_53 = arith.addi %scan3A_51, %scan3A_52 : i32
    %scan3A_54 = arith.constant 1 : i32
    %scan3A_55 = scf.for %scan3A_76 = %scan3A_51 to %scan3A_53 step %scan3A_54 iter_args(%scan3A_77 = %scan3A) -> (i32)  : i32 {
      %add3A_78 = arith.constant 0 : i32
      %add3A_79 = arith.addi %add3A_78, %scan3A_76 : i32
      %mul3A_80 = arith.constant 125 : i32
      %mul3A_81 = arith.muli %scan3A_76, %mul3A_80 : i32
      %dma_start3A_82 = arith.constant 0 : i32
      %dma_start3A_83 = tpu.memref_slice %arg8[%mul3A_81, %dma_start3A_82] : memref<500x40xf32, #tpu.memory_space<vmem>> -> memref<125x40xf32, #tpu.memory_space<vmem>>
      %dma_start3A_84 = arith.constant 0 : i32
      %dma_start3A_85 = tpu.memref_slice %arg6[%add3A_79, %dma_start3A_84] : memref<80x125xi32, #tpu.memory_space<vmem>> -> memref<1x125xi32, #tpu.memory_space<vmem>>
      %dma_start3A_86 = tpu.memref_squeeze %dma_start3A_85 : memref<1x125xi32, #tpu.memory_space<vmem>> -> memref<125xi32, #tpu.memory_space<vmem>>
      %dma_start3A_87 = arith.constant 0 : i32
      %dma_start3A_88 = arith.constant 0 : i32
      %dma_start3A_89 = tpu.memref_slice %arg2[%dma_start3A_87, %dma_start3A_88] : memref<10240x40xf32, #tpu.memory_space<hbm>> -> memref<10240x40xf32, #tpu.memory_space<hbm>>
      tpu.enqueue_indirect_dma source(%dma_start3A_89 : memref<10240x40xf32, #tpu.memory_space<hbm>>) target(%dma_start3A_83 : memref<125x40xf32, #tpu.memory_space<vmem>>) offsets(%dma_start3A_86 : memref<125xi32, #tpu.memory_space<vmem>>) semaphore(%arg11 : memref<!tpu.dma_semaphore, #tpu.memory_space<semaphore_mem>>)
      %scan3A_90 = arith.constant 0 : i32
      scf.yield %scan3A_90 : i32
    }
    %scan3A_56 = arith.constant 4 : i32
    %scan3A_57 = arith.constant 0 : i32
    %scan3A_58 = arith.constant 0 : i32
    %scan3A_59 = arith.constant 4 : i32
    %scan3A_60 = arith.addi %scan3A_58, %scan3A_59 : i32
    %scan3A_61 = arith.constant 1 : i32
    %scan3A_62 = scf.for %scan3A_76 = %scan3A_58 to %scan3A_60 step %scan3A_61 iter_args(%scan3A_77 = %scan3A_57) -> (i32)  : i32 {
      %add3A_78 = arith.constant 4 : i32
      %add3A_79 = arith.addi %add3A_78, %scan3A_76 : i32
      %mul3A_80 = arith.constant 125 : i32
      %mul3A_81 = arith.muli %scan3A_76, %mul3A_80 : i32
      %dma_start3A_82 = arith.constant 0 : i32
      %dma_start3A_83 = tpu.memref_slice %arg9[%mul3A_81, %dma_start3A_82] : memref<500x40xf32, #tpu.memory_space<vmem>> -> memref<125x40xf32, #tpu.memory_space<vmem>>
      %dma_start3A_84 = arith.constant 0 : i32
      %dma_start3A_85 = tpu.memref_slice %arg6[%add3A_79, %dma_start3A_84] : memref<80x125xi32, #tpu.memory_space<vmem>> -> memref<1x125xi32, #tpu.memory_space<vmem>>
      %dma_start3A_86 = tpu.memref_squeeze %dma_start3A_85 : memref<1x125xi32, #tpu.memory_space<vmem>> -> memref<125xi32, #tpu.memory_space<vmem>>
      %dma_start3A_87 = arith.constant 0 : i32
      %dma_start3A_88 = arith.constant 0 : i32
      %dma_start3A_89 = tpu.memref_slice %arg2[%dma_start3A_87, %dma_start3A_88] : memref<10240x40xf32, #tpu.memory_space<hbm>> -> memref<10240x40xf32, #tpu.memory_space<hbm>>
      tpu.enqueue_indirect_dma source(%dma_start3A_89 : memref<10240x40xf32, #tpu.memory_space<hbm>>) target(%dma_start3A_83 : memref<125x40xf32, #tpu.memory_space<vmem>>) offsets(%dma_start3A_86 : memref<125xi32, #tpu.memory_space<vmem>>) semaphore(%arg12 : memref<!tpu.dma_semaphore, #tpu.memory_space<semaphore_mem>>)
      %scan3A_90 = arith.constant 0 : i32
      scf.yield %scan3A_90 : i32
    }
    %scan3A_63 = arith.constant 4 : i32
    %scan3A_64 = arith.constant 0 : i32
    %scan3A_65 = arith.constant 0 : i32
    %scan3A_66 = arith.constant 10 : i32
    %scan3A_67 = arith.addi %scan3A_65, %scan3A_66 : i32
    %scan3A_68 = arith.constant 1 : i32
    %scan3A_69 = scf.for %scan3A_76 = %scan3A_65 to %scan3A_67 step %scan3A_68 iter_args(%scan3A_77 = %scan3A_64) -> (i32)  : i32 {
      %mul3A_78 = arith.constant 2 : i32
      %mul3A_79 = arith.muli %mul3A_78, %scan3A_76 : i32
      %scan3A_80 = arith.constant 0 : i32
      %scan3A_81 = arith.constant 0 : i32
      %scan3A_82 = arith.constant 4 : i32
      %scan3A_83 = arith.addi %scan3A_81, %scan3A_82 : i32
      %scan3A_84 = arith.constant 1 : i32
      %scan3A_85 = scf.for %scan3A_138 = %scan3A_81 to %scan3A_83 step %scan3A_84 iter_args(%scan3A_139 = %scan3A_80) -> (i32)  : i32 {
        %mul3A_140 = arith.constant 4 : i32
        %mul3A_141 = arith.muli %mul3A_140, %mul3A_79 : i32
        %add3A_142 = arith.addi %mul3A_141, %scan3A_138 : i32
        %mul3A_143 = arith.constant 125 : i32
        %mul3A_144 = arith.muli %scan3A_138, %mul3A_143 : i32
        %dma_wait3A_145 = arith.constant 0 : i32
        %dma_wait3A_146 = tpu.memref_slice %arg8[%mul3A_144, %dma_wait3A_145] : memref<500x40xf32, #tpu.memory_space<vmem>> -> memref<125x40xf32, #tpu.memory_space<vmem>>
        %dma_wait3A_147 = arith.constant 0 : i32
        %dma_wait3A_148 = tpu.memref_slice %arg6[%add3A_142, %dma_wait3A_147] : memref<80x125xi32, #tpu.memory_space<vmem>> -> memref<1x125xi32, #tpu.memory_space<vmem>>
        %dma_wait3A_149 = tpu.memref_squeeze %dma_wait3A_148 : memref<1x125xi32, #tpu.memory_space<vmem>> -> memref<125xi32, #tpu.memory_space<vmem>>
        %dma_wait3A_150 = arith.constant 0 : i32
        %dma_wait3A_151 = arith.constant 0 : i32
        %dma_wait3A_152 = tpu.memref_slice %arg2[%dma_wait3A_150, %dma_wait3A_151] : memref<10240x40xf32, #tpu.memory_space<hbm>> -> memref<10240x40xf32, #tpu.memory_space<hbm>>
        tpu.wait_indirect_dma semaphore(%arg11 : memref<!tpu.dma_semaphore, #tpu.memory_space<semaphore_mem>>) src(%dma_wait3A_152 : memref<10240x40xf32, #tpu.memory_space<hbm>>) dst(%dma_wait3A_146 : memref<125x40xf32, #tpu.memory_space<vmem>>)
        %scan3A_153 = arith.constant 0 : i32
        scf.yield %scan3A_153 : i32
      }
      %scan3A_86 = arith.constant 4 : i32
      %scan3A_87 = arith.constant 0 : i32
      %scan3A_88 = arith.constant 0 : i32
      %scan3A_89 = arith.constant 4 : i32
      %scan3A_90 = arith.addi %scan3A_88, %scan3A_89 : i32
      %scan3A_91 = arith.constant 1 : i32
      %scan3A_92 = scf.for %scan3A_138 = %scan3A_88 to %scan3A_90 step %scan3A_91 iter_args(%scan3A_139 = %scan3A_87) -> (i32)  : i32 {
        %mul3A_140 = arith.constant 125 : i32
        %mul3A_141 = arith.muli %scan3A_138, %mul3A_140 : i32
        %mul3A_142 = arith.constant 4 : i32
        %mul3A_143 = arith.muli %mul3A_142, %mul3A_79 : i32
        %add3A_144 = arith.addi %mul3A_143, %scan3A_138 : i32
        %dma_start3A_145 = arith.constant 0 : i32
        %dma_start3A_146 = tpu.memref_slice %arg8[%mul3A_141, %dma_start3A_145] : memref<500x40xf32, #tpu.memory_space<vmem>> -> memref<125x40xf32, #tpu.memory_space<vmem>>
        %dma_start3A_147 = arith.constant 0 : i32
        %dma_start3A_148 = tpu.memref_slice %arg7[%add3A_144, %dma_start3A_147] : memref<80x125xi32, #tpu.memory_space<vmem>> -> memref<1x125xi32, #tpu.memory_space<vmem>>
        %dma_start3A_149 = tpu.memref_squeeze %dma_start3A_148 : memref<1x125xi32, #tpu.memory_space<vmem>> -> memref<125xi32, #tpu.memory_space<vmem>>
        %dma_start3A_150 = arith.constant 0 : i32
        %dma_start3A_151 = arith.constant 0 : i32
        %dma_start3A_152 = tpu.memref_slice %arg10[%dma_start3A_150, %dma_start3A_151] : memref<10240x40xf32, #tpu.memory_space<vmem_shared>> -> memref<10240x40xf32, #tpu.memory_space<vmem_shared>>
        tpu.enqueue_indirect_dma source(%dma_start3A_146 : memref<125x40xf32, #tpu.memory_space<vmem>>) target(%dma_start3A_152 : memref<10240x40xf32, #tpu.memory_space<vmem_shared>>) offsets(%dma_start3A_149 : memref<125xi32, #tpu.memory_space<vmem>>) semaphore(%arg13 : memref<!tpu.dma_semaphore, #tpu.memory_space<semaphore_mem>>) {add = true}
        %scan3A_153 = arith.constant 0 : i32
        scf.yield %scan3A_153 : i32
      }
      %scan3A_93 = arith.constant 4 : i32
      %scan3A_94 = arith.constant 0 : i32
      %scan3A_95 = arith.constant 0 : i32
      %scan3A_96 = arith.constant 4 : i32
      %scan3A_97 = arith.addi %scan3A_95, %scan3A_96 : i32
      %scan3A_98 = arith.constant 1 : i32
      %scan3A_99 = scf.for %scan3A_138 = %scan3A_95 to %scan3A_97 step %scan3A_98 iter_args(%scan3A_139 = %scan3A_94) -> (i32)  : i32 {
        %mul3A_140 = arith.constant 125 : i32
        %mul3A_141 = arith.muli %scan3A_138, %mul3A_140 : i32
        %mul3A_142 = arith.constant 4 : i32
        %mul3A_143 = arith.muli %mul3A_142, %mul3A_79 : i32
        %add3A_144 = arith.addi %mul3A_143, %scan3A_138 : i32
        %dma_wait3A_145 = arith.constant 0 : i32
        %dma_wait3A_146 = tpu.memref_slice %arg8[%mul3A_141, %dma_wait3A_145] : memref<500x40xf32, #tpu.memory_space<vmem>> -> memref<125x40xf32, #tpu.memory_space<vmem>>
        %dma_wait3A_147 = arith.constant 0 : i32
        %dma_wait3A_148 = tpu.memref_slice %arg7[%add3A_144, %dma_wait3A_147] : memref<80x125xi32, #tpu.memory_space<vmem>> -> memref<1x125xi32, #tpu.memory_space<vmem>>
        %dma_wait3A_149 = tpu.memref_squeeze %dma_wait3A_148 : memref<1x125xi32, #tpu.memory_space<vmem>> -> memref<125xi32, #tpu.memory_space<vmem>>
        %dma_wait3A_150 = arith.constant 0 : i32
        %dma_wait3A_151 = arith.constant 0 : i32
        %dma_wait3A_152 = tpu.memref_slice %arg10[%dma_wait3A_150, %dma_wait3A_151] : memref<10240x40xf32, #tpu.memory_space<vmem_shared>> -> memref<10240x40xf32, #tpu.memory_space<vmem_shared>>
        tpu.wait_indirect_dma semaphore(%arg13 : memref<!tpu.dma_semaphore, #tpu.memory_space<semaphore_mem>>) src(%dma_wait3A_146 : memref<125x40xf32, #tpu.memory_space<vmem>>) dst(%dma_wait3A_152 : memref<10240x40xf32, #tpu.memory_space<vmem_shared>>)
        %scan3A_153 = arith.constant 0 : i32
        scf.yield %scan3A_153 : i32
      }
      %scan3A_100 = arith.constant 4 : i32
      %add3A_101 = arith.constant 2 : i32
      %add3A_102 = arith.addi %mul3A_79, %add3A_101 : i32
      %lt3A = arith.constant 20 : i32
      %lt3A_103 = arith.cmpi slt, %add3A_102, %lt3A : i32
      %convert_element_type3A = arith.extui %lt3A_103 : i1 to i32
      %cond3A = arith.constant 0 : i32
      %cond3A_104 = arith.cmpi ne, %convert_element_type3A, %cond3A : i32
      scf.if %cond3A_104 {
        %add3A_138 = arith.constant 2 : i32
        %add3A_139 = arith.addi %mul3A_79, %add3A_138 : i32
        %scan3A_140 = arith.constant 0 : i32
        %scan3A_141 = arith.constant 0 : i32
        %scan3A_142 = arith.constant 4 : i32
        %scan3A_143 = arith.addi %scan3A_141, %scan3A_142 : i32
        %scan3A_144 = arith.constant 1 : i32
        %scan3A_145 = scf.for %scan3A_147 = %scan3A_141 to %scan3A_143 step %scan3A_144 iter_args(%scan3A_148 = %scan3A_140) -> (i32)  : i32 {
          %mul3A_149 = arith.constant 4 : i32
          %mul3A_150 = arith.muli %mul3A_149, %add3A_139 : i32
          %add3A_151 = arith.addi %mul3A_150, %scan3A_147 : i32
          %mul3A_152 = arith.constant 125 : i32
          %mul3A_153 = arith.muli %scan3A_147, %mul3A_152 : i32
          %dma_start3A_154 = arith.constant 0 : i32
          %dma_start3A_155 = tpu.memref_slice %arg8[%mul3A_153, %dma_start3A_154] : memref<500x40xf32, #tpu.memory_space<vmem>> -> memref<125x40xf32, #tpu.memory_space<vmem>>
          %dma_start3A_156 = arith.constant 0 : i32
          %dma_start3A_157 = tpu.memref_slice %arg6[%add3A_151, %dma_start3A_156] : memref<80x125xi32, #tpu.memory_space<vmem>> -> memref<1x125xi32, #tpu.memory_space<vmem>>
          %dma_start3A_158 = tpu.memref_squeeze %dma_start3A_157 : memref<1x125xi32, #tpu.memory_space<vmem>> -> memref<125xi32, #tpu.memory_space<vmem>>
          %dma_start3A_159 = arith.constant 0 : i32
          %dma_start3A_160 = arith.constant 0 : i32
          %dma_start3A_161 = tpu.memref_slice %arg2[%dma_start3A_159, %dma_start3A_160] : memref<10240x40xf32, #tpu.memory_space<hbm>> -> memref<10240x40xf32, #tpu.memory_space<hbm>>
          tpu.enqueue_indirect_dma source(%dma_start3A_161 : memref<10240x40xf32, #tpu.memory_space<hbm>>) target(%dma_start3A_155 : memref<125x40xf32, #tpu.memory_space<vmem>>) offsets(%dma_start3A_158 : memref<125xi32, #tpu.memory_space<vmem>>) semaphore(%arg11 : memref<!tpu.dma_semaphore, #tpu.memory_space<semaphore_mem>>)
          %scan3A_162 = arith.constant 0 : i32
          scf.yield %scan3A_162 : i32
        }
        %scan3A_146 = arith.constant 4 : i32
      } else {
      }
      %mul3A_105 = arith.constant 2 : i32
      %mul3A_106 = arith.muli %mul3A_105, %scan3A_76 : i32
      %add3A_107 = arith.constant 1 : i32
      %add3A_108 = arith.addi %mul3A_106, %add3A_107 : i32
      %scan3A_109 = arith.constant 0 : i32
      %scan3A_110 = arith.constant 0 : i32
      %scan3A_111 = arith.constant 4 : i32
      %scan3A_112 = arith.addi %scan3A_110, %scan3A_111 : i32
      %scan3A_113 = arith.constant 1 : i32
      %scan3A_114 = scf.for %scan3A_138 = %scan3A_110 to %scan3A_112 step %scan3A_113 iter_args(%scan3A_139 = %scan3A_109) -> (i32)  : i32 {
        %mul3A_140 = arith.constant 4 : i32
        %mul3A_141 = arith.muli %mul3A_140, %add3A_108 : i32
        %add3A_142 = arith.addi %mul3A_141, %scan3A_138 : i32
        %mul3A_143 = arith.constant 125 : i32
        %mul3A_144 = arith.muli %scan3A_138, %mul3A_143 : i32
        %dma_wait3A_145 = arith.constant 0 : i32
        %dma_wait3A_146 = tpu.memref_slice %arg9[%mul3A_144, %dma_wait3A_145] : memref<500x40xf32, #tpu.memory_space<vmem>> -> memref<125x40xf32, #tpu.memory_space<vmem>>
        %dma_wait3A_147 = arith.constant 0 : i32
        %dma_wait3A_148 = tpu.memref_slice %arg6[%add3A_142, %dma_wait3A_147] : memref<80x125xi32, #tpu.memory_space<vmem>> -> memref<1x125xi32, #tpu.memory_space<vmem>>
        %dma_wait3A_149 = tpu.memref_squeeze %dma_wait3A_148 : memref<1x125xi32, #tpu.memory_space<vmem>> -> memref<125xi32, #tpu.memory_space<vmem>>
        %dma_wait3A_150 = arith.constant 0 : i32
        %dma_wait3A_151 = arith.constant 0 : i32
        %dma_wait3A_152 = tpu.memref_slice %arg2[%dma_wait3A_150, %dma_wait3A_151] : memref<10240x40xf32, #tpu.memory_space<hbm>> -> memref<10240x40xf32, #tpu.memory_space<hbm>>
        tpu.wait_indirect_dma semaphore(%arg12 : memref<!tpu.dma_semaphore, #tpu.memory_space<semaphore_mem>>) src(%dma_wait3A_152 : memref<10240x40xf32, #tpu.memory_space<hbm>>) dst(%dma_wait3A_146 : memref<125x40xf32, #tpu.memory_space<vmem>>)
        %scan3A_153 = arith.constant 0 : i32
        scf.yield %scan3A_153 : i32
      }
      %scan3A_115 = arith.constant 4 : i32
      %scan3A_116 = arith.constant 0 : i32
      %scan3A_117 = arith.constant 0 : i32
      %scan3A_118 = arith.constant 4 : i32
      %scan3A_119 = arith.addi %scan3A_117, %scan3A_118 : i32
      %scan3A_120 = arith.constant 1 : i32
      %scan3A_121 = scf.for %scan3A_138 = %scan3A_117 to %scan3A_119 step %scan3A_120 iter_args(%scan3A_139 = %scan3A_116) -> (i32)  : i32 {
        %mul3A_140 = arith.constant 125 : i32
        %mul3A_141 = arith.muli %scan3A_138, %mul3A_140 : i32
        %mul3A_142 = arith.constant 4 : i32
        %mul3A_143 = arith.muli %mul3A_142, %add3A_108 : i32
        %add3A_144 = arith.addi %mul3A_143, %scan3A_138 : i32
        %dma_start3A_145 = arith.constant 0 : i32
        %dma_start3A_146 = tpu.memref_slice %arg9[%mul3A_141, %dma_start3A_145] : memref<500x40xf32, #tpu.memory_space<vmem>> -> memref<125x40xf32, #tpu.memory_space<vmem>>
        %dma_start3A_147 = arith.constant 0 : i32
        %dma_start3A_148 = tpu.memref_slice %arg7[%add3A_144, %dma_start3A_147] : memref<80x125xi32, #tpu.memory_space<vmem>> -> memref<1x125xi32, #tpu.memory_space<vmem>>
        %dma_start3A_149 = tpu.memref_squeeze %dma_start3A_148 : memref<1x125xi32, #tpu.memory_space<vmem>> -> memref<125xi32, #tpu.memory_space<vmem>>
        %dma_start3A_150 = arith.constant 0 : i32
        %dma_start3A_151 = arith.constant 0 : i32
        %dma_start3A_152 = tpu.memref_slice %arg10[%dma_start3A_150, %dma_start3A_151] : memref<10240x40xf32, #tpu.memory_space<vmem_shared>> -> memref<10240x40xf32, #tpu.memory_space<vmem_shared>>
        tpu.enqueue_indirect_dma source(%dma_start3A_146 : memref<125x40xf32, #tpu.memory_space<vmem>>) target(%dma_start3A_152 : memref<10240x40xf32, #tpu.memory_space<vmem_shared>>) offsets(%dma_start3A_149 : memref<125xi32, #tpu.memory_space<vmem>>) semaphore(%arg14 : memref<!tpu.dma_semaphore, #tpu.memory_space<semaphore_mem>>) {add = true}
        %scan3A_153 = arith.constant 0 : i32
        scf.yield %scan3A_153 : i32
      }
      %scan3A_122 = arith.constant 4 : i32
      %scan3A_123 = arith.constant 0 : i32
      %scan3A_124 = arith.constant 0 : i32
      %scan3A_125 = arith.constant 4 : i32
      %scan3A_126 = arith.addi %scan3A_124, %scan3A_125 : i32
      %scan3A_127 = arith.constant 1 : i32
      %scan3A_128 = scf.for %scan3A_138 = %scan3A_124 to %scan3A_126 step %scan3A_127 iter_args(%scan3A_139 = %scan3A_123) -> (i32)  : i32 {
        %mul3A_140 = arith.constant 125 : i32
        %mul3A_141 = arith.muli %scan3A_138, %mul3A_140 : i32
        %mul3A_142 = arith.constant 4 : i32
        %mul3A_143 = arith.muli %mul3A_142, %add3A_108 : i32
        %add3A_144 = arith.addi %mul3A_143, %scan3A_138 : i32
        %dma_wait3A_145 = arith.constant 0 : i32
        %dma_wait3A_146 = tpu.memref_slice %arg9[%mul3A_141, %dma_wait3A_145] : memref<500x40xf32, #tpu.memory_space<vmem>> -> memref<125x40xf32, #tpu.memory_space<vmem>>
        %dma_wait3A_147 = arith.constant 0 : i32
        %dma_wait3A_148 = tpu.memref_slice %arg7[%add3A_144, %dma_wait3A_147] : memref<80x125xi32, #tpu.memory_space<vmem>> -> memref<1x125xi32, #tpu.memory_space<vmem>>
        %dma_wait3A_149 = tpu.memref_squeeze %dma_wait3A_148 : memref<1x125xi32, #tpu.memory_space<vmem>> -> memref<125xi32, #tpu.memory_space<vmem>>
        %dma_wait3A_150 = arith.constant 0 : i32
        %dma_wait3A_151 = arith.constant 0 : i32
        %dma_wait3A_152 = tpu.memref_slice %arg10[%dma_wait3A_150, %dma_wait3A_151] : memref<10240x40xf32, #tpu.memory_space<vmem_shared>> -> memref<10240x40xf32, #tpu.memory_space<vmem_shared>>
        tpu.wait_indirect_dma semaphore(%arg14 : memref<!tpu.dma_semaphore, #tpu.memory_space<semaphore_mem>>) src(%dma_wait3A_146 : memref<125x40xf32, #tpu.memory_space<vmem>>) dst(%dma_wait3A_152 : memref<10240x40xf32, #tpu.memory_space<vmem_shared>>)
        %scan3A_153 = arith.constant 0 : i32
        scf.yield %scan3A_153 : i32
      }
      %scan3A_129 = arith.constant 4 : i32
      %add3A_130 = arith.constant 2 : i32
      %add3A_131 = arith.addi %add3A_108, %add3A_130 : i32
      %lt3A_132 = arith.constant 20 : i32
      %lt3A_133 = arith.cmpi slt, %add3A_131, %lt3A_132 : i32
      %convert_element_type3A_134 = arith.extui %lt3A_133 : i1 to i32
      %cond3A_135 = arith.constant 0 : i32
      %cond3A_136 = arith.cmpi ne, %convert_element_type3A_134, %cond3A_135 : i32
      scf.if %cond3A_136 {
        %add3A_138 = arith.constant 2 : i32
        %add3A_139 = arith.addi %add3A_108, %add3A_138 : i32
        %scan3A_140 = arith.constant 0 : i32
        %scan3A_141 = arith.constant 0 : i32
        %scan3A_142 = arith.constant 4 : i32
        %scan3A_143 = arith.addi %scan3A_141, %scan3A_142 : i32
        %scan3A_144 = arith.constant 1 : i32
        %scan3A_145 = scf.for %scan3A_147 = %scan3A_141 to %scan3A_143 step %scan3A_144 iter_args(%scan3A_148 = %scan3A_140) -> (i32)  : i32 {
          %mul3A_149 = arith.constant 4 : i32
          %mul3A_150 = arith.muli %mul3A_149, %add3A_139 : i32
          %add3A_151 = arith.addi %mul3A_150, %scan3A_147 : i32
          %mul3A_152 = arith.constant 125 : i32
          %mul3A_153 = arith.muli %scan3A_147, %mul3A_152 : i32
          %dma_start3A_154 = arith.constant 0 : i32
          %dma_start3A_155 = tpu.memref_slice %arg9[%mul3A_153, %dma_start3A_154] : memref<500x40xf32, #tpu.memory_space<vmem>> -> memref<125x40xf32, #tpu.memory_space<vmem>>
          %dma_start3A_156 = arith.constant 0 : i32
          %dma_start3A_157 = tpu.memref_slice %arg6[%add3A_151, %dma_start3A_156] : memref<80x125xi32, #tpu.memory_space<vmem>> -> memref<1x125xi32, #tpu.memory_space<vmem>>
          %dma_start3A_158 = tpu.memref_squeeze %dma_start3A_157 : memref<1x125xi32, #tpu.memory_space<vmem>> -> memref<125xi32, #tpu.memory_space<vmem>>
          %dma_start3A_159 = arith.constant 0 : i32
          %dma_start3A_160 = arith.constant 0 : i32
          %dma_start3A_161 = tpu.memref_slice %arg2[%dma_start3A_159, %dma_start3A_160] : memref<10240x40xf32, #tpu.memory_space<hbm>> -> memref<10240x40xf32, #tpu.memory_space<hbm>>
          tpu.enqueue_indirect_dma source(%dma_start3A_161 : memref<10240x40xf32, #tpu.memory_space<hbm>>) target(%dma_start3A_155 : memref<125x40xf32, #tpu.memory_space<vmem>>) offsets(%dma_start3A_158 : memref<125xi32, #tpu.memory_space<vmem>>) semaphore(%arg12 : memref<!tpu.dma_semaphore, #tpu.memory_space<semaphore_mem>>)
          %scan3A_162 = arith.constant 0 : i32
          scf.yield %scan3A_162 : i32
        }
        %scan3A_146 = arith.constant 4 : i32
      } else {
      }
      %scan3A_137 = arith.constant 0 : i32
      scf.yield %scan3A_137 : i32
    }
    %scan3A_70 = arith.constant 10 : i32
    %barrier3A_71 = arith.constant 0 : index
    tpu.barrier barrier_id(%barrier3A_71)
    %mul3A_72 = arith.constant 640 : i32
    %mul3A_73 = arith.muli %arg1, %mul3A_72 : i32
    %mul3A_74 = arith.constant 640 : i32
    %mul3A_75 = arith.muli %arg1, %mul3A_74 : i32
    "tpu.region"() ({
      %run_scoped3A = tpu.sem_alloc : memref<!tpu.dma_semaphore, #tpu.memory_space<semaphore_mem>>
      %dma_start3A_76 = arith.constant 0 : i32
      %dma_start3A_77 = tpu.memref_slice %arg5[%arg0, %mul3A_75, %dma_start3A_76] : memref<2x10240x40xf32, #tpu.memory_space<hbm>> -> memref<1x640x40xf32, #tpu.memory_space<hbm>>
      %dma_start3A_78 = tpu.memref_squeeze %dma_start3A_77 : memref<1x640x40xf32, #tpu.memory_space<hbm>> -> memref<640x40xf32, #tpu.memory_space<hbm>>
      %dma_start3A_79 = arith.constant 0 : i32
      %dma_start3A_80 = tpu.memref_slice %arg10[%mul3A_73, %dma_start3A_79] : memref<10240x40xf32, #tpu.memory_space<vmem_shared>> -> memref<640x40xf32, #tpu.memory_space<vmem_shared>>
      tpu.enqueue_dma source(%dma_start3A_80 : memref<640x40xf32, #tpu.memory_space<vmem_shared>>) target(%dma_start3A_78 : memref<640x40xf32, #tpu.memory_space<hbm>>) target_semaphore(%run_scoped3A : memref<!tpu.dma_semaphore, #tpu.memory_space<semaphore_mem>>)
      %dma_wait3A_81 = arith.constant 0 : i32
      %dma_wait3A_82 = tpu.memref_slice %arg5[%arg0, %mul3A_75, %dma_wait3A_81] : memref<2x10240x40xf32, #tpu.memory_space<hbm>> -> memref<1x640x40xf32, #tpu.memory_space<hbm>>
      %dma_wait3A_83 = tpu.memref_squeeze %dma_wait3A_82 : memref<1x640x40xf32, #tpu.memory_space<hbm>> -> memref<640x40xf32, #tpu.memory_space<hbm>>
      %dma_wait3A_84 = arith.constant 0 : i32
      %dma_wait3A_85 = tpu.memref_slice %arg10[%mul3A_73, %dma_wait3A_84] : memref<10240x40xf32, #tpu.memory_space<vmem_shared>> -> memref<640x40xf32, #tpu.memory_space<vmem_shared>>
      tpu.wait_dma2 semaphore(%run_scoped3A : memref<!tpu.dma_semaphore, #tpu.memory_space<semaphore_mem>>) src(%dma_wait3A_85 : memref<640x40xf32, #tpu.memory_space<vmem_shared>>) dst(%dma_wait3A_83 : memref<640x40xf32, #tpu.memory_space<hbm>>)
      tpu.yield
    }) : () -> ()
    return
  }
}

module attributes {stable_mosaic.version = 14 : i64} {
  func.func @_mm_body(%arg0: i32, %arg1: memref<2560x128xf32, #tpu.memory_space<vmem>>, %arg2: memref<128x128xf32, #tpu.memory_space<vmem>>, %arg3: memref<2560x128xf32, #tpu.memory_space<vmem>>) attributes {dimension_semantics = [#tpu.dimension_semantics<arbitrary>], iteration_bounds = array<i64: 4>, scalar_prefetch = 0 : i64, scratch_operands = 0 : i64, tpu.core_type = #tpu.core_type<tc>, window_params = [{transform_indices = @transform_0, window_bounds = array<i64: 2560, 128>}, {pipeline_mode = #tpu.pipeline_mode<synchronous>, transform_indices = @transform_1, window_bounds = array<i64: 128, 128>}, {transform_indices = @transform_2, window_bounds = array<i64: 2560, 128>}]} {
    %get3A = arith.constant 0 : index
    %get3A_0 = arith.constant 0 : index
    %get3A_1 = vector.load %arg1[%get3A, %get3A_0] : memref<2560x128xf32, #tpu.memory_space<vmem>>, vector<2560x128xf32>
    %get3A_2 = arith.constant 0 : index
    %get3A_3 = arith.constant 0 : index
    %get3A_4 = vector.load %arg2[%get3A_2, %get3A_3] : memref<128x128xf32, #tpu.memory_space<vmem>>, vector<128x128xf32>
    %dot_general3A = arith.constant dense<0.000000e+00> : vector<2560x128xf32>
    %dot_general3A_5 = tpu.matmul %get3A_1, %get3A_4, %dot_general3A {dimension_numbers = #tpu.dot_dimension_numbers<[1], [0], [0], [1], [0, 0, 1, 1], [], []>, transpose_lhs_hint = false} : vector<2560x128xf32>, vector<128x128xf32>, vector<2560x128xf32> -> vector<2560x128xf32>
    %swap3A = arith.constant 0 : index
    %swap3A_6 = arith.constant 0 : index
    %swap3A_7 = vector.load %arg3[%swap3A, %swap3A_6] : memref<2560x128xf32, #tpu.memory_space<vmem>>, vector<2560x128xf32>
    tpu.vector_store %arg3[%swap3A, %swap3A_6], %dot_general3A_5 {strides = array<i32>} : memref<2560x128xf32, #tpu.memory_space<vmem>>, vector<2560x128xf32>,
    return
  }
  func.func @transform_0(%arg0: i32) -> (i32, i32) {
    %c0_i32 = arith.constant 0 : i32
    %c0_i32_0 = arith.constant 0 : i32
    return %arg0, %c0_i32 : i32, i32
  }
  func.func @transform_1(%arg0: i32) -> (i32, i32) {
    %c0_i32 = arith.constant 0 : i32
    %c0_i32_0 = arith.constant 0 : i32
    %c0_i32_1 = arith.constant 0 : i32
    return %c0_i32, %c0_i32_0 : i32, i32
  }
  func.func @transform_2(%arg0: i32) -> (i32, i32) {
    %c0_i32 = arith.constant 0 : i32
    %c0_i32_0 = arith.constant 0 : i32
    return %arg0, %c0_i32 : i32, i32
  }
}

module attributes {stable_mosaic.version = 14 : i64} {
  func.func @_scale_body(%arg0: i32, %arg1: memref<2560x128xf32, #tpu.memory_space<vmem>>, %arg2: memref<2x2x2560xf32, #tpu.memory_space<vmem>>, %arg3: memref<2560x64xf32, #tpu.memory_space<vmem>>, %arg4: memref<2560x64xf32, #tpu.memory_space<vmem>>) attributes {dimension_semantics = [#tpu.dimension_semantics<arbitrary>], iteration_bounds = array<i64: 4>, scalar_prefetch = 0 : i64, scratch_operands = 0 : i64, tpu.core_type = #tpu.core_type<tc>, window_params = [{transform_indices = @transform_0, window_bounds = array<i64: 2560, 128>}, {transform_indices = @transform_1, window_bounds = array<i64: 2, 2, 2560>}, {transform_indices = @transform_2, window_bounds = array<i64: 2560, 64>}, {transform_indices = @transform_3, window_bounds = array<i64: 2560, 64>}]} {
    %get3A = arith.constant 0 : index
    %get3A_0 = arith.constant 0 : index
    %get3A_1 = arith.constant 0 : index
    %get3A_2 = vector.load %arg2[%get3A, %get3A_0, %get3A_1] : memref<2x2x2560xf32, #tpu.memory_space<vmem>>, vector<2x2x2560xf32>
    %slice3A = vector.extract_strided_slice %get3A_2 {offsets = [0, 0, 0], sizes = [1, 1, 2560], strides = [1, 1, 1]} : vector<2x2x2560xf32> to vector<1x1x2560xf32>
    %squeeze3A = vector.shape_cast %slice3A : vector<1x1x2560xf32> to vector<2560xf32>
    %slice3A_3 = vector.extract_strided_slice %get3A_2 {offsets = [1, 0, 0], sizes = [1, 1, 2560], strides = [1, 1, 1]} : vector<2x2x2560xf32> to vector<1x1x2560xf32>
    %squeeze3A_4 = vector.shape_cast %slice3A_3 : vector<1x1x2560xf32> to vector<2560xf32>
    %add3A = arith.addf %squeeze3A, %squeeze3A_4 : vector<2560xf32>
    %gt3A = arith.constant 0.000000e+00 : f32
    %gt3A_5 = vector.broadcast %gt3A : f32 to vector<2560xf32>
    %gt3A_6 = arith.cmpf ogt, %add3A, %gt3A_5 : vector<2560xf32>
    %max3A = arith.constant 1.000000e+00 : f32
    %max3A_7 = vector.broadcast %max3A : f32 to vector<2560xf32>
    %max3A_8 = arith.maximumf %add3A, %max3A_7 : vector<2560xf32>
    %rsqrt3A = math.rsqrt %max3A_8 : vector<2560xf32>
    %jit3A = arith.constant 0.000000e+00 : f32
    %broadcast_in_dim3A = vector.broadcast %jit3A : f32 to vector<2560xf32>
    %select_n3A = arith.select %gt3A_6, %rsqrt3A, %broadcast_in_dim3A : vector<2560xi1>, vector<2560xf32>
    %get3A_9 = arith.constant 0 : index
    %get3A_10 = arith.constant 0 : index
    %get3A_11 = vector.load %arg1[%get3A_9, %get3A_10] : memref<2560x128xf32, #tpu.memory_space<vmem>>, vector<2560x128xf32>
    %broadcast_in_dim3A_12 = vector.shape_cast %select_n3A : vector<2560xf32> to vector<2560x1xf32>
    %mul3A = vector.broadcast %broadcast_in_dim3A_12 : vector<2560x1xf32> to vector<2560x128xf32>
    %mul3A_13 = arith.mulf %get3A_11, %mul3A : vector<2560x128xf32>
    %slice3A_14 = vector.extract_strided_slice %mul3A_13 {offsets = [0, 0], sizes = [2560, 64], strides = [1, 1]} : vector<2560x128xf32> to vector<2560x64xf32>
    %swap3A = arith.constant 0 : index
    %swap3A_15 = arith.constant 0 : index
    %swap3A_16 = vector.load %arg3[%swap3A, %swap3A_15] : memref<2560x64xf32, #tpu.memory_space<vmem>>, vector<2560x64xf32>
    tpu.vector_store %arg3[%swap3A, %swap3A_15], %slice3A_14 {strides = array<i32>} : memref<2560x64xf32, #tpu.memory_space<vmem>>, vector<2560x64xf32>,
    %slice3A_17 = vector.extract_strided_slice %mul3A_13 {offsets = [0, 64], sizes = [2560, 64], strides = [1, 1]} : vector<2560x128xf32> to vector<2560x64xf32>
    %swap3A_18 = arith.constant 0 : index
    %swap3A_19 = arith.constant 0 : index
    %swap3A_20 = vector.load %arg4[%swap3A_18, %swap3A_19] : memref<2560x64xf32, #tpu.memory_space<vmem>>, vector<2560x64xf32>
    tpu.vector_store %arg4[%swap3A_18, %swap3A_19], %slice3A_17 {strides = array<i32>} : memref<2560x64xf32, #tpu.memory_space<vmem>>, vector<2560x64xf32>,
    return
  }
  func.func @transform_0(%arg0: i32) -> (i32, i32) {
    %c0_i32 = arith.constant 0 : i32
    %c0_i32_0 = arith.constant 0 : i32
    return %arg0, %c0_i32 : i32, i32
  }
  func.func @transform_1(%arg0: i32) -> (i32, i32, i32) {
    %c0_i32 = arith.constant 0 : i32
    %c0_i32_0 = arith.constant 0 : i32
    %c0_i32_1 = arith.constant 0 : i32
    return %c0_i32, %c0_i32_0, %arg0 : i32, i32, i32
  }
  func.func @transform_2(%arg0: i32) -> (i32, i32) {
    %c0_i32 = arith.constant 0 : i32
    %c0_i32_0 = arith.constant 0 : i32
    return %arg0, %c0_i32 : i32, i32
  }
  func.func @transform_3(%arg0: i32) -> (i32, i32) {
    %c0_i32 = arith.constant 0 : i32
    %c0_i32_0 = arith.constant 0 : i32
    return %arg0, %c0_i32 : i32, i32
  }
}

module attributes {stable_mosaic.version = 14 : i64} {
  func.func @_mid_body(%arg0: i32, %arg1: memref<2x2560x64xf32, #tpu.memory_space<vmem>>, %arg2: memref<2x2560x64xf32, #tpu.memory_space<vmem>>, %arg3: memref<2x2x2560xf32, #tpu.memory_space<vmem>>, %arg4: memref<1x128xf32, #tpu.memory_space<vmem>>, %arg5: memref<128x128xf32, #tpu.memory_space<vmem>>, %arg6: memref<2560x64xf32, #tpu.memory_space<vmem>>, %arg7: memref<2560x64xf32, #tpu.memory_space<vmem>>) attributes {dimension_semantics = [#tpu.dimension_semantics<arbitrary>], iteration_bounds = array<i64: 4>, scalar_prefetch = 0 : i64, scratch_operands = 0 : i64, tpu.core_type = #tpu.core_type<tc>, window_params = [{transform_indices = @transform_0, window_bounds = array<i64: 2, 2560, 64>}, {transform_indices = @transform_1, window_bounds = array<i64: 2, 2560, 64>}, {transform_indices = @transform_2, window_bounds = array<i64: 2, 2, 2560>}, {pipeline_mode = #tpu.pipeline_mode<synchronous>, transform_indices = @transform_3, window_bounds = array<i64: 1, 128>}, {pipeline_mode = #tpu.pipeline_mode<synchronous>, transform_indices = @transform_4, window_bounds = array<i64: 128, 128>}, {transform_indices = @transform_5, window_bounds = array<i64: 2560, 64>}, {transform_indices = @transform_6, window_bounds = array<i64: 2560, 64>}]} {
    %get3A = arith.constant 0 : index
    %get3A_0 = arith.constant 0 : index
    %get3A_1 = arith.constant 0 : index
    %get3A_2 = vector.load %arg3[%get3A, %get3A_0, %get3A_1] : memref<2x2x2560xf32, #tpu.memory_space<vmem>>, vector<2x2x2560xf32>
    %slice3A = vector.extract_strided_slice %get3A_2 {offsets = [0, 0, 0], sizes = [1, 1, 2560], strides = [1, 1, 1]} : vector<2x2x2560xf32> to vector<1x1x2560xf32>
    %squeeze3A = vector.shape_cast %slice3A : vector<1x1x2560xf32> to vector<2560xf32>
    %slice3A_3 = vector.extract_strided_slice %get3A_2 {offsets = [1, 0, 0], sizes = [1, 1, 2560], strides = [1, 1, 1]} : vector<2x2x2560xf32> to vector<1x1x2560xf32>
    %squeeze3A_4 = vector.shape_cast %slice3A_3 : vector<1x1x2560xf32> to vector<2560xf32>
    %add3A = arith.addf %squeeze3A, %squeeze3A_4 : vector<2560xf32>
    %slice3A_5 = vector.extract_strided_slice %get3A_2 {offsets = [0, 1, 0], sizes = [1, 1, 2560], strides = [1, 1, 1]} : vector<2x2x2560xf32> to vector<1x1x2560xf32>
    %squeeze3A_6 = vector.shape_cast %slice3A_5 : vector<1x1x2560xf32> to vector<2560xf32>
    %slice3A_7 = vector.extract_strided_slice %get3A_2 {offsets = [1, 1, 0], sizes = [1, 1, 2560], strides = [1, 1, 1]} : vector<2x2x2560xf32> to vector<1x1x2560xf32>
    %squeeze3A_8 = vector.shape_cast %slice3A_7 : vector<1x1x2560xf32> to vector<2560xf32>
    %add3A_9 = arith.addf %squeeze3A_6, %squeeze3A_8 : vector<2560xf32>
    %gt3A = arith.constant 0.000000e+00 : f32
    %gt3A_10 = vector.broadcast %gt3A : f32 to vector<2560xf32>
    %gt3A_11 = arith.cmpf ogt, %add3A, %gt3A_10 : vector<2560xf32>
    %max3A = arith.constant 1.000000e+00 : f32
    %max3A_12 = vector.broadcast %max3A : f32 to vector<2560xf32>
    %max3A_13 = arith.maximumf %add3A, %max3A_12 : vector<2560xf32>
    %rsqrt3A = math.rsqrt %max3A_13 : vector<2560xf32>
    %jit3A = arith.constant 0.000000e+00 : f32
    %broadcast_in_dim3A = vector.broadcast %jit3A : f32 to vector<2560xf32>
    %select_n3A = arith.select %gt3A_11, %rsqrt3A, %broadcast_in_dim3A : vector<2560xi1>, vector<2560xf32>
    %gt3A_14 = arith.constant 0.000000e+00 : f32
    %gt3A_15 = vector.broadcast %gt3A_14 : f32 to vector<2560xf32>
    %gt3A_16 = arith.cmpf ogt, %add3A_9, %gt3A_15 : vector<2560xf32>
    %max3A_17 = arith.constant 1.000000e+00 : f32
    %max3A_18 = vector.broadcast %max3A_17 : f32 to vector<2560xf32>
    %max3A_19 = arith.maximumf %add3A_9, %max3A_18 : vector<2560xf32>
    %rsqrt3A_20 = math.rsqrt %max3A_19 : vector<2560xf32>
    %jit3A_21 = arith.constant 0.000000e+00 : f32
    %broadcast_in_dim3A_22 = vector.broadcast %jit3A_21 : f32 to vector<2560xf32>
    %select_n3A_23 = arith.select %gt3A_16, %rsqrt3A_20, %broadcast_in_dim3A_22 : vector<2560xi1>, vector<2560xf32>
    %get3A_24 = arith.constant 0 : index
    %get3A_25 = arith.constant 0 : index
    %get3A_26 = arith.constant 0 : index
    %get3A_27 = vector.load %arg1[%get3A_24, %get3A_25, %get3A_26] : memref<2x2560x64xf32, #tpu.memory_space<vmem>>, vector<1x2560x64xf32>
    %get3A_28 = vector.shape_cast %get3A_27 : vector<1x2560x64xf32> to vector<2560x64xf32>
    %get3A_29 = arith.constant 1 : index
    %get3A_30 = arith.constant 0 : index
    %get3A_31 = arith.constant 0 : index
    %get3A_32 = vector.load %arg1[%get3A_29, %get3A_30, %get3A_31] : memref<2x2560x64xf32, #tpu.memory_space<vmem>>, vector<1x2560x64xf32>
    %get3A_33 = vector.shape_cast %get3A_32 : vector<1x2560x64xf32> to vector<2560x64xf32>
    %add3A_34 = arith.addf %get3A_28, %get3A_33 : vector<2560x64xf32>
    %get3A_35 = arith.constant 0 : index
    %get3A_36 = arith.constant 0 : index
    %get3A_37 = arith.constant 0 : index
    %get3A_38 = vector.load %arg2[%get3A_35, %get3A_36, %get3A_37] : memref<2x2560x64xf32, #tpu.memory_space<vmem>>, vector<1x2560x64xf32>
    %get3A_39 = vector.shape_cast %get3A_38 : vector<1x2560x64xf32> to vector<2560x64xf32>
    %get3A_40 = arith.constant 1 : index
    %get3A_41 = arith.constant 0 : index
    %get3A_42 = arith.constant 0 : index
    %get3A_43 = vector.load %arg2[%get3A_40, %get3A_41, %get3A_42] : memref<2x2560x64xf32, #tpu.memory_space<vmem>>, vector<1x2560x64xf32>
    %get3A_44 = vector.shape_cast %get3A_43 : vector<1x2560x64xf32> to vector<2560x64xf32>
    %add3A_45 = arith.addf %get3A_39, %get3A_44 : vector<2560x64xf32>
    %concatenate3A = tpu.concatenate %add3A_34, %add3A_45 in 1 : vector<2560x64xf32>, vector<2560x64xf32> -> vector<2560x128xf32>
    %broadcast_in_dim3A_46 = vector.shape_cast %select_n3A_23 : vector<2560xf32> to vector<2560x1xf32>
    %mul3A = vector.broadcast %broadcast_in_dim3A_46 : vector<2560x1xf32> to vector<2560x128xf32>
    %mul3A_47 = arith.mulf %concatenate3A, %mul3A : vector<2560x128xf32>
    %get3A_48 = arith.constant 0 : index
    %get3A_49 = arith.constant 0 : index
    %get3A_50 = vector.load %arg4[%get3A_48, %get3A_49] : memref<1x128xf32, #tpu.memory_space<vmem>>, vector<1x128xf32>
    %get3A_51 = vector.shape_cast %get3A_50 : vector<1x128xf32> to vector<128xf32>
    %broadcast_in_dim3A_52 = vector.shape_cast %get3A_51 : vector<128xf32> to vector<1x128xf32>
    %add3A_53 = vector.broadcast %broadcast_in_dim3A_52 : vector<1x128xf32> to vector<2560x128xf32>
    %add3A_54 = arith.addf %mul3A_47, %add3A_53 : vector<2560x128xf32>
    %max3A_55 = arith.constant 0.000000e+00 : f32
    %max3A_56 = vector.broadcast %max3A_55 : f32 to vector<2560x128xf32>
    %max3A_57 = arith.maximumf %add3A_54, %max3A_56 : vector<2560x128xf32>
    %get3A_58 = arith.constant 0 : index
    %get3A_59 = arith.constant 0 : index
    %get3A_60 = vector.load %arg5[%get3A_58, %get3A_59] : memref<128x128xf32, #tpu.memory_space<vmem>>, vector<128x128xf32>
    %dot_general3A = arith.constant dense<0.000000e+00> : vector<2560x128xf32>
    %dot_general3A_61 = tpu.matmul %max3A_57, %get3A_60, %dot_general3A {dimension_numbers = #tpu.dot_dimension_numbers<[1], [0], [0], [1], [0, 0, 1, 1], [], []>, transpose_lhs_hint = false} : vector<2560x128xf32>, vector<128x128xf32>, vector<2560x128xf32> -> vector<2560x128xf32>
    %broadcast_in_dim3A_62 = vector.shape_cast %select_n3A : vector<2560xf32> to vector<2560x1xf32>
    %mul3A_63 = vector.broadcast %broadcast_in_dim3A_62 : vector<2560x1xf32> to vector<2560x128xf32>
    %mul3A_64 = arith.mulf %dot_general3A_61, %mul3A_63 : vector<2560x128xf32>
    %slice3A_65 = vector.extract_strided_slice %mul3A_64 {offsets = [0, 0], sizes = [2560, 64], strides = [1, 1]} : vector<2560x128xf32> to vector<2560x64xf32>
    %swap3A = arith.constant 0 : index
    %swap3A_66 = arith.constant 0 : index
    %swap3A_67 = vector.load %arg6[%swap3A, %swap3A_66] : memref<2560x64xf32, #tpu.memory_space<vmem>>, vector<2560x64xf32>
    tpu.vector_store %arg6[%swap3A, %swap3A_66], %slice3A_65 {strides = array<i32>} : memref<2560x64xf32, #tpu.memory_space<vmem>>, vector<2560x64xf32>,
    %slice3A_68 = vector.extract_strided_slice %mul3A_64 {offsets = [0, 64], sizes = [2560, 64], strides = [1, 1]} : vector<2560x128xf32> to vector<2560x64xf32>
    %swap3A_69 = arith.constant 0 : index
    %swap3A_70 = arith.constant 0 : index
    %swap3A_71 = vector.load %arg7[%swap3A_69, %swap3A_70] : memref<2560x64xf32, #tpu.memory_space<vmem>>, vector<2560x64xf32>
    tpu.vector_store %arg7[%swap3A_69, %swap3A_70], %slice3A_68 {strides = array<i32>} : memref<2560x64xf32, #tpu.memory_space<vmem>>, vector<2560x64xf32>,
    return
  }
  func.func @transform_0(%arg0: i32) -> (i32, i32, i32) {
    %c0_i32 = arith.constant 0 : i32
    %c0_i32_0 = arith.constant 0 : i32
    %c0_i32_1 = arith.constant 0 : i32
    return %c0_i32, %arg0, %c0_i32_0 : i32, i32, i32
  }
  func.func @transform_1(%arg0: i32) -> (i32, i32, i32) {
    %c0_i32 = arith.constant 0 : i32
    %c0_i32_0 = arith.constant 0 : i32
    %c0_i32_1 = arith.constant 0 : i32
    return %c0_i32, %arg0, %c0_i32_0 : i32, i32, i32
  }
  func.func @transform_2(%arg0: i32) -> (i32, i32, i32) {
    %c0_i32 = arith.constant 0 : i32
    %c0_i32_0 = arith.constant 0 : i32
    %c0_i32_1 = arith.constant 0 : i32
    return %c0_i32, %c0_i32_0, %arg0 : i32, i32, i32
  }
  func.func @transform_3(%arg0: i32) -> (i32, i32) {
    %c0_i32 = arith.constant 0 : i32
    %c0_i32_0 = arith.constant 0 : i32
    %c0_i32_1 = arith.constant 0 : i32
    return %c0_i32, %c0_i32_0 : i32, i32
  }
  func.func @transform_4(%arg0: i32) -> (i32, i32) {
    %c0_i32 = arith.constant 0 : i32
    %c0_i32_0 = arith.constant 0 : i32
    %c0_i32_1 = arith.constant 0 : i32
    return %c0_i32, %c0_i32_0 : i32, i32
  }
  func.func @transform_5(%arg0: i32) -> (i32, i32) {
    %c0_i32 = arith.constant 0 : i32
    %c0_i32_0 = arith.constant 0 : i32
    return %arg0, %c0_i32 : i32, i32
  }
  func.func @transform_6(%arg0: i32) -> (i32, i32) {
    %c0_i32 = arith.constant 0 : i32
    %c0_i32_0 = arith.constant 0 : i32
    return %arg0, %c0_i32 : i32, i32
  }
}

module attributes {stable_mosaic.version = 14 : i64} {
  func.func @_mid2_body(%arg0: i32, %arg1: memref<2x2560x64xf32, #tpu.memory_space<vmem>>, %arg2: memref<2x2560x64xf32, #tpu.memory_space<vmem>>, %arg3: memref<2x2x2560xf32, #tpu.memory_space<vmem>>, %arg4: memref<1x128xf32, #tpu.memory_space<vmem>>, %arg5: memref<128x40xf32, #tpu.memory_space<vmem>>, %arg6: memref<2560x40xf32, #tpu.memory_space<vmem>>) attributes {dimension_semantics = [#tpu.dimension_semantics<arbitrary>], iteration_bounds = array<i64: 4>, scalar_prefetch = 0 : i64, scratch_operands = 0 : i64, tpu.core_type = #tpu.core_type<tc>, window_params = [{transform_indices = @transform_0, window_bounds = array<i64: 2, 2560, 64>}, {transform_indices = @transform_1, window_bounds = array<i64: 2, 2560, 64>}, {transform_indices = @transform_2, window_bounds = array<i64: 2, 2, 2560>}, {pipeline_mode = #tpu.pipeline_mode<synchronous>, transform_indices = @transform_3, window_bounds = array<i64: 1, 128>}, {pipeline_mode = #tpu.pipeline_mode<synchronous>, transform_indices = @transform_4, window_bounds = array<i64: 128, 40>}, {transform_indices = @transform_5, window_bounds = array<i64: 2560, 40>}]} {
    %get3A = arith.constant 0 : index
    %get3A_0 = arith.constant 0 : index
    %get3A_1 = arith.constant 0 : index
    %get3A_2 = vector.load %arg3[%get3A, %get3A_0, %get3A_1] : memref<2x2x2560xf32, #tpu.memory_space<vmem>>, vector<2x2x2560xf32>
    %slice3A = vector.extract_strided_slice %get3A_2 {offsets = [0, 0, 0], sizes = [1, 1, 2560], strides = [1, 1, 1]} : vector<2x2x2560xf32> to vector<1x1x2560xf32>
    %squeeze3A = vector.shape_cast %slice3A : vector<1x1x2560xf32> to vector<2560xf32>
    %slice3A_3 = vector.extract_strided_slice %get3A_2 {offsets = [1, 0, 0], sizes = [1, 1, 2560], strides = [1, 1, 1]} : vector<2x2x2560xf32> to vector<1x1x2560xf32>
    %squeeze3A_4 = vector.shape_cast %slice3A_3 : vector<1x1x2560xf32> to vector<2560xf32>
    %add3A = arith.addf %squeeze3A, %squeeze3A_4 : vector<2560xf32>
    %slice3A_5 = vector.extract_strided_slice %get3A_2 {offsets = [0, 1, 0], sizes = [1, 1, 2560], strides = [1, 1, 1]} : vector<2x2x2560xf32> to vector<1x1x2560xf32>
    %squeeze3A_6 = vector.shape_cast %slice3A_5 : vector<1x1x2560xf32> to vector<2560xf32>
    %slice3A_7 = vector.extract_strided_slice %get3A_2 {offsets = [1, 1, 0], sizes = [1, 1, 2560], strides = [1, 1, 1]} : vector<2x2x2560xf32> to vector<1x1x2560xf32>
    %squeeze3A_8 = vector.shape_cast %slice3A_7 : vector<1x1x2560xf32> to vector<2560xf32>
    %add3A_9 = arith.addf %squeeze3A_6, %squeeze3A_8 : vector<2560xf32>
    %gt3A = arith.constant 0.000000e+00 : f32
    %gt3A_10 = vector.broadcast %gt3A : f32 to vector<2560xf32>
    %gt3A_11 = arith.cmpf ogt, %add3A, %gt3A_10 : vector<2560xf32>
    %max3A = arith.constant 1.000000e+00 : f32
    %max3A_12 = vector.broadcast %max3A : f32 to vector<2560xf32>
    %max3A_13 = arith.maximumf %add3A, %max3A_12 : vector<2560xf32>
    %rsqrt3A = math.rsqrt %max3A_13 : vector<2560xf32>
    %jit3A = arith.constant 0.000000e+00 : f32
    %broadcast_in_dim3A = vector.broadcast %jit3A : f32 to vector<2560xf32>
    %select_n3A = arith.select %gt3A_11, %rsqrt3A, %broadcast_in_dim3A : vector<2560xi1>, vector<2560xf32>
    %gt3A_14 = arith.constant 0.000000e+00 : f32
    %gt3A_15 = vector.broadcast %gt3A_14 : f32 to vector<2560xf32>
    %gt3A_16 = arith.cmpf ogt, %add3A_9, %gt3A_15 : vector<2560xf32>
    %max3A_17 = arith.constant 1.000000e+00 : f32
    %max3A_18 = vector.broadcast %max3A_17 : f32 to vector<2560xf32>
    %max3A_19 = arith.maximumf %add3A_9, %max3A_18 : vector<2560xf32>
    %rsqrt3A_20 = math.rsqrt %max3A_19 : vector<2560xf32>
    %jit3A_21 = arith.constant 0.000000e+00 : f32
    %broadcast_in_dim3A_22 = vector.broadcast %jit3A_21 : f32 to vector<2560xf32>
    %select_n3A_23 = arith.select %gt3A_16, %rsqrt3A_20, %broadcast_in_dim3A_22 : vector<2560xi1>, vector<2560xf32>
    %get3A_24 = arith.constant 0 : index
    %get3A_25 = arith.constant 0 : index
    %get3A_26 = arith.constant 0 : index
    %get3A_27 = vector.load %arg1[%get3A_24, %get3A_25, %get3A_26] : memref<2x2560x64xf32, #tpu.memory_space<vmem>>, vector<1x2560x64xf32>
    %get3A_28 = vector.shape_cast %get3A_27 : vector<1x2560x64xf32> to vector<2560x64xf32>
    %get3A_29 = arith.constant 1 : index
    %get3A_30 = arith.constant 0 : index
    %get3A_31 = arith.constant 0 : index
    %get3A_32 = vector.load %arg1[%get3A_29, %get3A_30, %get3A_31] : memref<2x2560x64xf32, #tpu.memory_space<vmem>>, vector<1x2560x64xf32>
    %get3A_33 = vector.shape_cast %get3A_32 : vector<1x2560x64xf32> to vector<2560x64xf32>
    %add3A_34 = arith.addf %get3A_28, %get3A_33 : vector<2560x64xf32>
    %get3A_35 = arith.constant 0 : index
    %get3A_36 = arith.constant 0 : index
    %get3A_37 = arith.constant 0 : index
    %get3A_38 = vector.load %arg2[%get3A_35, %get3A_36, %get3A_37] : memref<2x2560x64xf32, #tpu.memory_space<vmem>>, vector<1x2560x64xf32>
    %get3A_39 = vector.shape_cast %get3A_38 : vector<1x2560x64xf32> to vector<2560x64xf32>
    %get3A_40 = arith.constant 1 : index
    %get3A_41 = arith.constant 0 : index
    %get3A_42 = arith.constant 0 : index
    %get3A_43 = vector.load %arg2[%get3A_40, %get3A_41, %get3A_42] : memref<2x2560x64xf32, #tpu.memory_space<vmem>>, vector<1x2560x64xf32>
    %get3A_44 = vector.shape_cast %get3A_43 : vector<1x2560x64xf32> to vector<2560x64xf32>
    %add3A_45 = arith.addf %get3A_39, %get3A_44 : vector<2560x64xf32>
    %concatenate3A = tpu.concatenate %add3A_34, %add3A_45 in 1 : vector<2560x64xf32>, vector<2560x64xf32> -> vector<2560x128xf32>
    %broadcast_in_dim3A_46 = vector.shape_cast %select_n3A_23 : vector<2560xf32> to vector<2560x1xf32>
    %mul3A = vector.broadcast %broadcast_in_dim3A_46 : vector<2560x1xf32> to vector<2560x128xf32>
    %mul3A_47 = arith.mulf %concatenate3A, %mul3A : vector<2560x128xf32>
    %get3A_48 = arith.constant 0 : index
    %get3A_49 = arith.constant 0 : index
    %get3A_50 = vector.load %arg4[%get3A_48, %get3A_49] : memref<1x128xf32, #tpu.memory_space<vmem>>, vector<1x128xf32>
    %get3A_51 = vector.shape_cast %get3A_50 : vector<1x128xf32> to vector<128xf32>
    %broadcast_in_dim3A_52 = vector.shape_cast %get3A_51 : vector<128xf32> to vector<1x128xf32>
    %add3A_53 = vector.broadcast %broadcast_in_dim3A_52 : vector<1x128xf32> to vector<2560x128xf32>
    %add3A_54 = arith.addf %mul3A_47, %add3A_53 : vector<2560x128xf32>
    %max3A_55 = arith.constant 0.000000e+00 : f32
    %max3A_56 = vector.broadcast %max3A_55 : f32 to vector<2560x128xf32>
    %max3A_57 = arith.maximumf %add3A_54, %max3A_56 : vector<2560x128xf32>
    %get3A_58 = arith.constant 0 : index
    %get3A_59 = arith.constant 0 : index
    %get3A_60 = vector.load %arg5[%get3A_58, %get3A_59] : memref<128x40xf32, #tpu.memory_space<vmem>>, vector<128x40xf32>
    %dot_general3A = arith.constant dense<0.000000e+00> : vector<2560x40xf32>
    %dot_general3A_61 = tpu.matmul %max3A_57, %get3A_60, %dot_general3A {dimension_numbers = #tpu.dot_dimension_numbers<[1], [0], [0], [1], [0, 0, 1, 1], [], []>, transpose_lhs_hint = false} : vector<2560x128xf32>, vector<128x40xf32>, vector<2560x40xf32> -> vector<2560x40xf32>
    %broadcast_in_dim3A_62 = vector.shape_cast %select_n3A : vector<2560xf32> to vector<2560x1xf32>
    %mul3A_63 = vector.broadcast %broadcast_in_dim3A_62 : vector<2560x1xf32> to vector<2560x40xf32>
    %mul3A_64 = arith.mulf %dot_general3A_61, %mul3A_63 : vector<2560x40xf32>
    %swap3A = arith.constant 0 : index
    %swap3A_65 = arith.constant 0 : index
    %swap3A_66 = vector.load %arg6[%swap3A, %swap3A_65] : memref<2560x40xf32, #tpu.memory_space<vmem>>, vector<2560x40xf32>
    tpu.vector_store %arg6[%swap3A, %swap3A_65], %mul3A_64 {strides = array<i32>} : memref<2560x40xf32, #tpu.memory_space<vmem>>, vector<2560x40xf32>,
    return
  }
  func.func @transform_0(%arg0: i32) -> (i32, i32, i32) {
    %c0_i32 = arith.constant 0 : i32
    %c0_i32_0 = arith.constant 0 : i32
    %c0_i32_1 = arith.constant 0 : i32
    return %c0_i32, %arg0, %c0_i32_0 : i32, i32, i32
  }
  func.func @transform_1(%arg0: i32) -> (i32, i32, i32) {
    %c0_i32 = arith.constant 0 : i32
    %c0_i32_0 = arith.constant 0 : i32
    %c0_i32_1 = arith.constant 0 : i32
    return %c0_i32, %arg0, %c0_i32_0 : i32, i32, i32
  }
  func.func @transform_2(%arg0: i32) -> (i32, i32, i32) {
    %c0_i32 = arith.constant 0 : i32
    %c0_i32_0 = arith.constant 0 : i32
    %c0_i32_1 = arith.constant 0 : i32
    return %c0_i32, %c0_i32_0, %arg0 : i32, i32, i32
  }
  func.func @transform_3(%arg0: i32) -> (i32, i32) {
    %c0_i32 = arith.constant 0 : i32
    %c0_i32_0 = arith.constant 0 : i32
    %c0_i32_1 = arith.constant 0 : i32
    return %c0_i32, %c0_i32_0 : i32, i32
  }
  func.func @transform_4(%arg0: i32) -> (i32, i32) {
    %c0_i32 = arith.constant 0 : i32
    %c0_i32_0 = arith.constant 0 : i32
    %c0_i32_1 = arith.constant 0 : i32
    return %c0_i32, %c0_i32_0 : i32, i32
  }
  func.func @transform_5(%arg0: i32) -> (i32, i32) {
    %c0_i32 = arith.constant 0 : i32
    %c0_i32_0 = arith.constant 0 : i32
    return %arg0, %c0_i32 : i32, i32
  }
}

module attributes {stable_mosaic.version = 14 : i64} {
  func.func @_final_body(%arg0: i32, %arg1: memref<2x2560x40xf32, #tpu.memory_space<vmem>>, %arg2: memref<2x2x2560xf32, #tpu.memory_space<vmem>>, %arg3: memref<1x40xf32, #tpu.memory_space<vmem>>, %arg4: memref<2560x40xf32, #tpu.memory_space<vmem>>) attributes {dimension_semantics = [#tpu.dimension_semantics<arbitrary>], iteration_bounds = array<i64: 4>, scalar_prefetch = 0 : i64, scratch_operands = 0 : i64, tpu.core_type = #tpu.core_type<tc>, window_params = [{transform_indices = @transform_0, window_bounds = array<i64: 2, 2560, 40>}, {transform_indices = @transform_1, window_bounds = array<i64: 2, 2, 2560>}, {pipeline_mode = #tpu.pipeline_mode<synchronous>, transform_indices = @transform_2, window_bounds = array<i64: 1, 40>}, {transform_indices = @transform_3, window_bounds = array<i64: 2560, 40>}]} {
    %get3A = arith.constant 0 : index
    %get3A_0 = arith.constant 0 : index
    %get3A_1 = arith.constant 0 : index
    %get3A_2 = vector.load %arg2[%get3A, %get3A_0, %get3A_1] : memref<2x2x2560xf32, #tpu.memory_space<vmem>>, vector<2x2x2560xf32>
    %slice3A = vector.extract_strided_slice %get3A_2 {offsets = [0, 1, 0], sizes = [1, 1, 2560], strides = [1, 1, 1]} : vector<2x2x2560xf32> to vector<1x1x2560xf32>
    %squeeze3A = vector.shape_cast %slice3A : vector<1x1x2560xf32> to vector<2560xf32>
    %slice3A_3 = vector.extract_strided_slice %get3A_2 {offsets = [1, 1, 0], sizes = [1, 1, 2560], strides = [1, 1, 1]} : vector<2x2x2560xf32> to vector<1x1x2560xf32>
    %squeeze3A_4 = vector.shape_cast %slice3A_3 : vector<1x1x2560xf32> to vector<2560xf32>
    %add3A = arith.addf %squeeze3A, %squeeze3A_4 : vector<2560xf32>
    %gt3A = arith.constant 0.000000e+00 : f32
    %gt3A_5 = vector.broadcast %gt3A : f32 to vector<2560xf32>
    %gt3A_6 = arith.cmpf ogt, %add3A, %gt3A_5 : vector<2560xf32>
    %max3A = arith.constant 1.000000e+00 : f32
    %max3A_7 = vector.broadcast %max3A : f32 to vector<2560xf32>
    %max3A_8 = arith.maximumf %add3A, %max3A_7 : vector<2560xf32>
    %rsqrt3A = math.rsqrt %max3A_8 : vector<2560xf32>
    %jit3A = arith.constant 0.000000e+00 : f32
    %broadcast_in_dim3A = vector.broadcast %jit3A : f32 to vector<2560xf32>
    %select_n3A = arith.select %gt3A_6, %rsqrt3A, %broadcast_in_dim3A : vector<2560xi1>, vector<2560xf32>
    %get3A_9 = arith.constant 0 : index
    %get3A_10 = arith.constant 0 : index
    %get3A_11 = arith.constant 0 : index
    %get3A_12 = vector.load %arg1[%get3A_9, %get3A_10, %get3A_11] : memref<2x2560x40xf32, #tpu.memory_space<vmem>>, vector<1x2560x40xf32>
    %get3A_13 = vector.shape_cast %get3A_12 : vector<1x2560x40xf32> to vector<2560x40xf32>
    %get3A_14 = arith.constant 1 : index
    %get3A_15 = arith.constant 0 : index
    %get3A_16 = arith.constant 0 : index
    %get3A_17 = vector.load %arg1[%get3A_14, %get3A_15, %get3A_16] : memref<2x2560x40xf32, #tpu.memory_space<vmem>>, vector<1x2560x40xf32>
    %get3A_18 = vector.shape_cast %get3A_17 : vector<1x2560x40xf32> to vector<2560x40xf32>
    %add3A_19 = arith.addf %get3A_13, %get3A_18 : vector<2560x40xf32>
    %broadcast_in_dim3A_20 = vector.shape_cast %select_n3A : vector<2560xf32> to vector<2560x1xf32>
    %mul3A = vector.broadcast %broadcast_in_dim3A_20 : vector<2560x1xf32> to vector<2560x40xf32>
    %mul3A_21 = arith.mulf %add3A_19, %mul3A : vector<2560x40xf32>
    %get3A_22 = arith.constant 0 : index
    %get3A_23 = arith.constant 0 : index
    %get3A_24 = vector.load %arg3[%get3A_22, %get3A_23] : memref<1x40xf32, #tpu.memory_space<vmem>>, vector<1x40xf32>
    %get3A_25 = vector.shape_cast %get3A_24 : vector<1x40xf32> to vector<40xf32>
    %broadcast_in_dim3A_26 = vector.shape_cast %get3A_25 : vector<40xf32> to vector<1x40xf32>
    %add3A_27 = vector.broadcast %broadcast_in_dim3A_26 : vector<1x40xf32> to vector<2560x40xf32>
    %add3A_28 = arith.addf %mul3A_21, %add3A_27 : vector<2560x40xf32>
    %swap3A = arith.constant 0 : index
    %swap3A_29 = arith.constant 0 : index
    %swap3A_30 = vector.load %arg4[%swap3A, %swap3A_29] : memref<2560x40xf32, #tpu.memory_space<vmem>>, vector<2560x40xf32>
    tpu.vector_store %arg4[%swap3A, %swap3A_29], %add3A_28 {strides = array<i32>} : memref<2560x40xf32, #tpu.memory_space<vmem>>, vector<2560x40xf32>,
    return
  }
  func.func @transform_0(%arg0: i32) -> (i32, i32, i32) {
    %c0_i32 = arith.constant 0 : i32
    %c0_i32_0 = arith.constant 0 : i32
    %c0_i32_1 = arith.constant 0 : i32
    return %c0_i32, %arg0, %c0_i32_0 : i32, i32, i32
  }
  func.func @transform_1(%arg0: i32) -> (i32, i32, i32) {
    %c0_i32 = arith.constant 0 : i32
    %c0_i32_0 = arith.constant 0 : i32
    %c0_i32_1 = arith.constant 0 : i32
    return %c0_i32, %c0_i32_0, %arg0 : i32, i32, i32
  }
  func.func @transform_2(%arg0: i32) -> (i32, i32) {
    %c0_i32 = arith.constant 0 : i32
    %c0_i32_0 = arith.constant 0 : i32
    %c0_i32_1 = arith.constant 0 : i32
    return %c0_i32, %c0_i32_0 : i32, i32
  }
  func.func @transform_3(%arg0: i32) -> (i32, i32) {
    %c0_i32 = arith.constant 0 : i32
    %c0_i32_0 = arith.constant 0 : i32
    return %arg0, %c0_i32 : i32, i32
  }
}

</mosaic_0001>

<sc_bundles>
// kernel: _pipeline.13.cloned.1.call-start
scs
__scs_entry_jumppad:
0x0: {  	(pc) =	sbr.rel $0x88, $3  }
0x1: {  	(tag) =	ssettag $0x0;
	lr =	simm.s32 $0x1  }
0x2: {  	[smem:$0x3F99] =	sst lr;
	_ =	strace $0xD0000000  }
0x3: {  	_ = 	snop  }
0x4: {  	_ = 	snop  }
0x5: {  	_ = 	snop  }
0x6: {  	_ = 	snop  }
0x7: {  	_ = 	snop  }
__scs_overlays_trampoline_lowered:
0x8: {  	[smem:$0x3FA8] =	sst s0  }
0x9: {  	[smem:$0x3FA9] =	sst s1  }
0xa: {  	[smem:$0x3FAA] =	sst s2  }
0xb: {  	[smem:$0x3FAB] =	sst s3  }
0xc: {  	[smem:$0x3FAC] =	sst s4  }
0xd: {  	[smem:$0x3FAD] =	sst s5  }
0xe: {  	[smem:$0x3FAE] =	sst s6  }
0xf: {  	[smem:$0x3FAF] =	sst s7  }
0x10: {  	[smem:$0x3FB0] =	sst s8  }
0x11: {  	[smem:$0x3FB1] =	sst s9;
	s0 =	simm.s32 @!p0 $0x0  }
0x12: {  	s1 =	sld [smem:$0x3F97];
	s0 =	simm.s32 @p0 $0x1  }
0x13: {  	[smem:$0x3FB2] =	sst s0;
	s0 =	simm.s32 @!p1 $0x0  }
0x14: {  	s2 =	sld [smem:$0x3F96];
	s0 =	simm.s32 @p1 $0x1  }
0x15: {  	[smem:$0x3FB3] =	sst s0;
	s0 =	simm.s32 @!p2 $0x0  }
0x16: {  	s3 =	sld [smem:$0x3FDB];
	s0 =	simm.s32 @p2 $0x1  }
0x17: {  	s4 =	simm.s32 $0x1BF5;
	[smem:$0x3FB5] =	sst s0  }
0x18: {  	s0 =	sld [smem:$0x3F98];
	_ =	swait.ge [sflag:s4], $0x0  }
0x19: {  	s7 =	sld [smem:$0x3F99]  }
0x1a: {  	s8 =	sadd.s32 $0xFFFFE003, lr  }
0x1b: {  	s9 =	sadd.s32 $0xFFFFFEF7, lr;
	s5 =	simm.s32 $0xFFFFFFFF;
	p2 =	slt.u32 s8, $0xFFFFF086  }
0x1c: {  	p1 =	slt.u32 s9, $0xF7A;
	s5 =	simm.s32 @!p2 $0x0  }
0x1d: {  	s5 =	simm.s32 @p1 $0x1;
	p0 =	seq.s32 s7, s2  }
0x1e: {  	s7 =	smul.u32 @!p0 $0xF7A, s2;
	p2 =	seq.s32 @!p0 s5, $0x0  }
0x1f: {  	s9 =	smul.u32 $0xF7A, s1;
	s8 =	simm.s32 @!p0 $0x1BF5;
	p2 =	por !p2, p0  }
0x20: {  	[sflag:s8] =	ssyncset.s32 @!p0 $0xFFFFF086;
	s6 =	sadd.s32 @!p0 s3, s7;
	s7 =	simm.s32 @!p0 $0x108  }
0x21: {  	s3 =	sadd.s32 s3, s9;
	s6 =	sadd.s32 @!p0 $0x88, s6;
	s7 =	simm.s32 @p2 $0x1082  }
0x22: {  	[simem:s7], [sflag:s8] =	dma.local @!p0 [hbm:s6], $0xF7A  }
0x23: {  	s9 =	sor.u32 $0xD0000000, s2;
	s6 =	simm.s32 $0x108;
	_ =	swait.ge @!p0 [sflag:s8], $0x0  }
0x24: {  	s3 =	sadd.s32 $0x88, s3;
	s6 =	simm.s32 @!p1 $0x1082;
	[sflag:s4] =	ssyncset.s32 $0xFFFFF086  }
0x25: {  	[simem:s6], [sflag:s4] =	dma.local [hbm:s3], $0xF7A  }
0x26: {  	[smem:$0x3F99] =	sst s1;
	(tag) =	ssettag s2;
	_ =	strace s9  }
0x27: {  	s1 =	sld [smem:$0x3FA9]  }
0x28: {  	s2 =	sld [smem:$0x3FAA]  }
0x29: {  	s4 =	sld [smem:$0x3FAC]  }
0x2a: {  	p0 =	seq.s32 s5, $0x0;
	s5 =	sld [smem:$0x3FAD]  }
0x2b: {  	s6 =	sld [smem:$0x3FAE]  }
0x2c: {  	s7 =	sld [smem:$0x3FAF]  }
0x2d: {  	s3 =	simm.s32 $0x108;
	s8 =	sld [smem:$0x3FB0]  }
0x2e: {  	s3 =	simm.s32 @!p0 $0x1082;
	s9 =	sld [smem:$0x3FB1]  }
0x2f: {  	lr =	sadd.s32 s0, s3;
	s0 =	sld [smem:$0x3FA8]  }
0x30: {  	s3 =	sld [smem:$0x3FAB]  }
0x31: {  	[smem:$0x3FB4] =	sst s10  }
0x32: {  	s10 =	sld [smem:$0x3FB2];
	_ =	sdelay $0x3  }
0x33: {  	p0 =	seq.s32 s10, $0x1;
	s10 =	sld [smem:$0x3FB4];
	_ =	sdelay $0x3  }
0x34: {  	[smem:$0x3FB4] =	sst s10  }
0x35: {  	s10 =	sld [smem:$0x3FB3];
	_ =	sdelay $0x3  }
0x36: {  	p1 =	seq.s32 s10, $0x1;
	s10 =	sld [smem:$0x3FB4];
	_ =	sdelay $0x3  }
0x37: {  	[smem:$0x3FB4] =	sst s10  }
0x38: {  	s10 =	sld [smem:$0x3FB5]  }
0x39: {  	_ = 	snop;
	(pc) =	sbr.ind lr, $3  }
0x3a: {  	_ = 	snop  }
0x3b: {  	_ = 	snop  }
0x3c: {  	p2 =	seq.s32 s10, $0x1;
	s10 =	sld [smem:$0x3FB4]  }
0x3d: {  	_ =	shalt  }
0x3e: {  	_ =	shalt  }
0x3f: {  	_ =	shalt  }
0x40: {  	_ =	shalt  }
0x41: {  	_ =	shalt  }
0x42: {  	_ =	shalt  }
0x43: {  	_ =	shalt  }
0x44: {  	_ =	shalt  }
0x45: {  	_ =	shalt  }
0x46: {  	_ =	shalt  }
0x47: {  	_ =	shalt  }
0x48: {  	_ =	shalt  }
0x49: {  	_ =	shalt  }
0x4a: {  	_ =	shalt  }
0x4b: {  	_ =	shalt  }
0x4c: {  	_ =	shalt  }
0x4d: {  	_ =	shalt  }
0x4e: {  	_ =	shalt  }
0x4f: {  	_ =	shalt  }
0x50: {  	_ =	shalt  }
0x51: {  	_ =	shalt  }
0x52: {  	_ =	shalt  }
0x53: {  	_ =	shalt  }
0x54: {  	_ =	shalt  }
0x55: {  	_ =	shalt  }
0x56: {  	_ =	shalt  }
0x57: {  	_ =	shalt  }
0x58: {  	_ =	shalt  }
0x59: {  	_ =	shalt  }
0x5a: {  	_ =	shalt  }
0x5b: {  	_ =	shalt  }
0x5c: {  	_ =	shalt  }
0x5d: {  	_ =	shalt  }
0x5e: {  	_ =	shalt  }
0x5f: {  	_ =	shalt  }
0x60: {  	_ =	shalt  }
0x61: {  	_ =	shalt  }
0x62: {  	_ =	shalt  }
0x63: {  	_ =	shalt  }
0x64: {  	_ =	shalt  }
0x65: {  	_ =	shalt  }
0x66: {  	_ =	shalt  }
0x67: {  	_ =	shalt  }
0x68: {  	_ =	shalt  }
0x69: {  	_ =	shalt  }
0x6a: {  	_ =	shalt  }
0x6b: {  	_ =	shalt  }
0x6c: {  	_ =	shalt  }
0x6d: {  	_ =	shalt  }
0x6e: {  	_ =	shalt  }
0x6f: {  	_ =	shalt  }
0x70: {  	_ =	shalt  }
0x71: {  	_ =	shalt  }
0x72: {  	_ =	shalt  }
0x73: {  	_ =	shalt  }
0x74: {  	_ =	shalt  }
0x75: {  	_ =	shalt  }
0x76: {  	_ =	shalt  }
0x77: {  	_ =	shalt  }
0x78: {  	_ =	shalt  }
0x79: {  	_ =	shalt  }
0x7a: {  	_ =	shalt  }
0x7b: {  	_ =	shalt  }
0x7c: {  	_ =	shalt  }
0x7d: {  	_ =	shalt  }
0x7e: {  	_ =	shalt  }
0x7f: {  	_ =	shalt  }
0x80: {  	_ =	shalt  }
0x81: {  	_ =	shalt  }
0x82: {  	_ =	shalt  }
0x83: {  	_ =	shalt  }
0x84: {  	_ =	shalt  }
0x85: {  	_ =	shalt  }
0x86: {  	_ =	shalt  }
0x87: {  	_ =	shalt  }
.Lfunc_end0:
.L_simem_size_0:
called_computation_lowered:
.L_overlay_start_0:
0x88: {  	s2 =	sld [smem:$0x3FD9]  }
0x89: {  	s3 =	sld [smem:$0x3FFE];
	_ =	sdelay $0x1  }
0x8a: {  	s1 =	srdreg.scid  }
0x8b: {  	s0 =	sand.u32 $0x1, s1  }
0x8c: {  	s17 =	sshll.u32 s0, $0xA;
	s2 =	sadd.s32 s3, s2  }
0x8d: {  	s2 =	sadd.s32 s2, s17  }
0x8e: {  	[smem:$0x3FC0] =	sst s2  }
0x8f: {  	_ = 	snop  }
0x90: {  	s2 =	sld [smem:$0x3FD0];
	(tm) =	ssettm $0x1  }
0x91: {  	s18 =	sld [smem:$0x3FFB];
	_ =	sdelay $0x3  }
0x92: {  	_ =	strace s18  }
0x93: {  	s3 =	sld [smem:$0x3FFC];
	_ =	sdelay $0x3  }
0x94: {  	_ =	strace s3  }
0x95: {  	s3 =	sld [smem:$0x3FFD];
	_ =	sdelay $0x3  }
0x96: {  	_ =	strace s3  }
0x97: {  	_ =	strace $0x8FFFFFFF  }
0x98: {  	s19 =	sld [smem:$0x3FDB];
	_ =	sdelay $0x1  }
0x99: {  	s4 =	simm.s32 $_scs_section_size  }
0x9a: {  	s5 =	simm.s32 $_size__tile_overlayer_lowered;
	s6 =	simm.s32 $_tile_overlayer_lowered  }
0x9b: {  	s22 =	simm.s32 $0x1BFF;
	s21 =	sshll.u32 s6, $0x1;
	s3 =	sadd.s32 s4, s19  }
0x9c: {  	s7 =	simm.s32 $0x0;
	s20 =	sshll.u32 s5, $0x1;
	s5 =	sadd.s32 s21, s3  }
0x9d: {  	[timem:s7], [sflag:s22] =	dma.local [hbm:s5], s20  }
0x9e: {  	_ =	swait.ge [sflag:s22], s20  }
0x9f: {  	s4 =	ssub.s32 $0x0, s20;
	[sflag:s22] =	ssyncset.done $0x0  }
0xa0: {  	[sflag:s22] =	ssyncadd.s32 s4;
	_ =	sdelay $0x1  }
0xa1: {  	s23 =	simm.s32 $0x1B8B  }
0xa2: {  	_ =	swait.ge [sflag:s23], $0x1  }
0xa3: {  	[sflag:s23] =	ssyncset.done $0x0  }
0xa4: {  	s25 =	simm.s32 $0x1B8E;
	s24 =	sld [smem:$0x3FFE];
	[sflag:s23] =	ssyncadd.s32 $0xFFFFFFFF  }
0xa5: {  	s26 =	simm.s32 $execute0_lowered;
	[smem:$0x3FD2] =	sst s25  }
0xa6: {  	s5 =	sshll.u32 s26, $0x1;
	_ =	strace $0x80000046;
	[dreg:$0x1] =	wrdreg $0xFFFFFFFF  }
0xa7: {  	s28 =	simm.s32 $_size_execute0_lowered;
	s3 =	sadd.s32 s3, s5;
	[dreg:$0x0] =	wrdreg $0x0  }
0xa8: {  	s5 =	sshll.u32 s28, $0x1;
	[dreg:$0x2] =	wrdreg s3  }
0xa9: {  	[dreg:$0x3] =	wrdreg s5  }
0xaa: {  	[dreg:$0x4] =	wrdreg $0xC0  }
0xab: {  	_ =	task [dreg:s7], $0x5FFFF  }
0xac: {  	[dreg:$0x1] =	wrdreg $0xFFFFFFFF  }
0xad: {  	[dreg:$0x0] =	wrdreg $0x60  }
0xae: {  	[dreg:$0x2] =	wrdreg s24  }
0xaf: {  	[dreg:$0x3] =	wrdreg s2  }
0xb0: {  	[dreg:$0x4] =	wrdreg $0x50800  }
0xb1: {  	[dreg:$0x5] =	wrdreg $0x53000  }
0xb2: {  	[dreg:$0x6] =	wrdreg $0x9  }
0xb3: {  	_ =	task.clear_ibuf [dreg:s7], $0x7FFFF;
	_ =	strace $0x90000046  }
0xb4: {  	s29 =	simm.s32 $0x9;
	_ =	strace $0x80000048  }
0xb5: {  	_ =	swait.ge [sflag:s29], $0x1  }
0xb6: {  	[sflag:s29] =	ssyncadd.s32 $0xFFFFFFFF  }
0xb7: {  	_ =	strace $0x90000048  }
0xb8: {  	_ =	sfence  }
0xb9: {  	s30 =	sld [smem:$0x0];
	_ =	sdelay $0x2  }
0xba: {  	s31 =	sshll.u32 s1, $0xD;
	s1 =	sshrl.u32 s1, $0x2  }
0xbb: {  	s3 =	sand.u32 $0x4000, s31;
	s1 =	sadd.s32 s1, s30  }
0xbc: {  	s0 =	sor.u32 s3, s0;
	s1 =	sshll.u32 s1, $0x11  }
0xbd: {  	s0 =	sor.u32 s1, s0  }
0xbe: {  	s0 =	sadd.s32 $0x8F2B, s0  }
0xbf: {  	[sflag:s0] =	ssyncadd.remote.s32 $0x1  }
0xc0: {  	_ =	sfence.sel $0xFFFF  }
0xc1: {  	[dreg:$0x0] =	wrdreg $0xFFFFFFFF;
	(pc) =	sbr.abs _section_cstart, $3  }
0xc2: {  	[dreg:$0x1] =	wrdreg $0xFFFFFFFF  }
0xc3: {  	_ =	task.clear_ibuf [dreg:s7], $0x2FFFF;
	_ =	strace $0x9FFFFFFF  }
0xc4: {  	(tm) =	ssettm $0x7FFFFFFF  }
0xc5: {  	_ =	shalt  }
tec
execute0_lowered:
.L_overlay_start_1:
0x0: {  	(tag) =	ssettag $0x1  }
0x1: {  	s6 =	rddreg [dreg:$0x0]  }
0x2: {  	s9 =	rddreg [dreg:$0x1]  }
0x3: {  	s1 =	srdreg.scid;
	s2 =	rddreg [dreg:$0x2]  }
0x4: {  	s0 =	stileid.u32;
	s3 =	rddreg [dreg:$0x3];
	s4 =	simm.s32 $0x0  }
0x5: {  	s17 =	simm.s32 $0x1;
	s18 =	simm.s32 $0x2;
	s19 =	simm.s32 $0x0  }
0x6: {  	s5 =	sand.u32 $0x1, s1;
	s30 =	sshll.u32 s0, $0x1;
	s1 =	rddreg [dreg:$0x4]  }
0x7: {  	[smem:$0x7FF] =	sst s4;
	s10 =	smul.u32 $0x280, s0;
	s14 =	sshll.u32 s0, $0x6  }
0x8: {  	s7 =	sor.u32 s5, s30;
	_ =	strace $0x80000047;
	s8 =	ssub.s32 $0x2, s5  }
0x9: {  	s11 =	smul.u32 $0x5000, s5;
	s5 =	sadd.s32 $0x17600, s6;
	s14 =	sor.u32 $0x1C03, s14  }
0xa: {  	s7 =	smul.u32 $0x2800, s7;
	s12 =	sshrl.u32 s10, $0x3;
	s13 =	sshrl.u32 s8, $0x1  }
0xb: {  	s15 =	sadd.s32 s10, s2;
	s16 =	sadd.s32 s10, s3;
	s12 =	sadd.s32 s12, s6  }
0xc: {  	s13 =	ssub.s32 s8, s13;
	s31 =	sadd.s32 s10, s11;
	s15 =	sshrl.u32 s15, $0x3  }
0xd: {  	s16 =	sshrl.u32 s16, $0x3;
	s7 =	sshrl.u32 s7, $0x3;
	s11 =	sshrl.u32 s31, $0x3  }
0xe: {  	s8 =	sadd.s32 $0x17000, s12;
	s12 =	simm.s32 $0x3;
	s7 =	sadd.s32 s7, s6  }
0xf: {  	s9 =	sadd.s32 s9, s11;
	s11 =	smax.u32 s13, $0x1;
	s13 =	simm.s32 $0x5000  }
0x10: {  	s6 =	sadd.s32 $0x3000, s7;
	s7 =	sadd.s32 $0xD000, s7;
	s10 =	sadd.s32 $0x500, s9  }
.LBB2_1:
0x11: {  	[tilespmem:s4], [sflag:$0x3] =	stream.linear.gather [hbm4b:s6+s4], $0x2800, $0x38;
	[tilespmem:$0x5580] =	vst v63  }
0x12: {  	_ =	swait.ge [sflag:s12], $0x2800  }
0x13: {  	[sflag:s12] =	ssyncset.done $0x0  }
0x14: {  	s20 =	simm.s32 $0x2800;
	[sflag:s12] =	ssyncadd.s32 $0xFFFFD800  }
0x15: {  	[tilespmem:s20], [sflag:$0x3] =	stream.linear.gather [hbm4b:s7+s4], $0x2800, $0x38;
	[tilespmem:$0x5580] =	vst v63  }
0x16: {  	_ =	swait.ge [sflag:s12], $0x2800  }
0x17: {  	[sflag:s12] =	ssyncset.done $0x0  }
0x18: {  	[sflag:s12] =	ssyncadd.s32 $0xFFFFD800  }
0x19: {  	[tilespmem:s13], [sflag:$0x3] =	stream.linear.gather [hbm4b:s5+s4], $0x80, $0x38;
	[tilespmem:$0x5580] =	vst v63  }
0x1a: {  	_ =	swait.ge [sflag:s12], $0x80  }
0x1b: {  	[sflag:s12] =	ssyncset.done $0x0  }
0x1c: {  	[sflag:s12] =	ssyncadd.s32 $0xFFFFFF80  }
0x1d: {  	[spmem:s15], [sflag:s14] =	dma.local [hbm:s8], $0x50  }
0x1e: {  	_ =	swait.ge [sflag:s12], $0x50  }
0x1f: {  	[sflag:s12] =	ssyncset.done $0x0  }
0x20: {  	[sflag:s12] =	ssyncadd.s32 $0xFFFFFFB0  }
0x21: {  	[spmem:s16], [sflag:s14] =	dma.local [hbm:s8], $0x50  }
0x22: {  	_ =	swait.ge [sflag:s12], $0x50  }
0x23: {  	[sflag:s12] =	ssyncset.done $0x0  }
0x24: {  	[sflag:s12] =	ssyncadd.s32 $0xFFFFFFB0  }
0x25: {  	s21 =	simm.s32 $0x0;
	s22 =	simm.s32 $0x0;
	[bflag:$0x0] =	sbarrier.arrive $0xFFFF  }
.LBB2_2:
0x26: {  	p0 =	sgt.u32 s22, $0x4F  }
0x27: {  	s23 =	simm.s32 @!p0 $0x7D;
	s24 =	simm.s32 @!p0 $0x5000  }
0x28: {  	[spmem:s2] =	stream.indirect.scatter.add.f32 @!p0 [tilespmem:s24], [sflag:$0x1], $0x1, s21, s23, $0xb8;
	[tilespmem:$0x5580] =	vst v63  }
0x29: {  	p1 =	slt.u32 @!p0 s22, $0x8  }
0x2a: {  	[spmem:s3] =	stream.indirect.scatter.add.f32 @!p0 [tilespmem:s24], [sflag:$0x2], $0x1, s20, s23, $0xb8;
	[tilespmem:$0x5580] =	vst v63  }
0x2b: {  	p0 =	por p0, !p1  }
0x2c: {  	_ =	swait.ge @p0 [sflag:s17], $0x7D  }
0x2d: {  	[sflag:s17] =	ssyncset.done @p0 $0x0  }
0x2e: {  	[sflag:s17] =	ssyncadd.s32 @p0 $0xFFFFFF83  }
0x2f: {  	_ =	swait.ge @p0 [sflag:s18], $0x7D  }
0x30: {  	s22 =	sadd.s32 $0x1, s22;
	[sflag:s18] =	ssyncset.done @p0 $0x0  }
0x31: {  	[sflag:s18] =	ssyncadd.s32 @p0 $0xFFFFFF83;
	p0 =	sne.s32 s22, $0x58  }
.Ltmp0:
0x32: {  	_ = 	snop;
	(pc) =	sbr.rel @p0 .LBB2_2-.Ltmp0, $2  }
0x33: {  	_ =	sdelay $0x2  }
0x34: {  	s21 =	sadd.s32 $0x80, s21;
	s20 =	sadd.s32 $0x80, s20  }
0x35: {  	[bflag:$0x0] =	sbarrier.arrive $0xFFFF  }
0x36: {  	[hbm:s9], [sflag:s14] =	dma.local [spmem:s15], $0x50  }
0x37: {  	s19 =	sadd.s32 $0x1, s19;
	_ =	swait.ge [sflag:s12], $0x50  }
0x38: {  	p0 =	sne.s32 s19, s11;
	[sflag:s12] =	ssyncset.done $0x0  }
.Ltmp1:
0x39: {  	[sflag:s12] =	ssyncadd.s32 $0xFFFFFFB0;
	(pc) =	sbr.rel @p0 .LBB2_1-.Ltmp1, $4  }
0x3a: {  	[hbm:s10], [sflag:s14] =	dma.local [spmem:s16], $0x50  }
0x3b: {  	_ =	swait.ge [sflag:s12], $0x50  }
0x3c: {  	[sflag:s12] =	ssyncset.done $0x0  }
0x3d: {  	[sflag:s12] =	ssyncadd.s32 $0xFFFFFFB0  }
0x3e: {  	_ =	sfence.sel $0x180000  }
0x3f: {  	[bflag:$0x0] =	sbarrier.arrive $0xFFFF  }
0x40: {  	p0 =	sne.s32 s0, $0x0;
	_ =	strace $0x90000047  }
0x41: {  	s0 =	sadd.s32 @!p0 $0x100000, s1;
	[bflag:$0x2] =	sbarrier.arrive $0xFFFF  }
0x42: {  	[sflag:s0] =	ssyncadd.tile.s32 @!p0 $0x1;
	_ =	shalt  }
.Lfunc_end2:
_tile_overlayer_lowered:
.L_overlay_start_2:
0x43: {  	(tag) =	ssettag $0x2  }
0x44: {  	s0 =	rddreg [dreg:$0x0];
	s2 =	stileid.u32  }
0x45: {  	s1 =	rddreg [dreg:$0x1];
	p0 =	sne.s32 s2, $0x0  }
0x46: {  	s3 =	rddreg [dreg:$0x2];
	[bflag:$0x3] =	sbarrier.arrive $0xFFFF;
	s2 =	simm.s32 @!p0 $0x1C03  }
0x47: {  	[timem:s3], [sflag:s2] =	dma.local @!p0 [hbm:s0], s1  }
0x48: {  	s0 =	simm.s32 @!p0 $0x3  }
0x49: {  	_ =	swait.ge @!p0 [sflag:s0], s1  }
0x4a: {  	s1 =	ssub.s32 @!p0 $0x0, s1;
	[sflag:s0] =	ssyncset.done @!p0 $0x0  }
0x4b: {  	[sflag:s0] =	ssyncadd.s32 @!p0 s1  }
0x4c: {  	[bflag:$0x3] =	sbarrier.arrive $0xFFFF  }
0x4d: {  	_ =	shalt  }

// kernel: _pipeline.16.cloned.1.call-start
scs
__scs_entry_jumppad:
0x0: {  	(pc) =	sbr.rel $0x88, $3  }
0x1: {  	(tag) =	ssettag $0x0;
	lr =	simm.s32 $0x1  }
0x2: {  	[smem:$0x3F99] =	sst lr;
	_ =	strace $0xD0000000  }
0x3: {  	_ = 	snop  }
0x4: {  	_ = 	snop  }
0x5: {  	_ = 	snop  }
0x6: {  	_ = 	snop  }
0x7: {  	_ = 	snop  }
__scs_overlays_trampoline_lowered:
0x8: {  	[smem:$0x3FA8] =	sst s0  }
0x9: {  	[smem:$0x3FA9] =	sst s1  }
0xa: {  	[smem:$0x3FAA] =	sst s2  }
0xb: {  	[smem:$0x3FAB] =	sst s3  }
0xc: {  	[smem:$0x3FAC] =	sst s4  }
0xd: {  	[smem:$0x3FAD] =	sst s5  }
0xe: {  	[smem:$0x3FAE] =	sst s6  }
0xf: {  	[smem:$0x3FAF] =	sst s7  }
0x10: {  	[smem:$0x3FB0] =	sst s8  }
0x11: {  	[smem:$0x3FB1] =	sst s9;
	s0 =	simm.s32 @!p0 $0x0  }
0x12: {  	s1 =	sld [smem:$0x3F97];
	s0 =	simm.s32 @p0 $0x1  }
0x13: {  	[smem:$0x3FB2] =	sst s0;
	s0 =	simm.s32 @!p1 $0x0  }
0x14: {  	s2 =	sld [smem:$0x3F96];
	s0 =	simm.s32 @p1 $0x1  }
0x15: {  	[smem:$0x3FB3] =	sst s0;
	s0 =	simm.s32 @!p2 $0x0  }
0x16: {  	s3 =	sld [smem:$0x3FDB];
	s0 =	simm.s32 @p2 $0x1  }
0x17: {  	s4 =	simm.s32 $0x1BF5;
	[smem:$0x3FB5] =	sst s0  }
0x18: {  	s0 =	sld [smem:$0x3F98];
	_ =	swait.ge [sflag:s4], $0x0  }
0x19: {  	s7 =	sld [smem:$0x3F99]  }
0x1a: {  	s8 =	sadd.s32 $0xFFFFE003, lr  }
0x1b: {  	s9 =	sadd.s32 $0xFFFFFEF7, lr;
	s5 =	simm.s32 $0xFFFFFFFF;
	p2 =	slt.u32 s8, $0xFFFFF086  }
0x1c: {  	p1 =	slt.u32 s9, $0xF7A;
	s5 =	simm.s32 @!p2 $0x0  }
0x1d: {  	s5 =	simm.s32 @p1 $0x1;
	p0 =	seq.s32 s7, s2  }
0x1e: {  	s7 =	smul.u32 @!p0 $0xF7A, s2;
	p2 =	seq.s32 @!p0 s5, $0x0  }
0x1f: {  	s9 =	smul.u32 $0xF7A, s1;
	s8 =	simm.s32 @!p0 $0x1BF5;
	p2 =	por !p2, p0  }
0x20: {  	[sflag:s8] =	ssyncset.s32 @!p0 $0xFFFFF086;
	s6 =	sadd.s32 @!p0 s3, s7;
	s7 =	simm.s32 @!p0 $0x108  }
0x21: {  	s3 =	sadd.s32 s3, s9;
	s6 =	sadd.s32 @!p0 $0x88, s6;
	s7 =	simm.s32 @p2 $0x1082  }
0x22: {  	[simem:s7], [sflag:s8] =	dma.local @!p0 [hbm:s6], $0xF7A  }
0x23: {  	s9 =	sor.u32 $0xD0000000, s2;
	s6 =	simm.s32 $0x108;
	_ =	swait.ge @!p0 [sflag:s8], $0x0  }
0x24: {  	s3 =	sadd.s32 $0x88, s3;
	s6 =	simm.s32 @!p1 $0x1082;
	[sflag:s4] =	ssyncset.s32 $0xFFFFF086  }
0x25: {  	[simem:s6], [sflag:s4] =	dma.local [hbm:s3], $0xF7A  }
0x26: {  	[smem:$0x3F99] =	sst s1;
	(tag) =	ssettag s2;
	_ =	strace s9  }
0x27: {  	s1 =	sld [smem:$0x3FA9]  }
0x28: {  	s2 =	sld [smem:$0x3FAA]  }
0x29: {  	s4 =	sld [smem:$0x3FAC]  }
0x2a: {  	p0 =	seq.s32 s5, $0x0;
	s5 =	sld [smem:$0x3FAD]  }
0x2b: {  	s6 =	sld [smem:$0x3FAE]  }
0x2c: {  	s7 =	sld [smem:$0x3FAF]  }
0x2d: {  	s3 =	simm.s32 $0x108;
	s8 =	sld [smem:$0x3FB0]  }
0x2e: {  	s3 =	simm.s32 @!p0 $0x1082;
	s9 =	sld [smem:$0x3FB1]  }
0x2f: {  	lr =	sadd.s32 s0, s3;
	s0 =	sld [smem:$0x3FA8]  }
0x30: {  	s3 =	sld [smem:$0x3FAB]  }
0x31: {  	[smem:$0x3FB4] =	sst s10  }
0x32: {  	s10 =	sld [smem:$0x3FB2];
	_ =	sdelay $0x3  }
0x33: {  	p0 =	seq.s32 s10, $0x1;
	s10 =	sld [smem:$0x3FB4];
	_ =	sdelay $0x3  }
0x34: {  	[smem:$0x3FB4] =	sst s10  }
0x35: {  	s10 =	sld [smem:$0x3FB3];
	_ =	sdelay $0x3  }
0x36: {  	p1 =	seq.s32 s10, $0x1;
	s10 =	sld [smem:$0x3FB4];
	_ =	sdelay $0x3  }
0x37: {  	[smem:$0x3FB4] =	sst s10  }
0x38: {  	s10 =	sld [smem:$0x3FB5]  }
0x39: {  	_ = 	snop;
	(pc) =	sbr.ind lr, $3  }
0x3a: {  	_ = 	snop  }
0x3b: {  	_ = 	snop  }
0x3c: {  	p2 =	seq.s32 s10, $0x1;
	s10 =	sld [smem:$0x3FB4]  }
0x3d: {  	_ =	shalt  }
0x3e: {  	_ =	shalt  }
0x3f: {  	_ =	shalt  }
0x40: {  	_ =	shalt  }
0x41: {  	_ =	shalt  }
0x42: {  	_ =	shalt  }
0x43: {  	_ =	shalt  }
0x44: {  	_ =	shalt  }
0x45: {  	_ =	shalt  }
0x46: {  	_ =	shalt  }
0x47: {  	_ =	shalt  }
0x48: {  	_ =	shalt  }
0x49: {  	_ =	shalt  }
0x4a: {  	_ =	shalt  }
0x4b: {  	_ =	shalt  }
0x4c: {  	_ =	shalt  }
0x4d: {  	_ =	shalt  }
0x4e: {  	_ =	shalt  }
0x4f: {  	_ =	shalt  }
0x50: {  	_ =	shalt  }
0x51: {  	_ =	shalt  }
0x52: {  	_ =	shalt  }
0x53: {  	_ =	shalt  }
0x54: {  	_ =	shalt  }
0x55: {  	_ =	shalt  }
0x56: {  	_ =	shalt  }
0x57: {  	_ =	shalt  }
0x58: {  	_ =	shalt  }
0x59: {  	_ =	shalt  }
0x5a: {  	_ =	shalt  }
0x5b: {  	_ =	shalt  }
0x5c: {  	_ =	shalt  }
0x5d: {  	_ =	shalt  }
0x5e: {  	_ =	shalt  }
0x5f: {  	_ =	shalt  }
0x60: {  	_ =	shalt  }
0x61: {  	_ =	shalt  }
0x62: {  	_ =	shalt  }
0x63: {  	_ =	shalt  }
0x64: {  	_ =	shalt  }
0x65: {  	_ =	shalt  }
0x66: {  	_ =	shalt  }
0x67: {  	_ =	shalt  }
0x68: {  	_ =	shalt  }
0x69: {  	_ =	shalt  }
0x6a: {  	_ =	shalt  }
0x6b: {  	_ =	shalt  }
0x6c: {  	_ =	shalt  }
0x6d: {  	_ =	shalt  }
0x6e: {  	_ =	shalt  }
0x6f: {  	_ =	shalt  }
0x70: {  	_ =	shalt  }
0x71: {  	_ =	shalt  }
0x72: {  	_ =	shalt  }
0x73: {  	_ =	shalt  }
0x74: {  	_ =	shalt  }
0x75: {  	_ =	shalt  }
0x76: {  	_ =	shalt  }
0x77: {  	_ =	shalt  }
0x78: {  	_ =	shalt  }
0x79: {  	_ =	shalt  }
0x7a: {  	_ =	shalt  }
0x7b: {  	_ =	shalt  }
0x7c: {  	_ =	shalt  }
0x7d: {  	_ =	shalt  }
0x7e: {  	_ =	shalt  }
0x7f: {  	_ =	shalt  }
0x80: {  	_ =	shalt  }
0x81: {  	_ =	shalt  }
0x82: {  	_ =	shalt  }
0x83: {  	_ =	shalt  }
0x84: {  	_ =	shalt  }
0x85: {  	_ =	shalt  }
0x86: {  	_ =	shalt  }
0x87: {  	_ =	shalt  }
.Lfunc_end0:
.L_simem_size_0:
called_computation.1_lowered:
.L_overlay_start_0:
0x88: {  	s2 =	sld [smem:$0x3FD9]  }
0x89: {  	s3 =	sld [smem:$0x3FFE];
	_ =	sdelay $0x1  }
0x8a: {  	s1 =	srdreg.scid  }
0x8b: {  	s0 =	sand.u32 $0x1, s1  }
0x8c: {  	s17 =	sshll.u32 s0, $0xA;
	s2 =	sadd.s32 s3, s2  }
0x8d: {  	s2 =	sadd.s32 s2, s17  }
0x8e: {  	[smem:$0x3FC0] =	sst s2  }
0x8f: {  	_ = 	snop  }
0x90: {  	(tm) =	ssettm $0x1  }
0x91: {  	s18 =	sld [smem:$0x3FFB];
	_ =	sdelay $0x3  }
0x92: {  	_ =	strace s18  }
0x93: {  	s2 =	sld [smem:$0x3FFC];
	_ =	sdelay $0x3  }
0x94: {  	_ =	strace s2  }
0x95: {  	s2 =	sld [smem:$0x3FFD];
	_ =	sdelay $0x3  }
0x96: {  	_ =	strace s2  }
0x97: {  	_ =	strace $0x8FFFFFFF  }
0x98: {  	s19 =	sld [smem:$0x3FDB];
	_ =	sdelay $0x1  }
0x99: {  	s20 =	simm.s32 $_scs_section_size  }
0x9a: {  	s4 =	simm.s32 $_size__tile_overlayer_lowered;
	s5 =	simm.s32 $_tile_overlayer_lowered  }
0x9b: {  	s6 =	simm.s32 $0x1BFF;
	s21 =	sshll.u32 s5, $0x1;
	s3 =	sadd.s32 s20, s19  }
0x9c: {  	s22 =	simm.s32 $0x0;
	s4 =	sshll.u32 s4, $0x1;
	s5 =	sadd.s32 s21, s3  }
0x9d: {  	[timem:s22], [sflag:s6] =	dma.local [hbm:s5], s4  }
0x9e: {  	_ =	swait.ge [sflag:s6], s4  }
0x9f: {  	s4 =	ssub.s32 $0x0, s4;
	[sflag:s6] =	ssyncset.done $0x0  }
0xa0: {  	[sflag:s6] =	ssyncadd.s32 s4;
	_ =	sdelay $0x1  }
0xa1: {  	s23 =	simm.s32 $0x1B8B  }
0xa2: {  	_ =	swait.ge [sflag:s23], $0x1  }
0xa3: {  	[sflag:s23] =	ssyncset.done $0x0  }
0xa4: {  	[sflag:s23] =	ssyncadd.s32 $0xFFFFFFFF  }
0xa5: {  	s4 =	sld [smem:$0x0]  }
0xa6: {  	s5 =	sand.u32 $0xFFFFFFFE, s1  }
0xa7: {  	p0 =	sne.s32 s1, s5  }
0xa8: {  	s5 =	sshll.u32 @p0 s5, $0xE  }
0xa9: {  	s5 =	sadd.s32 @p0 $0x11B8D, s5;
	s6 =	sshll.u32 @p0 s4, $0x11  }
0xaa: {  	s5 =	sor.u32 @p0 s6, s5  }
0xab: {  	[sflag:s5] =	ssyncadd.remote.s32 @p0 $0x1;
	_ =	sdelay $0x1  }
0xac: {  	s5 =	simm.s32 @p0 $0x1B8D  }
0xad: {  	_ =	swait.eq @p0 [sflag:s5], $0x1  }
0xae: {  	[sflag:s5] =	ssyncadd.s32 @p0 $0xFFFFFFFF  }
0xaf: {  	s6 =	sshll.u32 @!p0 s1, $0xE  }
0xb0: {  	s6 =	sor.u32 @!p0 $0x4000, s6;
	s5 =	simm.s32 @!p0 $0x1B8D  }
0xb1: {  	s4 =	sshll.u32 @!p0 s4, $0x11;
	s6 =	sadd.s32 @!p0 $0x11B8D, s6;
	_ =	swait.eq @!p0 [sflag:s5], $0x1  }
0xb2: {  	s4 =	sor.u32 @!p0 s4, s6;
	[sflag:s5] =	ssyncadd.s32 @!p0 $0xFFFFFFFF  }
0xb3: {  	s25 =	simm.s32 $0x1B8E;
	s24 =	sld [smem:$0x3FFE];
	[sflag:s4] =	ssyncadd.remote.s32 @!p0 $0x1  }
0xb4: {  	s26 =	simm.s32 $execute0_lowered;
	[smem:$0x3FD2] =	sst s25  }
0xb5: {  	s5 =	sshll.u32 s26, $0x1;
	_ =	strace $0x8000004C;
	[dreg:$0x1] =	wrdreg $0xFFFFFFFF  }
0xb6: {  	s28 =	simm.s32 $_size_execute0_lowered;
	s3 =	sadd.s32 s3, s5;
	[dreg:$0x0] =	wrdreg $0x0  }
0xb7: {  	s5 =	sshll.u32 s28, $0x1;
	[dreg:$0x2] =	wrdreg s3  }
0xb8: {  	[dreg:$0x3] =	wrdreg s5  }
0xb9: {  	[dreg:$0x4] =	wrdreg $0xC0  }
0xba: {  	_ =	task [dreg:s22], $0x5FFFF  }
0xbb: {  	[dreg:$0x1] =	wrdreg $0xFFFFFFFF  }
0xbc: {  	[dreg:$0x0] =	wrdreg $0x60  }
0xbd: {  	[dreg:$0x2] =	wrdreg s24  }
0xbe: {  	[dreg:$0x3] =	wrdreg $0x14A000  }
0xbf: {  	[dreg:$0x4] =	wrdreg $0x9  }
0xc0: {  	_ =	task.clear_ibuf [dreg:s22], $0x5FFFF;
	_ =	strace $0x9000004C  }
0xc1: {  	s29 =	simm.s32 $0x9;
	_ =	strace $0x8000004E  }
0xc2: {  	_ =	swait.ge [sflag:s29], $0x1  }
0xc3: {  	[sflag:s29] =	ssyncadd.s32 $0xFFFFFFFF  }
0xc4: {  	_ =	strace $0x9000004E  }
0xc5: {  	_ =	sfence  }
0xc6: {  	s30 =	sld [smem:$0x0];
	_ =	sdelay $0x2  }
0xc7: {  	s31 =	sshll.u32 s1, $0xD;
	s1 =	sshrl.u32 s1, $0x2  }
0xc8: {  	s4 =	sand.u32 $0x4000, s31;
	s1 =	sadd.s32 s1, s30  }
0xc9: {  	s0 =	sor.u32 s4, s0;
	s1 =	sshll.u32 s1, $0x11  }
0xca: {  	s0 =	sor.u32 s1, s0  }
0xcb: {  	s0 =	sadd.s32 $0x8F2B, s0  }
0xcc: {  	[sflag:s0] =	ssyncadd.remote.s32 $0x1  }
0xcd: {  	_ =	sfence.sel $0xFFFF  }
0xce: {  	[dreg:$0x0] =	wrdreg $0xFFFFFFFF;
	(pc) =	sbr.abs _section_cstart, $3  }
0xcf: {  	[dreg:$0x1] =	wrdreg $0xFFFFFFFF  }
0xd0: {  	_ =	task.clear_ibuf [dreg:s22], $0x2FFFF;
	_ =	strace $0x9FFFFFFF  }
0xd1: {  	(tm) =	ssettm $0x7FFFFFFF  }
tec
execute0_lowered:
.L_overlay_start_1:
0x0: {  	(tag) =	ssettag $0x1  }
0x1: {  	s0 =	srdreg.scid;
	s5 =	rddreg [dreg:$0x0]  }
0x2: {  	s9 =	stileid.u32;
	s2 =	rddreg [dreg:$0x1];
	s3 =	simm.s32 $0x0  }
0x3: {  	s14 =	simm.s32 $0x1;
	s15 =	simm.s32 $0x2;
	s16 =	simm.s32 $0x3  }
0x4: {  	s17 =	simm.s32 $0x7D;
	s18 =	simm.s32 $0x5000;
	s20 =	simm.s32 $0x6F40  }
0x5: {  	s22 =	simm.s32 $0x8E80;
	s24 =	simm.s32 $0xADC0;
	s29 =	simm.s32 $0xEC40  }
0x6: {  	s31 =	simm.s32 $0x10B80;
	s12 =	simm.s32 $0x4;
	s19 =	simm.s32 $0x5  }
0x7: {  	s21 =	simm.s32 $0x0;
	s0 =	sand.u32 $0x1, s0;
	s1 =	sshll.u32 s9, $0x1  }
0x8: {  	s7 =	smul.u32 $0xA000, s9;
	[smem:$0x7FF] =	sst s3;
	s4 =	sadd.s32 $0x67000, s5  }
0x9: {  	s1 =	sor.u32 s0, s1;
	s6 =	smul.u32 $0xA0000, s0;
	_ =	strace $0x8000004D  }
0xa: {  	s0 =	ssub.s32 $0x2, s0;
	s1 =	smul.u32 $0x2800, s1;
	s8 =	sshrl.u32 s7, $0x3  }
0xb: {  	s26 =	sshrl.u32 s0, $0x1;
	s30 =	sadd.s32 s7, s2;
	s6 =	sadd.s32 s7, s6  }
0xc: {  	s8 =	sadd.s32 s8, s5;
	s0 =	ssub.s32 s0, s26;
	s13 =	sshrl.u32 s30, $0x3  }
.Ltmp0:
0xd: {  	s26 =	simm.s32 $0xCD00;
	s1 =	sshrl.u32 s1, $0x3;
	(pc) =	sbr.rel .LBB2_1-.Ltmp0, $4  }
0xe: {  	s6 =	sshrl.u32 s6, $0x3;
	s7 =	sadd.s32 $0x2B000, s8;
	s8 =	sshll.u32 s9, $0x6  }
0xf: {  	s11 =	smax.u32 s0, $0x1;
	s0 =	simm.s32 $0x12AC0;
	s1 =	sadd.s32 s1, s5  }
0x10: {  	s10 =	sadd.s32 s6, s5;
	s9 =	sor.u32 $0x1C03, s8;
	s28 =	sadd.s32 $0x3000, s1  }
0x11: {  	s6 =	sadd.s32 $0xD000, s1;
	s10 =	sadd.s32 $0x7B000, s10;
	[dreg:$0x3] =	wrdreg s28  }
.LBB2_4:
0x12: {  	s21 =	sadd.s32 $0x1, s21  }
0x13: {  	p0 =	sne.s32 s21, s11  }
.Ltmp1:
0x14: {  	[bflag:$0x0] =	sbarrier.arrive $0xFFFF;
	s1 =	sor.u32 $0x1C05, s8;
	(pc) =	sbr.rel @!p0 .LBB2_5-.Ltmp1, $4  }
0x15: {  	[hbm:s10], [sflag:s1] =	dma.local [spmem:s13], $0x1400  }
0x16: {  	_ =	swait.ge [sflag:s19], $0x1400  }
0x17: {  	[sflag:s19] =	ssyncset.done $0x0  }
0x18: {  	[sflag:s19] =	ssyncadd.s32 $0xFFFFEC00  }
.LBB2_1:
0x19: {  	s1 =	rddreg [dreg:$0x3]  }
0x1a: {  	[tilespmem:s3], [sflag:$0x1] =	stream.linear.gather [hbm4b:s1+s3], $0x2800, $0x38;
	[tilespmem:$0x1EA00] =	vst v63  }
0x1b: {  	s25 =	simm.s32 $0x2800  }
0x1c: {  	[tilespmem:s25], [sflag:$0x2] =	stream.linear.gather [hbm4b:s6+s3], $0x2800, $0x38;
	[tilespmem:$0x1EA00] =	vst v63  }
0x1d: {  	[spmem:s13], [sflag:s9] =	dma.local [hbm:s7], $0x1400  }
0x1e: {  	_ =	swait.ge [sflag:s14], $0x2800  }
0x1f: {  	[sflag:s14] =	ssyncset.done $0x0  }
0x20: {  	[sflag:s14] =	ssyncadd.s32 $0xFFFFD800  }
0x21: {  	_ =	swait.ge [sflag:s15], $0x2800  }
0x22: {  	[sflag:s15] =	ssyncset.done $0x0  }
0x23: {  	[sflag:s15] =	ssyncadd.s32 $0xFFFFD800  }
0x24: {  	_ =	swait.ge [sflag:s16], $0x1400  }
0x25: {  	[sflag:s16] =	ssyncset.done $0x0  }
0x26: {  	[sflag:s16] =	ssyncadd.s32 $0xFFFFEC00  }
0x27: {  	[bflag:$0x0] =	sbarrier.arrive $0xFFFF  }
0x28: {  	[tilespmem:s18], [sflag:$0x1] =	stream.indirect.gather [hbm4b:s4+s17], $0x40, s3, s17, $0xb8;
	[tilespmem:$0x1EA00] =	vst v63  }
0x29: {  	s28 =	simm.s32 $0x80  }
0x2a: {  	[tilespmem:s20], [sflag:$0x1] =	stream.indirect.gather [hbm4b:s4+s17], $0x40, s28, s17, $0xb8;
	[tilespmem:$0x1EA00] =	vst v63  }
0x2b: {  	s30 =	simm.s32 $0x100  }
0x2c: {  	[tilespmem:s22], [sflag:$0x1] =	stream.indirect.gather [hbm4b:s4+s17], $0x40, s30, s17, $0xb8;
	[tilespmem:$0x1EA00] =	vst v63  }
0x2d: {  	s5 =	simm.s32 $0x180  }
0x2e: {  	[tilespmem:s24], [sflag:$0x1] =	stream.indirect.gather [hbm4b:s4+s17], $0x40, s5, s17, $0xb8;
	[tilespmem:$0x1EA00] =	vst v63  }
0x2f: {  	s23 =	simm.s32 $0x200  }
0x30: {  	[tilespmem:s26], [sflag:$0x2] =	stream.indirect.gather [hbm4b:s4+s17], $0x40, s23, s17, $0xb8;
	[tilespmem:$0x1EA00] =	vst v63  }
0x31: {  	s25 =	simm.s32 $0x280  }
0x32: {  	[tilespmem:s29], [sflag:$0x2] =	stream.indirect.gather [hbm4b:s4+s17], $0x40, s25, s17, $0xb8;
	[tilespmem:$0x1EA00] =	vst v63  }
0x33: {  	s28 =	simm.s32 $0x300  }
0x34: {  	[tilespmem:s31], [sflag:$0x2] =	stream.indirect.gather [hbm4b:s4+s17], $0x40, s28, s17, $0xb8;
	[tilespmem:$0x1EA00] =	vst v63  }
0x35: {  	s30 =	simm.s32 $0x380;
	s23 =	simm.s32 $0x0  }
0x36: {  	[tilespmem:s0], [sflag:$0x2] =	stream.indirect.gather [hbm4b:s4+s17], $0x40, s30, s17, $0xb8;
	[tilespmem:$0x1EA00] =	vst v63  }
.LBB2_2:
0x37: {  	_ =	swait.ge [sflag:s14], $0x1F40  }
0x38: {  	[sflag:s14] =	ssyncset.done $0x0  }
0x39: {  	[sflag:s14] =	ssyncadd.s32 $0xFFFFE0C0  }
0x3a: {  	_ =	swait.ge [sflag:s14], $0x1F40  }
0x3b: {  	[sflag:s14] =	ssyncset.done $0x0  }
0x3c: {  	[sflag:s14] =	ssyncadd.s32 $0xFFFFE0C0  }
0x3d: {  	_ =	swait.ge [sflag:s14], $0x1F40  }
0x3e: {  	[sflag:s14] =	ssyncset.done $0x0  }
0x3f: {  	[sflag:s14] =	ssyncadd.s32 $0xFFFFE0C0  }
0x40: {  	_ =	swait.ge [sflag:s14], $0x1F40  }
0x41: {  	s25 =	sshra.s32 s23, $0x2;
	[sflag:s14] =	ssyncset.done $0x0  }
0x42: {  	s28 =	sadd.s32 $0x2800, s25;
	[sflag:s14] =	ssyncadd.s32 $0xFFFFE0C0  }
0x43: {  	[spmem:s2] =	stream.indirect.scatter.add.f32 [tilespmem:s18], [sflag:$0x3], $0x40, s28, s17, $0xb8;
	[tilespmem:$0x1EA00] =	vst v63  }
0x44: {  	s30 =	sadd.s32 $0x2880, s25  }
0x45: {  	[spmem:s2] =	stream.indirect.scatter.add.f32 [tilespmem:s20], [sflag:$0x3], $0x40, s30, s17, $0xb8;
	[tilespmem:$0x1EA00] =	vst v63  }
0x46: {  	s1 =	sadd.s32 $0x2900, s25  }
0x47: {  	[spmem:s2] =	stream.indirect.scatter.add.f32 [tilespmem:s22], [sflag:$0x3], $0x40, s1, s17, $0xb8;
	[tilespmem:$0x1EA00] =	vst v63  }
0x48: {  	s5 =	sadd.s32 $0x2980, s25  }
0x49: {  	[spmem:s2] =	stream.indirect.scatter.add.f32 [tilespmem:s24], [sflag:$0x3], $0x40, s5, s17, $0xb8;
	[tilespmem:$0x1EA00] =	vst v63  }
0x4a: {  	_ =	swait.ge [sflag:s16], $0x1F40  }
0x4b: {  	[sflag:s16] =	ssyncset.done $0x0  }
0x4c: {  	[sflag:s16] =	ssyncadd.s32 $0xFFFFE0C0  }
0x4d: {  	_ =	swait.ge [sflag:s16], $0x1F40  }
0x4e: {  	[sflag:s16] =	ssyncset.done $0x0  }
0x4f: {  	[sflag:s16] =	ssyncadd.s32 $0xFFFFE0C0  }
0x50: {  	_ =	swait.ge [sflag:s16], $0x1F40  }
0x51: {  	[sflag:s16] =	ssyncset.done $0x0  }
0x52: {  	p0 =	seq.s32 s23, $0x9000;
	[sflag:s16] =	ssyncadd.s32 $0xFFFFE0C0  }
0x53: {  	s28 =	sshra.s32 @!p0 s23, $0x2;
	_ =	swait.ge [sflag:s16], $0x1F40  }
0x54: {  	s30 =	sadd.s32 @!p0 $0x400, s28;
	[sflag:s16] =	ssyncset.done $0x0  }
0x55: {  	s1 =	simm.s32 @!p0 $0x7D;
	s5 =	simm.s32 @!p0 $0x5000;
	[sflag:s16] =	ssyncadd.s32 $0xFFFFE0C0  }
0x56: {  	[tilespmem:s5], [sflag:$0x1] =	stream.indirect.gather @!p0 [hbm4b:s4+s1], $0x40, s30, s1, $0xb8;
	[tilespmem:$0x1EA00] =	vst v63  }
0x57: {  	s5 =	sadd.s32 @!p0 $0x480, s28;
	s30 =	simm.s32 @!p0 $0x6F40  }
0x58: {  	[tilespmem:s30], [sflag:$0x1] =	stream.indirect.gather @!p0 [hbm4b:s4+s1], $0x40, s5, s1, $0xb8;
	[tilespmem:$0x1EA00] =	vst v63  }
0x59: {  	s5 =	sadd.s32 @!p0 $0x500, s28;
	s30 =	simm.s32 @!p0 $0x8E80  }
0x5a: {  	[tilespmem:s30], [sflag:$0x1] =	stream.indirect.gather @!p0 [hbm4b:s4+s1], $0x40, s5, s1, $0xb8;
	[tilespmem:$0x1EA00] =	vst v63  }
0x5b: {  	s5 =	sadd.s32 @!p0 $0x580, s28;
	s28 =	simm.s32 @!p0 $0xADC0  }
0x5c: {  	[tilespmem:s28], [sflag:$0x1] =	stream.indirect.gather @!p0 [hbm4b:s4+s1], $0x40, s5, s1, $0xb8;
	[tilespmem:$0x1EA00] =	vst v63  }
0x5d: {  	_ =	swait.ge [sflag:s15], $0x1F40  }
0x5e: {  	[sflag:s15] =	ssyncset.done $0x0  }
0x5f: {  	[sflag:s15] =	ssyncadd.s32 $0xFFFFE0C0  }
0x60: {  	_ =	swait.ge [sflag:s15], $0x1F40  }
0x61: {  	[sflag:s15] =	ssyncset.done $0x0  }
0x62: {  	[sflag:s15] =	ssyncadd.s32 $0xFFFFE0C0  }
0x63: {  	_ =	swait.ge [sflag:s15], $0x1F40  }
0x64: {  	[sflag:s15] =	ssyncset.done $0x0  }
0x65: {  	[sflag:s15] =	ssyncadd.s32 $0xFFFFE0C0  }
0x66: {  	_ =	swait.ge [sflag:s15], $0x1F40  }
0x67: {  	[sflag:s15] =	ssyncset.done $0x0  }
0x68: {  	s30 =	sadd.s32 $0x2A00, s25;
	[sflag:s15] =	ssyncadd.s32 $0xFFFFE0C0  }
0x69: {  	[spmem:s2] =	stream.indirect.scatter.add.f32 [tilespmem:s26], [sflag:$0x4], $0x40, s30, s17, $0xb8;
	[tilespmem:$0x1EA00] =	vst v63  }
0x6a: {  	s5 =	sadd.s32 $0x2A80, s25  }
0x6b: {  	[spmem:s2] =	stream.indirect.scatter.add.f32 [tilespmem:s29], [sflag:$0x4], $0x40, s5, s17, $0xb8;
	[tilespmem:$0x1EA00] =	vst v63  }
0x6c: {  	s28 =	sadd.s32 $0x2B00, s25  }
0x6d: {  	[spmem:s2] =	stream.indirect.scatter.add.f32 [tilespmem:s31], [sflag:$0x4], $0x40, s28, s17, $0xb8;
	[tilespmem:$0x1EA00] =	vst v63  }
0x6e: {  	s30 =	sadd.s32 $0x2B80, s25  }
0x6f: {  	[spmem:s2] =	stream.indirect.scatter.add.f32 [tilespmem:s0], [sflag:$0x4], $0x40, s30, s17, $0xb8;
	[tilespmem:$0x1EA00] =	vst v63  }
0x70: {  	_ =	swait.ge [sflag:s12], $0x1F40  }
0x71: {  	[sflag:s12] =	ssyncset.done $0x0  }
0x72: {  	[sflag:s12] =	ssyncadd.s32 $0xFFFFE0C0  }
0x73: {  	_ =	swait.ge [sflag:s12], $0x1F40  }
0x74: {  	[sflag:s12] =	ssyncset.done $0x0  }
0x75: {  	[sflag:s12] =	ssyncadd.s32 $0xFFFFE0C0  }
0x76: {  	_ =	swait.ge [sflag:s12], $0x1F40  }
.Ltmp2:
0x77: {  	[sflag:s12] =	ssyncset.done $0x0;
	(pc) =	sbr.rel @p0 .LBB2_4-.Ltmp2, $4  }
0x78: {  	[sflag:s12] =	ssyncadd.s32 $0xFFFFE0C0  }
0x79: {  	_ =	swait.ge [sflag:s12], $0x1F40  }
0x7a: {  	[sflag:s12] =	ssyncset.done $0x0  }
0x7b: {  	[sflag:s12] =	ssyncadd.s32 $0xFFFFE0C0  }
0x7c: {  	s1 =	sadd.s32 $0x600, s25  }
0x7d: {  	[tilespmem:s26], [sflag:$0x2] =	stream.indirect.gather [hbm4b:s4+s17], $0x40, s1, s17, $0xb8;
	[tilespmem:$0x1EA00] =	vst v63  }
0x7e: {  	s5 =	sadd.s32 $0x680, s25  }
0x7f: {  	[tilespmem:s29], [sflag:$0x2] =	stream.indirect.gather [hbm4b:s4+s17], $0x40, s5, s17, $0xb8;
	[tilespmem:$0x1EA00] =	vst v63  }
.Ltmp3:
0x80: {  	_ = 	snop;
	(pc) =	sbr.rel .LBB2_2-.Ltmp3, $4  }
0x81: {  	s28 =	sadd.s32 $0x700, s25  }
0x82: {  	[tilespmem:s31], [sflag:$0x2] =	stream.indirect.gather [hbm4b:s4+s17], $0x40, s28, s17, $0xb8;
	[tilespmem:$0x1EA00] =	vst v63  }
0x83: {  	s30 =	sadd.s32 $0x780, s25;
	s23 =	sadd.s32 $0x1000, s23  }
0x84: {  	[tilespmem:s0], [sflag:$0x2] =	stream.indirect.gather [hbm4b:s4+s17], $0x40, s30, s17, $0xb8;
	[tilespmem:$0x1EA00] =	vst v63  }
.LBB2_5:
0x85: {  	_ =	sfence.sel $0x180000  }
0x86: {  	[bflag:$0x0] =	sbarrier.arrive $0xFFFF  }
0x87: {  	_ =	strace $0x9000004D  }
0x88: {  	s0 =	stileid.u32;
	[bflag:$0x2] =	sbarrier.arrive $0xFFFF  }
0x89: {  	p0 =	sne.s32 s0, $0x0;
	s0 =	rddreg [dreg:$0x2]  }
0x8a: {  	s0 =	sadd.s32 @!p0 $0x100000, s0  }
0x8b: {  	[sflag:s0] =	ssyncadd.tile.s32 @!p0 $0x1;
	_ =	shalt  }
.Lfunc_end2:
_tile_overlayer_lowered:
.L_overlay_start_2:
0x8c: {  	(tag) =	ssettag $0x2  }
0x8d: {  	s0 =	rddreg [dreg:$0x0];
	s2 =	stileid.u32  }
0x8e: {  	s1 =	rddreg [dreg:$0x1];
	p0 =	sne.s32 s2, $0x0  }
0x8f: {  	s3 =	rddreg [dreg:$0x2];
	[bflag:$0x3] =	sbarrier.arrive $0xFFFF;
	s2 =	simm.s32 @!p0 $0x1C05  }
0x90: {  	[timem:s3], [sflag:s2] =	dma.local @!p0 [hbm:s0], s1  }
0x91: {  	s0 =	simm.s32 @!p0 $0x5  }
0x92: {  	_ =	swait.ge @!p0 [sflag:s0], s1  }
0x93: {  	s1 =	ssub.s32 @!p0 $0x0, s1;
	[sflag:s0] =	ssyncset.done @!p0 $0x0  }
0x94: {  	[sflag:s0] =	ssyncadd.s32 @!p0 s1  }
0x95: {  	[bflag:$0x3] =	sbarrier.arrive $0xFFFF  }
0x96: {  	_ =	shalt  }

// kernel: _pipeline.19.cloned.1.call-start
scs
__scs_entry_jumppad:
0x0: {  	(pc) =	sbr.rel $0x88, $3  }
0x1: {  	(tag) =	ssettag $0x0;
	lr =	simm.s32 $0x1  }
0x2: {  	[smem:$0x3F99] =	sst lr;
	_ =	strace $0xD0000000  }
0x3: {  	_ = 	snop  }
0x4: {  	_ = 	snop  }
0x5: {  	_ = 	snop  }
0x6: {  	_ = 	snop  }
0x7: {  	_ = 	snop  }
__scs_overlays_trampoline_lowered:
0x8: {  	[smem:$0x3FA8] =	sst s0  }
0x9: {  	[smem:$0x3FA9] =	sst s1  }
0xa: {  	[smem:$0x3FAA] =	sst s2  }
0xb: {  	[smem:$0x3FAB] =	sst s3  }
0xc: {  	[smem:$0x3FAC] =	sst s4  }
0xd: {  	[smem:$0x3FAD] =	sst s5  }
0xe: {  	[smem:$0x3FAE] =	sst s6  }
0xf: {  	[smem:$0x3FAF] =	sst s7  }
0x10: {  	[smem:$0x3FB0] =	sst s8  }
0x11: {  	[smem:$0x3FB1] =	sst s9;
	s0 =	simm.s32 @!p0 $0x0  }
0x12: {  	s1 =	sld [smem:$0x3F97];
	s0 =	simm.s32 @p0 $0x1  }
0x13: {  	[smem:$0x3FB2] =	sst s0;
	s0 =	simm.s32 @!p1 $0x0  }
0x14: {  	s2 =	sld [smem:$0x3F96];
	s0 =	simm.s32 @p1 $0x1  }
0x15: {  	[smem:$0x3FB3] =	sst s0;
	s0 =	simm.s32 @!p2 $0x0  }
0x16: {  	s3 =	sld [smem:$0x3FDB];
	s0 =	simm.s32 @p2 $0x1  }
0x17: {  	s4 =	simm.s32 $0x1BF5;
	[smem:$0x3FB5] =	sst s0  }
0x18: {  	s0 =	sld [smem:$0x3F98];
	_ =	swait.ge [sflag:s4], $0x0  }
0x19: {  	s7 =	sld [smem:$0x3F99]  }
0x1a: {  	s8 =	sadd.s32 $0xFFFFE003, lr  }
0x1b: {  	s9 =	sadd.s32 $0xFFFFFEF7, lr;
	s5 =	simm.s32 $0xFFFFFFFF;
	p2 =	slt.u32 s8, $0xFFFFF086  }
0x1c: {  	p1 =	slt.u32 s9, $0xF7A;
	s5 =	simm.s32 @!p2 $0x0  }
0x1d: {  	s5 =	simm.s32 @p1 $0x1;
	p0 =	seq.s32 s7, s2  }
0x1e: {  	s7 =	smul.u32 @!p0 $0xF7A, s2;
	p2 =	seq.s32 @!p0 s5, $0x0  }
0x1f: {  	s9 =	smul.u32 $0xF7A, s1;
	s8 =	simm.s32 @!p0 $0x1BF5;
	p2 =	por !p2, p0  }
0x20: {  	[sflag:s8] =	ssyncset.s32 @!p0 $0xFFFFF086;
	s6 =	sadd.s32 @!p0 s3, s7;
	s7 =	simm.s32 @!p0 $0x108  }
0x21: {  	s3 =	sadd.s32 s3, s9;
	s6 =	sadd.s32 @!p0 $0x88, s6;
	s7 =	simm.s32 @p2 $0x1082  }
0x22: {  	[simem:s7], [sflag:s8] =	dma.local @!p0 [hbm:s6], $0xF7A  }
0x23: {  	s9 =	sor.u32 $0xD0000000, s2;
	s6 =	simm.s32 $0x108;
	_ =	swait.ge @!p0 [sflag:s8], $0x0  }
0x24: {  	s3 =	sadd.s32 $0x88, s3;
	s6 =	simm.s32 @!p1 $0x1082;
	[sflag:s4] =	ssyncset.s32 $0xFFFFF086  }
0x25: {  	[simem:s6], [sflag:s4] =	dma.local [hbm:s3], $0xF7A  }
0x26: {  	[smem:$0x3F99] =	sst s1;
	(tag) =	ssettag s2;
	_ =	strace s9  }
0x27: {  	s1 =	sld [smem:$0x3FA9]  }
0x28: {  	s2 =	sld [smem:$0x3FAA]  }
0x29: {  	s4 =	sld [smem:$0x3FAC]  }
0x2a: {  	p0 =	seq.s32 s5, $0x0;
	s5 =	sld [smem:$0x3FAD]  }
0x2b: {  	s6 =	sld [smem:$0x3FAE]  }
0x2c: {  	s7 =	sld [smem:$0x3FAF]  }
0x2d: {  	s3 =	simm.s32 $0x108;
	s8 =	sld [smem:$0x3FB0]  }
0x2e: {  	s3 =	simm.s32 @!p0 $0x1082;
	s9 =	sld [smem:$0x3FB1]  }
0x2f: {  	lr =	sadd.s32 s0, s3;
	s0 =	sld [smem:$0x3FA8]  }
0x30: {  	s3 =	sld [smem:$0x3FAB]  }
0x31: {  	[smem:$0x3FB4] =	sst s10  }
0x32: {  	s10 =	sld [smem:$0x3FB2];
	_ =	sdelay $0x3  }
0x33: {  	p0 =	seq.s32 s10, $0x1;
	s10 =	sld [smem:$0x3FB4];
	_ =	sdelay $0x3  }
0x34: {  	[smem:$0x3FB4] =	sst s10  }
0x35: {  	s10 =	sld [smem:$0x3FB3];
	_ =	sdelay $0x3  }
0x36: {  	p1 =	seq.s32 s10, $0x1;
	s10 =	sld [smem:$0x3FB4];
	_ =	sdelay $0x3  }
0x37: {  	[smem:$0x3FB4] =	sst s10  }
0x38: {  	s10 =	sld [smem:$0x3FB5]  }
0x39: {  	_ = 	snop;
	(pc) =	sbr.ind lr, $3  }
0x3a: {  	_ = 	snop  }
0x3b: {  	_ = 	snop  }
0x3c: {  	p2 =	seq.s32 s10, $0x1;
	s10 =	sld [smem:$0x3FB4]  }
0x3d: {  	_ =	shalt  }
0x3e: {  	_ =	shalt  }
0x3f: {  	_ =	shalt  }
0x40: {  	_ =	shalt  }
0x41: {  	_ =	shalt  }
0x42: {  	_ =	shalt  }
0x43: {  	_ =	shalt  }
0x44: {  	_ =	shalt  }
0x45: {  	_ =	shalt  }
0x46: {  	_ =	shalt  }
0x47: {  	_ =	shalt  }
0x48: {  	_ =	shalt  }
0x49: {  	_ =	shalt  }
0x4a: {  	_ =	shalt  }
0x4b: {  	_ =	shalt  }
0x4c: {  	_ =	shalt  }
0x4d: {  	_ =	shalt  }
0x4e: {  	_ =	shalt  }
0x4f: {  	_ =	shalt  }
0x50: {  	_ =	shalt  }
0x51: {  	_ =	shalt  }
0x52: {  	_ =	shalt  }
0x53: {  	_ =	shalt  }
0x54: {  	_ =	shalt  }
0x55: {  	_ =	shalt  }
0x56: {  	_ =	shalt  }
0x57: {  	_ =	shalt  }
0x58: {  	_ =	shalt  }
0x59: {  	_ =	shalt  }
0x5a: {  	_ =	shalt  }
0x5b: {  	_ =	shalt  }
0x5c: {  	_ =	shalt  }
0x5d: {  	_ =	shalt  }
0x5e: {  	_ =	shalt  }
0x5f: {  	_ =	shalt  }
0x60: {  	_ =	shalt  }
0x61: {  	_ =	shalt  }
0x62: {  	_ =	shalt  }
0x63: {  	_ =	shalt  }
0x64: {  	_ =	shalt  }
0x65: {  	_ =	shalt  }
0x66: {  	_ =	shalt  }
0x67: {  	_ =	shalt  }
0x68: {  	_ =	shalt  }
0x69: {  	_ =	shalt  }
0x6a: {  	_ =	shalt  }
0x6b: {  	_ =	shalt  }
0x6c: {  	_ =	shalt  }
0x6d: {  	_ =	shalt  }
0x6e: {  	_ =	shalt  }
0x6f: {  	_ =	shalt  }
0x70: {  	_ =	shalt  }
0x71: {  	_ =	shalt  }
0x72: {  	_ =	shalt  }
0x73: {  	_ =	shalt  }
0x74: {  	_ =	shalt  }
0x75: {  	_ =	shalt  }
0x76: {  	_ =	shalt  }
0x77: {  	_ =	shalt  }
0x78: {  	_ =	shalt  }
0x79: {  	_ =	shalt  }
0x7a: {  	_ =	shalt  }
0x7b: {  	_ =	shalt  }
0x7c: {  	_ =	shalt  }
0x7d: {  	_ =	shalt  }
0x7e: {  	_ =	shalt  }
0x7f: {  	_ =	shalt  }
0x80: {  	_ =	shalt  }
0x81: {  	_ =	shalt  }
0x82: {  	_ =	shalt  }
0x83: {  	_ =	shalt  }
0x84: {  	_ =	shalt  }
0x85: {  	_ =	shalt  }
0x86: {  	_ =	shalt  }
0x87: {  	_ =	shalt  }
.Lfunc_end0:
.L_simem_size_0:
called_computation.2_lowered:
.L_overlay_start_0:
0x88: {  	s2 =	sld [smem:$0x3FD9]  }
0x89: {  	s3 =	sld [smem:$0x3FFE];
	_ =	sdelay $0x1  }
0x8a: {  	s1 =	srdreg.scid  }
0x8b: {  	s0 =	sand.u32 $0x1, s1  }
0x8c: {  	s16 =	sshll.u32 s0, $0xA;
	s2 =	sadd.s32 s3, s2  }
0x8d: {  	s2 =	sadd.s32 s2, s16  }
0x8e: {  	[smem:$0x3FC0] =	sst s2  }
0x8f: {  	_ = 	snop  }
0x90: {  	(tm) =	ssettm $0x1  }
0x91: {  	s17 =	sld [smem:$0x3FFB];
	_ =	sdelay $0x3  }
0x92: {  	_ =	strace s17  }
0x93: {  	s2 =	sld [smem:$0x3FFC];
	_ =	sdelay $0x3  }
0x94: {  	_ =	strace s2  }
0x95: {  	s2 =	sld [smem:$0x3FFD];
	_ =	sdelay $0x3  }
0x96: {  	_ =	strace s2  }
0x97: {  	_ =	strace $0x8FFFFFFF  }
0x98: {  	s18 =	sld [smem:$0x3FDB];
	_ =	sdelay $0x1  }
0x99: {  	s19 =	simm.s32 $_scs_section_size  }
0x9a: {  	s4 =	simm.s32 $_size__tile_overlayer_lowered;
	s5 =	simm.s32 $_tile_overlayer_lowered  }
0x9b: {  	s22 =	simm.s32 $0x1BFF;
	s21 =	sshll.u32 s5, $0x1;
	s2 =	sadd.s32 s19, s18  }
0x9c: {  	s6 =	simm.s32 $0x0;
	s20 =	sshll.u32 s4, $0x1;
	s4 =	sadd.s32 s21, s2  }
0x9d: {  	[timem:s6], [sflag:s22] =	dma.local [hbm:s4], s20  }
0x9e: {  	_ =	swait.ge [sflag:s22], s20  }
0x9f: {  	s3 =	ssub.s32 $0x0, s20;
	[sflag:s22] =	ssyncset.done $0x0  }
0xa0: {  	[sflag:s22] =	ssyncadd.s32 s3;
	_ =	sdelay $0x1  }
0xa1: {  	s23 =	simm.s32 $0x1B8B  }
0xa2: {  	_ =	swait.ge [sflag:s23], $0x1  }
0xa3: {  	[sflag:s23] =	ssyncset.done $0x0  }
0xa4: {  	s25 =	simm.s32 $0x1B8E;
	s24 =	sld [smem:$0x3FFE];
	[sflag:s23] =	ssyncadd.s32 $0xFFFFFFFF  }
0xa5: {  	s26 =	simm.s32 $execute0_lowered;
	[smem:$0x3FD2] =	sst s25  }
0xa6: {  	s4 =	sshll.u32 s26, $0x1;
	_ =	strace $0x80000049;
	[dreg:$0x1] =	wrdreg $0xFFFFFFFF  }
0xa7: {  	s28 =	simm.s32 $_size_execute0_lowered;
	s2 =	sadd.s32 s2, s4;
	[dreg:$0x0] =	wrdreg $0x0  }
0xa8: {  	s4 =	sshll.u32 s28, $0x1;
	[dreg:$0x2] =	wrdreg s2  }
0xa9: {  	[dreg:$0x3] =	wrdreg s4  }
0xaa: {  	[dreg:$0x4] =	wrdreg $0xC0  }
0xab: {  	_ =	task [dreg:s6], $0x5FFFF  }
0xac: {  	[dreg:$0x1] =	wrdreg $0xFFFFFFFF  }
0xad: {  	[dreg:$0x0] =	wrdreg $0x60  }
0xae: {  	[dreg:$0x2] =	wrdreg s24  }
0xaf: {  	[dreg:$0x3] =	wrdreg $0x14A000  }
0xb0: {  	[dreg:$0x4] =	wrdreg $0xA  }
0xb1: {  	_ =	task.clear_ibuf [dreg:s6], $0x5FFFF;
	_ =	strace $0x90000049  }
0xb2: {  	s29 =	simm.s32 $0xA;
	_ =	strace $0x8000004B  }
0xb3: {  	_ =	swait.ge [sflag:s29], $0x1  }
0xb4: {  	[sflag:s29] =	ssyncadd.s32 $0xFFFFFFFF  }
0xb5: {  	_ =	strace $0x9000004B  }
0xb6: {  	_ =	sfence  }
0xb7: {  	s30 =	sld [smem:$0x0];
	_ =	sdelay $0x2  }
0xb8: {  	s31 =	sshll.u32 s1, $0xD;
	s1 =	sshrl.u32 s1, $0x2  }
0xb9: {  	s3 =	sand.u32 $0x4000, s31;
	s1 =	sadd.s32 s1, s30  }
0xba: {  	s0 =	sor.u32 s3, s0;
	s1 =	sshll.u32 s1, $0x11  }
0xbb: {  	s0 =	sor.u32 s1, s0  }
0xbc: {  	s0 =	sadd.s32 $0x8F2B, s0  }
0xbd: {  	[sflag:s0] =	ssyncadd.remote.s32 $0x1  }
0xbe: {  	_ =	sfence.sel $0xFFFF  }
0xbf: {  	[dreg:$0x0] =	wrdreg $0xFFFFFFFF;
	(pc) =	sbr.abs _section_cstart, $3  }
0xc0: {  	[dreg:$0x1] =	wrdreg $0xFFFFFFFF  }
0xc1: {  	_ =	task.clear_ibuf [dreg:s6], $0x2FFFF;
	_ =	strace $0x9FFFFFFF  }
0xc2: {  	(tm) =	ssettm $0x7FFFFFFF  }
0xc3: {  	_ =	shalt  }
tec
execute0_lowered:
.L_overlay_start_1:
0x0: {  	(tag) =	ssettag $0x1  }
0x1: {  	s0 =	srdreg.scid;
	s5 =	rddreg [dreg:$0x0]  }
0x2: {  	s9 =	stileid.u32;
	s2 =	rddreg [dreg:$0x1];
	s3 =	simm.s32 $0x0  }
0x3: {  	s14 =	simm.s32 $0x1;
	s15 =	simm.s32 $0x2;
	s16 =	simm.s32 $0x3  }
0x4: {  	s17 =	simm.s32 $0x7D;
	s18 =	simm.s32 $0x5000;
	s20 =	simm.s32 $0x6F40  }
0x5: {  	s22 =	simm.s32 $0x8E80;
	s24 =	simm.s32 $0xADC0;
	s29 =	simm.s32 $0xEC40  }
0x6: {  	s31 =	simm.s32 $0x10B80;
	s12 =	simm.s32 $0x4;
	s19 =	simm.s32 $0x5  }
0x7: {  	s21 =	simm.s32 $0x0;
	s0 =	sand.u32 $0x1, s0;
	s1 =	sshll.u32 s9, $0x1  }
0x8: {  	s7 =	smul.u32 $0xA000, s9;
	[smem:$0x7FF] =	sst s3;
	s4 =	sadd.s32 $0x17000, s5  }
0x9: {  	s1 =	sor.u32 s0, s1;
	s6 =	smul.u32 $0xA0000, s0;
	_ =	strace $0x8000004A  }
0xa: {  	s0 =	ssub.s32 $0x2, s0;
	s1 =	smul.u32 $0x2800, s1;
	s8 =	sshrl.u32 s7, $0x3  }
0xb: {  	s26 =	sshrl.u32 s0, $0x1;
	s30 =	sadd.s32 s7, s2;
	s6 =	sadd.s32 s7, s6  }
0xc: {  	s8 =	sadd.s32 s8, s5;
	s0 =	ssub.s32 s0, s26;
	s13 =	sshrl.u32 s30, $0x3  }
.Ltmp0:
0xd: {  	s26 =	simm.s32 $0xCD00;
	s1 =	sshrl.u32 s1, $0x3;
	(pc) =	sbr.rel .LBB2_1-.Ltmp0, $4  }
0xe: {  	s6 =	sshrl.u32 s6, $0x3;
	s7 =	sadd.s32 $0x2B000, s8;
	s8 =	sshll.u32 s9, $0x6  }
0xf: {  	s11 =	smax.u32 s0, $0x1;
	s0 =	simm.s32 $0x12AC0;
	s1 =	sadd.s32 s1, s5  }
0x10: {  	s10 =	sadd.s32 s6, s5;
	s9 =	sor.u32 $0x1C03, s8;
	s28 =	sadd.s32 $0x3000, s1  }
0x11: {  	s6 =	sadd.s32 $0xD000, s1;
	s10 =	sadd.s32 $0x3F000, s10;
	[dreg:$0x3] =	wrdreg s28  }
.LBB2_4:
0x12: {  	s21 =	sadd.s32 $0x1, s21  }
0x13: {  	p0 =	sne.s32 s21, s11  }
.Ltmp1:
0x14: {  	[bflag:$0x0] =	sbarrier.arrive $0xFFFF;
	s1 =	sor.u32 $0x1C05, s8;
	(pc) =	sbr.rel @!p0 .LBB2_5-.Ltmp1, $4  }
0x15: {  	[hbm:s10], [sflag:s1] =	dma.local [spmem:s13], $0x1400  }
0x16: {  	_ =	swait.ge [sflag:s19], $0x1400  }
0x17: {  	[sflag:s19] =	ssyncset.done $0x0  }
0x18: {  	[sflag:s19] =	ssyncadd.s32 $0xFFFFEC00  }
.LBB2_1:
0x19: {  	s1 =	rddreg [dreg:$0x3]  }
0x1a: {  	[tilespmem:s3], [sflag:$0x1] =	stream.linear.gather [hbm4b:s1+s3], $0x2800, $0x38;
	[tilespmem:$0x1EA00] =	vst v63  }
0x1b: {  	s25 =	simm.s32 $0x2800  }
0x1c: {  	[tilespmem:s25], [sflag:$0x2] =	stream.linear.gather [hbm4b:s6+s3], $0x2800, $0x38;
	[tilespmem:$0x1EA00] =	vst v63  }
0x1d: {  	[spmem:s13], [sflag:s9] =	dma.local [hbm:s7], $0x1400  }
0x1e: {  	_ =	swait.ge [sflag:s14], $0x2800  }
0x1f: {  	[sflag:s14] =	ssyncset.done $0x0  }
0x20: {  	[sflag:s14] =	ssyncadd.s32 $0xFFFFD800  }
0x21: {  	_ =	swait.ge [sflag:s15], $0x2800  }
0x22: {  	[sflag:s15] =	ssyncset.done $0x0  }
0x23: {  	[sflag:s15] =	ssyncadd.s32 $0xFFFFD800  }
0x24: {  	_ =	swait.ge [sflag:s16], $0x1400  }
0x25: {  	[sflag:s16] =	ssyncset.done $0x0  }
0x26: {  	[sflag:s16] =	ssyncadd.s32 $0xFFFFEC00  }
0x27: {  	[bflag:$0x0] =	sbarrier.arrive $0xFFFF  }
0x28: {  	[tilespmem:s18], [sflag:$0x1] =	stream.indirect.gather [hbm4b:s4+s17], $0x40, s3, s17, $0xb8;
	[tilespmem:$0x1EA00] =	vst v63  }
0x29: {  	s28 =	simm.s32 $0x80  }
0x2a: {  	[tilespmem:s20], [sflag:$0x1] =	stream.indirect.gather [hbm4b:s4+s17], $0x40, s28, s17, $0xb8;
	[tilespmem:$0x1EA00] =	vst v63  }
0x2b: {  	s30 =	simm.s32 $0x100  }
0x2c: {  	[tilespmem:s22], [sflag:$0x1] =	stream.indirect.gather [hbm4b:s4+s17], $0x40, s30, s17, $0xb8;
	[tilespmem:$0x1EA00] =	vst v63  }
0x2d: {  	s5 =	simm.s32 $0x180  }
0x2e: {  	[tilespmem:s24], [sflag:$0x1] =	stream.indirect.gather [hbm4b:s4+s17], $0x40, s5, s17, $0xb8;
	[tilespmem:$0x1EA00] =	vst v63  }
0x2f: {  	s23 =	simm.s32 $0x200  }
0x30: {  	[tilespmem:s26], [sflag:$0x2] =	stream.indirect.gather [hbm4b:s4+s17], $0x40, s23, s17, $0xb8;
	[tilespmem:$0x1EA00] =	vst v63  }
0x31: {  	s25 =	simm.s32 $0x280  }
0x32: {  	[tilespmem:s29], [sflag:$0x2] =	stream.indirect.gather [hbm4b:s4+s17], $0x40, s25, s17, $0xb8;
	[tilespmem:$0x1EA00] =	vst v63  }
0x33: {  	s28 =	simm.s32 $0x300  }
0x34: {  	[tilespmem:s31], [sflag:$0x2] =	stream.indirect.gather [hbm4b:s4+s17], $0x40, s28, s17, $0xb8;
	[tilespmem:$0x1EA00] =	vst v63  }
0x35: {  	s30 =	simm.s32 $0x380;
	s23 =	simm.s32 $0x0  }
0x36: {  	[tilespmem:s0], [sflag:$0x2] =	stream.indirect.gather [hbm4b:s4+s17], $0x40, s30, s17, $0xb8;
	[tilespmem:$0x1EA00] =	vst v63  }
.LBB2_2:
0x37: {  	_ =	swait.ge [sflag:s14], $0x1F40  }
0x38: {  	[sflag:s14] =	ssyncset.done $0x0  }
0x39: {  	[sflag:s14] =	ssyncadd.s32 $0xFFFFE0C0  }
0x3a: {  	_ =	swait.ge [sflag:s14], $0x1F40  }
0x3b: {  	[sflag:s14] =	ssyncset.done $0x0  }
0x3c: {  	[sflag:s14] =	ssyncadd.s32 $0xFFFFE0C0  }
0x3d: {  	_ =	swait.ge [sflag:s14], $0x1F40  }
0x3e: {  	[sflag:s14] =	ssyncset.done $0x0  }
0x3f: {  	[sflag:s14] =	ssyncadd.s32 $0xFFFFE0C0  }
0x40: {  	_ =	swait.ge [sflag:s14], $0x1F40  }
0x41: {  	s25 =	sshra.s32 s23, $0x2;
	[sflag:s14] =	ssyncset.done $0x0  }
0x42: {  	s28 =	sadd.s32 $0x2800, s25;
	[sflag:s14] =	ssyncadd.s32 $0xFFFFE0C0  }
0x43: {  	[spmem:s2] =	stream.indirect.scatter.add.f32 [tilespmem:s18], [sflag:$0x3], $0x40, s28, s17, $0xb8;
	[tilespmem:$0x1EA00] =	vst v63  }
0x44: {  	s30 =	sadd.s32 $0x2880, s25  }
0x45: {  	[spmem:s2] =	stream.indirect.scatter.add.f32 [tilespmem:s20], [sflag:$0x3], $0x40, s30, s17, $0xb8;
	[tilespmem:$0x1EA00] =	vst v63  }
0x46: {  	s1 =	sadd.s32 $0x2900, s25  }
0x47: {  	[spmem:s2] =	stream.indirect.scatter.add.f32 [tilespmem:s22], [sflag:$0x3], $0x40, s1, s17, $0xb8;
	[tilespmem:$0x1EA00] =	vst v63  }
0x48: {  	s5 =	sadd.s32 $0x2980, s25  }
0x49: {  	[spmem:s2] =	stream.indirect.scatter.add.f32 [tilespmem:s24], [sflag:$0x3], $0x40, s5, s17, $0xb8;
	[tilespmem:$0x1EA00] =	vst v63  }
0x4a: {  	_ =	swait.ge [sflag:s16], $0x1F40  }
0x4b: {  	[sflag:s16] =	ssyncset.done $0x0  }
0x4c: {  	[sflag:s16] =	ssyncadd.s32 $0xFFFFE0C0  }
0x4d: {  	_ =	swait.ge [sflag:s16], $0x1F40  }
0x4e: {  	[sflag:s16] =	ssyncset.done $0x0  }
0x4f: {  	[sflag:s16] =	ssyncadd.s32 $0xFFFFE0C0  }
0x50: {  	_ =	swait.ge [sflag:s16], $0x1F40  }
0x51: {  	[sflag:s16] =	ssyncset.done $0x0  }
0x52: {  	p0 =	seq.s32 s23, $0x9000;
	[sflag:s16] =	ssyncadd.s32 $0xFFFFE0C0  }
0x53: {  	s28 =	sshra.s32 @!p0 s23, $0x2;
	_ =	swait.ge [sflag:s16], $0x1F40  }
0x54: {  	s30 =	sadd.s32 @!p0 $0x400, s28;
	[sflag:s16] =	ssyncset.done $0x0  }
0x55: {  	s1 =	simm.s32 @!p0 $0x7D;
	s5 =	simm.s32 @!p0 $0x5000;
	[sflag:s16] =	ssyncadd.s32 $0xFFFFE0C0  }
0x56: {  	[tilespmem:s5], [sflag:$0x1] =	stream.indirect.gather @!p0 [hbm4b:s4+s1], $0x40, s30, s1, $0xb8;
	[tilespmem:$0x1EA00] =	vst v63  }
0x57: {  	s5 =	sadd.s32 @!p0 $0x480, s28;
	s30 =	simm.s32 @!p0 $0x6F40  }
0x58: {  	[tilespmem:s30], [sflag:$0x1] =	stream.indirect.gather @!p0 [hbm4b:s4+s1], $0x40, s5, s1, $0xb8;
	[tilespmem:$0x1EA00] =	vst v63  }
0x59: {  	s5 =	sadd.s32 @!p0 $0x500, s28;
	s30 =	simm.s32 @!p0 $0x8E80  }
0x5a: {  	[tilespmem:s30], [sflag:$0x1] =	stream.indirect.gather @!p0 [hbm4b:s4+s1], $0x40, s5, s1, $0xb8;
	[tilespmem:$0x1EA00] =	vst v63  }
0x5b: {  	s5 =	sadd.s32 @!p0 $0x580, s28;
	s28 =	simm.s32 @!p0 $0xADC0  }
0x5c: {  	[tilespmem:s28], [sflag:$0x1] =	stream.indirect.gather @!p0 [hbm4b:s4+s1], $0x40, s5, s1, $0xb8;
	[tilespmem:$0x1EA00] =	vst v63  }
0x5d: {  	_ =	swait.ge [sflag:s15], $0x1F40  }
0x5e: {  	[sflag:s15] =	ssyncset.done $0x0  }
0x5f: {  	[sflag:s15] =	ssyncadd.s32 $0xFFFFE0C0  }
0x60: {  	_ =	swait.ge [sflag:s15], $0x1F40  }
0x61: {  	[sflag:s15] =	ssyncset.done $0x0  }
0x62: {  	[sflag:s15] =	ssyncadd.s32 $0xFFFFE0C0  }
0x63: {  	_ =	swait.ge [sflag:s15], $0x1F40  }
0x64: {  	[sflag:s15] =	ssyncset.done $0x0  }
0x65: {  	[sflag:s15] =	ssyncadd.s32 $0xFFFFE0C0  }
0x66: {  	_ =	swait.ge [sflag:s15], $0x1F40  }
0x67: {  	[sflag:s15] =	ssyncset.done $0x0  }
0x68: {  	s30 =	sadd.s32 $0x2A00, s25;
	[sflag:s15] =	ssyncadd.s32 $0xFFFFE0C0  }
0x69: {  	[spmem:s2] =	stream.indirect.scatter.add.f32 [tilespmem:s26], [sflag:$0x4], $0x40, s30, s17, $0xb8;
	[tilespmem:$0x1EA00] =	vst v63  }
0x6a: {  	s5 =	sadd.s32 $0x2A80, s25  }
0x6b: {  	[spmem:s2] =	stream.indirect.scatter.add.f32 [tilespmem:s29], [sflag:$0x4], $0x40, s5, s17, $0xb8;
	[tilespmem:$0x1EA00] =	vst v63  }
0x6c: {  	s28 =	sadd.s32 $0x2B00, s25  }
0x6d: {  	[spmem:s2] =	stream.indirect.scatter.add.f32 [tilespmem:s31], [sflag:$0x4], $0x40, s28, s17, $0xb8;
	[tilespmem:$0x1EA00] =	vst v63  }
0x6e: {  	s30 =	sadd.s32 $0x2B80, s25  }
0x6f: {  	[spmem:s2] =	stream.indirect.scatter.add.f32 [tilespmem:s0], [sflag:$0x4], $0x40, s30, s17, $0xb8;
	[tilespmem:$0x1EA00] =	vst v63  }
0x70: {  	_ =	swait.ge [sflag:s12], $0x1F40  }
0x71: {  	[sflag:s12] =	ssyncset.done $0x0  }
0x72: {  	[sflag:s12] =	ssyncadd.s32 $0xFFFFE0C0  }
0x73: {  	_ =	swait.ge [sflag:s12], $0x1F40  }
0x74: {  	[sflag:s12] =	ssyncset.done $0x0  }
0x75: {  	[sflag:s12] =	ssyncadd.s32 $0xFFFFE0C0  }
0x76: {  	_ =	swait.ge [sflag:s12], $0x1F40  }
.Ltmp2:
0x77: {  	[sflag:s12] =	ssyncset.done $0x0;
	(pc) =	sbr.rel @p0 .LBB2_4-.Ltmp2, $4  }
0x78: {  	[sflag:s12] =	ssyncadd.s32 $0xFFFFE0C0  }
0x79: {  	_ =	swait.ge [sflag:s12], $0x1F40  }
0x7a: {  	[sflag:s12] =	ssyncset.done $0x0  }
0x7b: {  	[sflag:s12] =	ssyncadd.s32 $0xFFFFE0C0  }
0x7c: {  	s1 =	sadd.s32 $0x600, s25  }
0x7d: {  	[tilespmem:s26], [sflag:$0x2] =	stream.indirect.gather [hbm4b:s4+s17], $0x40, s1, s17, $0xb8;
	[tilespmem:$0x1EA00] =	vst v63  }
0x7e: {  	s5 =	sadd.s32 $0x680, s25  }
0x7f: {  	[tilespmem:s29], [sflag:$0x2] =	stream.indirect.gather [hbm4b:s4+s17], $0x40, s5, s17, $0xb8;
	[tilespmem:$0x1EA00] =	vst v63  }
.Ltmp3:
0x80: {  	_ = 	snop;
	(pc) =	sbr.rel .LBB2_2-.Ltmp3, $4  }
0x81: {  	s28 =	sadd.s32 $0x700, s25  }
0x82: {  	[tilespmem:s31], [sflag:$0x2] =	stream.indirect.gather [hbm4b:s4+s17], $0x40, s28, s17, $0xb8;
	[tilespmem:$0x1EA00] =	vst v63  }
0x83: {  	s30 =	sadd.s32 $0x780, s25;
	s23 =	sadd.s32 $0x1000, s23  }
0x84: {  	[tilespmem:s0], [sflag:$0x2] =	stream.indirect.gather [hbm4b:s4+s17], $0x40, s30, s17, $0xb8;
	[tilespmem:$0x1EA00] =	vst v63  }
.LBB2_5:
0x85: {  	_ =	sfence.sel $0x180000  }
0x86: {  	[bflag:$0x0] =	sbarrier.arrive $0xFFFF  }
0x87: {  	_ =	strace $0x9000004A  }
0x88: {  	s0 =	stileid.u32;
	[bflag:$0x2] =	sbarrier.arrive $0xFFFF  }
0x89: {  	p0 =	sne.s32 s0, $0x0;
	s0 =	rddreg [dreg:$0x2]  }
0x8a: {  	s0 =	sadd.s32 @!p0 $0x100000, s0  }
0x8b: {  	[sflag:s0] =	ssyncadd.tile.s32 @!p0 $0x1;
	_ =	shalt  }
.Lfunc_end2:
_tile_overlayer_lowered:
.L_overlay_start_2:
0x8c: {  	(tag) =	ssettag $0x2  }
0x8d: {  	s0 =	rddreg [dreg:$0x0];
	s2 =	stileid.u32  }
0x8e: {  	s1 =	rddreg [dreg:$0x1];
	p0 =	sne.s32 s2, $0x0  }
0x8f: {  	s3 =	rddreg [dreg:$0x2];
	[bflag:$0x3] =	sbarrier.arrive $0xFFFF;
	s2 =	simm.s32 @!p0 $0x1C05  }
0x90: {  	[timem:s3], [sflag:s2] =	dma.local @!p0 [hbm:s0], s1  }
0x91: {  	s0 =	simm.s32 @!p0 $0x5  }
0x92: {  	_ =	swait.ge @!p0 [sflag:s0], s1  }
0x93: {  	s1 =	ssub.s32 @!p0 $0x0, s1;
	[sflag:s0] =	ssyncset.done @!p0 $0x0  }
0x94: {  	[sflag:s0] =	ssyncadd.s32 @!p0 s1  }
0x95: {  	[bflag:$0x3] =	sbarrier.arrive $0xFFFF  }
0x96: {  	_ =	shalt  }

// kernel: _pipeline.22.cloned.1.call-start
scs
__scs_entry_jumppad:
0x0: {  	(pc) =	sbr.rel $0x88, $3  }
0x1: {  	(tag) =	ssettag $0x0;
	lr =	simm.s32 $0x1  }
0x2: {  	[smem:$0x3F99] =	sst lr;
	_ =	strace $0xD0000000  }
0x3: {  	_ = 	snop  }
0x4: {  	_ = 	snop  }
0x5: {  	_ = 	snop  }
0x6: {  	_ = 	snop  }
0x7: {  	_ = 	snop  }
__scs_overlays_trampoline_lowered:
0x8: {  	[smem:$0x3FA8] =	sst s0  }
0x9: {  	[smem:$0x3FA9] =	sst s1  }
0xa: {  	[smem:$0x3FAA] =	sst s2  }
0xb: {  	[smem:$0x3FAB] =	sst s3  }
0xc: {  	[smem:$0x3FAC] =	sst s4  }
0xd: {  	[smem:$0x3FAD] =	sst s5  }
0xe: {  	[smem:$0x3FAE] =	sst s6  }
0xf: {  	[smem:$0x3FAF] =	sst s7  }
0x10: {  	[smem:$0x3FB0] =	sst s8  }
0x11: {  	[smem:$0x3FB1] =	sst s9;
	s0 =	simm.s32 @!p0 $0x0  }
0x12: {  	s1 =	sld [smem:$0x3F97];
	s0 =	simm.s32 @p0 $0x1  }
0x13: {  	[smem:$0x3FB2] =	sst s0;
	s0 =	simm.s32 @!p1 $0x0  }
0x14: {  	s2 =	sld [smem:$0x3F96];
	s0 =	simm.s32 @p1 $0x1  }
0x15: {  	[smem:$0x3FB3] =	sst s0;
	s0 =	simm.s32 @!p2 $0x0  }
0x16: {  	s3 =	sld [smem:$0x3FDB];
	s0 =	simm.s32 @p2 $0x1  }
0x17: {  	s4 =	simm.s32 $0x1BF5;
	[smem:$0x3FB5] =	sst s0  }
0x18: {  	s0 =	sld [smem:$0x3F98];
	_ =	swait.ge [sflag:s4], $0x0  }
0x19: {  	s7 =	sld [smem:$0x3F99]  }
0x1a: {  	s8 =	sadd.s32 $0xFFFFE003, lr  }
0x1b: {  	s9 =	sadd.s32 $0xFFFFFEF7, lr;
	s5 =	simm.s32 $0xFFFFFFFF;
	p2 =	slt.u32 s8, $0xFFFFF086  }
0x1c: {  	p1 =	slt.u32 s9, $0xF7A;
	s5 =	simm.s32 @!p2 $0x0  }
0x1d: {  	s5 =	simm.s32 @p1 $0x1;
	p0 =	seq.s32 s7, s2  }
0x1e: {  	s7 =	smul.u32 @!p0 $0xF7A, s2;
	p2 =	seq.s32 @!p0 s5, $0x0  }
0x1f: {  	s9 =	smul.u32 $0xF7A, s1;
	s8 =	simm.s32 @!p0 $0x1BF5;
	p2 =	por !p2, p0  }
0x20: {  	[sflag:s8] =	ssyncset.s32 @!p0 $0xFFFFF086;
	s6 =	sadd.s32 @!p0 s3, s7;
	s7 =	simm.s32 @!p0 $0x108  }
0x21: {  	s3 =	sadd.s32 s3, s9;
	s6 =	sadd.s32 @!p0 $0x88, s6;
	s7 =	simm.s32 @p2 $0x1082  }
0x22: {  	[simem:s7], [sflag:s8] =	dma.local @!p0 [hbm:s6], $0xF7A  }
0x23: {  	s9 =	sor.u32 $0xD0000000, s2;
	s6 =	simm.s32 $0x108;
	_ =	swait.ge @!p0 [sflag:s8], $0x0  }
0x24: {  	s3 =	sadd.s32 $0x88, s3;
	s6 =	simm.s32 @!p1 $0x1082;
	[sflag:s4] =	ssyncset.s32 $0xFFFFF086  }
0x25: {  	[simem:s6], [sflag:s4] =	dma.local [hbm:s3], $0xF7A  }
0x26: {  	[smem:$0x3F99] =	sst s1;
	(tag) =	ssettag s2;
	_ =	strace s9  }
0x27: {  	s1 =	sld [smem:$0x3FA9]  }
0x28: {  	s2 =	sld [smem:$0x3FAA]  }
0x29: {  	s4 =	sld [smem:$0x3FAC]  }
0x2a: {  	p0 =	seq.s32 s5, $0x0;
	s5 =	sld [smem:$0x3FAD]  }
0x2b: {  	s6 =	sld [smem:$0x3FAE]  }
0x2c: {  	s7 =	sld [smem:$0x3FAF]  }
0x2d: {  	s3 =	simm.s32 $0x108;
	s8 =	sld [smem:$0x3FB0]  }
0x2e: {  	s3 =	simm.s32 @!p0 $0x1082;
	s9 =	sld [smem:$0x3FB1]  }
0x2f: {  	lr =	sadd.s32 s0, s3;
	s0 =	sld [smem:$0x3FA8]  }
0x30: {  	s3 =	sld [smem:$0x3FAB]  }
0x31: {  	[smem:$0x3FB4] =	sst s10  }
0x32: {  	s10 =	sld [smem:$0x3FB2];
	_ =	sdelay $0x3  }
0x33: {  	p0 =	seq.s32 s10, $0x1;
	s10 =	sld [smem:$0x3FB4];
	_ =	sdelay $0x3  }
0x34: {  	[smem:$0x3FB4] =	sst s10  }
0x35: {  	s10 =	sld [smem:$0x3FB3];
	_ =	sdelay $0x3  }
0x36: {  	p1 =	seq.s32 s10, $0x1;
	s10 =	sld [smem:$0x3FB4];
	_ =	sdelay $0x3  }
0x37: {  	[smem:$0x3FB4] =	sst s10  }
0x38: {  	s10 =	sld [smem:$0x3FB5]  }
0x39: {  	_ = 	snop;
	(pc) =	sbr.ind lr, $3  }
0x3a: {  	_ = 	snop  }
0x3b: {  	_ = 	snop  }
0x3c: {  	p2 =	seq.s32 s10, $0x1;
	s10 =	sld [smem:$0x3FB4]  }
0x3d: {  	_ =	shalt  }
0x3e: {  	_ =	shalt  }
0x3f: {  	_ =	shalt  }
0x40: {  	_ =	shalt  }
0x41: {  	_ =	shalt  }
0x42: {  	_ =	shalt  }
0x43: {  	_ =	shalt  }
0x44: {  	_ =	shalt  }
0x45: {  	_ =	shalt  }
0x46: {  	_ =	shalt  }
0x47: {  	_ =	shalt  }
0x48: {  	_ =	shalt  }
0x49: {  	_ =	shalt  }
0x4a: {  	_ =	shalt  }
0x4b: {  	_ =	shalt  }
0x4c: {  	_ =	shalt  }
0x4d: {  	_ =	shalt  }
0x4e: {  	_ =	shalt  }
0x4f: {  	_ =	shalt  }
0x50: {  	_ =	shalt  }
0x51: {  	_ =	shalt  }
0x52: {  	_ =	shalt  }
0x53: {  	_ =	shalt  }
0x54: {  	_ =	shalt  }
0x55: {  	_ =	shalt  }
0x56: {  	_ =	shalt  }
0x57: {  	_ =	shalt  }
0x58: {  	_ =	shalt  }
0x59: {  	_ =	shalt  }
0x5a: {  	_ =	shalt  }
0x5b: {  	_ =	shalt  }
0x5c: {  	_ =	shalt  }
0x5d: {  	_ =	shalt  }
0x5e: {  	_ =	shalt  }
0x5f: {  	_ =	shalt  }
0x60: {  	_ =	shalt  }
0x61: {  	_ =	shalt  }
0x62: {  	_ =	shalt  }
0x63: {  	_ =	shalt  }
0x64: {  	_ =	shalt  }
0x65: {  	_ =	shalt  }
0x66: {  	_ =	shalt  }
0x67: {  	_ =	shalt  }
0x68: {  	_ =	shalt  }
0x69: {  	_ =	shalt  }
0x6a: {  	_ =	shalt  }
0x6b: {  	_ =	shalt  }
0x6c: {  	_ =	shalt  }
0x6d: {  	_ =	shalt  }
0x6e: {  	_ =	shalt  }
0x6f: {  	_ =	shalt  }
0x70: {  	_ =	shalt  }
0x71: {  	_ =	shalt  }
0x72: {  	_ =	shalt  }
0x73: {  	_ =	shalt  }
0x74: {  	_ =	shalt  }
0x75: {  	_ =	shalt  }
0x76: {  	_ =	shalt  }
0x77: {  	_ =	shalt  }
0x78: {  	_ =	shalt  }
0x79: {  	_ =	shalt  }
0x7a: {  	_ =	shalt  }
0x7b: {  	_ =	shalt  }
0x7c: {  	_ =	shalt  }
0x7d: {  	_ =	shalt  }
0x7e: {  	_ =	shalt  }
0x7f: {  	_ =	shalt  }
0x80: {  	_ =	shalt  }
0x81: {  	_ =	shalt  }
0x82: {  	_ =	shalt  }
0x83: {  	_ =	shalt  }
0x84: {  	_ =	shalt  }
0x85: {  	_ =	shalt  }
0x86: {  	_ =	shalt  }
0x87: {  	_ =	shalt  }
.Lfunc_end0:
.L_simem_size_0:
called_computation.3_lowered:
.L_overlay_start_0:
0x88: {  	s2 =	sld [smem:$0x3FD9]  }
0x89: {  	s3 =	sld [smem:$0x3FFE];
	_ =	sdelay $0x1  }
0x8a: {  	s1 =	srdreg.scid  }
0x8b: {  	s0 =	sand.u32 $0x1, s1  }
0x8c: {  	s17 =	sshll.u32 s0, $0xA;
	s2 =	sadd.s32 s3, s2  }
0x8d: {  	s2 =	sadd.s32 s2, s17  }
0x8e: {  	[smem:$0x3FC0] =	sst s2  }
0x8f: {  	_ = 	snop  }
0x90: {  	(tm) =	ssettm $0x1  }
0x91: {  	s18 =	sld [smem:$0x3FFB];
	_ =	sdelay $0x3  }
0x92: {  	_ =	strace s18  }
0x93: {  	s2 =	sld [smem:$0x3FFC];
	_ =	sdelay $0x3  }
0x94: {  	_ =	strace s2  }
0x95: {  	s2 =	sld [smem:$0x3FFD];
	_ =	sdelay $0x3  }
0x96: {  	_ =	strace s2  }
0x97: {  	_ =	strace $0x8FFFFFFF  }
0x98: {  	s19 =	sld [smem:$0x3FDB];
	_ =	sdelay $0x1  }
0x99: {  	s20 =	simm.s32 $_scs_section_size  }
0x9a: {  	s4 =	simm.s32 $_size__tile_overlayer_lowered;
	s5 =	simm.s32 $_tile_overlayer_lowered  }
0x9b: {  	s6 =	simm.s32 $0x1BFF;
	s21 =	sshll.u32 s5, $0x1;
	s3 =	sadd.s32 s20, s19  }
0x9c: {  	s22 =	simm.s32 $0x0;
	s4 =	sshll.u32 s4, $0x1;
	s5 =	sadd.s32 s21, s3  }
0x9d: {  	[timem:s22], [sflag:s6] =	dma.local [hbm:s5], s4  }
0x9e: {  	_ =	swait.ge [sflag:s6], s4  }
0x9f: {  	s4 =	ssub.s32 $0x0, s4;
	[sflag:s6] =	ssyncset.done $0x0  }
0xa0: {  	[sflag:s6] =	ssyncadd.s32 s4;
	_ =	sdelay $0x1  }
0xa1: {  	s23 =	simm.s32 $0x1B8B  }
0xa2: {  	_ =	swait.ge [sflag:s23], $0x1  }
0xa3: {  	[sflag:s23] =	ssyncset.done $0x0  }
0xa4: {  	[sflag:s23] =	ssyncadd.s32 $0xFFFFFFFF  }
0xa5: {  	s4 =	sld [smem:$0x0]  }
0xa6: {  	s5 =	sand.u32 $0xFFFFFFFE, s1  }
0xa7: {  	p0 =	sne.s32 s1, s5  }
0xa8: {  	s5 =	sshll.u32 @p0 s5, $0xE  }
0xa9: {  	s5 =	sadd.s32 @p0 $0x11B8D, s5;
	s6 =	sshll.u32 @p0 s4, $0x11  }
0xaa: {  	s5 =	sor.u32 @p0 s6, s5  }
0xab: {  	[sflag:s5] =	ssyncadd.remote.s32 @p0 $0x1;
	_ =	sdelay $0x1  }
0xac: {  	s5 =	simm.s32 @p0 $0x1B8D  }
0xad: {  	_ =	swait.eq @p0 [sflag:s5], $0x1  }
0xae: {  	[sflag:s5] =	ssyncadd.s32 @p0 $0xFFFFFFFF  }
0xaf: {  	s6 =	sshll.u32 @!p0 s1, $0xE  }
0xb0: {  	s6 =	sor.u32 @!p0 $0x4000, s6;
	s5 =	simm.s32 @!p0 $0x1B8D  }
0xb1: {  	s4 =	sshll.u32 @!p0 s4, $0x11;
	s6 =	sadd.s32 @!p0 $0x11B8D, s6;
	_ =	swait.eq @!p0 [sflag:s5], $0x1  }
0xb2: {  	s4 =	sor.u32 @!p0 s4, s6;
	[sflag:s5] =	ssyncadd.s32 @!p0 $0xFFFFFFFF  }
0xb3: {  	s25 =	simm.s32 $0x1B8E;
	s24 =	sld [smem:$0x3FFE];
	[sflag:s4] =	ssyncadd.remote.s32 @!p0 $0x1  }
0xb4: {  	s26 =	simm.s32 $execute0_lowered;
	[smem:$0x3FD2] =	sst s25  }
0xb5: {  	s5 =	sshll.u32 s26, $0x1;
	_ =	strace $0x80000052;
	[dreg:$0x1] =	wrdreg $0xFFFFFFFF  }
0xb6: {  	s28 =	simm.s32 $_size_execute0_lowered;
	s3 =	sadd.s32 s3, s5;
	[dreg:$0x0] =	wrdreg $0x0  }
0xb7: {  	s5 =	sshll.u32 s28, $0x1;
	[dreg:$0x2] =	wrdreg s3  }
0xb8: {  	[dreg:$0x3] =	wrdreg s5  }
0xb9: {  	[dreg:$0x4] =	wrdreg $0xC0  }
0xba: {  	_ =	task [dreg:s22], $0x5FFFF  }
0xbb: {  	[dreg:$0x1] =	wrdreg $0xFFFFFFFF  }
0xbc: {  	[dreg:$0x0] =	wrdreg $0x60  }
0xbd: {  	[dreg:$0x2] =	wrdreg s24  }
0xbe: {  	[dreg:$0x3] =	wrdreg $0x14A000  }
0xbf: {  	[dreg:$0x4] =	wrdreg $0x9  }
0xc0: {  	_ =	task.clear_ibuf [dreg:s22], $0x5FFFF;
	_ =	strace $0x90000052  }
0xc1: {  	s29 =	simm.s32 $0x9;
	_ =	strace $0x80000054  }
0xc2: {  	_ =	swait.ge [sflag:s29], $0x1  }
0xc3: {  	[sflag:s29] =	ssyncadd.s32 $0xFFFFFFFF  }
0xc4: {  	_ =	strace $0x90000054  }
0xc5: {  	_ =	sfence  }
0xc6: {  	s30 =	sld [smem:$0x0];
	_ =	sdelay $0x2  }
0xc7: {  	s31 =	sshll.u32 s1, $0xD;
	s1 =	sshrl.u32 s1, $0x2  }
0xc8: {  	s4 =	sand.u32 $0x4000, s31;
	s1 =	sadd.s32 s1, s30  }
0xc9: {  	s0 =	sor.u32 s4, s0;
	s1 =	sshll.u32 s1, $0x11  }
0xca: {  	s0 =	sor.u32 s1, s0  }
0xcb: {  	s0 =	sadd.s32 $0x8F2B, s0  }
0xcc: {  	[sflag:s0] =	ssyncadd.remote.s32 $0x1  }
0xcd: {  	_ =	sfence.sel $0xFFFF  }
0xce: {  	[dreg:$0x0] =	wrdreg $0xFFFFFFFF;
	(pc) =	sbr.abs _section_cstart, $3  }
0xcf: {  	[dreg:$0x1] =	wrdreg $0xFFFFFFFF  }
0xd0: {  	_ =	task.clear_ibuf [dreg:s22], $0x2FFFF;
	_ =	strace $0x9FFFFFFF  }
0xd1: {  	(tm) =	ssettm $0x7FFFFFFF  }
tec
execute0_lowered:
.L_overlay_start_1:
0x0: {  	(tag) =	ssettag $0x1  }
0x1: {  	s0 =	srdreg.scid;
	s5 =	rddreg [dreg:$0x0]  }
0x2: {  	s9 =	stileid.u32;
	s2 =	rddreg [dreg:$0x1];
	s3 =	simm.s32 $0x0  }
0x3: {  	s14 =	simm.s32 $0x1;
	s15 =	simm.s32 $0x2;
	s16 =	simm.s32 $0x3  }
0x4: {  	s17 =	simm.s32 $0x7D;
	s18 =	simm.s32 $0x5000;
	s20 =	simm.s32 $0x6F40  }
0x5: {  	s22 =	simm.s32 $0x8E80;
	s24 =	simm.s32 $0xADC0;
	s29 =	simm.s32 $0xEC40  }
0x6: {  	s31 =	simm.s32 $0x10B80;
	s12 =	simm.s32 $0x4;
	s19 =	simm.s32 $0x5  }
0x7: {  	s21 =	simm.s32 $0x0;
	s0 =	sand.u32 $0x1, s0;
	s1 =	sshll.u32 s9, $0x1  }
0x8: {  	s7 =	smul.u32 $0xA000, s9;
	[smem:$0x7FF] =	sst s3;
	s4 =	sadd.s32 $0x67000, s5  }
0x9: {  	s1 =	sor.u32 s0, s1;
	s6 =	smul.u32 $0xA0000, s0;
	_ =	strace $0x80000053  }
0xa: {  	s0 =	ssub.s32 $0x2, s0;
	s1 =	smul.u32 $0x2800, s1;
	s8 =	sshrl.u32 s7, $0x3  }
0xb: {  	s26 =	sshrl.u32 s0, $0x1;
	s30 =	sadd.s32 s7, s2;
	s6 =	sadd.s32 s7, s6  }
0xc: {  	s8 =	sadd.s32 s8, s5;
	s0 =	ssub.s32 s0, s26;
	s13 =	sshrl.u32 s30, $0x3  }
.Ltmp0:
0xd: {  	s26 =	simm.s32 $0xCD00;
	s1 =	sshrl.u32 s1, $0x3;
	(pc) =	sbr.rel .LBB2_1-.Ltmp0, $4  }
0xe: {  	s6 =	sshrl.u32 s6, $0x3;
	s7 =	sadd.s32 $0x2B000, s8;
	s8 =	sshll.u32 s9, $0x6  }
0xf: {  	s11 =	smax.u32 s0, $0x1;
	s0 =	simm.s32 $0x12AC0;
	s1 =	sadd.s32 s1, s5  }
0x10: {  	s10 =	sadd.s32 s6, s5;
	s9 =	sor.u32 $0x1C03, s8;
	s28 =	sadd.s32 $0x3000, s1  }
0x11: {  	s6 =	sadd.s32 $0xD000, s1;
	s10 =	sadd.s32 $0x7B000, s10;
	[dreg:$0x3] =	wrdreg s28  }
.LBB2_4:
0x12: {  	s21 =	sadd.s32 $0x1, s21  }
0x13: {  	p0 =	sne.s32 s21, s11  }
.Ltmp1:
0x14: {  	[bflag:$0x0] =	sbarrier.arrive $0xFFFF;
	s1 =	sor.u32 $0x1C05, s8;
	(pc) =	sbr.rel @!p0 .LBB2_5-.Ltmp1, $4  }
0x15: {  	[hbm:s10], [sflag:s1] =	dma.local [spmem:s13], $0x1400  }
0x16: {  	_ =	swait.ge [sflag:s19], $0x1400  }
0x17: {  	[sflag:s19] =	ssyncset.done $0x0  }
0x18: {  	[sflag:s19] =	ssyncadd.s32 $0xFFFFEC00  }
.LBB2_1:
0x19: {  	s1 =	rddreg [dreg:$0x3]  }
0x1a: {  	[tilespmem:s3], [sflag:$0x1] =	stream.linear.gather [hbm4b:s1+s3], $0x2800, $0x38;
	[tilespmem:$0x1EA00] =	vst v63  }
0x1b: {  	s25 =	simm.s32 $0x2800  }
0x1c: {  	[tilespmem:s25], [sflag:$0x2] =	stream.linear.gather [hbm4b:s6+s3], $0x2800, $0x38;
	[tilespmem:$0x1EA00] =	vst v63  }
0x1d: {  	[spmem:s13], [sflag:s9] =	dma.local [hbm:s7], $0x1400  }
0x1e: {  	_ =	swait.ge [sflag:s14], $0x2800  }
0x1f: {  	[sflag:s14] =	ssyncset.done $0x0  }
0x20: {  	[sflag:s14] =	ssyncadd.s32 $0xFFFFD800  }
0x21: {  	_ =	swait.ge [sflag:s15], $0x2800  }
0x22: {  	[sflag:s15] =	ssyncset.done $0x0  }
0x23: {  	[sflag:s15] =	ssyncadd.s32 $0xFFFFD800  }
0x24: {  	_ =	swait.ge [sflag:s16], $0x1400  }
0x25: {  	[sflag:s16] =	ssyncset.done $0x0  }
0x26: {  	[sflag:s16] =	ssyncadd.s32 $0xFFFFEC00  }
0x27: {  	[bflag:$0x0] =	sbarrier.arrive $0xFFFF  }
0x28: {  	[tilespmem:s18], [sflag:$0x1] =	stream.indirect.gather [hbm4b:s4+s17], $0x40, s3, s17, $0xb8;
	[tilespmem:$0x1EA00] =	vst v63  }
0x29: {  	s28 =	simm.s32 $0x80  }
0x2a: {  	[tilespmem:s20], [sflag:$0x1] =	stream.indirect.gather [hbm4b:s4+s17], $0x40, s28, s17, $0xb8;
	[tilespmem:$0x1EA00] =	vst v63  }
0x2b: {  	s30 =	simm.s32 $0x100  }
0x2c: {  	[tilespmem:s22], [sflag:$0x1] =	stream.indirect.gather [hbm4b:s4+s17], $0x40, s30, s17, $0xb8;
	[tilespmem:$0x1EA00] =	vst v63  }
0x2d: {  	s5 =	simm.s32 $0x180  }
0x2e: {  	[tilespmem:s24], [sflag:$0x1] =	stream.indirect.gather [hbm4b:s4+s17], $0x40, s5, s17, $0xb8;
	[tilespmem:$0x1EA00] =	vst v63  }
0x2f: {  	s23 =	simm.s32 $0x200  }
0x30: {  	[tilespmem:s26], [sflag:$0x2] =	stream.indirect.gather [hbm4b:s4+s17], $0x40, s23, s17, $0xb8;
	[tilespmem:$0x1EA00] =	vst v63  }
0x31: {  	s25 =	simm.s32 $0x280  }
0x32: {  	[tilespmem:s29], [sflag:$0x2] =	stream.indirect.gather [hbm4b:s4+s17], $0x40, s25, s17, $0xb8;
	[tilespmem:$0x1EA00] =	vst v63  }
0x33: {  	s28 =	simm.s32 $0x300  }
0x34: {  	[tilespmem:s31], [sflag:$0x2] =	stream.indirect.gather [hbm4b:s4+s17], $0x40, s28, s17, $0xb8;
	[tilespmem:$0x1EA00] =	vst v63  }
0x35: {  	s30 =	simm.s32 $0x380;
	s23 =	simm.s32 $0x0  }
0x36: {  	[tilespmem:s0], [sflag:$0x2] =	stream.indirect.gather [hbm4b:s4+s17], $0x40, s30, s17, $0xb8;
	[tilespmem:$0x1EA00] =	vst v63  }
.LBB2_2:
0x37: {  	_ =	swait.ge [sflag:s14], $0x1F40  }
0x38: {  	[sflag:s14] =	ssyncset.done $0x0  }
0x39: {  	[sflag:s14] =	ssyncadd.s32 $0xFFFFE0C0  }
0x3a: {  	_ =	swait.ge [sflag:s14], $0x1F40  }
0x3b: {  	[sflag:s14] =	ssyncset.done $0x0  }
0x3c: {  	[sflag:s14] =	ssyncadd.s32 $0xFFFFE0C0  }
0x3d: {  	_ =	swait.ge [sflag:s14], $0x1F40  }
0x3e: {  	[sflag:s14] =	ssyncset.done $0x0  }
0x3f: {  	[sflag:s14] =	ssyncadd.s32 $0xFFFFE0C0  }
0x40: {  	_ =	swait.ge [sflag:s14], $0x1F40  }
0x41: {  	s25 =	sshra.s32 s23, $0x2;
	[sflag:s14] =	ssyncset.done $0x0  }
0x42: {  	s28 =	sadd.s32 $0x2800, s25;
	[sflag:s14] =	ssyncadd.s32 $0xFFFFE0C0  }
0x43: {  	[spmem:s2] =	stream.indirect.scatter.add.f32 [tilespmem:s18], [sflag:$0x3], $0x40, s28, s17, $0xb8;
	[tilespmem:$0x1EA00] =	vst v63  }
0x44: {  	s30 =	sadd.s32 $0x2880, s25  }
0x45: {  	[spmem:s2] =	stream.indirect.scatter.add.f32 [tilespmem:s20], [sflag:$0x3], $0x40, s30, s17, $0xb8;
	[tilespmem:$0x1EA00] =	vst v63  }
0x46: {  	s1 =	sadd.s32 $0x2900, s25  }
0x47: {  	[spmem:s2] =	stream.indirect.scatter.add.f32 [tilespmem:s22], [sflag:$0x3], $0x40, s1, s17, $0xb8;
	[tilespmem:$0x1EA00] =	vst v63  }
0x48: {  	s5 =	sadd.s32 $0x2980, s25  }
0x49: {  	[spmem:s2] =	stream.indirect.scatter.add.f32 [tilespmem:s24], [sflag:$0x3], $0x40, s5, s17, $0xb8;
	[tilespmem:$0x1EA00] =	vst v63  }
0x4a: {  	_ =	swait.ge [sflag:s16], $0x1F40  }
0x4b: {  	[sflag:s16] =	ssyncset.done $0x0  }
0x4c: {  	[sflag:s16] =	ssyncadd.s32 $0xFFFFE0C0  }
0x4d: {  	_ =	swait.ge [sflag:s16], $0x1F40  }
0x4e: {  	[sflag:s16] =	ssyncset.done $0x0  }
0x4f: {  	[sflag:s16] =	ssyncadd.s32 $0xFFFFE0C0  }
0x50: {  	_ =	swait.ge [sflag:s16], $0x1F40  }
0x51: {  	[sflag:s16] =	ssyncset.done $0x0  }
0x52: {  	p0 =	seq.s32 s23, $0x9000;
	[sflag:s16] =	ssyncadd.s32 $0xFFFFE0C0  }
0x53: {  	s28 =	sshra.s32 @!p0 s23, $0x2;
	_ =	swait.ge [sflag:s16], $0x1F40  }
0x54: {  	s30 =	sadd.s32 @!p0 $0x400, s28;
	[sflag:s16] =	ssyncset.done $0x0  }
0x55: {  	s1 =	simm.s32 @!p0 $0x7D;
	s5 =	simm.s32 @!p0 $0x5000;
	[sflag:s16] =	ssyncadd.s32 $0xFFFFE0C0  }
0x56: {  	[tilespmem:s5], [sflag:$0x1] =	stream.indirect.gather @!p0 [hbm4b:s4+s1], $0x40, s30, s1, $0xb8;
	[tilespmem:$0x1EA00] =	vst v63  }
0x57: {  	s5 =	sadd.s32 @!p0 $0x480, s28;
	s30 =	simm.s32 @!p0 $0x6F40  }
0x58: {  	[tilespmem:s30], [sflag:$0x1] =	stream.indirect.gather @!p0 [hbm4b:s4+s1], $0x40, s5, s1, $0xb8;
	[tilespmem:$0x1EA00] =	vst v63  }
0x59: {  	s5 =	sadd.s32 @!p0 $0x500, s28;
	s30 =	simm.s32 @!p0 $0x8E80  }
0x5a: {  	[tilespmem:s30], [sflag:$0x1] =	stream.indirect.gather @!p0 [hbm4b:s4+s1], $0x40, s5, s1, $0xb8;
	[tilespmem:$0x1EA00] =	vst v63  }
0x5b: {  	s5 =	sadd.s32 @!p0 $0x580, s28;
	s28 =	simm.s32 @!p0 $0xADC0  }
0x5c: {  	[tilespmem:s28], [sflag:$0x1] =	stream.indirect.gather @!p0 [hbm4b:s4+s1], $0x40, s5, s1, $0xb8;
	[tilespmem:$0x1EA00] =	vst v63  }
0x5d: {  	_ =	swait.ge [sflag:s15], $0x1F40  }
0x5e: {  	[sflag:s15] =	ssyncset.done $0x0  }
0x5f: {  	[sflag:s15] =	ssyncadd.s32 $0xFFFFE0C0  }
0x60: {  	_ =	swait.ge [sflag:s15], $0x1F40  }
0x61: {  	[sflag:s15] =	ssyncset.done $0x0  }
0x62: {  	[sflag:s15] =	ssyncadd.s32 $0xFFFFE0C0  }
0x63: {  	_ =	swait.ge [sflag:s15], $0x1F40  }
0x64: {  	[sflag:s15] =	ssyncset.done $0x0  }
0x65: {  	[sflag:s15] =	ssyncadd.s32 $0xFFFFE0C0  }
0x66: {  	_ =	swait.ge [sflag:s15], $0x1F40  }
0x67: {  	[sflag:s15] =	ssyncset.done $0x0  }
0x68: {  	s30 =	sadd.s32 $0x2A00, s25;
	[sflag:s15] =	ssyncadd.s32 $0xFFFFE0C0  }
0x69: {  	[spmem:s2] =	stream.indirect.scatter.add.f32 [tilespmem:s26], [sflag:$0x4], $0x40, s30, s17, $0xb8;
	[tilespmem:$0x1EA00] =	vst v63  }
0x6a: {  	s5 =	sadd.s32 $0x2A80, s25  }
0x6b: {  	[spmem:s2] =	stream.indirect.scatter.add.f32 [tilespmem:s29], [sflag:$0x4], $0x40, s5, s17, $0xb8;
	[tilespmem:$0x1EA00] =	vst v63  }
0x6c: {  	s28 =	sadd.s32 $0x2B00, s25  }
0x6d: {  	[spmem:s2] =	stream.indirect.scatter.add.f32 [tilespmem:s31], [sflag:$0x4], $0x40, s28, s17, $0xb8;
	[tilespmem:$0x1EA00] =	vst v63  }
0x6e: {  	s30 =	sadd.s32 $0x2B80, s25  }
0x6f: {  	[spmem:s2] =	stream.indirect.scatter.add.f32 [tilespmem:s0], [sflag:$0x4], $0x40, s30, s17, $0xb8;
	[tilespmem:$0x1EA00] =	vst v63  }
0x70: {  	_ =	swait.ge [sflag:s12], $0x1F40  }
0x71: {  	[sflag:s12] =	ssyncset.done $0x0  }
0x72: {  	[sflag:s12] =	ssyncadd.s32 $0xFFFFE0C0  }
0x73: {  	_ =	swait.ge [sflag:s12], $0x1F40  }
0x74: {  	[sflag:s12] =	ssyncset.done $0x0  }
0x75: {  	[sflag:s12] =	ssyncadd.s32 $0xFFFFE0C0  }
0x76: {  	_ =	swait.ge [sflag:s12], $0x1F40  }
.Ltmp2:
0x77: {  	[sflag:s12] =	ssyncset.done $0x0;
	(pc) =	sbr.rel @p0 .LBB2_4-.Ltmp2, $4  }
0x78: {  	[sflag:s12] =	ssyncadd.s32 $0xFFFFE0C0  }
0x79: {  	_ =	swait.ge [sflag:s12], $0x1F40  }
0x7a: {  	[sflag:s12] =	ssyncset.done $0x0  }
0x7b: {  	[sflag:s12] =	ssyncadd.s32 $0xFFFFE0C0  }
0x7c: {  	s1 =	sadd.s32 $0x600, s25  }
0x7d: {  	[tilespmem:s26], [sflag:$0x2] =	stream.indirect.gather [hbm4b:s4+s17], $0x40, s1, s17, $0xb8;
	[tilespmem:$0x1EA00] =	vst v63  }
0x7e: {  	s5 =	sadd.s32 $0x680, s25  }
0x7f: {  	[tilespmem:s29], [sflag:$0x2] =	stream.indirect.gather [hbm4b:s4+s17], $0x40, s5, s17, $0xb8;
	[tilespmem:$0x1EA00] =	vst v63  }
.Ltmp3:
0x80: {  	_ = 	snop;
	(pc) =	sbr.rel .LBB2_2-.Ltmp3, $4  }
0x81: {  	s28 =	sadd.s32 $0x700, s25  }
0x82: {  	[tilespmem:s31], [sflag:$0x2] =	stream.indirect.gather [hbm4b:s4+s17], $0x40, s28, s17, $0xb8;
	[tilespmem:$0x1EA00] =	vst v63  }
0x83: {  	s30 =	sadd.s32 $0x780, s25;
	s23 =	sadd.s32 $0x1000, s23  }
0x84: {  	[tilespmem:s0], [sflag:$0x2] =	stream.indirect.gather [hbm4b:s4+s17], $0x40, s30, s17, $0xb8;
	[tilespmem:$0x1EA00] =	vst v63  }
.LBB2_5:
0x85: {  	_ =	sfence.sel $0x180000  }
0x86: {  	[bflag:$0x0] =	sbarrier.arrive $0xFFFF  }
0x87: {  	_ =	strace $0x90000053  }
0x88: {  	s0 =	stileid.u32;
	[bflag:$0x2] =	sbarrier.arrive $0xFFFF  }
0x89: {  	p0 =	sne.s32 s0, $0x0;
	s0 =	rddreg [dreg:$0x2]  }
0x8a: {  	s0 =	sadd.s32 @!p0 $0x100000, s0  }
0x8b: {  	[sflag:s0] =	ssyncadd.tile.s32 @!p0 $0x1;
	_ =	shalt  }
.Lfunc_end2:
_tile_overlayer_lowered:
.L_overlay_start_2:
0x8c: {  	(tag) =	ssettag $0x2  }
0x8d: {  	s0 =	rddreg [dreg:$0x0];
	s2 =	stileid.u32  }
0x8e: {  	s1 =	rddreg [dreg:$0x1];
	p0 =	sne.s32 s2, $0x0  }
0x8f: {  	s3 =	rddreg [dreg:$0x2];
	[bflag:$0x3] =	sbarrier.arrive $0xFFFF;
	s2 =	simm.s32 @!p0 $0x1C05  }
0x90: {  	[timem:s3], [sflag:s2] =	dma.local @!p0 [hbm:s0], s1  }
0x91: {  	s0 =	simm.s32 @!p0 $0x5  }
0x92: {  	_ =	swait.ge @!p0 [sflag:s0], s1  }
0x93: {  	s1 =	ssub.s32 @!p0 $0x0, s1;
	[sflag:s0] =	ssyncset.done @!p0 $0x0  }
0x94: {  	[sflag:s0] =	ssyncadd.s32 @!p0 s1  }
0x95: {  	[bflag:$0x3] =	sbarrier.arrive $0xFFFF  }
0x96: {  	_ =	shalt  }

// kernel: _pipeline.25.cloned.1.call-start
scs
__scs_entry_jumppad:
0x0: {  	(pc) =	sbr.rel $0x88, $3  }
0x1: {  	(tag) =	ssettag $0x0;
	lr =	simm.s32 $0x1  }
0x2: {  	[smem:$0x3F99] =	sst lr;
	_ =	strace $0xD0000000  }
0x3: {  	_ = 	snop  }
0x4: {  	_ = 	snop  }
0x5: {  	_ = 	snop  }
0x6: {  	_ = 	snop  }
0x7: {  	_ = 	snop  }
__scs_overlays_trampoline_lowered:
0x8: {  	[smem:$0x3FA8] =	sst s0  }
0x9: {  	[smem:$0x3FA9] =	sst s1  }
0xa: {  	[smem:$0x3FAA] =	sst s2  }
0xb: {  	[smem:$0x3FAB] =	sst s3  }
0xc: {  	[smem:$0x3FAC] =	sst s4  }
0xd: {  	[smem:$0x3FAD] =	sst s5  }
0xe: {  	[smem:$0x3FAE] =	sst s6  }
0xf: {  	[smem:$0x3FAF] =	sst s7  }
0x10: {  	[smem:$0x3FB0] =	sst s8  }
0x11: {  	[smem:$0x3FB1] =	sst s9;
	s0 =	simm.s32 @!p0 $0x0  }
0x12: {  	s1 =	sld [smem:$0x3F97];
	s0 =	simm.s32 @p0 $0x1  }
0x13: {  	[smem:$0x3FB2] =	sst s0;
	s0 =	simm.s32 @!p1 $0x0  }
0x14: {  	s2 =	sld [smem:$0x3F96];
	s0 =	simm.s32 @p1 $0x1  }
0x15: {  	[smem:$0x3FB3] =	sst s0;
	s0 =	simm.s32 @!p2 $0x0  }
0x16: {  	s3 =	sld [smem:$0x3FDB];
	s0 =	simm.s32 @p2 $0x1  }
0x17: {  	s4 =	simm.s32 $0x1BF5;
	[smem:$0x3FB5] =	sst s0  }
0x18: {  	s0 =	sld [smem:$0x3F98];
	_ =	swait.ge [sflag:s4], $0x0  }
0x19: {  	s7 =	sld [smem:$0x3F99]  }
0x1a: {  	s8 =	sadd.s32 $0xFFFFE003, lr  }
0x1b: {  	s9 =	sadd.s32 $0xFFFFFEF7, lr;
	s5 =	simm.s32 $0xFFFFFFFF;
	p2 =	slt.u32 s8, $0xFFFFF086  }
0x1c: {  	p1 =	slt.u32 s9, $0xF7A;
	s5 =	simm.s32 @!p2 $0x0  }
0x1d: {  	s5 =	simm.s32 @p1 $0x1;
	p0 =	seq.s32 s7, s2  }
0x1e: {  	s7 =	smul.u32 @!p0 $0xF7A, s2;
	p2 =	seq.s32 @!p0 s5, $0x0  }
0x1f: {  	s9 =	smul.u32 $0xF7A, s1;
	s8 =	simm.s32 @!p0 $0x1BF5;
	p2 =	por !p2, p0  }
0x20: {  	[sflag:s8] =	ssyncset.s32 @!p0 $0xFFFFF086;
	s6 =	sadd.s32 @!p0 s3, s7;
	s7 =	simm.s32 @!p0 $0x108  }
0x21: {  	s3 =	sadd.s32 s3, s9;
	s6 =	sadd.s32 @!p0 $0x88, s6;
	s7 =	simm.s32 @p2 $0x1082  }
0x22: {  	[simem:s7], [sflag:s8] =	dma.local @!p0 [hbm:s6], $0xF7A  }
0x23: {  	s9 =	sor.u32 $0xD0000000, s2;
	s6 =	simm.s32 $0x108;
	_ =	swait.ge @!p0 [sflag:s8], $0x0  }
0x24: {  	s3 =	sadd.s32 $0x88, s3;
	s6 =	simm.s32 @!p1 $0x1082;
	[sflag:s4] =	ssyncset.s32 $0xFFFFF086  }
0x25: {  	[simem:s6], [sflag:s4] =	dma.local [hbm:s3], $0xF7A  }
0x26: {  	[smem:$0x3F99] =	sst s1;
	(tag) =	ssettag s2;
	_ =	strace s9  }
0x27: {  	s1 =	sld [smem:$0x3FA9]  }
0x28: {  	s2 =	sld [smem:$0x3FAA]  }
0x29: {  	s4 =	sld [smem:$0x3FAC]  }
0x2a: {  	p0 =	seq.s32 s5, $0x0;
	s5 =	sld [smem:$0x3FAD]  }
0x2b: {  	s6 =	sld [smem:$0x3FAE]  }
0x2c: {  	s7 =	sld [smem:$0x3FAF]  }
0x2d: {  	s3 =	simm.s32 $0x108;
	s8 =	sld [smem:$0x3FB0]  }
0x2e: {  	s3 =	simm.s32 @!p0 $0x1082;
	s9 =	sld [smem:$0x3FB1]  }
0x2f: {  	lr =	sadd.s32 s0, s3;
	s0 =	sld [smem:$0x3FA8]  }
0x30: {  	s3 =	sld [smem:$0x3FAB]  }
0x31: {  	[smem:$0x3FB4] =	sst s10  }
0x32: {  	s10 =	sld [smem:$0x3FB2];
	_ =	sdelay $0x3  }
0x33: {  	p0 =	seq.s32 s10, $0x1;
	s10 =	sld [smem:$0x3FB4];
	_ =	sdelay $0x3  }
0x34: {  	[smem:$0x3FB4] =	sst s10  }
0x35: {  	s10 =	sld [smem:$0x3FB3];
	_ =	sdelay $0x3  }
0x36: {  	p1 =	seq.s32 s10, $0x1;
	s10 =	sld [smem:$0x3FB4];
	_ =	sdelay $0x3  }
0x37: {  	[smem:$0x3FB4] =	sst s10  }
0x38: {  	s10 =	sld [smem:$0x3FB5]  }
0x39: {  	_ = 	snop;
	(pc) =	sbr.ind lr, $3  }
0x3a: {  	_ = 	snop  }
0x3b: {  	_ = 	snop  }
0x3c: {  	p2 =	seq.s32 s10, $0x1;
	s10 =	sld [smem:$0x3FB4]  }
0x3d: {  	_ =	shalt  }
0x3e: {  	_ =	shalt  }
0x3f: {  	_ =	shalt  }
0x40: {  	_ =	shalt  }
0x41: {  	_ =	shalt  }
0x42: {  	_ =	shalt  }
0x43: {  	_ =	shalt  }
0x44: {  	_ =	shalt  }
0x45: {  	_ =	shalt  }
0x46: {  	_ =	shalt  }
0x47: {  	_ =	shalt  }
0x48: {  	_ =	shalt  }
0x49: {  	_ =	shalt  }
0x4a: {  	_ =	shalt  }
0x4b: {  	_ =	shalt  }
0x4c: {  	_ =	shalt  }
0x4d: {  	_ =	shalt  }
0x4e: {  	_ =	shalt  }
0x4f: {  	_ =	shalt  }
0x50: {  	_ =	shalt  }
0x51: {  	_ =	shalt  }
0x52: {  	_ =	shalt  }
0x53: {  	_ =	shalt  }
0x54: {  	_ =	shalt  }
0x55: {  	_ =	shalt  }
0x56: {  	_ =	shalt  }
0x57: {  	_ =	shalt  }
0x58: {  	_ =	shalt  }
0x59: {  	_ =	shalt  }
0x5a: {  	_ =	shalt  }
0x5b: {  	_ =	shalt  }
0x5c: {  	_ =	shalt  }
0x5d: {  	_ =	shalt  }
0x5e: {  	_ =	shalt  }
0x5f: {  	_ =	shalt  }
0x60: {  	_ =	shalt  }
0x61: {  	_ =	shalt  }
0x62: {  	_ =	shalt  }
0x63: {  	_ =	shalt  }
0x64: {  	_ =	shalt  }
0x65: {  	_ =	shalt  }
0x66: {  	_ =	shalt  }
0x67: {  	_ =	shalt  }
0x68: {  	_ =	shalt  }
0x69: {  	_ =	shalt  }
0x6a: {  	_ =	shalt  }
0x6b: {  	_ =	shalt  }
0x6c: {  	_ =	shalt  }
0x6d: {  	_ =	shalt  }
0x6e: {  	_ =	shalt  }
0x6f: {  	_ =	shalt  }
0x70: {  	_ =	shalt  }
0x71: {  	_ =	shalt  }
0x72: {  	_ =	shalt  }
0x73: {  	_ =	shalt  }
0x74: {  	_ =	shalt  }
0x75: {  	_ =	shalt  }
0x76: {  	_ =	shalt  }
0x77: {  	_ =	shalt  }
0x78: {  	_ =	shalt  }
0x79: {  	_ =	shalt  }
0x7a: {  	_ =	shalt  }
0x7b: {  	_ =	shalt  }
0x7c: {  	_ =	shalt  }
0x7d: {  	_ =	shalt  }
0x7e: {  	_ =	shalt  }
0x7f: {  	_ =	shalt  }
0x80: {  	_ =	shalt  }
0x81: {  	_ =	shalt  }
0x82: {  	_ =	shalt  }
0x83: {  	_ =	shalt  }
0x84: {  	_ =	shalt  }
0x85: {  	_ =	shalt  }
0x86: {  	_ =	shalt  }
0x87: {  	_ =	shalt  }
.Lfunc_end0:
.L_simem_size_0:
called_computation.4_lowered:
.L_overlay_start_0:
0x88: {  	s2 =	sld [smem:$0x3FD9]  }
0x89: {  	s3 =	sld [smem:$0x3FFE];
	_ =	sdelay $0x1  }
0x8a: {  	s1 =	srdreg.scid  }
0x8b: {  	s0 =	sand.u32 $0x1, s1  }
0x8c: {  	s16 =	sshll.u32 s0, $0xA;
	s2 =	sadd.s32 s3, s2  }
0x8d: {  	s2 =	sadd.s32 s2, s16  }
0x8e: {  	[smem:$0x3FC0] =	sst s2  }
0x8f: {  	_ = 	snop  }
0x90: {  	(tm) =	ssettm $0x1  }
0x91: {  	s17 =	sld [smem:$0x3FFB];
	_ =	sdelay $0x3  }
0x92: {  	_ =	strace s17  }
0x93: {  	s2 =	sld [smem:$0x3FFC];
	_ =	sdelay $0x3  }
0x94: {  	_ =	strace s2  }
0x95: {  	s2 =	sld [smem:$0x3FFD];
	_ =	sdelay $0x3  }
0x96: {  	_ =	strace s2  }
0x97: {  	_ =	strace $0x8FFFFFFF  }
0x98: {  	s18 =	sld [smem:$0x3FDB];
	_ =	sdelay $0x1  }
0x99: {  	s19 =	simm.s32 $_scs_section_size  }
0x9a: {  	s4 =	simm.s32 $_size__tile_overlayer_lowered;
	s5 =	simm.s32 $_tile_overlayer_lowered  }
0x9b: {  	s22 =	simm.s32 $0x1BFF;
	s21 =	sshll.u32 s5, $0x1;
	s2 =	sadd.s32 s19, s18  }
0x9c: {  	s6 =	simm.s32 $0x0;
	s20 =	sshll.u32 s4, $0x1;
	s4 =	sadd.s32 s21, s2  }
0x9d: {  	[timem:s6], [sflag:s22] =	dma.local [hbm:s4], s20  }
0x9e: {  	_ =	swait.ge [sflag:s22], s20  }
0x9f: {  	s3 =	ssub.s32 $0x0, s20;
	[sflag:s22] =	ssyncset.done $0x0  }
0xa0: {  	[sflag:s22] =	ssyncadd.s32 s3;
	_ =	sdelay $0x1  }
0xa1: {  	s23 =	simm.s32 $0x1B8B  }
0xa2: {  	_ =	swait.ge [sflag:s23], $0x1  }
0xa3: {  	[sflag:s23] =	ssyncset.done $0x0  }
0xa4: {  	s25 =	simm.s32 $0x1B8E;
	s24 =	sld [smem:$0x3FFE];
	[sflag:s23] =	ssyncadd.s32 $0xFFFFFFFF  }
0xa5: {  	s26 =	simm.s32 $execute0_lowered;
	[smem:$0x3FD2] =	sst s25  }
0xa6: {  	s4 =	sshll.u32 s26, $0x1;
	_ =	strace $0x8000004F;
	[dreg:$0x1] =	wrdreg $0xFFFFFFFF  }
0xa7: {  	s28 =	simm.s32 $_size_execute0_lowered;
	s2 =	sadd.s32 s2, s4;
	[dreg:$0x0] =	wrdreg $0x0  }
0xa8: {  	s4 =	sshll.u32 s28, $0x1;
	[dreg:$0x2] =	wrdreg s2  }
0xa9: {  	[dreg:$0x3] =	wrdreg s4  }
0xaa: {  	[dreg:$0x4] =	wrdreg $0xC0  }
0xab: {  	_ =	task [dreg:s6], $0x5FFFF  }
0xac: {  	[dreg:$0x1] =	wrdreg $0xFFFFFFFF  }
0xad: {  	[dreg:$0x0] =	wrdreg $0x60  }
0xae: {  	[dreg:$0x2] =	wrdreg s24  }
0xaf: {  	[dreg:$0x3] =	wrdreg $0x14A000  }
0xb0: {  	[dreg:$0x4] =	wrdreg $0xA  }
0xb1: {  	_ =	task.clear_ibuf [dreg:s6], $0x5FFFF;
	_ =	strace $0x9000004F  }
0xb2: {  	s29 =	simm.s32 $0xA;
	_ =	strace $0x80000051  }
0xb3: {  	_ =	swait.ge [sflag:s29], $0x1  }
0xb4: {  	[sflag:s29] =	ssyncadd.s32 $0xFFFFFFFF  }
0xb5: {  	_ =	strace $0x90000051  }
0xb6: {  	_ =	sfence  }
0xb7: {  	s30 =	sld [smem:$0x0];
	_ =	sdelay $0x2  }
0xb8: {  	s31 =	sshll.u32 s1, $0xD;
	s1 =	sshrl.u32 s1, $0x2  }
0xb9: {  	s3 =	sand.u32 $0x4000, s31;
	s1 =	sadd.s32 s1, s30  }
0xba: {  	s0 =	sor.u32 s3, s0;
	s1 =	sshll.u32 s1, $0x11  }
0xbb: {  	s0 =	sor.u32 s1, s0  }
0xbc: {  	s0 =	sadd.s32 $0x8F2B, s0  }
0xbd: {  	[sflag:s0] =	ssyncadd.remote.s32 $0x1  }
0xbe: {  	_ =	sfence.sel $0xFFFF  }
0xbf: {  	[dreg:$0x0] =	wrdreg $0xFFFFFFFF;
	(pc) =	sbr.abs _section_cstart, $3  }
0xc0: {  	[dreg:$0x1] =	wrdreg $0xFFFFFFFF  }
0xc1: {  	_ =	task.clear_ibuf [dreg:s6], $0x2FFFF;
	_ =	strace $0x9FFFFFFF  }
0xc2: {  	(tm) =	ssettm $0x7FFFFFFF  }
0xc3: {  	_ =	shalt  }
tec
execute0_lowered:
.L_overlay_start_1:
0x0: {  	(tag) =	ssettag $0x1  }
0x1: {  	s0 =	srdreg.scid;
	s5 =	rddreg [dreg:$0x0]  }
0x2: {  	s9 =	stileid.u32;
	s2 =	rddreg [dreg:$0x1];
	s3 =	simm.s32 $0x0  }
0x3: {  	s14 =	simm.s32 $0x1;
	s15 =	simm.s32 $0x2;
	s16 =	simm.s32 $0x3  }
0x4: {  	s17 =	simm.s32 $0x7D;
	s18 =	simm.s32 $0x5000;
	s20 =	simm.s32 $0x6F40  }
0x5: {  	s22 =	simm.s32 $0x8E80;
	s24 =	simm.s32 $0xADC0;
	s29 =	simm.s32 $0xEC40  }
0x6: {  	s31 =	simm.s32 $0x10B80;
	s12 =	simm.s32 $0x4;
	s19 =	simm.s32 $0x5  }
0x7: {  	s21 =	simm.s32 $0x0;
	s0 =	sand.u32 $0x1, s0;
	s1 =	sshll.u32 s9, $0x1  }
0x8: {  	s7 =	smul.u32 $0xA000, s9;
	[smem:$0x7FF] =	sst s3;
	s4 =	sadd.s32 $0x17000, s5  }
0x9: {  	s1 =	sor.u32 s0, s1;
	s6 =	smul.u32 $0xA0000, s0;
	_ =	strace $0x80000050  }
0xa: {  	s0 =	ssub.s32 $0x2, s0;
	s1 =	smul.u32 $0x2800, s1;
	s8 =	sshrl.u32 s7, $0x3  }
0xb: {  	s26 =	sshrl.u32 s0, $0x1;
	s30 =	sadd.s32 s7, s2;
	s6 =	sadd.s32 s7, s6  }
0xc: {  	s8 =	sadd.s32 s8, s5;
	s0 =	ssub.s32 s0, s26;
	s13 =	sshrl.u32 s30, $0x3  }
.Ltmp0:
0xd: {  	s26 =	simm.s32 $0xCD00;
	s1 =	sshrl.u32 s1, $0x3;
	(pc) =	sbr.rel .LBB2_1-.Ltmp0, $4  }
0xe: {  	s6 =	sshrl.u32 s6, $0x3;
	s7 =	sadd.s32 $0x2B000, s8;
	s8 =	sshll.u32 s9, $0x6  }
0xf: {  	s11 =	smax.u32 s0, $0x1;
	s0 =	simm.s32 $0x12AC0;
	s1 =	sadd.s32 s1, s5  }
0x10: {  	s10 =	sadd.s32 s6, s5;
	s9 =	sor.u32 $0x1C03, s8;
	s28 =	sadd.s32 $0x3000, s1  }
0x11: {  	s6 =	sadd.s32 $0xD000, s1;
	s10 =	sadd.s32 $0x3F000, s10;
	[dreg:$0x3] =	wrdreg s28  }
.LBB2_4:
0x12: {  	s21 =	sadd.s32 $0x1, s21  }
0x13: {  	p0 =	sne.s32 s21, s11  }
.Ltmp1:
0x14: {  	[bflag:$0x0] =	sbarrier.arrive $0xFFFF;
	s1 =	sor.u32 $0x1C05, s8;
	(pc) =	sbr.rel @!p0 .LBB2_5-.Ltmp1, $4  }
0x15: {  	[hbm:s10], [sflag:s1] =	dma.local [spmem:s13], $0x1400  }
0x16: {  	_ =	swait.ge [sflag:s19], $0x1400  }
0x17: {  	[sflag:s19] =	ssyncset.done $0x0  }
0x18: {  	[sflag:s19] =	ssyncadd.s32 $0xFFFFEC00  }
.LBB2_1:
0x19: {  	s1 =	rddreg [dreg:$0x3]  }
0x1a: {  	[tilespmem:s3], [sflag:$0x1] =	stream.linear.gather [hbm4b:s1+s3], $0x2800, $0x38;
	[tilespmem:$0x1EA00] =	vst v63  }
0x1b: {  	s25 =	simm.s32 $0x2800  }
0x1c: {  	[tilespmem:s25], [sflag:$0x2] =	stream.linear.gather [hbm4b:s6+s3], $0x2800, $0x38;
	[tilespmem:$0x1EA00] =	vst v63  }
0x1d: {  	[spmem:s13], [sflag:s9] =	dma.local [hbm:s7], $0x1400  }
0x1e: {  	_ =	swait.ge [sflag:s14], $0x2800  }
0x1f: {  	[sflag:s14] =	ssyncset.done $0x0  }
0x20: {  	[sflag:s14] =	ssyncadd.s32 $0xFFFFD800  }
0x21: {  	_ =	swait.ge [sflag:s15], $0x2800  }
0x22: {  	[sflag:s15] =	ssyncset.done $0x0  }
0x23: {  	[sflag:s15] =	ssyncadd.s32 $0xFFFFD800  }
0x24: {  	_ =	swait.ge [sflag:s16], $0x1400  }
0x25: {  	[sflag:s16] =	ssyncset.done $0x0  }
0x26: {  	[sflag:s16] =	ssyncadd.s32 $0xFFFFEC00  }
0x27: {  	[bflag:$0x0] =	sbarrier.arrive $0xFFFF  }
0x28: {  	[tilespmem:s18], [sflag:$0x1] =	stream.indirect.gather [hbm4b:s4+s17], $0x40, s3, s17, $0xb8;
	[tilespmem:$0x1EA00] =	vst v63  }
0x29: {  	s28 =	simm.s32 $0x80  }
0x2a: {  	[tilespmem:s20], [sflag:$0x1] =	stream.indirect.gather [hbm4b:s4+s17], $0x40, s28, s17, $0xb8;
	[tilespmem:$0x1EA00] =	vst v63  }
0x2b: {  	s30 =	simm.s32 $0x100  }
0x2c: {  	[tilespmem:s22], [sflag:$0x1] =	stream.indirect.gather [hbm4b:s4+s17], $0x40, s30, s17, $0xb8;
	[tilespmem:$0x1EA00] =	vst v63  }
0x2d: {  	s5 =	simm.s32 $0x180  }
0x2e: {  	[tilespmem:s24], [sflag:$0x1] =	stream.indirect.gather [hbm4b:s4+s17], $0x40, s5, s17, $0xb8;
	[tilespmem:$0x1EA00] =	vst v63  }
0x2f: {  	s23 =	simm.s32 $0x200  }
0x30: {  	[tilespmem:s26], [sflag:$0x2] =	stream.indirect.gather [hbm4b:s4+s17], $0x40, s23, s17, $0xb8;
	[tilespmem:$0x1EA00] =	vst v63  }
0x31: {  	s25 =	simm.s32 $0x280  }
0x32: {  	[tilespmem:s29], [sflag:$0x2] =	stream.indirect.gather [hbm4b:s4+s17], $0x40, s25, s17, $0xb8;
	[tilespmem:$0x1EA00] =	vst v63  }
0x33: {  	s28 =	simm.s32 $0x300  }
0x34: {  	[tilespmem:s31], [sflag:$0x2] =	stream.indirect.gather [hbm4b:s4+s17], $0x40, s28, s17, $0xb8;
	[tilespmem:$0x1EA00] =	vst v63  }
0x35: {  	s30 =	simm.s32 $0x380;
	s23 =	simm.s32 $0x0  }
0x36: {  	[tilespmem:s0], [sflag:$0x2] =	stream.indirect.gather [hbm4b:s4+s17], $0x40, s30, s17, $0xb8;
	[tilespmem:$0x1EA00] =	vst v63  }
.LBB2_2:
0x37: {  	_ =	swait.ge [sflag:s14], $0x1F40  }
0x38: {  	[sflag:s14] =	ssyncset.done $0x0  }
0x39: {  	[sflag:s14] =	ssyncadd.s32 $0xFFFFE0C0  }
0x3a: {  	_ =	swait.ge [sflag:s14], $0x1F40  }
0x3b: {  	[sflag:s14] =	ssyncset.done $0x0  }
0x3c: {  	[sflag:s14] =	ssyncadd.s32 $0xFFFFE0C0  }
0x3d: {  	_ =	swait.ge [sflag:s14], $0x1F40  }
0x3e: {  	[sflag:s14] =	ssyncset.done $0x0  }
0x3f: {  	[sflag:s14] =	ssyncadd.s32 $0xFFFFE0C0  }
0x40: {  	_ =	swait.ge [sflag:s14], $0x1F40  }
0x41: {  	s25 =	sshra.s32 s23, $0x2;
	[sflag:s14] =	ssyncset.done $0x0  }
0x42: {  	s28 =	sadd.s32 $0x2800, s25;
	[sflag:s14] =	ssyncadd.s32 $0xFFFFE0C0  }
0x43: {  	[spmem:s2] =	stream.indirect.scatter.add.f32 [tilespmem:s18], [sflag:$0x3], $0x40, s28, s17, $0xb8;
	[tilespmem:$0x1EA00] =	vst v63  }
0x44: {  	s30 =	sadd.s32 $0x2880, s25  }
0x45: {  	[spmem:s2] =	stream.indirect.scatter.add.f32 [tilespmem:s20], [sflag:$0x3], $0x40, s30, s17, $0xb8;
	[tilespmem:$0x1EA00] =	vst v63  }
0x46: {  	s1 =	sadd.s32 $0x2900, s25  }
0x47: {  	[spmem:s2] =	stream.indirect.scatter.add.f32 [tilespmem:s22], [sflag:$0x3], $0x40, s1, s17, $0xb8;
	[tilespmem:$0x1EA00] =	vst v63  }
0x48: {  	s5 =	sadd.s32 $0x2980, s25  }
0x49: {  	[spmem:s2] =	stream.indirect.scatter.add.f32 [tilespmem:s24], [sflag:$0x3], $0x40, s5, s17, $0xb8;
	[tilespmem:$0x1EA00] =	vst v63  }
0x4a: {  	_ =	swait.ge [sflag:s16], $0x1F40  }
0x4b: {  	[sflag:s16] =	ssyncset.done $0x0  }
0x4c: {  	[sflag:s16] =	ssyncadd.s32 $0xFFFFE0C0  }
0x4d: {  	_ =	swait.ge [sflag:s16], $0x1F40  }
0x4e: {  	[sflag:s16] =	ssyncset.done $0x0  }
0x4f: {  	[sflag:s16] =	ssyncadd.s32 $0xFFFFE0C0  }
0x50: {  	_ =	swait.ge [sflag:s16], $0x1F40  }
0x51: {  	[sflag:s16] =	ssyncset.done $0x0  }
0x52: {  	p0 =	seq.s32 s23, $0x9000;
	[sflag:s16] =	ssyncadd.s32 $0xFFFFE0C0  }
0x53: {  	s28 =	sshra.s32 @!p0 s23, $0x2;
	_ =	swait.ge [sflag:s16], $0x1F40  }
0x54: {  	s30 =	sadd.s32 @!p0 $0x400, s28;
	[sflag:s16] =	ssyncset.done $0x0  }
0x55: {  	s1 =	simm.s32 @!p0 $0x7D;
	s5 =	simm.s32 @!p0 $0x5000;
	[sflag:s16] =	ssyncadd.s32 $0xFFFFE0C0  }
0x56: {  	[tilespmem:s5], [sflag:$0x1] =	stream.indirect.gather @!p0 [hbm4b:s4+s1], $0x40, s30, s1, $0xb8;
	[tilespmem:$0x1EA00] =	vst v63  }
0x57: {  	s5 =	sadd.s32 @!p0 $0x480, s28;
	s30 =	simm.s32 @!p0 $0x6F40  }
0x58: {  	[tilespmem:s30], [sflag:$0x1] =	stream.indirect.gather @!p0 [hbm4b:s4+s1], $0x40, s5, s1, $0xb8;
	[tilespmem:$0x1EA00] =	vst v63  }
0x59: {  	s5 =	sadd.s32 @!p0 $0x500, s28;
	s30 =	simm.s32 @!p0 $0x8E80  }
0x5a: {  	[tilespmem:s30], [sflag:$0x1] =	stream.indirect.gather @!p0 [hbm4b:s4+s1], $0x40, s5, s1, $0xb8;
	[tilespmem:$0x1EA00] =	vst v63  }
0x5b: {  	s5 =	sadd.s32 @!p0 $0x580, s28;
	s28 =	simm.s32 @!p0 $0xADC0  }
0x5c: {  	[tilespmem:s28], [sflag:$0x1] =	stream.indirect.gather @!p0 [hbm4b:s4+s1], $0x40, s5, s1, $0xb8;
	[tilespmem:$0x1EA00] =	vst v63  }
0x5d: {  	_ =	swait.ge [sflag:s15], $0x1F40  }
0x5e: {  	[sflag:s15] =	ssyncset.done $0x0  }
0x5f: {  	[sflag:s15] =	ssyncadd.s32 $0xFFFFE0C0  }
0x60: {  	_ =	swait.ge [sflag:s15], $0x1F40  }
0x61: {  	[sflag:s15] =	ssyncset.done $0x0  }
0x62: {  	[sflag:s15] =	ssyncadd.s32 $0xFFFFE0C0  }
0x63: {  	_ =	swait.ge [sflag:s15], $0x1F40  }
0x64: {  	[sflag:s15] =	ssyncset.done $0x0  }
0x65: {  	[sflag:s15] =	ssyncadd.s32 $0xFFFFE0C0  }
0x66: {  	_ =	swait.ge [sflag:s15], $0x1F40  }
0x67: {  	[sflag:s15] =	ssyncset.done $0x0  }
0x68: {  	s30 =	sadd.s32 $0x2A00, s25;
	[sflag:s15] =	ssyncadd.s32 $0xFFFFE0C0  }
0x69: {  	[spmem:s2] =	stream.indirect.scatter.add.f32 [tilespmem:s26], [sflag:$0x4], $0x40, s30, s17, $0xb8;
	[tilespmem:$0x1EA00] =	vst v63  }
0x6a: {  	s5 =	sadd.s32 $0x2A80, s25  }
0x6b: {  	[spmem:s2] =	stream.indirect.scatter.add.f32 [tilespmem:s29], [sflag:$0x4], $0x40, s5, s17, $0xb8;
	[tilespmem:$0x1EA00] =	vst v63  }
0x6c: {  	s28 =	sadd.s32 $0x2B00, s25  }
0x6d: {  	[spmem:s2] =	stream.indirect.scatter.add.f32 [tilespmem:s31], [sflag:$0x4], $0x40, s28, s17, $0xb8;
	[tilespmem:$0x1EA00] =	vst v63  }
0x6e: {  	s30 =	sadd.s32 $0x2B80, s25  }
0x6f: {  	[spmem:s2] =	stream.indirect.scatter.add.f32 [tilespmem:s0], [sflag:$0x4], $0x40, s30, s17, $0xb8;
	[tilespmem:$0x1EA00] =	vst v63  }
0x70: {  	_ =	swait.ge [sflag:s12], $0x1F40  }
0x71: {  	[sflag:s12] =	ssyncset.done $0x0  }
0x72: {  	[sflag:s12] =	ssyncadd.s32 $0xFFFFE0C0  }
0x73: {  	_ =	swait.ge [sflag:s12], $0x1F40  }
0x74: {  	[sflag:s12] =	ssyncset.done $0x0  }
0x75: {  	[sflag:s12] =	ssyncadd.s32 $0xFFFFE0C0  }
0x76: {  	_ =	swait.ge [sflag:s12], $0x1F40  }
.Ltmp2:
0x77: {  	[sflag:s12] =	ssyncset.done $0x0;
	(pc) =	sbr.rel @p0 .LBB2_4-.Ltmp2, $4  }
0x78: {  	[sflag:s12] =	ssyncadd.s32 $0xFFFFE0C0  }
0x79: {  	_ =	swait.ge [sflag:s12], $0x1F40  }
0x7a: {  	[sflag:s12] =	ssyncset.done $0x0  }
0x7b: {  	[sflag:s12] =	ssyncadd.s32 $0xFFFFE0C0  }
0x7c: {  	s1 =	sadd.s32 $0x600, s25  }
0x7d: {  	[tilespmem:s26], [sflag:$0x2] =	stream.indirect.gather [hbm4b:s4+s17], $0x40, s1, s17, $0xb8;
	[tilespmem:$0x1EA00] =	vst v63  }
0x7e: {  	s5 =	sadd.s32 $0x680, s25  }
0x7f: {  	[tilespmem:s29], [sflag:$0x2] =	stream.indirect.gather [hbm4b:s4+s17], $0x40, s5, s17, $0xb8;
	[tilespmem:$0x1EA00] =	vst v63  }
.Ltmp3:
0x80: {  	_ = 	snop;
	(pc) =	sbr.rel .LBB2_2-.Ltmp3, $4  }
0x81: {  	s28 =	sadd.s32 $0x700, s25  }
0x82: {  	[tilespmem:s31], [sflag:$0x2] =	stream.indirect.gather [hbm4b:s4+s17], $0x40, s28, s17, $0xb8;
	[tilespmem:$0x1EA00] =	vst v63  }
0x83: {  	s30 =	sadd.s32 $0x780, s25;
	s23 =	sadd.s32 $0x1000, s23  }
0x84: {  	[tilespmem:s0], [sflag:$0x2] =	stream.indirect.gather [hbm4b:s4+s17], $0x40, s30, s17, $0xb8;
	[tilespmem:$0x1EA00] =	vst v63  }
.LBB2_5:
0x85: {  	_ =	sfence.sel $0x180000  }
0x86: {  	[bflag:$0x0] =	sbarrier.arrive $0xFFFF  }
0x87: {  	_ =	strace $0x90000050  }
0x88: {  	s0 =	stileid.u32;
	[bflag:$0x2] =	sbarrier.arrive $0xFFFF  }
0x89: {  	p0 =	sne.s32 s0, $0x0;
	s0 =	rddreg [dreg:$0x2]  }
0x8a: {  	s0 =	sadd.s32 @!p0 $0x100000, s0  }
0x8b: {  	[sflag:s0] =	ssyncadd.tile.s32 @!p0 $0x1;
	_ =	shalt  }
.Lfunc_end2:
_tile_overlayer_lowered:
.L_overlay_start_2:
0x8c: {  	(tag) =	ssettag $0x2  }
0x8d: {  	s0 =	rddreg [dreg:$0x0];
	s2 =	stileid.u32  }
0x8e: {  	s1 =	rddreg [dreg:$0x1];
	p0 =	sne.s32 s2, $0x0  }
0x8f: {  	s3 =	rddreg [dreg:$0x2];
	[bflag:$0x3] =	sbarrier.arrive $0xFFFF;
	s2 =	simm.s32 @!p0 $0x1C05  }
0x90: {  	[timem:s3], [sflag:s2] =	dma.local @!p0 [hbm:s0], s1  }
0x91: {  	s0 =	simm.s32 @!p0 $0x5  }
0x92: {  	_ =	swait.ge @!p0 [sflag:s0], s1  }
0x93: {  	s1 =	ssub.s32 @!p0 $0x0, s1;
	[sflag:s0] =	ssyncset.done @!p0 $0x0  }
0x94: {  	[sflag:s0] =	ssyncadd.s32 @!p0 s1  }
0x95: {  	[bflag:$0x3] =	sbarrier.arrive $0xFFFF  }
0x96: {  	_ =	shalt  }

// kernel: _pipeline.28.cloned.1.call-start
scs
__scs_entry_jumppad:
0x0: {  	(pc) =	sbr.rel $0x88, $3  }
0x1: {  	(tag) =	ssettag $0x0;
	lr =	simm.s32 $0x1  }
0x2: {  	[smem:$0x3F99] =	sst lr;
	_ =	strace $0xD0000000  }
0x3: {  	_ = 	snop  }
0x4: {  	_ = 	snop  }
0x5: {  	_ = 	snop  }
0x6: {  	_ = 	snop  }
0x7: {  	_ = 	snop  }
__scs_overlays_trampoline_lowered:
0x8: {  	[smem:$0x3FA8] =	sst s0  }
0x9: {  	[smem:$0x3FA9] =	sst s1  }
0xa: {  	[smem:$0x3FAA] =	sst s2  }
0xb: {  	[smem:$0x3FAB] =	sst s3  }
0xc: {  	[smem:$0x3FAC] =	sst s4  }
0xd: {  	[smem:$0x3FAD] =	sst s5  }
0xe: {  	[smem:$0x3FAE] =	sst s6  }
0xf: {  	[smem:$0x3FAF] =	sst s7  }
0x10: {  	[smem:$0x3FB0] =	sst s8  }
0x11: {  	[smem:$0x3FB1] =	sst s9;
	s0 =	simm.s32 @!p0 $0x0  }
0x12: {  	s1 =	sld [smem:$0x3F97];
	s0 =	simm.s32 @p0 $0x1  }
0x13: {  	[smem:$0x3FB2] =	sst s0;
	s0 =	simm.s32 @!p1 $0x0  }
0x14: {  	s2 =	sld [smem:$0x3F96];
	s0 =	simm.s32 @p1 $0x1  }
0x15: {  	[smem:$0x3FB3] =	sst s0;
	s0 =	simm.s32 @!p2 $0x0  }
0x16: {  	s3 =	sld [smem:$0x3FDB];
	s0 =	simm.s32 @p2 $0x1  }
0x17: {  	s4 =	simm.s32 $0x1BF5;
	[smem:$0x3FB5] =	sst s0  }
0x18: {  	s0 =	sld [smem:$0x3F98];
	_ =	swait.ge [sflag:s4], $0x0  }
0x19: {  	s7 =	sld [smem:$0x3F99]  }
0x1a: {  	s8 =	sadd.s32 $0xFFFFE003, lr  }
0x1b: {  	s9 =	sadd.s32 $0xFFFFFEF7, lr;
	s5 =	simm.s32 $0xFFFFFFFF;
	p2 =	slt.u32 s8, $0xFFFFF086  }
0x1c: {  	p1 =	slt.u32 s9, $0xF7A;
	s5 =	simm.s32 @!p2 $0x0  }
0x1d: {  	s5 =	simm.s32 @p1 $0x1;
	p0 =	seq.s32 s7, s2  }
0x1e: {  	s7 =	smul.u32 @!p0 $0xF7A, s2;
	p2 =	seq.s32 @!p0 s5, $0x0  }
0x1f: {  	s9 =	smul.u32 $0xF7A, s1;
	s8 =	simm.s32 @!p0 $0x1BF5;
	p2 =	por !p2, p0  }
0x20: {  	[sflag:s8] =	ssyncset.s32 @!p0 $0xFFFFF086;
	s6 =	sadd.s32 @!p0 s3, s7;
	s7 =	simm.s32 @!p0 $0x108  }
0x21: {  	s3 =	sadd.s32 s3, s9;
	s6 =	sadd.s32 @!p0 $0x88, s6;
	s7 =	simm.s32 @p2 $0x1082  }
0x22: {  	[simem:s7], [sflag:s8] =	dma.local @!p0 [hbm:s6], $0xF7A  }
0x23: {  	s9 =	sor.u32 $0xD0000000, s2;
	s6 =	simm.s32 $0x108;
	_ =	swait.ge @!p0 [sflag:s8], $0x0  }
0x24: {  	s3 =	sadd.s32 $0x88, s3;
	s6 =	simm.s32 @!p1 $0x1082;
	[sflag:s4] =	ssyncset.s32 $0xFFFFF086  }
0x25: {  	[simem:s6], [sflag:s4] =	dma.local [hbm:s3], $0xF7A  }
0x26: {  	[smem:$0x3F99] =	sst s1;
	(tag) =	ssettag s2;
	_ =	strace s9  }
0x27: {  	s1 =	sld [smem:$0x3FA9]  }
0x28: {  	s2 =	sld [smem:$0x3FAA]  }
0x29: {  	s4 =	sld [smem:$0x3FAC]  }
0x2a: {  	p0 =	seq.s32 s5, $0x0;
	s5 =	sld [smem:$0x3FAD]  }
0x2b: {  	s6 =	sld [smem:$0x3FAE]  }
0x2c: {  	s7 =	sld [smem:$0x3FAF]  }
0x2d: {  	s3 =	simm.s32 $0x108;
	s8 =	sld [smem:$0x3FB0]  }
0x2e: {  	s3 =	simm.s32 @!p0 $0x1082;
	s9 =	sld [smem:$0x3FB1]  }
0x2f: {  	lr =	sadd.s32 s0, s3;
	s0 =	sld [smem:$0x3FA8]  }
0x30: {  	s3 =	sld [smem:$0x3FAB]  }
0x31: {  	[smem:$0x3FB4] =	sst s10  }
0x32: {  	s10 =	sld [smem:$0x3FB2];
	_ =	sdelay $0x3  }
0x33: {  	p0 =	seq.s32 s10, $0x1;
	s10 =	sld [smem:$0x3FB4];
	_ =	sdelay $0x3  }
0x34: {  	[smem:$0x3FB4] =	sst s10  }
0x35: {  	s10 =	sld [smem:$0x3FB3];
	_ =	sdelay $0x3  }
0x36: {  	p1 =	seq.s32 s10, $0x1;
	s10 =	sld [smem:$0x3FB4];
	_ =	sdelay $0x3  }
0x37: {  	[smem:$0x3FB4] =	sst s10  }
0x38: {  	s10 =	sld [smem:$0x3FB5]  }
0x39: {  	_ = 	snop;
	(pc) =	sbr.ind lr, $3  }
0x3a: {  	_ = 	snop  }
0x3b: {  	_ = 	snop  }
0x3c: {  	p2 =	seq.s32 s10, $0x1;
	s10 =	sld [smem:$0x3FB4]  }
0x3d: {  	_ =	shalt  }
0x3e: {  	_ =	shalt  }
0x3f: {  	_ =	shalt  }
0x40: {  	_ =	shalt  }
0x41: {  	_ =	shalt  }
0x42: {  	_ =	shalt  }
0x43: {  	_ =	shalt  }
0x44: {  	_ =	shalt  }
0x45: {  	_ =	shalt  }
0x46: {  	_ =	shalt  }
0x47: {  	_ =	shalt  }
0x48: {  	_ =	shalt  }
0x49: {  	_ =	shalt  }
0x4a: {  	_ =	shalt  }
0x4b: {  	_ =	shalt  }
0x4c: {  	_ =	shalt  }
0x4d: {  	_ =	shalt  }
0x4e: {  	_ =	shalt  }
0x4f: {  	_ =	shalt  }
0x50: {  	_ =	shalt  }
0x51: {  	_ =	shalt  }
0x52: {  	_ =	shalt  }
0x53: {  	_ =	shalt  }
0x54: {  	_ =	shalt  }
0x55: {  	_ =	shalt  }
0x56: {  	_ =	shalt  }
0x57: {  	_ =	shalt  }
0x58: {  	_ =	shalt  }
0x59: {  	_ =	shalt  }
0x5a: {  	_ =	shalt  }
0x5b: {  	_ =	shalt  }
0x5c: {  	_ =	shalt  }
0x5d: {  	_ =	shalt  }
0x5e: {  	_ =	shalt  }
0x5f: {  	_ =	shalt  }
0x60: {  	_ =	shalt  }
0x61: {  	_ =	shalt  }
0x62: {  	_ =	shalt  }
0x63: {  	_ =	shalt  }
0x64: {  	_ =	shalt  }
0x65: {  	_ =	shalt  }
0x66: {  	_ =	shalt  }
0x67: {  	_ =	shalt  }
0x68: {  	_ =	shalt  }
0x69: {  	_ =	shalt  }
0x6a: {  	_ =	shalt  }
0x6b: {  	_ =	shalt  }
0x6c: {  	_ =	shalt  }
0x6d: {  	_ =	shalt  }
0x6e: {  	_ =	shalt  }
0x6f: {  	_ =	shalt  }
0x70: {  	_ =	shalt  }
0x71: {  	_ =	shalt  }
0x72: {  	_ =	shalt  }
0x73: {  	_ =	shalt  }
0x74: {  	_ =	shalt  }
0x75: {  	_ =	shalt  }
0x76: {  	_ =	shalt  }
0x77: {  	_ =	shalt  }
0x78: {  	_ =	shalt  }
0x79: {  	_ =	shalt  }
0x7a: {  	_ =	shalt  }
0x7b: {  	_ =	shalt  }
0x7c: {  	_ =	shalt  }
0x7d: {  	_ =	shalt  }
0x7e: {  	_ =	shalt  }
0x7f: {  	_ =	shalt  }
0x80: {  	_ =	shalt  }
0x81: {  	_ =	shalt  }
0x82: {  	_ =	shalt  }
0x83: {  	_ =	shalt  }
0x84: {  	_ =	shalt  }
0x85: {  	_ =	shalt  }
0x86: {  	_ =	shalt  }
0x87: {  	_ =	shalt  }
.Lfunc_end0:
.L_simem_size_0:
called_computation.5_lowered:
.L_overlay_start_0:
0x88: {  	s2 =	sld [smem:$0x3FD9]  }
0x89: {  	s3 =	sld [smem:$0x3FFE];
	_ =	sdelay $0x1  }
0x8a: {  	s1 =	srdreg.scid  }
0x8b: {  	s0 =	sand.u32 $0x1, s1  }
0x8c: {  	s16 =	sshll.u32 s0, $0xA;
	s2 =	sadd.s32 s3, s2  }
0x8d: {  	s2 =	sadd.s32 s2, s16  }
0x8e: {  	[smem:$0x3FC0] =	sst s2  }
0x8f: {  	_ = 	snop  }
0x90: {  	(tm) =	ssettm $0x1  }
0x91: {  	s17 =	sld [smem:$0x3FFB];
	_ =	sdelay $0x3  }
0x92: {  	_ =	strace s17  }
0x93: {  	s2 =	sld [smem:$0x3FFC];
	_ =	sdelay $0x3  }
0x94: {  	_ =	strace s2  }
0x95: {  	s2 =	sld [smem:$0x3FFD];
	_ =	sdelay $0x3  }
0x96: {  	_ =	strace s2  }
0x97: {  	_ =	strace $0x8FFFFFFF  }
0x98: {  	s18 =	sld [smem:$0x3FDB];
	_ =	sdelay $0x1  }
0x99: {  	s19 =	simm.s32 $_scs_section_size  }
0x9a: {  	s4 =	simm.s32 $_size__tile_overlayer_lowered;
	s5 =	simm.s32 $_tile_overlayer_lowered  }
0x9b: {  	s22 =	simm.s32 $0x1BFF;
	s21 =	sshll.u32 s5, $0x1;
	s2 =	sadd.s32 s19, s18  }
0x9c: {  	s6 =	simm.s32 $0x0;
	s20 =	sshll.u32 s4, $0x1;
	s4 =	sadd.s32 s21, s2  }
0x9d: {  	[timem:s6], [sflag:s22] =	dma.local [hbm:s4], s20  }
0x9e: {  	_ =	swait.ge [sflag:s22], s20  }
0x9f: {  	s3 =	ssub.s32 $0x0, s20;
	[sflag:s22] =	ssyncset.done $0x0  }
0xa0: {  	[sflag:s22] =	ssyncadd.s32 s3;
	_ =	sdelay $0x1  }
0xa1: {  	s23 =	simm.s32 $0x1B8B  }
0xa2: {  	_ =	swait.ge [sflag:s23], $0x1  }
0xa3: {  	[sflag:s23] =	ssyncset.done $0x0  }
0xa4: {  	s25 =	simm.s32 $0x1B8E;
	s24 =	sld [smem:$0x3FFE];
	[sflag:s23] =	ssyncadd.s32 $0xFFFFFFFF  }
0xa5: {  	s26 =	simm.s32 $execute0_lowered;
	[smem:$0x3FD2] =	sst s25  }
0xa6: {  	s4 =	sshll.u32 s26, $0x1;
	_ =	strace $0x80000055;
	[dreg:$0x1] =	wrdreg $0xFFFFFFFF  }
0xa7: {  	s28 =	simm.s32 $_size_execute0_lowered;
	s2 =	sadd.s32 s2, s4;
	[dreg:$0x0] =	wrdreg $0x0  }
0xa8: {  	s4 =	sshll.u32 s28, $0x1;
	[dreg:$0x2] =	wrdreg s2  }
0xa9: {  	[dreg:$0x3] =	wrdreg s4  }
0xaa: {  	[dreg:$0x4] =	wrdreg $0xC0  }
0xab: {  	_ =	task [dreg:s6], $0x5FFFF  }
0xac: {  	[dreg:$0x1] =	wrdreg $0xFFFFFFFF  }
0xad: {  	[dreg:$0x0] =	wrdreg $0x60  }
0xae: {  	[dreg:$0x2] =	wrdreg s24  }
0xaf: {  	[dreg:$0x3] =	wrdreg $0xEC400  }
0xb0: {  	[dreg:$0x4] =	wrdreg $0x9  }
0xb1: {  	_ =	task.clear_ibuf [dreg:s6], $0x5FFFF;
	_ =	strace $0x90000055  }
0xb2: {  	s29 =	simm.s32 $0x9;
	_ =	strace $0x80000057  }
0xb3: {  	_ =	swait.ge [sflag:s29], $0x1  }
0xb4: {  	[sflag:s29] =	ssyncadd.s32 $0xFFFFFFFF  }
0xb5: {  	_ =	strace $0x90000057  }
0xb6: {  	_ =	sfence  }
0xb7: {  	s30 =	sld [smem:$0x0];
	_ =	sdelay $0x2  }
0xb8: {  	s31 =	sshll.u32 s1, $0xD;
	s1 =	sshrl.u32 s1, $0x2  }
0xb9: {  	s3 =	sand.u32 $0x4000, s31;
	s1 =	sadd.s32 s1, s30  }
0xba: {  	s0 =	sor.u32 s3, s0;
	s1 =	sshll.u32 s1, $0x11  }
0xbb: {  	s0 =	sor.u32 s1, s0  }
0xbc: {  	s0 =	sadd.s32 $0x8F2B, s0  }
0xbd: {  	[sflag:s0] =	ssyncadd.remote.s32 $0x1  }
0xbe: {  	_ =	sfence.sel $0xFFFF  }
0xbf: {  	[dreg:$0x0] =	wrdreg $0xFFFFFFFF;
	(pc) =	sbr.abs _section_cstart, $3  }
0xc0: {  	[dreg:$0x1] =	wrdreg $0xFFFFFFFF  }
0xc1: {  	_ =	task.clear_ibuf [dreg:s6], $0x2FFFF;
	_ =	strace $0x9FFFFFFF  }
0xc2: {  	(tm) =	ssettm $0x7FFFFFFF  }
0xc3: {  	_ =	shalt  }
tec
execute0_lowered:
.L_overlay_start_1:
0x0: {  	(tag) =	ssettag $0x1  }
0x1: {  	s0 =	srdreg.scid;
	s5 =	rddreg [dreg:$0x0]  }
0x2: {  	s9 =	stileid.u32;
	s2 =	rddreg [dreg:$0x1];
	s3 =	simm.s32 $0x0  }
0x3: {  	s14 =	simm.s32 $0x1;
	s15 =	simm.s32 $0x2;
	s16 =	simm.s32 $0x3  }
0x4: {  	s17 =	simm.s32 $0x7D;
	s18 =	simm.s32 $0x5000;
	s20 =	simm.s32 $0x6388  }
0x5: {  	s22 =	simm.s32 $0x7710;
	s24 =	simm.s32 $0x8A98;
	s29 =	simm.s32 $0xB1A8  }
0x6: {  	s31 =	simm.s32 $0xC530;
	s12 =	simm.s32 $0x4;
	s19 =	simm.s32 $0x5  }
0x7: {  	s21 =	simm.s32 $0x0;
	s0 =	sand.u32 $0x1, s0;
	s1 =	sshll.u32 s9, $0x1  }
0x8: {  	s7 =	smul.u32 $0x6400, s9;
	[smem:$0x7FF] =	sst s3;
	s4 =	sadd.s32 $0x17000, s5  }
0x9: {  	s1 =	sor.u32 s0, s1;
	s6 =	smul.u32 $0x64000, s0;
	_ =	strace $0x80000056  }
0xa: {  	s0 =	ssub.s32 $0x2, s0;
	s1 =	smul.u32 $0x2800, s1;
	s8 =	sshrl.u32 s7, $0x3  }
0xb: {  	s26 =	sshrl.u32 s0, $0x1;
	s30 =	sadd.s32 s7, s2;
	s6 =	sadd.s32 s7, s6  }
0xc: {  	s8 =	sadd.s32 s8, s5;
	s0 =	ssub.s32 s0, s26;
	s13 =	sshrl.u32 s30, $0x3  }
.Ltmp0:
0xd: {  	s26 =	simm.s32 $0x9E20;
	s1 =	sshrl.u32 s1, $0x3;
	(pc) =	sbr.rel .LBB2_1-.Ltmp0, $4  }
0xe: {  	s6 =	sshrl.u32 s6, $0x3;
	s7 =	sadd.s32 $0x23800, s8;
	s8 =	sshll.u32 s9, $0x6  }
0xf: {  	s11 =	smax.u32 s0, $0x1;
	s0 =	simm.s32 $0xD8B8;
	s1 =	sadd.s32 s1, s5  }
0x10: {  	s10 =	sadd.s32 s6, s5;
	s9 =	sor.u32 $0x1C03, s8;
	s28 =	sadd.s32 $0x3000, s1  }
0x11: {  	s6 =	sadd.s32 $0xD000, s1;
	s10 =	sadd.s32 $0x30000, s10;
	[dreg:$0x3] =	wrdreg s28  }
.LBB2_4:
0x12: {  	s21 =	sadd.s32 $0x1, s21  }
0x13: {  	p0 =	sne.s32 s21, s11  }
.Ltmp1:
0x14: {  	[bflag:$0x0] =	sbarrier.arrive $0xFFFF;
	s1 =	sor.u32 $0x1C05, s8;
	(pc) =	sbr.rel @!p0 .LBB2_5-.Ltmp1, $4  }
0x15: {  	[hbm:s10], [sflag:s1] =	dma.local [spmem:s13], $0xC80  }
0x16: {  	_ =	swait.ge [sflag:s19], $0xC80  }
0x17: {  	[sflag:s19] =	ssyncset.done $0x0  }
0x18: {  	[sflag:s19] =	ssyncadd.s32 $0xFFFFF380  }
.LBB2_1:
0x19: {  	s1 =	rddreg [dreg:$0x3]  }
0x1a: {  	[tilespmem:s3], [sflag:$0x1] =	stream.linear.gather [hbm4b:s1+s3], $0x2800, $0x38;
	[tilespmem:$0x15040] =	vst v63  }
0x1b: {  	s25 =	simm.s32 $0x2800  }
0x1c: {  	[tilespmem:s25], [sflag:$0x2] =	stream.linear.gather [hbm4b:s6+s3], $0x2800, $0x38;
	[tilespmem:$0x15040] =	vst v63  }
0x1d: {  	[spmem:s13], [sflag:s9] =	dma.local [hbm:s7], $0xC80  }
0x1e: {  	_ =	swait.ge [sflag:s14], $0x2800  }
0x1f: {  	[sflag:s14] =	ssyncset.done $0x0  }
0x20: {  	[sflag:s14] =	ssyncadd.s32 $0xFFFFD800  }
0x21: {  	_ =	swait.ge [sflag:s15], $0x2800  }
0x22: {  	[sflag:s15] =	ssyncset.done $0x0  }
0x23: {  	[sflag:s15] =	ssyncadd.s32 $0xFFFFD800  }
0x24: {  	_ =	swait.ge [sflag:s16], $0xC80  }
0x25: {  	[sflag:s16] =	ssyncset.done $0x0  }
0x26: {  	[sflag:s16] =	ssyncadd.s32 $0xFFFFF380  }
0x27: {  	[bflag:$0x0] =	sbarrier.arrive $0xFFFF  }
0x28: {  	[tilespmem:s18], [sflag:$0x1] =	stream.indirect.gather [hbm4b:s4+s17], $0x28, s3, s17, $0xb8;
	[tilespmem:$0x15040] =	vst v63  }
0x29: {  	s28 =	simm.s32 $0x80  }
0x2a: {  	[tilespmem:s20], [sflag:$0x1] =	stream.indirect.gather [hbm4b:s4+s17], $0x28, s28, s17, $0xb8;
	[tilespmem:$0x15040] =	vst v63  }
0x2b: {  	s30 =	simm.s32 $0x100  }
0x2c: {  	[tilespmem:s22], [sflag:$0x1] =	stream.indirect.gather [hbm4b:s4+s17], $0x28, s30, s17, $0xb8;
	[tilespmem:$0x15040] =	vst v63  }
0x2d: {  	s5 =	simm.s32 $0x180  }
0x2e: {  	[tilespmem:s24], [sflag:$0x1] =	stream.indirect.gather [hbm4b:s4+s17], $0x28, s5, s17, $0xb8;
	[tilespmem:$0x15040] =	vst v63  }
0x2f: {  	s23 =	simm.s32 $0x200  }
0x30: {  	[tilespmem:s26], [sflag:$0x2] =	stream.indirect.gather [hbm4b:s4+s17], $0x28, s23, s17, $0xb8;
	[tilespmem:$0x15040] =	vst v63  }
0x31: {  	s25 =	simm.s32 $0x280  }
0x32: {  	[tilespmem:s29], [sflag:$0x2] =	stream.indirect.gather [hbm4b:s4+s17], $0x28, s25, s17, $0xb8;
	[tilespmem:$0x15040] =	vst v63  }
0x33: {  	s28 =	simm.s32 $0x300  }
0x34: {  	[tilespmem:s31], [sflag:$0x2] =	stream.indirect.gather [hbm4b:s4+s17], $0x28, s28, s17, $0xb8;
	[tilespmem:$0x15040] =	vst v63  }
0x35: {  	s30 =	simm.s32 $0x380;
	s23 =	simm.s32 $0x0  }
0x36: {  	[tilespmem:s0], [sflag:$0x2] =	stream.indirect.gather [hbm4b:s4+s17], $0x28, s30, s17, $0xb8;
	[tilespmem:$0x15040] =	vst v63  }
.LBB2_2:
0x37: {  	_ =	swait.ge [sflag:s14], $0x1388  }
0x38: {  	[sflag:s14] =	ssyncset.done $0x0  }
0x39: {  	[sflag:s14] =	ssyncadd.s32 $0xFFFFEC78  }
0x3a: {  	_ =	swait.ge [sflag:s14], $0x1388  }
0x3b: {  	[sflag:s14] =	ssyncset.done $0x0  }
0x3c: {  	[sflag:s14] =	ssyncadd.s32 $0xFFFFEC78  }
0x3d: {  	_ =	swait.ge [sflag:s14], $0x1388  }
0x3e: {  	[sflag:s14] =	ssyncset.done $0x0  }
0x3f: {  	[sflag:s14] =	ssyncadd.s32 $0xFFFFEC78  }
0x40: {  	_ =	swait.ge [sflag:s14], $0x1388  }
0x41: {  	s25 =	sshra.s32 s23, $0x2;
	[sflag:s14] =	ssyncset.done $0x0  }
0x42: {  	s28 =	sadd.s32 $0x2800, s25;
	[sflag:s14] =	ssyncadd.s32 $0xFFFFEC78  }
0x43: {  	[spmem:s2] =	stream.indirect.scatter.add.f32 [tilespmem:s18], [sflag:$0x3], $0x28, s28, s17, $0xb8;
	[tilespmem:$0x15040] =	vst v63  }
0x44: {  	s30 =	sadd.s32 $0x2880, s25  }
0x45: {  	[spmem:s2] =	stream.indirect.scatter.add.f32 [tilespmem:s20], [sflag:$0x3], $0x28, s30, s17, $0xb8;
	[tilespmem:$0x15040] =	vst v63  }
0x46: {  	s1 =	sadd.s32 $0x2900, s25  }
0x47: {  	[spmem:s2] =	stream.indirect.scatter.add.f32 [tilespmem:s22], [sflag:$0x3], $0x28, s1, s17, $0xb8;
	[tilespmem:$0x15040] =	vst v63  }
0x48: {  	s5 =	sadd.s32 $0x2980, s25  }
0x49: {  	[spmem:s2] =	stream.indirect.scatter.add.f32 [tilespmem:s24], [sflag:$0x3], $0x28, s5, s17, $0xb8;
	[tilespmem:$0x15040] =	vst v63  }
0x4a: {  	_ =	swait.ge [sflag:s16], $0x1388  }
0x4b: {  	[sflag:s16] =	ssyncset.done $0x0  }
0x4c: {  	[sflag:s16] =	ssyncadd.s32 $0xFFFFEC78  }
0x4d: {  	_ =	swait.ge [sflag:s16], $0x1388  }
0x4e: {  	[sflag:s16] =	ssyncset.done $0x0  }
0x4f: {  	[sflag:s16] =	ssyncadd.s32 $0xFFFFEC78  }
0x50: {  	_ =	swait.ge [sflag:s16], $0x1388  }
0x51: {  	[sflag:s16] =	ssyncset.done $0x0  }
0x52: {  	p0 =	seq.s32 s23, $0x9000;
	[sflag:s16] =	ssyncadd.s32 $0xFFFFEC78  }
0x53: {  	s28 =	sshra.s32 @!p0 s23, $0x2;
	_ =	swait.ge [sflag:s16], $0x1388  }
0x54: {  	s30 =	sadd.s32 @!p0 $0x400, s28;
	[sflag:s16] =	ssyncset.done $0x0  }
0x55: {  	s1 =	simm.s32 @!p0 $0x7D;
	s5 =	simm.s32 @!p0 $0x5000;
	[sflag:s16] =	ssyncadd.s32 $0xFFFFEC78  }
0x56: {  	[tilespmem:s5], [sflag:$0x1] =	stream.indirect.gather @!p0 [hbm4b:s4+s1], $0x28, s30, s1, $0xb8;
	[tilespmem:$0x15040] =	vst v63  }
0x57: {  	s5 =	sadd.s32 @!p0 $0x480, s28;
	s30 =	simm.s32 @!p0 $0x6388  }
0x58: {  	[tilespmem:s30], [sflag:$0x1] =	stream.indirect.gather @!p0 [hbm4b:s4+s1], $0x28, s5, s1, $0xb8;
	[tilespmem:$0x15040] =	vst v63  }
0x59: {  	s5 =	sadd.s32 @!p0 $0x500, s28;
	s30 =	simm.s32 @!p0 $0x7710  }
0x5a: {  	[tilespmem:s30], [sflag:$0x1] =	stream.indirect.gather @!p0 [hbm4b:s4+s1], $0x28, s5, s1, $0xb8;
	[tilespmem:$0x15040] =	vst v63  }
0x5b: {  	s5 =	sadd.s32 @!p0 $0x580, s28;
	s28 =	simm.s32 @!p0 $0x8A98  }
0x5c: {  	[tilespmem:s28], [sflag:$0x1] =	stream.indirect.gather @!p0 [hbm4b:s4+s1], $0x28, s5, s1, $0xb8;
	[tilespmem:$0x15040] =	vst v63  }
0x5d: {  	_ =	swait.ge [sflag:s15], $0x1388  }
0x5e: {  	[sflag:s15] =	ssyncset.done $0x0  }
0x5f: {  	[sflag:s15] =	ssyncadd.s32 $0xFFFFEC78  }
0x60: {  	_ =	swait.ge [sflag:s15], $0x1388  }
0x61: {  	[sflag:s15] =	ssyncset.done $0x0  }
0x62: {  	[sflag:s15] =	ssyncadd.s32 $0xFFFFEC78  }
0x63: {  	_ =	swait.ge [sflag:s15], $0x1388  }
0x64: {  	[sflag:s15] =	ssyncset.done $0x0  }
0x65: {  	[sflag:s15] =	ssyncadd.s32 $0xFFFFEC78  }
0x66: {  	_ =	swait.ge [sflag:s15], $0x1388  }
0x67: {  	[sflag:s15] =	ssyncset.done $0x0  }
0x68: {  	s30 =	sadd.s32 $0x2A00, s25;
	[sflag:s15] =	ssyncadd.s32 $0xFFFFEC78  }
0x69: {  	[spmem:s2] =	stream.indirect.scatter.add.f32 [tilespmem:s26], [sflag:$0x4], $0x28, s30, s17, $0xb8;
	[tilespmem:$0x15040] =	vst v63  }
0x6a: {  	s5 =	sadd.s32 $0x2A80, s25  }
0x6b: {  	[spmem:s2] =	stream.indirect.scatter.add.f32 [tilespmem:s29], [sflag:$0x4], $0x28, s5, s17, $0xb8;
	[tilespmem:$0x15040] =	vst v63  }
0x6c: {  	s28 =	sadd.s32 $0x2B00, s25  }
0x6d: {  	[spmem:s2] =	stream.indirect.scatter.add.f32 [tilespmem:s31], [sflag:$0x4], $0x28, s28, s17, $0xb8;
	[tilespmem:$0x15040] =	vst v63  }
0x6e: {  	s30 =	sadd.s32 $0x2B80, s25  }
0x6f: {  	[spmem:s2] =	stream.indirect.scatter.add.f32 [tilespmem:s0], [sflag:$0x4], $0x28, s30, s17, $0xb8;
	[tilespmem:$0x15040] =	vst v63  }
0x70: {  	_ =	swait.ge [sflag:s12], $0x1388  }
0x71: {  	[sflag:s12] =	ssyncset.done $0x0  }
0x72: {  	[sflag:s12] =	ssyncadd.s32 $0xFFFFEC78  }
0x73: {  	_ =	swait.ge [sflag:s12], $0x1388  }
0x74: {  	[sflag:s12] =	ssyncset.done $0x0  }
0x75: {  	[sflag:s12] =	ssyncadd.s32 $0xFFFFEC78  }
0x76: {  	_ =	swait.ge [sflag:s12], $0x1388  }
.Ltmp2:
0x77: {  	[sflag:s12] =	ssyncset.done $0x0;
	(pc) =	sbr.rel @p0 .LBB2_4-.Ltmp2, $4  }
0x78: {  	[sflag:s12] =	ssyncadd.s32 $0xFFFFEC78  }
0x79: {  	_ =	swait.ge [sflag:s12], $0x1388  }
0x7a: {  	[sflag:s12] =	ssyncset.done $0x0  }
0x7b: {  	[sflag:s12] =	ssyncadd.s32 $0xFFFFEC78  }
0x7c: {  	s1 =	sadd.s32 $0x600, s25  }
0x7d: {  	[tilespmem:s26], [sflag:$0x2] =	stream.indirect.gather [hbm4b:s4+s17], $0x28, s1, s17, $0xb8;
	[tilespmem:$0x15040] =	vst v63  }
0x7e: {  	s5 =	sadd.s32 $0x680, s25  }
0x7f: {  	[tilespmem:s29], [sflag:$0x2] =	stream.indirect.gather [hbm4b:s4+s17], $0x28, s5, s17, $0xb8;
	[tilespmem:$0x15040] =	vst v63  }
.Ltmp3:
0x80: {  	_ = 	snop;
	(pc) =	sbr.rel .LBB2_2-.Ltmp3, $4  }
0x81: {  	s28 =	sadd.s32 $0x700, s25  }
0x82: {  	[tilespmem:s31], [sflag:$0x2] =	stream.indirect.gather [hbm4b:s4+s17], $0x28, s28, s17, $0xb8;
	[tilespmem:$0x15040] =	vst v63  }
0x83: {  	s30 =	sadd.s32 $0x780, s25;
	s23 =	sadd.s32 $0x1000, s23  }
0x84: {  	[tilespmem:s0], [sflag:$0x2] =	stream.indirect.gather [hbm4b:s4+s17], $0x28, s30, s17, $0xb8;
	[tilespmem:$0x15040] =	vst v63  }
.LBB2_5:
0x85: {  	_ =	sfence.sel $0x180000  }
0x86: {  	[bflag:$0x0] =	sbarrier.arrive $0xFFFF  }
0x87: {  	_ =	strace $0x90000056  }
0x88: {  	s0 =	stileid.u32;
	[bflag:$0x2] =	sbarrier.arrive $0xFFFF  }
0x89: {  	p0 =	sne.s32 s0, $0x0;
	s0 =	rddreg [dreg:$0x2]  }
0x8a: {  	s0 =	sadd.s32 @!p0 $0x100000, s0  }
0x8b: {  	[sflag:s0] =	ssyncadd.tile.s32 @!p0 $0x1;
	_ =	shalt  }
.Lfunc_end2:
_tile_overlayer_lowered:
.L_overlay_start_2:
0x8c: {  	(tag) =	ssettag $0x2  }
0x8d: {  	s0 =	rddreg [dreg:$0x0];
	s2 =	stileid.u32  }
0x8e: {  	s1 =	rddreg [dreg:$0x1];
	p0 =	sne.s32 s2, $0x0  }
0x8f: {  	s3 =	rddreg [dreg:$0x2];
	[bflag:$0x3] =	sbarrier.arrive $0xFFFF;
	s2 =	simm.s32 @!p0 $0x1C05  }
0x90: {  	[timem:s3], [sflag:s2] =	dma.local @!p0 [hbm:s0], s1  }
0x91: {  	s0 =	simm.s32 @!p0 $0x5  }
0x92: {  	_ =	swait.ge @!p0 [sflag:s0], s1  }
0x93: {  	s1 =	ssub.s32 @!p0 $0x0, s1;
	[sflag:s0] =	ssyncset.done @!p0 $0x0  }
0x94: {  	[sflag:s0] =	ssyncadd.s32 @!p0 s1  }
0x95: {  	[bflag:$0x3] =	sbarrier.arrive $0xFFFF  }
0x96: {  	_ =	shalt  }

</sc_bundles>
